<compile_context>
chip_gen: v7x
topology: tpu7x:2x2x1
jax: 0.10.2.dev20260603
libtpu: 0.0.44.dev20260713+nightly
codegen_flags: <defaults>
</compile_context>

<pallas_src>
import functools

import jax
import jax.numpy as jnp
from jax import lax
from jax.experimental import pallas as pl
from jax.experimental.pallas import tpu as pltpu
from jax.experimental.pallas import tpu_sc as plsc

L = 16
DIM = 64
NUM_WORKERS = 32
CHUNK = 128
HALF = 256
_MARGIN = 1.0


def _rsqrt16(x):
    i = lax.bitcast_convert_type(x, jnp.int32)
    i = jnp.int32(0x5F3759DF) - lax.shift_right_arithmetic(i, 1)
    y = lax.bitcast_convert_type(i, jnp.float32)
    for _ in range(3):
        y = y * (1.5 - 0.5 * x * y * y)
    return y


def _make_kernel(rows_per_w, nchunk):
    mesh = plsc.VectorSubcoreMesh(core_axis_name="c", subcore_axis_name="s")

    @functools.partial(
        pl.kernel,
        mesh=mesh,
        compiler_params=pltpu.CompilerParams(
            needs_layout_passes=False, use_tc_tiling_on_sc=False),
        out_type=jax.ShapeDtypeStruct((NUM_WORKERS, L), jnp.float32),
        scratch_types=[
            pltpu.VMEM((nchunk, CHUNK), jnp.int32),
            pltpu.VMEM((nchunk, CHUNK), jnp.int32),
            pltpu.VMEM((nchunk, CHUNK), jnp.int32),
            pltpu.VMEM((nchunk, CHUNK), jnp.int32),
            pltpu.VMEM((nchunk, CHUNK), jnp.int32),
            pltpu.VMEM((nchunk, CHUNK), jnp.int32),
            pltpu.VMEM((HALF, DIM), jnp.float32),
            pltpu.VMEM((HALF, DIM), jnp.float32),
            pltpu.VMEM((HALF, DIM), jnp.float32),
            pltpu.VMEM((HALF, DIM), jnp.float32),
            pltpu.VMEM((HALF, DIM), jnp.float32),
            pltpu.VMEM((HALF, DIM), jnp.float32),
            pltpu.VMEM((rows_per_w,), jnp.float32),
            pltpu.VMEM((rows_per_w,), jnp.float32),
            pltpu.VMEM((L,), jnp.float32),
            pltpu.SemaphoreType.DMA,
            pltpu.SemaphoreType.DMA,
        ],
    )
    def transe_sc(ph, pr, pt, nh, nr, nt, ent, rel, out,
                  phidx, pridx, ptidx, nhidx, nridx, ntidx,
                  hA, rA, tA, hB, rB, tB,
                  psc, nsc, pbuf, semA, semB):
        wid = lax.axis_index("s") * 2 + lax.axis_index("c")
        iota = lax.iota(jnp.int32, L)
        zf = jnp.zeros((L,), jnp.float32)
        zi = jnp.zeros((L,), jnp.int32)

        for src, dst in ((ph, phidx), (pr, pridx), (pt, ptidx),
                         (nh, nhidx), (nr, nridx), (nt, ntidx)):
            pltpu.sync_copy(src.at[wid], dst)

        def fire(hx, rx, tx, half, bufs, sem):
            cps = []
            for k in range(HALF // CHUNK):
                c = half * (HALF // CHUNK) + k
                d = pl.ds(k * CHUNK, CHUNK)
                cps.append(pltpu.async_copy(ent.at[hx.at[c]], bufs[0].at[d], sem))
                cps.append(pltpu.async_copy(rel.at[rx.at[c]], bufs[1].at[d], sem))
                cps.append(pltpu.async_copy(ent.at[tx.at[c]], bufs[2].at[d], sem))
            return cps

        def compute(bufs, scref, base):
            hrow, rrow, trow = bufs

            def blk(b, rowv):
                def p1(u, carry):
                    sh, st, colv = carry
                    for _ in range(16):
                        hv = plsc.load_gather(hrow, [rowv, colv])
                        tv = plsc.load_gather(trow, [rowv, colv])
                        sh = sh + hv * hv
                        st = st + tv * tv
                        colv = (colv + 1) & (DIM - 1)
                    return sh, st, colv

                sh, st, _ = lax.fori_loop(0, DIM // 16, p1, (zf, zf, iota))
                rih = _rsqrt16(sh)
                rit = _rsqrt16(st)

                def p2(u, carry):
                    acc, colv = carry
                    for _ in range(16):
                        hv = plsc.load_gather(hrow, [rowv, colv])
                        rv = plsc.load_gather(rrow, [rowv, colv])
                        tv = plsc.load_gather(trow, [rowv, colv])
                        acc = acc + jnp.abs(hv * rih + rv - tv * rit)
                        colv = (colv + 1) & (DIM - 1)
                    return acc, colv

                acc, _ = lax.fori_loop(0, DIM // 16, p2, (zf, iota))
                plsc.store_scatter(scref, [rowv + base], acc)
                return rowv + L

            lax.fori_loop(0, HALF // L, blk, iota)

        A = (hA, rA, tA)
        B = (hB, rB, tB)
        pending = [fire(phidx, pridx, ptidx, 0, A, semA),
                   fire(phidx, pridx, ptidx, 1, B, semB)]
        plan = [
            (A, psc, 0, (nhidx, nridx, ntidx, 0, A, semA)),
            (B, psc, HALF, (nhidx, nridx, ntidx, 1, B, semB)),
            (A, nsc, 0, None),
            (B, nsc, HALF, None),
        ]
        for bufs, scref, base, refire in plan:
            for c in pending.pop(0):
                c.wait()
            compute(bufs, scref, base)
            if refire is not None:
                pending.append(fire(*refire))

        accv = zf
        for b in range(rows_per_w // L):
            p = psc[pl.ds(b * L, L)]
            n = nsc[pl.ds(b * L, L)]
            accv = accv + jnp.maximum(p - n + _MARGIN, 0.0)
        pbuf[...] = accv
        pltpu.sync_copy(pbuf, out.at[wid])

    return transe_sc


def kernel(batch_positives, batch_negatives, entity_emb, relation_emb):
    batch = batch_positives.shape[0]
    rows_per_w = batch // NUM_WORKERS
    nchunk = rows_per_w // CHUNK

    def split(b):
        return (b[:, 0].reshape(NUM_WORKERS, nchunk, CHUNK),
                b[:, 1].reshape(NUM_WORKERS, nchunk, CHUNK),
                b[:, 2].reshape(NUM_WORKERS, nchunk, CHUNK))

    ph, pr, pt = split(batch_positives)
    nh, nr, nt = split(batch_negatives)
    partials = _make_kernel(rows_per_w, nchunk)(
        ph, pr, pt, nh, nr, nt, entity_emb, relation_emb)
    return jnp.sum(partials) / jnp.float32(batch)

# --- scband reference (transcript-rebuilt; emitter-appended) ---
"""Pipeline reference for scband-trans-e-11106785428010 (READ-ONLY COPY).

The authoritative reference and input builder live on the scoring server;
editing this copy changes nothing except your own understanding.
"""

import jax
import jax.numpy as jnp
import numpy as np

NUM_ENTITIES = 100000
NUM_RELATIONS = 100000
DIM = 64
BATCH = 16384
MARGIN = 1.0


def setup_inputs(seed: int = 0) -> dict:
    key = jax.random.key(seed)
    k1, k2, k3, k4 = jax.random.split(key, 4)
    bound = 6.0 / np.sqrt(DIM)
    entity_emb = jax.random.uniform(k1, (NUM_ENTITIES, DIM), minval=-bound, maxval=bound, dtype=jnp.float32)
    relation_emb = jax.random.uniform(k2, (NUM_RELATIONS, DIM), minval=-bound, maxval=bound, dtype=jnp.float32)
    # relation embeddings are L2-normalized at init time in the torch module
    rel_norms = jnp.linalg.norm(relation_emb, ord=2, axis=1, keepdims=True)
    relation_emb = relation_emb / rel_norms
    batch_positives = jax.random.randint(k3, (BATCH, 3), 0, NUM_ENTITIES, dtype=jnp.int32)
    batch_negatives = jax.random.randint(k4, (BATCH, 3), 0, NUM_ENTITIES, dtype=jnp.int32)
    return {
        "batch_positives": batch_positives,
        "batch_negatives": batch_negatives,
        "entity_emb": entity_emb,
        "relation_emb": relation_emb,
    }


def reference(batch_positives, batch_negatives, entity_emb, relation_emb):
    # forward() first renormalizes entity embeddings to unit L2 norm (in-place .data op)
    ent_norms = jnp.linalg.norm(entity_emb, ord=2, axis=1, keepdims=True)
    ent = entity_emb / ent_norms

    def score(triples):
        heads = triples[:, 0]
        relations = triples[:, 1]
        tails = triples[:, 2]
        h = jnp.take(ent, heads, axis=0)
        r = jnp.take(relation_emb, relations, axis=0)
        t = jnp.take(ent, tails, axis=0)
        sum_res = h + r - t
        # scoring_fct_norm = 1 -> L1 norm per row
        return jnp.sum(jnp.abs(sum_res), axis=1)

    positive_scores = score(batch_positives)
    negative_scores = score(batch_negatives)
    # MarginRankingLoss with y = -1, reduction='mean':
    # loss = mean(max(0, -y*(x1 - x2) + margin)) = mean(max(0, pos - neg + margin))
    loss = jnp.mean(jnp.maximum(0.0, positive_scores - negative_scores + MARGIN))
    return loss

if __name__ == "__main__":
    import jax
    _d = setup_inputs()
    print(jax.jit(kernel)(*tuple(_d.values())))

</pallas_src>

<mosaic_0001>
#map = affine_map<(d0, d1) -> (0, 0, 0)>
#map1 = affine_map<(d0, d1) -> (0, 0)>
module attributes {stable_mosaic.version = 14 : i64} {
  func.func @transe_sc(%arg0: i32, %arg1: i32, %arg2: memref<32x4x128xi32, #tpu.memory_space<hbm>>, %arg3: memref<32x4x128xi32, #tpu.memory_space<hbm>>, %arg4: memref<32x4x128xi32, #tpu.memory_space<hbm>>, %arg5: memref<32x4x128xi32, #tpu.memory_space<hbm>>, %arg6: memref<32x4x128xi32, #tpu.memory_space<hbm>>, %arg7: memref<32x4x128xi32, #tpu.memory_space<hbm>>, %arg8: memref<100000x64xf32, #tpu.memory_space<hbm>>, %arg9: memref<100000x64xf32, #tpu.memory_space<hbm>>, %arg10: memref<32x16xf32, #tpu.memory_space<hbm>>, %arg11: memref<4x128xi32, #tpu.memory_space<vmem>>, %arg12: memref<4x128xi32, #tpu.memory_space<vmem>>, %arg13: memref<4x128xi32, #tpu.memory_space<vmem>>, %arg14: memref<4x128xi32, #tpu.memory_space<vmem>>, %arg15: memref<4x128xi32, #tpu.memory_space<vmem>>, %arg16: memref<4x128xi32, #tpu.memory_space<vmem>>, %arg17: memref<256x64xf32, #tpu.memory_space<vmem>>, %arg18: memref<256x64xf32, #tpu.memory_space<vmem>>, %arg19: memref<256x64xf32, #tpu.memory_space<vmem>>, %arg20: memref<256x64xf32, #tpu.memory_space<vmem>>, %arg21: memref<256x64xf32, #tpu.memory_space<vmem>>, %arg22: memref<256x64xf32, #tpu.memory_space<vmem>>, %arg23: memref<512xf32, #tpu.memory_space<vmem>>, %arg24: memref<512xf32, #tpu.memory_space<vmem>>, %arg25: memref<16xf32, #tpu.memory_space<vmem>>, %arg26: memref<!tpu.dma_semaphore, #tpu.memory_space<semaphore_mem>>, %arg27: memref<!tpu.dma_semaphore, #tpu.memory_space<semaphore_mem>>) attributes {dimension_semantics = [#tpu.dimension_semantics<core_parallel>, #tpu.dimension_semantics<subcore_parallel>], iteration_bounds = array<i64: 2, 16>, scalar_prefetch = 0 : i64, scratch_operands = 17 : i64, tpu.core_type = #tpu.core_type<sc_vector_subcore>, window_params = [{transform_indices = #map}, {transform_indices = #map}, {transform_indices = #map}, {transform_indices = #map}, {transform_indices = #map}, {transform_indices = #map}, {transform_indices = #map1}, {transform_indices = #map1}, {transform_indices = #map1}]} {
    %mul3A = arith.constant 2 : i32
    %mul3A_0 = arith.muli %arg1, %mul3A : i32
    %add3A = arith.addi %mul3A_0, %arg0 : i32
    %iota3A = tpu.iota {dimensions = array<i32: 0>} : vector<16xi32>
    %broadcast_in_dim3A = arith.constant 0.000000e+00 : f32
    %broadcast_in_dim3A_1 = vector.broadcast %broadcast_in_dim3A : f32 to vector<16xf32>
    %broadcast_in_dim3A_2 = arith.constant 0 : i32
    %broadcast_in_dim3A_3 = vector.broadcast %broadcast_in_dim3A_2 : i32 to vector<16xi32>
    "tpu.region"() ({
      %run_scoped3A = tpu.sem_alloc : memref<!tpu.dma_semaphore, #tpu.memory_space<semaphore_mem>>
      %dma_start3A_887 = arith.constant 0 : i32
      %dma_start3A_888 = arith.constant 0 : i32
      %dma_start3A_889 = tpu.memref_slice %arg2[%add3A, %dma_start3A_887, %dma_start3A_888] : memref<32x4x128xi32, #tpu.memory_space<hbm>> -> memref<1x4x128xi32, #tpu.memory_space<hbm>>
      %dma_start3A_890 = tpu.memref_squeeze %dma_start3A_889 : memref<1x4x128xi32, #tpu.memory_space<hbm>> -> memref<4x128xi32, #tpu.memory_space<hbm>>
      %dma_start3A_891 = arith.constant 0 : i32
      %dma_start3A_892 = arith.constant 0 : i32
      %dma_start3A_893 = tpu.memref_slice %arg2[%add3A, %dma_start3A_891, %dma_start3A_892] : memref<32x4x128xi32, #tpu.memory_space<hbm>> -> memref<1x4x128xi32, #tpu.memory_space<hbm>>
      %dma_start3A_894 = tpu.memref_squeeze %dma_start3A_893 : memref<1x4x128xi32, #tpu.memory_space<hbm>> -> memref<4x128xi32, #tpu.memory_space<hbm>>
      tpu.enqueue_dma source(%dma_start3A_894 : memref<4x128xi32, #tpu.memory_space<hbm>>) target(%arg11 : memref<4x128xi32, #tpu.memory_space<vmem>>) target_semaphore(%run_scoped3A : memref<!tpu.dma_semaphore, #tpu.memory_space<semaphore_mem>>)
      %dma_wait3A_895 = arith.constant 0 : i32
      %dma_wait3A_896 = arith.constant 0 : i32
      %dma_wait3A_897 = tpu.memref_slice %arg2[%add3A, %dma_wait3A_895, %dma_wait3A_896] : memref<32x4x128xi32, #tpu.memory_space<hbm>> -> memref<1x4x128xi32, #tpu.memory_space<hbm>>
      %dma_wait3A_898 = tpu.memref_squeeze %dma_wait3A_897 : memref<1x4x128xi32, #tpu.memory_space<hbm>> -> memref<4x128xi32, #tpu.memory_space<hbm>>
      %dma_wait3A_899 = arith.constant 0 : i32
      %dma_wait3A_900 = arith.constant 0 : i32
      %dma_wait3A_901 = tpu.memref_slice %arg2[%add3A, %dma_wait3A_899, %dma_wait3A_900] : memref<32x4x128xi32, #tpu.memory_space<hbm>> -> memref<1x4x128xi32, #tpu.memory_space<hbm>>
      %dma_wait3A_902 = tpu.memref_squeeze %dma_wait3A_901 : memref<1x4x128xi32, #tpu.memory_space<hbm>> -> memref<4x128xi32, #tpu.memory_space<hbm>>
      tpu.wait_dma2 semaphore(%run_scoped3A : memref<!tpu.dma_semaphore, #tpu.memory_space<semaphore_mem>>) src(%dma_wait3A_902 : memref<4x128xi32, #tpu.memory_space<hbm>>) dst(%arg11 : memref<4x128xi32, #tpu.memory_space<vmem>>)
      tpu.yield
    }) : () -> ()
    "tpu.region"() ({
      %run_scoped3A = tpu.sem_alloc : memref<!tpu.dma_semaphore, #tpu.memory_space<semaphore_mem>>
      %dma_start3A_887 = arith.constant 0 : i32
      %dma_start3A_888 = arith.constant 0 : i32
      %dma_start3A_889 = tpu.memref_slice %arg3[%add3A, %dma_start3A_887, %dma_start3A_888] : memref<32x4x128xi32, #tpu.memory_space<hbm>> -> memref<1x4x128xi32, #tpu.memory_space<hbm>>
      %dma_start3A_890 = tpu.memref_squeeze %dma_start3A_889 : memref<1x4x128xi32, #tpu.memory_space<hbm>> -> memref<4x128xi32, #tpu.memory_space<hbm>>
      %dma_start3A_891 = arith.constant 0 : i32
      %dma_start3A_892 = arith.constant 0 : i32
      %dma_start3A_893 = tpu.memref_slice %arg3[%add3A, %dma_start3A_891, %dma_start3A_892] : memref<32x4x128xi32, #tpu.memory_space<hbm>> -> memref<1x4x128xi32, #tpu.memory_space<hbm>>
      %dma_start3A_894 = tpu.memref_squeeze %dma_start3A_893 : memref<1x4x128xi32, #tpu.memory_space<hbm>> -> memref<4x128xi32, #tpu.memory_space<hbm>>
      tpu.enqueue_dma source(%dma_start3A_894 : memref<4x128xi32, #tpu.memory_space<hbm>>) target(%arg12 : memref<4x128xi32, #tpu.memory_space<vmem>>) target_semaphore(%run_scoped3A : memref<!tpu.dma_semaphore, #tpu.memory_space<semaphore_mem>>)
      %dma_wait3A_895 = arith.constant 0 : i32
      %dma_wait3A_896 = arith.constant 0 : i32
      %dma_wait3A_897 = tpu.memref_slice %arg3[%add3A, %dma_wait3A_895, %dma_wait3A_896] : memref<32x4x128xi32, #tpu.memory_space<hbm>> -> memref<1x4x128xi32, #tpu.memory_space<hbm>>
      %dma_wait3A_898 = tpu.memref_squeeze %dma_wait3A_897 : memref<1x4x128xi32, #tpu.memory_space<hbm>> -> memref<4x128xi32, #tpu.memory_space<hbm>>
      %dma_wait3A_899 = arith.constant 0 : i32
      %dma_wait3A_900 = arith.constant 0 : i32
      %dma_wait3A_901 = tpu.memref_slice %arg3[%add3A, %dma_wait3A_899, %dma_wait3A_900] : memref<32x4x128xi32, #tpu.memory_space<hbm>> -> memref<1x4x128xi32, #tpu.memory_space<hbm>>
      %dma_wait3A_902 = tpu.memref_squeeze %dma_wait3A_901 : memref<1x4x128xi32, #tpu.memory_space<hbm>> -> memref<4x128xi32, #tpu.memory_space<hbm>>
      tpu.wait_dma2 semaphore(%run_scoped3A : memref<!tpu.dma_semaphore, #tpu.memory_space<semaphore_mem>>) src(%dma_wait3A_902 : memref<4x128xi32, #tpu.memory_space<hbm>>) dst(%arg12 : memref<4x128xi32, #tpu.memory_space<vmem>>)
      tpu.yield
    }) : () -> ()
    "tpu.region"() ({
      %run_scoped3A = tpu.sem_alloc : memref<!tpu.dma_semaphore, #tpu.memory_space<semaphore_mem>>
      %dma_start3A_887 = arith.constant 0 : i32
      %dma_start3A_888 = arith.constant 0 : i32
      %dma_start3A_889 = tpu.memref_slice %arg4[%add3A, %dma_start3A_887, %dma_start3A_888] : memref<32x4x128xi32, #tpu.memory_space<hbm>> -> memref<1x4x128xi32, #tpu.memory_space<hbm>>
      %dma_start3A_890 = tpu.memref_squeeze %dma_start3A_889 : memref<1x4x128xi32, #tpu.memory_space<hbm>> -> memref<4x128xi32, #tpu.memory_space<hbm>>
      %dma_start3A_891 = arith.constant 0 : i32
      %dma_start3A_892 = arith.constant 0 : i32
      %dma_start3A_893 = tpu.memref_slice %arg4[%add3A, %dma_start3A_891, %dma_start3A_892] : memref<32x4x128xi32, #tpu.memory_space<hbm>> -> memref<1x4x128xi32, #tpu.memory_space<hbm>>
      %dma_start3A_894 = tpu.memref_squeeze %dma_start3A_893 : memref<1x4x128xi32, #tpu.memory_space<hbm>> -> memref<4x128xi32, #tpu.memory_space<hbm>>
      tpu.enqueue_dma source(%dma_start3A_894 : memref<4x128xi32, #tpu.memory_space<hbm>>) target(%arg13 : memref<4x128xi32, #tpu.memory_space<vmem>>) target_semaphore(%run_scoped3A : memref<!tpu.dma_semaphore, #tpu.memory_space<semaphore_mem>>)
      %dma_wait3A_895 = arith.constant 0 : i32
      %dma_wait3A_896 = arith.constant 0 : i32
      %dma_wait3A_897 = tpu.memref_slice %arg4[%add3A, %dma_wait3A_895, %dma_wait3A_896] : memref<32x4x128xi32, #tpu.memory_space<hbm>> -> memref<1x4x128xi32, #tpu.memory_space<hbm>>
      %dma_wait3A_898 = tpu.memref_squeeze %dma_wait3A_897 : memref<1x4x128xi32, #tpu.memory_space<hbm>> -> memref<4x128xi32, #tpu.memory_space<hbm>>
      %dma_wait3A_899 = arith.constant 0 : i32
      %dma_wait3A_900 = arith.constant 0 : i32
      %dma_wait3A_901 = tpu.memref_slice %arg4[%add3A, %dma_wait3A_899, %dma_wait3A_900] : memref<32x4x128xi32, #tpu.memory_space<hbm>> -> memref<1x4x128xi32, #tpu.memory_space<hbm>>
      %dma_wait3A_902 = tpu.memref_squeeze %dma_wait3A_901 : memref<1x4x128xi32, #tpu.memory_space<hbm>> -> memref<4x128xi32, #tpu.memory_space<hbm>>
      tpu.wait_dma2 semaphore(%run_scoped3A : memref<!tpu.dma_semaphore, #tpu.memory_space<semaphore_mem>>) src(%dma_wait3A_902 : memref<4x128xi32, #tpu.memory_space<hbm>>) dst(%arg13 : memref<4x128xi32, #tpu.memory_space<vmem>>)
      tpu.yield
    }) : () -> ()
    "tpu.region"() ({
      %run_scoped3A = tpu.sem_alloc : memref<!tpu.dma_semaphore, #tpu.memory_space<semaphore_mem>>
      %dma_start3A_887 = arith.constant 0 : i32
      %dma_start3A_888 = arith.constant 0 : i32
      %dma_start3A_889 = tpu.memref_slice %arg5[%add3A, %dma_start3A_887, %dma_start3A_888] : memref<32x4x128xi32, #tpu.memory_space<hbm>> -> memref<1x4x128xi32, #tpu.memory_space<hbm>>
      %dma_start3A_890 = tpu.memref_squeeze %dma_start3A_889 : memref<1x4x128xi32, #tpu.memory_space<hbm>> -> memref<4x128xi32, #tpu.memory_space<hbm>>
      %dma_start3A_891 = arith.constant 0 : i32
      %dma_start3A_892 = arith.constant 0 : i32
      %dma_start3A_893 = tpu.memref_slice %arg5[%add3A, %dma_start3A_891, %dma_start3A_892] : memref<32x4x128xi32, #tpu.memory_space<hbm>> -> memref<1x4x128xi32, #tpu.memory_space<hbm>>
      %dma_start3A_894 = tpu.memref_squeeze %dma_start3A_893 : memref<1x4x128xi32, #tpu.memory_space<hbm>> -> memref<4x128xi32, #tpu.memory_space<hbm>>
      tpu.enqueue_dma source(%dma_start3A_894 : memref<4x128xi32, #tpu.memory_space<hbm>>) target(%arg14 : memref<4x128xi32, #tpu.memory_space<vmem>>) target_semaphore(%run_scoped3A : memref<!tpu.dma_semaphore, #tpu.memory_space<semaphore_mem>>)
      %dma_wait3A_895 = arith.constant 0 : i32
      %dma_wait3A_896 = arith.constant 0 : i32
      %dma_wait3A_897 = tpu.memref_slice %arg5[%add3A, %dma_wait3A_895, %dma_wait3A_896] : memref<32x4x128xi32, #tpu.memory_space<hbm>> -> memref<1x4x128xi32, #tpu.memory_space<hbm>>
      %dma_wait3A_898 = tpu.memref_squeeze %dma_wait3A_897 : memref<1x4x128xi32, #tpu.memory_space<hbm>> -> memref<4x128xi32, #tpu.memory_space<hbm>>
      %dma_wait3A_899 = arith.constant 0 : i32
      %dma_wait3A_900 = arith.constant 0 : i32
      %dma_wait3A_901 = tpu.memref_slice %arg5[%add3A, %dma_wait3A_899, %dma_wait3A_900] : memref<32x4x128xi32, #tpu.memory_space<hbm>> -> memref<1x4x128xi32, #tpu.memory_space<hbm>>
      %dma_wait3A_902 = tpu.memref_squeeze %dma_wait3A_901 : memref<1x4x128xi32, #tpu.memory_space<hbm>> -> memref<4x128xi32, #tpu.memory_space<hbm>>
      tpu.wait_dma2 semaphore(%run_scoped3A : memref<!tpu.dma_semaphore, #tpu.memory_space<semaphore_mem>>) src(%dma_wait3A_902 : memref<4x128xi32, #tpu.memory_space<hbm>>) dst(%arg14 : memref<4x128xi32, #tpu.memory_space<vmem>>)
      tpu.yield
    }) : () -> ()
    "tpu.region"() ({
      %run_scoped3A = tpu.sem_alloc : memref<!tpu.dma_semaphore, #tpu.memory_space<semaphore_mem>>
      %dma_start3A_887 = arith.constant 0 : i32
      %dma_start3A_888 = arith.constant 0 : i32
      %dma_start3A_889 = tpu.memref_slice %arg6[%add3A, %dma_start3A_887, %dma_start3A_888] : memref<32x4x128xi32, #tpu.memory_space<hbm>> -> memref<1x4x128xi32, #tpu.memory_space<hbm>>
      %dma_start3A_890 = tpu.memref_squeeze %dma_start3A_889 : memref<1x4x128xi32, #tpu.memory_space<hbm>> -> memref<4x128xi32, #tpu.memory_space<hbm>>
      %dma_start3A_891 = arith.constant 0 : i32
      %dma_start3A_892 = arith.constant 0 : i32
      %dma_start3A_893 = tpu.memref_slice %arg6[%add3A, %dma_start3A_891, %dma_start3A_892] : memref<32x4x128xi32, #tpu.memory_space<hbm>> -> memref<1x4x128xi32, #tpu.memory_space<hbm>>
      %dma_start3A_894 = tpu.memref_squeeze %dma_start3A_893 : memref<1x4x128xi32, #tpu.memory_space<hbm>> -> memref<4x128xi32, #tpu.memory_space<hbm>>
      tpu.enqueue_dma source(%dma_start3A_894 : memref<4x128xi32, #tpu.memory_space<hbm>>) target(%arg15 : memref<4x128xi32, #tpu.memory_space<vmem>>) target_semaphore(%run_scoped3A : memref<!tpu.dma_semaphore, #tpu.memory_space<semaphore_mem>>)
      %dma_wait3A_895 = arith.constant 0 : i32
      %dma_wait3A_896 = arith.constant 0 : i32
      %dma_wait3A_897 = tpu.memref_slice %arg6[%add3A, %dma_wait3A_895, %dma_wait3A_896] : memref<32x4x128xi32, #tpu.memory_space<hbm>> -> memref<1x4x128xi32, #tpu.memory_space<hbm>>
      %dma_wait3A_898 = tpu.memref_squeeze %dma_wait3A_897 : memref<1x4x128xi32, #tpu.memory_space<hbm>> -> memref<4x128xi32, #tpu.memory_space<hbm>>
      %dma_wait3A_899 = arith.constant 0 : i32
      %dma_wait3A_900 = arith.constant 0 : i32
      %dma_wait3A_901 = tpu.memref_slice %arg6[%add3A, %dma_wait3A_899, %dma_wait3A_900] : memref<32x4x128xi32, #tpu.memory_space<hbm>> -> memref<1x4x128xi32, #tpu.memory_space<hbm>>
      %dma_wait3A_902 = tpu.memref_squeeze %dma_wait3A_901 : memref<1x4x128xi32, #tpu.memory_space<hbm>> -> memref<4x128xi32, #tpu.memory_space<hbm>>
      tpu.wait_dma2 semaphore(%run_scoped3A : memref<!tpu.dma_semaphore, #tpu.memory_space<semaphore_mem>>) src(%dma_wait3A_902 : memref<4x128xi32, #tpu.memory_space<hbm>>) dst(%arg15 : memref<4x128xi32, #tpu.memory_space<vmem>>)
      tpu.yield
    }) : () -> ()
    "tpu.region"() ({
      %run_scoped3A = tpu.sem_alloc : memref<!tpu.dma_semaphore, #tpu.memory_space<semaphore_mem>>
      %dma_start3A_887 = arith.constant 0 : i32
      %dma_start3A_888 = arith.constant 0 : i32
      %dma_start3A_889 = tpu.memref_slice %arg7[%add3A, %dma_start3A_887, %dma_start3A_888] : memref<32x4x128xi32, #tpu.memory_space<hbm>> -> memref<1x4x128xi32, #tpu.memory_space<hbm>>
      %dma_start3A_890 = tpu.memref_squeeze %dma_start3A_889 : memref<1x4x128xi32, #tpu.memory_space<hbm>> -> memref<4x128xi32, #tpu.memory_space<hbm>>
      %dma_start3A_891 = arith.constant 0 : i32
      %dma_start3A_892 = arith.constant 0 : i32
      %dma_start3A_893 = tpu.memref_slice %arg7[%add3A, %dma_start3A_891, %dma_start3A_892] : memref<32x4x128xi32, #tpu.memory_space<hbm>> -> memref<1x4x128xi32, #tpu.memory_space<hbm>>
      %dma_start3A_894 = tpu.memref_squeeze %dma_start3A_893 : memref<1x4x128xi32, #tpu.memory_space<hbm>> -> memref<4x128xi32, #tpu.memory_space<hbm>>
      tpu.enqueue_dma source(%dma_start3A_894 : memref<4x128xi32, #tpu.memory_space<hbm>>) target(%arg16 : memref<4x128xi32, #tpu.memory_space<vmem>>) target_semaphore(%run_scoped3A : memref<!tpu.dma_semaphore, #tpu.memory_space<semaphore_mem>>)
      %dma_wait3A_895 = arith.constant 0 : i32
      %dma_wait3A_896 = arith.constant 0 : i32
      %dma_wait3A_897 = tpu.memref_slice %arg7[%add3A, %dma_wait3A_895, %dma_wait3A_896] : memref<32x4x128xi32, #tpu.memory_space<hbm>> -> memref<1x4x128xi32, #tpu.memory_space<hbm>>
      %dma_wait3A_898 = tpu.memref_squeeze %dma_wait3A_897 : memref<1x4x128xi32, #tpu.memory_space<hbm>> -> memref<4x128xi32, #tpu.memory_space<hbm>>
      %dma_wait3A_899 = arith.constant 0 : i32
      %dma_wait3A_900 = arith.constant 0 : i32
      %dma_wait3A_901 = tpu.memref_slice %arg7[%add3A, %dma_wait3A_899, %dma_wait3A_900] : memref<32x4x128xi32, #tpu.memory_space<hbm>> -> memref<1x4x128xi32, #tpu.memory_space<hbm>>
      %dma_wait3A_902 = tpu.memref_squeeze %dma_wait3A_901 : memref<1x4x128xi32, #tpu.memory_space<hbm>> -> memref<4x128xi32, #tpu.memory_space<hbm>>
      tpu.wait_dma2 semaphore(%run_scoped3A : memref<!tpu.dma_semaphore, #tpu.memory_space<semaphore_mem>>) src(%dma_wait3A_902 : memref<4x128xi32, #tpu.memory_space<hbm>>) dst(%arg16 : memref<4x128xi32, #tpu.memory_space<vmem>>)
      tpu.yield
    }) : () -> ()
    %dma_start3A = arith.constant 0 : i32
    %dma_start3A_4 = arith.constant 0 : i32
    %dma_start3A_5 = arith.constant 0 : i32
    %dma_start3A_6 = tpu.memref_slice %arg17[%dma_start3A_4, %dma_start3A_5] : memref<256x64xf32, #tpu.memory_space<vmem>> -> memref<128x64xf32, #tpu.memory_space<vmem>>
    %dma_start3A_7 = arith.constant 0 : i32
    %dma_start3A_8 = tpu.memref_slice %arg11[%dma_start3A, %dma_start3A_7] : memref<4x128xi32, #tpu.memory_space<vmem>> -> memref<1x128xi32, #tpu.memory_space<vmem>>
    %dma_start3A_9 = tpu.memref_squeeze %dma_start3A_8 : memref<1x128xi32, #tpu.memory_space<vmem>> -> memref<128xi32, #tpu.memory_space<vmem>>
    %dma_start3A_10 = arith.constant 0 : i32
    %dma_start3A_11 = arith.constant 0 : i32
    %dma_start3A_12 = tpu.memref_slice %arg8[%dma_start3A_10, %dma_start3A_11] : memref<100000x64xf32, #tpu.memory_space<hbm>> -> memref<100000x64xf32, #tpu.memory_space<hbm>>
    tpu.enqueue_indirect_dma source(%dma_start3A_12 : memref<100000x64xf32, #tpu.memory_space<hbm>>) target(%dma_start3A_6 : memref<128x64xf32, #tpu.memory_space<vmem>>) offsets(%dma_start3A_9 : memref<128xi32, #tpu.memory_space<vmem>>) semaphore(%arg26 : memref<!tpu.dma_semaphore, #tpu.memory_space<semaphore_mem>>)
    %dma_start3A_13 = arith.constant 0 : i32
    %dma_start3A_14 = arith.constant 0 : i32
    %dma_start3A_15 = arith.constant 0 : i32
    %dma_start3A_16 = tpu.memref_slice %arg18[%dma_start3A_14, %dma_start3A_15] : memref<256x64xf32, #tpu.memory_space<vmem>> -> memref<128x64xf32, #tpu.memory_space<vmem>>
    %dma_start3A_17 = arith.constant 0 : i32
    %dma_start3A_18 = tpu.memref_slice %arg12[%dma_start3A_13, %dma_start3A_17] : memref<4x128xi32, #tpu.memory_space<vmem>> -> memref<1x128xi32, #tpu.memory_space<vmem>>
    %dma_start3A_19 = tpu.memref_squeeze %dma_start3A_18 : memref<1x128xi32, #tpu.memory_space<vmem>> -> memref<128xi32, #tpu.memory_space<vmem>>
    %dma_start3A_20 = arith.constant 0 : i32
    %dma_start3A_21 = arith.constant 0 : i32
    %dma_start3A_22 = tpu.memref_slice %arg9[%dma_start3A_20, %dma_start3A_21] : memref<100000x64xf32, #tpu.memory_space<hbm>> -> memref<100000x64xf32, #tpu.memory_space<hbm>>
    tpu.enqueue_indirect_dma source(%dma_start3A_22 : memref<100000x64xf32, #tpu.memory_space<hbm>>) target(%dma_start3A_16 : memref<128x64xf32, #tpu.memory_space<vmem>>) offsets(%dma_start3A_19 : memref<128xi32, #tpu.memory_space<vmem>>) semaphore(%arg26 : memref<!tpu.dma_semaphore, #tpu.memory_space<semaphore_mem>>)
    %dma_start3A_23 = arith.constant 0 : i32
    %dma_start3A_24 = arith.constant 0 : i32
    %dma_start3A_25 = arith.constant 0 : i32
    %dma_start3A_26 = tpu.memref_slice %arg19[%dma_start3A_24, %dma_start3A_25] : memref<256x64xf32, #tpu.memory_space<vmem>> -> memref<128x64xf32, #tpu.memory_space<vmem>>
    %dma_start3A_27 = arith.constant 0 : i32
    %dma_start3A_28 = tpu.memref_slice %arg13[%dma_start3A_23, %dma_start3A_27] : memref<4x128xi32, #tpu.memory_space<vmem>> -> memref<1x128xi32, #tpu.memory_space<vmem>>
    %dma_start3A_29 = tpu.memref_squeeze %dma_start3A_28 : memref<1x128xi32, #tpu.memory_space<vmem>> -> memref<128xi32, #tpu.memory_space<vmem>>
    %dma_start3A_30 = arith.constant 0 : i32
    %dma_start3A_31 = arith.constant 0 : i32
    %dma_start3A_32 = tpu.memref_slice %arg8[%dma_start3A_30, %dma_start3A_31] : memref<100000x64xf32, #tpu.memory_space<hbm>> -> memref<100000x64xf32, #tpu.memory_space<hbm>>
    tpu.enqueue_indirect_dma source(%dma_start3A_32 : memref<100000x64xf32, #tpu.memory_space<hbm>>) target(%dma_start3A_26 : memref<128x64xf32, #tpu.memory_space<vmem>>) offsets(%dma_start3A_29 : memref<128xi32, #tpu.memory_space<vmem>>) semaphore(%arg26 : memref<!tpu.dma_semaphore, #tpu.memory_space<semaphore_mem>>)
    %dma_start3A_33 = arith.constant 1 : i32
    %dma_start3A_34 = arith.constant 128 : i32
    %dma_start3A_35 = arith.constant 0 : i32
    %dma_start3A_36 = tpu.memref_slice %arg17[%dma_start3A_34, %dma_start3A_35] : memref<256x64xf32, #tpu.memory_space<vmem>> -> memref<128x64xf32, #tpu.memory_space<vmem>>
    %dma_start3A_37 = arith.constant 0 : i32
    %dma_start3A_38 = tpu.memref_slice %arg11[%dma_start3A_33, %dma_start3A_37] : memref<4x128xi32, #tpu.memory_space<vmem>> -> memref<1x128xi32, #tpu.memory_space<vmem>>
    %dma_start3A_39 = tpu.memref_squeeze %dma_start3A_38 : memref<1x128xi32, #tpu.memory_space<vmem>> -> memref<128xi32, #tpu.memory_space<vmem>>
    %dma_start3A_40 = arith.constant 0 : i32
    %dma_start3A_41 = arith.constant 0 : i32
    %dma_start3A_42 = tpu.memref_slice %arg8[%dma_start3A_40, %dma_start3A_41] : memref<100000x64xf32, #tpu.memory_space<hbm>> -> memref<100000x64xf32, #tpu.memory_space<hbm>>
    tpu.enqueue_indirect_dma source(%dma_start3A_42 : memref<100000x64xf32, #tpu.memory_space<hbm>>) target(%dma_start3A_36 : memref<128x64xf32, #tpu.memory_space<vmem>>) offsets(%dma_start3A_39 : memref<128xi32, #tpu.memory_space<vmem>>) semaphore(%arg26 : memref<!tpu.dma_semaphore, #tpu.memory_space<semaphore_mem>>)
    %dma_start3A_43 = arith.constant 1 : i32
    %dma_start3A_44 = arith.constant 128 : i32
    %dma_start3A_45 = arith.constant 0 : i32
    %dma_start3A_46 = tpu.memref_slice %arg18[%dma_start3A_44, %dma_start3A_45] : memref<256x64xf32, #tpu.memory_space<vmem>> -> memref<128x64xf32, #tpu.memory_space<vmem>>
    %dma_start3A_47 = arith.constant 0 : i32
    %dma_start3A_48 = tpu.memref_slice %arg12[%dma_start3A_43, %dma_start3A_47] : memref<4x128xi32, #tpu.memory_space<vmem>> -> memref<1x128xi32, #tpu.memory_space<vmem>>
    %dma_start3A_49 = tpu.memref_squeeze %dma_start3A_48 : memref<1x128xi32, #tpu.memory_space<vmem>> -> memref<128xi32, #tpu.memory_space<vmem>>
    %dma_start3A_50 = arith.constant 0 : i32
    %dma_start3A_51 = arith.constant 0 : i32
    %dma_start3A_52 = tpu.memref_slice %arg9[%dma_start3A_50, %dma_start3A_51] : memref<100000x64xf32, #tpu.memory_space<hbm>> -> memref<100000x64xf32, #tpu.memory_space<hbm>>
    tpu.enqueue_indirect_dma source(%dma_start3A_52 : memref<100000x64xf32, #tpu.memory_space<hbm>>) target(%dma_start3A_46 : memref<128x64xf32, #tpu.memory_space<vmem>>) offsets(%dma_start3A_49 : memref<128xi32, #tpu.memory_space<vmem>>) semaphore(%arg26 : memref<!tpu.dma_semaphore, #tpu.memory_space<semaphore_mem>>)
    %dma_start3A_53 = arith.constant 1 : i32
    %dma_start3A_54 = arith.constant 128 : i32
    %dma_start3A_55 = arith.constant 0 : i32
    %dma_start3A_56 = tpu.memref_slice %arg19[%dma_start3A_54, %dma_start3A_55] : memref<256x64xf32, #tpu.memory_space<vmem>> -> memref<128x64xf32, #tpu.memory_space<vmem>>
    %dma_start3A_57 = arith.constant 0 : i32
    %dma_start3A_58 = tpu.memref_slice %arg13[%dma_start3A_53, %dma_start3A_57] : memref<4x128xi32, #tpu.memory_space<vmem>> -> memref<1x128xi32, #tpu.memory_space<vmem>>
    %dma_start3A_59 = tpu.memref_squeeze %dma_start3A_58 : memref<1x128xi32, #tpu.memory_space<vmem>> -> memref<128xi32, #tpu.memory_space<vmem>>
    %dma_start3A_60 = arith.constant 0 : i32
    %dma_start3A_61 = arith.constant 0 : i32
    %dma_start3A_62 = tpu.memref_slice %arg8[%dma_start3A_60, %dma_start3A_61] : memref<100000x64xf32, #tpu.memory_space<hbm>> -> memref<100000x64xf32, #tpu.memory_space<hbm>>
    tpu.enqueue_indirect_dma source(%dma_start3A_62 : memref<100000x64xf32, #tpu.memory_space<hbm>>) target(%dma_start3A_56 : memref<128x64xf32, #tpu.memory_space<vmem>>) offsets(%dma_start3A_59 : memref<128xi32, #tpu.memory_space<vmem>>) semaphore(%arg26 : memref<!tpu.dma_semaphore, #tpu.memory_space<semaphore_mem>>)
    %dma_start3A_63 = arith.constant 2 : i32
    %dma_start3A_64 = arith.constant 0 : i32
    %dma_start3A_65 = arith.constant 0 : i32
    %dma_start3A_66 = tpu.memref_slice %arg20[%dma_start3A_64, %dma_start3A_65] : memref<256x64xf32, #tpu.memory_space<vmem>> -> memref<128x64xf32, #tpu.memory_space<vmem>>
    %dma_start3A_67 = arith.constant 0 : i32
    %dma_start3A_68 = tpu.memref_slice %arg11[%dma_start3A_63, %dma_start3A_67] : memref<4x128xi32, #tpu.memory_space<vmem>> -> memref<1x128xi32, #tpu.memory_space<vmem>>
    %dma_start3A_69 = tpu.memref_squeeze %dma_start3A_68 : memref<1x128xi32, #tpu.memory_space<vmem>> -> memref<128xi32, #tpu.memory_space<vmem>>
    %dma_start3A_70 = arith.constant 0 : i32
    %dma_start3A_71 = arith.constant 0 : i32
    %dma_start3A_72 = tpu.memref_slice %arg8[%dma_start3A_70, %dma_start3A_71] : memref<100000x64xf32, #tpu.memory_space<hbm>> -> memref<100000x64xf32, #tpu.memory_space<hbm>>
    tpu.enqueue_indirect_dma source(%dma_start3A_72 : memref<100000x64xf32, #tpu.memory_space<hbm>>) target(%dma_start3A_66 : memref<128x64xf32, #tpu.memory_space<vmem>>) offsets(%dma_start3A_69 : memref<128xi32, #tpu.memory_space<vmem>>) semaphore(%arg27 : memref<!tpu.dma_semaphore, #tpu.memory_space<semaphore_mem>>)
    %dma_start3A_73 = arith.constant 2 : i32
    %dma_start3A_74 = arith.constant 0 : i32
    %dma_start3A_75 = arith.constant 0 : i32
    %dma_start3A_76 = tpu.memref_slice %arg21[%dma_start3A_74, %dma_start3A_75] : memref<256x64xf32, #tpu.memory_space<vmem>> -> memref<128x64xf32, #tpu.memory_space<vmem>>
    %dma_start3A_77 = arith.constant 0 : i32
    %dma_start3A_78 = tpu.memref_slice %arg12[%dma_start3A_73, %dma_start3A_77] : memref<4x128xi32, #tpu.memory_space<vmem>> -> memref<1x128xi32, #tpu.memory_space<vmem>>
    %dma_start3A_79 = tpu.memref_squeeze %dma_start3A_78 : memref<1x128xi32, #tpu.memory_space<vmem>> -> memref<128xi32, #tpu.memory_space<vmem>>
    %dma_start3A_80 = arith.constant 0 : i32
    %dma_start3A_81 = arith.constant 0 : i32
    %dma_start3A_82 = tpu.memref_slice %arg9[%dma_start3A_80, %dma_start3A_81] : memref<100000x64xf32, #tpu.memory_space<hbm>> -> memref<100000x64xf32, #tpu.memory_space<hbm>>
    tpu.enqueue_indirect_dma source(%dma_start3A_82 : memref<100000x64xf32, #tpu.memory_space<hbm>>) target(%dma_start3A_76 : memref<128x64xf32, #tpu.memory_space<vmem>>) offsets(%dma_start3A_79 : memref<128xi32, #tpu.memory_space<vmem>>) semaphore(%arg27 : memref<!tpu.dma_semaphore, #tpu.memory_space<semaphore_mem>>)
    %dma_start3A_83 = arith.constant 2 : i32
    %dma_start3A_84 = arith.constant 0 : i32
    %dma_start3A_85 = arith.constant 0 : i32
    %dma_start3A_86 = tpu.memref_slice %arg22[%dma_start3A_84, %dma_start3A_85] : memref<256x64xf32, #tpu.memory_space<vmem>> -> memref<128x64xf32, #tpu.memory_space<vmem>>
    %dma_start3A_87 = arith.constant 0 : i32
    %dma_start3A_88 = tpu.memref_slice %arg13[%dma_start3A_83, %dma_start3A_87] : memref<4x128xi32, #tpu.memory_space<vmem>> -> memref<1x128xi32, #tpu.memory_space<vmem>>
    %dma_start3A_89 = tpu.memref_squeeze %dma_start3A_88 : memref<1x128xi32, #tpu.memory_space<vmem>> -> memref<128xi32, #tpu.memory_space<vmem>>
    %dma_start3A_90 = arith.constant 0 : i32
    %dma_start3A_91 = arith.constant 0 : i32
    %dma_start3A_92 = tpu.memref_slice %arg8[%dma_start3A_90, %dma_start3A_91] : memref<100000x64xf32, #tpu.memory_space<hbm>> -> memref<100000x64xf32, #tpu.memory_space<hbm>>
    tpu.enqueue_indirect_dma source(%dma_start3A_92 : memref<100000x64xf32, #tpu.memory_space<hbm>>) target(%dma_start3A_86 : memref<128x64xf32, #tpu.memory_space<vmem>>) offsets(%dma_start3A_89 : memref<128xi32, #tpu.memory_space<vmem>>) semaphore(%arg27 : memref<!tpu.dma_semaphore, #tpu.memory_space<semaphore_mem>>)
    %dma_start3A_93 = arith.constant 3 : i32
    %dma_start3A_94 = arith.constant 128 : i32
    %dma_start3A_95 = arith.constant 0 : i32
    %dma_start3A_96 = tpu.memref_slice %arg20[%dma_start3A_94, %dma_start3A_95] : memref<256x64xf32, #tpu.memory_space<vmem>> -> memref<128x64xf32, #tpu.memory_space<vmem>>
    %dma_start3A_97 = arith.constant 0 : i32
    %dma_start3A_98 = tpu.memref_slice %arg11[%dma_start3A_93, %dma_start3A_97] : memref<4x128xi32, #tpu.memory_space<vmem>> -> memref<1x128xi32, #tpu.memory_space<vmem>>
    %dma_start3A_99 = tpu.memref_squeeze %dma_start3A_98 : memref<1x128xi32, #tpu.memory_space<vmem>> -> memref<128xi32, #tpu.memory_space<vmem>>
    %dma_start3A_100 = arith.constant 0 : i32
    %dma_start3A_101 = arith.constant 0 : i32
    %dma_start3A_102 = tpu.memref_slice %arg8[%dma_start3A_100, %dma_start3A_101] : memref<100000x64xf32, #tpu.memory_space<hbm>> -> memref<100000x64xf32, #tpu.memory_space<hbm>>
    tpu.enqueue_indirect_dma source(%dma_start3A_102 : memref<100000x64xf32, #tpu.memory_space<hbm>>) target(%dma_start3A_96 : memref<128x64xf32, #tpu.memory_space<vmem>>) offsets(%dma_start3A_99 : memref<128xi32, #tpu.memory_space<vmem>>) semaphore(%arg27 : memref<!tpu.dma_semaphore, #tpu.memory_space<semaphore_mem>>)
    %dma_start3A_103 = arith.constant 3 : i32
    %dma_start3A_104 = arith.constant 128 : i32
    %dma_start3A_105 = arith.constant 0 : i32
    %dma_start3A_106 = tpu.memref_slice %arg21[%dma_start3A_104, %dma_start3A_105] : memref<256x64xf32, #tpu.memory_space<vmem>> -> memref<128x64xf32, #tpu.memory_space<vmem>>
    %dma_start3A_107 = arith.constant 0 : i32
    %dma_start3A_108 = tpu.memref_slice %arg12[%dma_start3A_103, %dma_start3A_107] : memref<4x128xi32, #tpu.memory_space<vmem>> -> memref<1x128xi32, #tpu.memory_space<vmem>>
    %dma_start3A_109 = tpu.memref_squeeze %dma_start3A_108 : memref<1x128xi32, #tpu.memory_space<vmem>> -> memref<128xi32, #tpu.memory_space<vmem>>
    %dma_start3A_110 = arith.constant 0 : i32
    %dma_start3A_111 = arith.constant 0 : i32
    %dma_start3A_112 = tpu.memref_slice %arg9[%dma_start3A_110, %dma_start3A_111] : memref<100000x64xf32, #tpu.memory_space<hbm>> -> memref<100000x64xf32, #tpu.memory_space<hbm>>
    tpu.enqueue_indirect_dma source(%dma_start3A_112 : memref<100000x64xf32, #tpu.memory_space<hbm>>) target(%dma_start3A_106 : memref<128x64xf32, #tpu.memory_space<vmem>>) offsets(%dma_start3A_109 : memref<128xi32, #tpu.memory_space<vmem>>) semaphore(%arg27 : memref<!tpu.dma_semaphore, #tpu.memory_space<semaphore_mem>>)
    %dma_start3A_113 = arith.constant 3 : i32
    %dma_start3A_114 = arith.constant 128 : i32
    %dma_start3A_115 = arith.constant 0 : i32
    %dma_start3A_116 = tpu.memref_slice %arg22[%dma_start3A_114, %dma_start3A_115] : memref<256x64xf32, #tpu.memory_space<vmem>> -> memref<128x64xf32, #tpu.memory_space<vmem>>
    %dma_start3A_117 = arith.constant 0 : i32
    %dma_start3A_118 = tpu.memref_slice %arg13[%dma_start3A_113, %dma_start3A_117] : memref<4x128xi32, #tpu.memory_space<vmem>> -> memref<1x128xi32, #tpu.memory_space<vmem>>
    %dma_start3A_119 = tpu.memref_squeeze %dma_start3A_118 : memref<1x128xi32, #tpu.memory_space<vmem>> -> memref<128xi32, #tpu.memory_space<vmem>>
    %dma_start3A_120 = arith.constant 0 : i32
    %dma_start3A_121 = arith.constant 0 : i32
    %dma_start3A_122 = tpu.memref_slice %arg8[%dma_start3A_120, %dma_start3A_121] : memref<100000x64xf32, #tpu.memory_space<hbm>> -> memref<100000x64xf32, #tpu.memory_space<hbm>>
    tpu.enqueue_indirect_dma source(%dma_start3A_122 : memref<100000x64xf32, #tpu.memory_space<hbm>>) target(%dma_start3A_116 : memref<128x64xf32, #tpu.memory_space<vmem>>) offsets(%dma_start3A_119 : memref<128xi32, #tpu.memory_space<vmem>>) semaphore(%arg27 : memref<!tpu.dma_semaphore, #tpu.memory_space<semaphore_mem>>)
    %dma_wait3A = arith.constant 0 : i32
    %dma_wait3A_123 = arith.constant 0 : i32
    %dma_wait3A_124 = arith.constant 0 : i32
    %dma_wait3A_125 = tpu.memref_slice %arg17[%dma_wait3A_123, %dma_wait3A_124] : memref<256x64xf32, #tpu.memory_space<vmem>> -> memref<128x64xf32, #tpu.memory_space<vmem>>
    %dma_wait3A_126 = arith.constant 0 : i32
    %dma_wait3A_127 = tpu.memref_slice %arg11[%dma_wait3A, %dma_wait3A_126] : memref<4x128xi32, #tpu.memory_space<vmem>> -> memref<1x128xi32, #tpu.memory_space<vmem>>
    %dma_wait3A_128 = tpu.memref_squeeze %dma_wait3A_127 : memref<1x128xi32, #tpu.memory_space<vmem>> -> memref<128xi32, #tpu.memory_space<vmem>>
    %dma_wait3A_129 = arith.constant 0 : i32
    %dma_wait3A_130 = arith.constant 0 : i32
    %dma_wait3A_131 = tpu.memref_slice %arg8[%dma_wait3A_129, %dma_wait3A_130] : memref<100000x64xf32, #tpu.memory_space<hbm>> -> memref<100000x64xf32, #tpu.memory_space<hbm>>
    tpu.wait_indirect_dma semaphore(%arg26 : memref<!tpu.dma_semaphore, #tpu.memory_space<semaphore_mem>>) src(%dma_wait3A_131 : memref<100000x64xf32, #tpu.memory_space<hbm>>) dst(%dma_wait3A_125 : memref<128x64xf32, #tpu.memory_space<vmem>>)
    %dma_wait3A_132 = arith.constant 0 : i32
    %dma_wait3A_133 = arith.constant 0 : i32
    %dma_wait3A_134 = arith.constant 0 : i32
    %dma_wait3A_135 = tpu.memref_slice %arg18[%dma_wait3A_133, %dma_wait3A_134] : memref<256x64xf32, #tpu.memory_space<vmem>> -> memref<128x64xf32, #tpu.memory_space<vmem>>
    %dma_wait3A_136 = arith.constant 0 : i32
    %dma_wait3A_137 = tpu.memref_slice %arg12[%dma_wait3A_132, %dma_wait3A_136] : memref<4x128xi32, #tpu.memory_space<vmem>> -> memref<1x128xi32, #tpu.memory_space<vmem>>
    %dma_wait3A_138 = tpu.memref_squeeze %dma_wait3A_137 : memref<1x128xi32, #tpu.memory_space<vmem>> -> memref<128xi32, #tpu.memory_space<vmem>>
    %dma_wait3A_139 = arith.constant 0 : i32
    %dma_wait3A_140 = arith.constant 0 : i32
    %dma_wait3A_141 = tpu.memref_slice %arg9[%dma_wait3A_139, %dma_wait3A_140] : memref<100000x64xf32, #tpu.memory_space<hbm>> -> memref<100000x64xf32, #tpu.memory_space<hbm>>
    tpu.wait_indirect_dma semaphore(%arg26 : memref<!tpu.dma_semaphore, #tpu.memory_space<semaphore_mem>>) src(%dma_wait3A_141 : memref<100000x64xf32, #tpu.memory_space<hbm>>) dst(%dma_wait3A_135 : memref<128x64xf32, #tpu.memory_space<vmem>>)
    %dma_wait3A_142 = arith.constant 0 : i32
    %dma_wait3A_143 = arith.constant 0 : i32
    %dma_wait3A_144 = arith.constant 0 : i32
    %dma_wait3A_145 = tpu.memref_slice %arg19[%dma_wait3A_143, %dma_wait3A_144] : memref<256x64xf32, #tpu.memory_space<vmem>> -> memref<128x64xf32, #tpu.memory_space<vmem>>
    %dma_wait3A_146 = arith.constant 0 : i32
    %dma_wait3A_147 = tpu.memref_slice %arg13[%dma_wait3A_142, %dma_wait3A_146] : memref<4x128xi32, #tpu.memory_space<vmem>> -> memref<1x128xi32, #tpu.memory_space<vmem>>
    %dma_wait3A_148 = tpu.memref_squeeze %dma_wait3A_147 : memref<1x128xi32, #tpu.memory_space<vmem>> -> memref<128xi32, #tpu.memory_space<vmem>>
    %dma_wait3A_149 = arith.constant 0 : i32
    %dma_wait3A_150 = arith.constant 0 : i32
    %dma_wait3A_151 = tpu.memref_slice %arg8[%dma_wait3A_149, %dma_wait3A_150] : memref<100000x64xf32, #tpu.memory_space<hbm>> -> memref<100000x64xf32, #tpu.memory_space<hbm>>
    tpu.wait_indirect_dma semaphore(%arg26 : memref<!tpu.dma_semaphore, #tpu.memory_space<semaphore_mem>>) src(%dma_wait3A_151 : memref<100000x64xf32, #tpu.memory_space<hbm>>) dst(%dma_wait3A_145 : memref<128x64xf32, #tpu.memory_space<vmem>>)
    %dma_wait3A_152 = arith.constant 1 : i32
    %dma_wait3A_153 = arith.constant 128 : i32
    %dma_wait3A_154 = arith.constant 0 : i32
    %dma_wait3A_155 = tpu.memref_slice %arg17[%dma_wait3A_153, %dma_wait3A_154] : memref<256x64xf32, #tpu.memory_space<vmem>> -> memref<128x64xf32, #tpu.memory_space<vmem>>
    %dma_wait3A_156 = arith.constant 0 : i32
    %dma_wait3A_157 = tpu.memref_slice %arg11[%dma_wait3A_152, %dma_wait3A_156] : memref<4x128xi32, #tpu.memory_space<vmem>> -> memref<1x128xi32, #tpu.memory_space<vmem>>
    %dma_wait3A_158 = tpu.memref_squeeze %dma_wait3A_157 : memref<1x128xi32, #tpu.memory_space<vmem>> -> memref<128xi32, #tpu.memory_space<vmem>>
    %dma_wait3A_159 = arith.constant 0 : i32
    %dma_wait3A_160 = arith.constant 0 : i32
    %dma_wait3A_161 = tpu.memref_slice %arg8[%dma_wait3A_159, %dma_wait3A_160] : memref<100000x64xf32, #tpu.memory_space<hbm>> -> memref<100000x64xf32, #tpu.memory_space<hbm>>
    tpu.wait_indirect_dma semaphore(%arg26 : memref<!tpu.dma_semaphore, #tpu.memory_space<semaphore_mem>>) src(%dma_wait3A_161 : memref<100000x64xf32, #tpu.memory_space<hbm>>) dst(%dma_wait3A_155 : memref<128x64xf32, #tpu.memory_space<vmem>>)
    %dma_wait3A_162 = arith.constant 1 : i32
    %dma_wait3A_163 = arith.constant 128 : i32
    %dma_wait3A_164 = arith.constant 0 : i32
    %dma_wait3A_165 = tpu.memref_slice %arg18[%dma_wait3A_163, %dma_wait3A_164] : memref<256x64xf32, #tpu.memory_space<vmem>> -> memref<128x64xf32, #tpu.memory_space<vmem>>
    %dma_wait3A_166 = arith.constant 0 : i32
    %dma_wait3A_167 = tpu.memref_slice %arg12[%dma_wait3A_162, %dma_wait3A_166] : memref<4x128xi32, #tpu.memory_space<vmem>> -> memref<1x128xi32, #tpu.memory_space<vmem>>
    %dma_wait3A_168 = tpu.memref_squeeze %dma_wait3A_167 : memref<1x128xi32, #tpu.memory_space<vmem>> -> memref<128xi32, #tpu.memory_space<vmem>>
    %dma_wait3A_169 = arith.constant 0 : i32
    %dma_wait3A_170 = arith.constant 0 : i32
    %dma_wait3A_171 = tpu.memref_slice %arg9[%dma_wait3A_169, %dma_wait3A_170] : memref<100000x64xf32, #tpu.memory_space<hbm>> -> memref<100000x64xf32, #tpu.memory_space<hbm>>
    tpu.wait_indirect_dma semaphore(%arg26 : memref<!tpu.dma_semaphore, #tpu.memory_space<semaphore_mem>>) src(%dma_wait3A_171 : memref<100000x64xf32, #tpu.memory_space<hbm>>) dst(%dma_wait3A_165 : memref<128x64xf32, #tpu.memory_space<vmem>>)
    %dma_wait3A_172 = arith.constant 1 : i32
    %dma_wait3A_173 = arith.constant 128 : i32
    %dma_wait3A_174 = arith.constant 0 : i32
    %dma_wait3A_175 = tpu.memref_slice %arg19[%dma_wait3A_173, %dma_wait3A_174] : memref<256x64xf32, #tpu.memory_space<vmem>> -> memref<128x64xf32, #tpu.memory_space<vmem>>
    %dma_wait3A_176 = arith.constant 0 : i32
    %dma_wait3A_177 = tpu.memref_slice %arg13[%dma_wait3A_172, %dma_wait3A_176] : memref<4x128xi32, #tpu.memory_space<vmem>> -> memref<1x128xi32, #tpu.memory_space<vmem>>
    %dma_wait3A_178 = tpu.memref_squeeze %dma_wait3A_177 : memref<1x128xi32, #tpu.memory_space<vmem>> -> memref<128xi32, #tpu.memory_space<vmem>>
    %dma_wait3A_179 = arith.constant 0 : i32
    %dma_wait3A_180 = arith.constant 0 : i32
    %dma_wait3A_181 = tpu.memref_slice %arg8[%dma_wait3A_179, %dma_wait3A_180] : memref<100000x64xf32, #tpu.memory_space<hbm>> -> memref<100000x64xf32, #tpu.memory_space<hbm>>
    tpu.wait_indirect_dma semaphore(%arg26 : memref<!tpu.dma_semaphore, #tpu.memory_space<semaphore_mem>>) src(%dma_wait3A_181 : memref<100000x64xf32, #tpu.memory_space<hbm>>) dst(%dma_wait3A_175 : memref<128x64xf32, #tpu.memory_space<vmem>>)
    %scan3A = arith.constant 0 : i32
    %scan3A_182 = arith.constant 16 : i32
    %scan3A_183 = arith.addi %scan3A, %scan3A_182 : i32
    %scan3A_184 = arith.constant 1 : i32
    %scan3A_185 = scf.for %scan3A_887 = %scan3A to %scan3A_183 step %scan3A_184 iter_args(%scan3A_888 = %iota3A) -> (vector<16xi32>)  : i32 {
      %scan3A_889 = arith.constant 0 : i32
      %scan3A_890 = arith.constant 4 : i32
      %scan3A_891 = arith.addi %scan3A_889, %scan3A_890 : i32
      %scan3A_892 = arith.constant 1 : i32
      %scan3A_893:3 = scf.for %scan3A_975 = %scan3A_889 to %scan3A_891 step %scan3A_892 iter_args(%scan3A_976 = %broadcast_in_dim3A_1, %scan3A_977 = %broadcast_in_dim3A_1, %scan3A_978 = %iota3A) -> (vector<16xf32>, vector<16xf32>, vector<16xi32>)  : i32 {
        %gather3A = tpu.vector_load_idx %arg17[%scan3A_888, %scan3A_978] : memref<256x64xf32, #tpu.memory_space<vmem>>[vector<16xi32>, vector<16xi32>], vector<16xf32>,
        %gather3A_979 = tpu.vector_load_idx %arg19[%scan3A_888, %scan3A_978] : memref<256x64xf32, #tpu.memory_space<vmem>>[vector<16xi32>, vector<16xi32>], vector<16xf32>,
        %mul3A_980 = arith.mulf %gather3A, %gather3A : vector<16xf32>
        %add3A_981 = arith.addf %scan3A_976, %mul3A_980 : vector<16xf32>
        %mul3A_982 = arith.mulf %gather3A_979, %gather3A_979 : vector<16xf32>
        %add3A_983 = arith.addf %scan3A_977, %mul3A_982 : vector<16xf32>
        %add3A_984 = arith.constant 1 : i32
        %add3A_985 = vector.broadcast %add3A_984 : i32 to vector<16xi32>
        %add3A_986 = arith.addi %scan3A_978, %add3A_985 : vector<16xi32>
        %and3A = arith.constant 63 : i32
        %and3A_987 = vector.broadcast %and3A : i32 to vector<16xi32>
        %and3A_988 = arith.andi %add3A_986, %and3A_987 : vector<16xi32>
        %gather3A_989 = tpu.vector_load_idx %arg17[%scan3A_888, %and3A_988] : memref<256x64xf32, #tpu.memory_space<vmem>>[vector<16xi32>, vector<16xi32>], vector<16xf32>,
        %gather3A_990 = tpu.vector_load_idx %arg19[%scan3A_888, %and3A_988] : memref<256x64xf32, #tpu.memory_space<vmem>>[vector<16xi32>, vector<16xi32>], vector<16xf32>,
        %mul3A_991 = arith.mulf %gather3A_989, %gather3A_989 : vector<16xf32>
        %add3A_992 = arith.addf %add3A_981, %mul3A_991 : vector<16xf32>
        %mul3A_993 = arith.mulf %gather3A_990, %gather3A_990 : vector<16xf32>
        %add3A_994 = arith.addf %add3A_983, %mul3A_993 : vector<16xf32>
        %add3A_995 = arith.constant 1 : i32
        %add3A_996 = vector.broadcast %add3A_995 : i32 to vector<16xi32>
        %add3A_997 = arith.addi %and3A_988, %add3A_996 : vector<16xi32>
        %and3A_998 = arith.constant 63 : i32
        %and3A_999 = vector.broadcast %and3A_998 : i32 to vector<16xi32>
        %and3A_1000 = arith.andi %add3A_997, %and3A_999 : vector<16xi32>
        %gather3A_1001 = tpu.vector_load_idx %arg17[%scan3A_888, %and3A_1000] : memref<256x64xf32, #tpu.memory_space<vmem>>[vector<16xi32>, vector<16xi32>], vector<16xf32>,
        %gather3A_1002 = tpu.vector_load_idx %arg19[%scan3A_888, %and3A_1000] : memref<256x64xf32, #tpu.memory_space<vmem>>[vector<16xi32>, vector<16xi32>], vector<16xf32>,
        %mul3A_1003 = arith.mulf %gather3A_1001, %gather3A_1001 : vector<16xf32>
        %add3A_1004 = arith.addf %add3A_992, %mul3A_1003 : vector<16xf32>
        %mul3A_1005 = arith.mulf %gather3A_1002, %gather3A_1002 : vector<16xf32>
        %add3A_1006 = arith.addf %add3A_994, %mul3A_1005 : vector<16xf32>
        %add3A_1007 = arith.constant 1 : i32
        %add3A_1008 = vector.broadcast %add3A_1007 : i32 to vector<16xi32>
        %add3A_1009 = arith.addi %and3A_1000, %add3A_1008 : vector<16xi32>
        %and3A_1010 = arith.constant 63 : i32
        %and3A_1011 = vector.broadcast %and3A_1010 : i32 to vector<16xi32>
        %and3A_1012 = arith.andi %add3A_1009, %and3A_1011 : vector<16xi32>
        %gather3A_1013 = tpu.vector_load_idx %arg17[%scan3A_888, %and3A_1012] : memref<256x64xf32, #tpu.memory_space<vmem>>[vector<16xi32>, vector<16xi32>], vector<16xf32>,
        %gather3A_1014 = tpu.vector_load_idx %arg19[%scan3A_888, %and3A_1012] : memref<256x64xf32, #tpu.memory_space<vmem>>[vector<16xi32>, vector<16xi32>], vector<16xf32>,
        %mul3A_1015 = arith.mulf %gather3A_1013, %gather3A_1013 : vector<16xf32>
        %add3A_1016 = arith.addf %add3A_1004, %mul3A_1015 : vector<16xf32>
        %mul3A_1017 = arith.mulf %gather3A_1014, %gather3A_1014 : vector<16xf32>
        %add3A_1018 = arith.addf %add3A_1006, %mul3A_1017 : vector<16xf32>
        %add3A_1019 = arith.constant 1 : i32
        %add3A_1020 = vector.broadcast %add3A_1019 : i32 to vector<16xi32>
        %add3A_1021 = arith.addi %and3A_1012, %add3A_1020 : vector<16xi32>
        %and3A_1022 = arith.constant 63 : i32
        %and3A_1023 = vector.broadcast %and3A_1022 : i32 to vector<16xi32>
        %and3A_1024 = arith.andi %add3A_1021, %and3A_1023 : vector<16xi32>
        %gather3A_1025 = tpu.vector_load_idx %arg17[%scan3A_888, %and3A_1024] : memref<256x64xf32, #tpu.memory_space<vmem>>[vector<16xi32>, vector<16xi32>], vector<16xf32>,
        %gather3A_1026 = tpu.vector_load_idx %arg19[%scan3A_888, %and3A_1024] : memref<256x64xf32, #tpu.memory_space<vmem>>[vector<16xi32>, vector<16xi32>], vector<16xf32>,
        %mul3A_1027 = arith.mulf %gather3A_1025, %gather3A_1025 : vector<16xf32>
        %add3A_1028 = arith.addf %add3A_1016, %mul3A_1027 : vector<16xf32>
        %mul3A_1029 = arith.mulf %gather3A_1026, %gather3A_1026 : vector<16xf32>
        %add3A_1030 = arith.addf %add3A_1018, %mul3A_1029 : vector<16xf32>
        %add3A_1031 = arith.constant 1 : i32
        %add3A_1032 = vector.broadcast %add3A_1031 : i32 to vector<16xi32>
        %add3A_1033 = arith.addi %and3A_1024, %add3A_1032 : vector<16xi32>
        %and3A_1034 = arith.constant 63 : i32
        %and3A_1035 = vector.broadcast %and3A_1034 : i32 to vector<16xi32>
        %and3A_1036 = arith.andi %add3A_1033, %and3A_1035 : vector<16xi32>
        %gather3A_1037 = tpu.vector_load_idx %arg17[%scan3A_888, %and3A_1036] : memref<256x64xf32, #tpu.memory_space<vmem>>[vector<16xi32>, vector<16xi32>], vector<16xf32>,
        %gather3A_1038 = tpu.vector_load_idx %arg19[%scan3A_888, %and3A_1036] : memref<256x64xf32, #tpu.memory_space<vmem>>[vector<16xi32>, vector<16xi32>], vector<16xf32>,
        %mul3A_1039 = arith.mulf %gather3A_1037, %gather3A_1037 : vector<16xf32>
        %add3A_1040 = arith.addf %add3A_1028, %mul3A_1039 : vector<16xf32>
        %mul3A_1041 = arith.mulf %gather3A_1038, %gather3A_1038 : vector<16xf32>
        %add3A_1042 = arith.addf %add3A_1030, %mul3A_1041 : vector<16xf32>
        %add3A_1043 = arith.constant 1 : i32
        %add3A_1044 = vector.broadcast %add3A_1043 : i32 to vector<16xi32>
        %add3A_1045 = arith.addi %and3A_1036, %add3A_1044 : vector<16xi32>
        %and3A_1046 = arith.constant 63 : i32
        %and3A_1047 = vector.broadcast %and3A_1046 : i32 to vector<16xi32>
        %and3A_1048 = arith.andi %add3A_1045, %and3A_1047 : vector<16xi32>
        %gather3A_1049 = tpu.vector_load_idx %arg17[%scan3A_888, %and3A_1048] : memref<256x64xf32, #tpu.memory_space<vmem>>[vector<16xi32>, vector<16xi32>], vector<16xf32>,
        %gather3A_1050 = tpu.vector_load_idx %arg19[%scan3A_888, %and3A_1048] : memref<256x64xf32, #tpu.memory_space<vmem>>[vector<16xi32>, vector<16xi32>], vector<16xf32>,
        %mul3A_1051 = arith.mulf %gather3A_1049, %gather3A_1049 : vector<16xf32>
        %add3A_1052 = arith.addf %add3A_1040, %mul3A_1051 : vector<16xf32>
        %mul3A_1053 = arith.mulf %gather3A_1050, %gather3A_1050 : vector<16xf32>
        %add3A_1054 = arith.addf %add3A_1042, %mul3A_1053 : vector<16xf32>
        %add3A_1055 = arith.constant 1 : i32
        %add3A_1056 = vector.broadcast %add3A_1055 : i32 to vector<16xi32>
        %add3A_1057 = arith.addi %and3A_1048, %add3A_1056 : vector<16xi32>
        %and3A_1058 = arith.constant 63 : i32
        %and3A_1059 = vector.broadcast %and3A_1058 : i32 to vector<16xi32>
        %and3A_1060 = arith.andi %add3A_1057, %and3A_1059 : vector<16xi32>
        %gather3A_1061 = tpu.vector_load_idx %arg17[%scan3A_888, %and3A_1060] : memref<256x64xf32, #tpu.memory_space<vmem>>[vector<16xi32>, vector<16xi32>], vector<16xf32>,
        %gather3A_1062 = tpu.vector_load_idx %arg19[%scan3A_888, %and3A_1060] : memref<256x64xf32, #tpu.memory_space<vmem>>[vector<16xi32>, vector<16xi32>], vector<16xf32>,
        %mul3A_1063 = arith.mulf %gather3A_1061, %gather3A_1061 : vector<16xf32>
        %add3A_1064 = arith.addf %add3A_1052, %mul3A_1063 : vector<16xf32>
        %mul3A_1065 = arith.mulf %gather3A_1062, %gather3A_1062 : vector<16xf32>
        %add3A_1066 = arith.addf %add3A_1054, %mul3A_1065 : vector<16xf32>
        %add3A_1067 = arith.constant 1 : i32
        %add3A_1068 = vector.broadcast %add3A_1067 : i32 to vector<16xi32>
        %add3A_1069 = arith.addi %and3A_1060, %add3A_1068 : vector<16xi32>
        %and3A_1070 = arith.constant 63 : i32
        %and3A_1071 = vector.broadcast %and3A_1070 : i32 to vector<16xi32>
        %and3A_1072 = arith.andi %add3A_1069, %and3A_1071 : vector<16xi32>
        %gather3A_1073 = tpu.vector_load_idx %arg17[%scan3A_888, %and3A_1072] : memref<256x64xf32, #tpu.memory_space<vmem>>[vector<16xi32>, vector<16xi32>], vector<16xf32>,
        %gather3A_1074 = tpu.vector_load_idx %arg19[%scan3A_888, %and3A_1072] : memref<256x64xf32, #tpu.memory_space<vmem>>[vector<16xi32>, vector<16xi32>], vector<16xf32>,
        %mul3A_1075 = arith.mulf %gather3A_1073, %gather3A_1073 : vector<16xf32>
        %add3A_1076 = arith.addf %add3A_1064, %mul3A_1075 : vector<16xf32>
        %mul3A_1077 = arith.mulf %gather3A_1074, %gather3A_1074 : vector<16xf32>
        %add3A_1078 = arith.addf %add3A_1066, %mul3A_1077 : vector<16xf32>
        %add3A_1079 = arith.constant 1 : i32
        %add3A_1080 = vector.broadcast %add3A_1079 : i32 to vector<16xi32>
        %add3A_1081 = arith.addi %and3A_1072, %add3A_1080 : vector<16xi32>
        %and3A_1082 = arith.constant 63 : i32
        %and3A_1083 = vector.broadcast %and3A_1082 : i32 to vector<16xi32>
        %and3A_1084 = arith.andi %add3A_1081, %and3A_1083 : vector<16xi32>
        %gather3A_1085 = tpu.vector_load_idx %arg17[%scan3A_888, %and3A_1084] : memref<256x64xf32, #tpu.memory_space<vmem>>[vector<16xi32>, vector<16xi32>], vector<16xf32>,
        %gather3A_1086 = tpu.vector_load_idx %arg19[%scan3A_888, %and3A_1084] : memref<256x64xf32, #tpu.memory_space<vmem>>[vector<16xi32>, vector<16xi32>], vector<16xf32>,
        %mul3A_1087 = arith.mulf %gather3A_1085, %gather3A_1085 : vector<16xf32>
        %add3A_1088 = arith.addf %add3A_1076, %mul3A_1087 : vector<16xf32>
        %mul3A_1089 = arith.mulf %gather3A_1086, %gather3A_1086 : vector<16xf32>
        %add3A_1090 = arith.addf %add3A_1078, %mul3A_1089 : vector<16xf32>
        %add3A_1091 = arith.constant 1 : i32
        %add3A_1092 = vector.broadcast %add3A_1091 : i32 to vector<16xi32>
        %add3A_1093 = arith.addi %and3A_1084, %add3A_1092 : vector<16xi32>
        %and3A_1094 = arith.constant 63 : i32
        %and3A_1095 = vector.broadcast %and3A_1094 : i32 to vector<16xi32>
        %and3A_1096 = arith.andi %add3A_1093, %and3A_1095 : vector<16xi32>
        %gather3A_1097 = tpu.vector_load_idx %arg17[%scan3A_888, %and3A_1096] : memref<256x64xf32, #tpu.memory_space<vmem>>[vector<16xi32>, vector<16xi32>], vector<16xf32>,
        %gather3A_1098 = tpu.vector_load_idx %arg19[%scan3A_888, %and3A_1096] : memref<256x64xf32, #tpu.memory_space<vmem>>[vector<16xi32>, vector<16xi32>], vector<16xf32>,
        %mul3A_1099 = arith.mulf %gather3A_1097, %gather3A_1097 : vector<16xf32>
        %add3A_1100 = arith.addf %add3A_1088, %mul3A_1099 : vector<16xf32>
        %mul3A_1101 = arith.mulf %gather3A_1098, %gather3A_1098 : vector<16xf32>
        %add3A_1102 = arith.addf %add3A_1090, %mul3A_1101 : vector<16xf32>
        %add3A_1103 = arith.constant 1 : i32
        %add3A_1104 = vector.broadcast %add3A_1103 : i32 to vector<16xi32>
        %add3A_1105 = arith.addi %and3A_1096, %add3A_1104 : vector<16xi32>
        %and3A_1106 = arith.constant 63 : i32
        %and3A_1107 = vector.broadcast %and3A_1106 : i32 to vector<16xi32>
        %and3A_1108 = arith.andi %add3A_1105, %and3A_1107 : vector<16xi32>
        %gather3A_1109 = tpu.vector_load_idx %arg17[%scan3A_888, %and3A_1108] : memref<256x64xf32, #tpu.memory_space<vmem>>[vector<16xi32>, vector<16xi32>], vector<16xf32>,
        %gather3A_1110 = tpu.vector_load_idx %arg19[%scan3A_888, %and3A_1108] : memref<256x64xf32, #tpu.memory_space<vmem>>[vector<16xi32>, vector<16xi32>], vector<16xf32>,
        %mul3A_1111 = arith.mulf %gather3A_1109, %gather3A_1109 : vector<16xf32>
        %add3A_1112 = arith.addf %add3A_1100, %mul3A_1111 : vector<16xf32>
        %mul3A_1113 = arith.mulf %gather3A_1110, %gather3A_1110 : vector<16xf32>
        %add3A_1114 = arith.addf %add3A_1102, %mul3A_1113 : vector<16xf32>
        %add3A_1115 = arith.constant 1 : i32
        %add3A_1116 = vector.broadcast %add3A_1115 : i32 to vector<16xi32>
        %add3A_1117 = arith.addi %and3A_1108, %add3A_1116 : vector<16xi32>
        %and3A_1118 = arith.constant 63 : i32
        %and3A_1119 = vector.broadcast %and3A_1118 : i32 to vector<16xi32>
        %and3A_1120 = arith.andi %add3A_1117, %and3A_1119 : vector<16xi32>
        %gather3A_1121 = tpu.vector_load_idx %arg17[%scan3A_888, %and3A_1120] : memref<256x64xf32, #tpu.memory_space<vmem>>[vector<16xi32>, vector<16xi32>], vector<16xf32>,
        %gather3A_1122 = tpu.vector_load_idx %arg19[%scan3A_888, %and3A_1120] : memref<256x64xf32, #tpu.memory_space<vmem>>[vector<16xi32>, vector<16xi32>], vector<16xf32>,
        %mul3A_1123 = arith.mulf %gather3A_1121, %gather3A_1121 : vector<16xf32>
        %add3A_1124 = arith.addf %add3A_1112, %mul3A_1123 : vector<16xf32>
        %mul3A_1125 = arith.mulf %gather3A_1122, %gather3A_1122 : vector<16xf32>
        %add3A_1126 = arith.addf %add3A_1114, %mul3A_1125 : vector<16xf32>
        %add3A_1127 = arith.constant 1 : i32
        %add3A_1128 = vector.broadcast %add3A_1127 : i32 to vector<16xi32>
        %add3A_1129 = arith.addi %and3A_1120, %add3A_1128 : vector<16xi32>
        %and3A_1130 = arith.constant 63 : i32
        %and3A_1131 = vector.broadcast %and3A_1130 : i32 to vector<16xi32>
        %and3A_1132 = arith.andi %add3A_1129, %and3A_1131 : vector<16xi32>
        %gather3A_1133 = tpu.vector_load_idx %arg17[%scan3A_888, %and3A_1132] : memref<256x64xf32, #tpu.memory_space<vmem>>[vector<16xi32>, vector<16xi32>], vector<16xf32>,
        %gather3A_1134 = tpu.vector_load_idx %arg19[%scan3A_888, %and3A_1132] : memref<256x64xf32, #tpu.memory_space<vmem>>[vector<16xi32>, vector<16xi32>], vector<16xf32>,
        %mul3A_1135 = arith.mulf %gather3A_1133, %gather3A_1133 : vector<16xf32>
        %add3A_1136 = arith.addf %add3A_1124, %mul3A_1135 : vector<16xf32>
        %mul3A_1137 = arith.mulf %gather3A_1134, %gather3A_1134 : vector<16xf32>
        %add3A_1138 = arith.addf %add3A_1126, %mul3A_1137 : vector<16xf32>
        %add3A_1139 = arith.constant 1 : i32
        %add3A_1140 = vector.broadcast %add3A_1139 : i32 to vector<16xi32>
        %add3A_1141 = arith.addi %and3A_1132, %add3A_1140 : vector<16xi32>
        %and3A_1142 = arith.constant 63 : i32
        %and3A_1143 = vector.broadcast %and3A_1142 : i32 to vector<16xi32>
        %and3A_1144 = arith.andi %add3A_1141, %and3A_1143 : vector<16xi32>
        %gather3A_1145 = tpu.vector_load_idx %arg17[%scan3A_888, %and3A_1144] : memref<256x64xf32, #tpu.memory_space<vmem>>[vector<16xi32>, vector<16xi32>], vector<16xf32>,
        %gather3A_1146 = tpu.vector_load_idx %arg19[%scan3A_888, %and3A_1144] : memref<256x64xf32, #tpu.memory_space<vmem>>[vector<16xi32>, vector<16xi32>], vector<16xf32>,
        %mul3A_1147 = arith.mulf %gather3A_1145, %gather3A_1145 : vector<16xf32>
        %add3A_1148 = arith.addf %add3A_1136, %mul3A_1147 : vector<16xf32>
        %mul3A_1149 = arith.mulf %gather3A_1146, %gather3A_1146 : vector<16xf32>
        %add3A_1150 = arith.addf %add3A_1138, %mul3A_1149 : vector<16xf32>
        %add3A_1151 = arith.constant 1 : i32
        %add3A_1152 = vector.broadcast %add3A_1151 : i32 to vector<16xi32>
        %add3A_1153 = arith.addi %and3A_1144, %add3A_1152 : vector<16xi32>
        %and3A_1154 = arith.constant 63 : i32
        %and3A_1155 = vector.broadcast %and3A_1154 : i32 to vector<16xi32>
        %and3A_1156 = arith.andi %add3A_1153, %and3A_1155 : vector<16xi32>
        %gather3A_1157 = tpu.vector_load_idx %arg17[%scan3A_888, %and3A_1156] : memref<256x64xf32, #tpu.memory_space<vmem>>[vector<16xi32>, vector<16xi32>], vector<16xf32>,
        %gather3A_1158 = tpu.vector_load_idx %arg19[%scan3A_888, %and3A_1156] : memref<256x64xf32, #tpu.memory_space<vmem>>[vector<16xi32>, vector<16xi32>], vector<16xf32>,
        %mul3A_1159 = arith.mulf %gather3A_1157, %gather3A_1157 : vector<16xf32>
        %add3A_1160 = arith.addf %add3A_1148, %mul3A_1159 : vector<16xf32>
        %mul3A_1161 = arith.mulf %gather3A_1158, %gather3A_1158 : vector<16xf32>
        %add3A_1162 = arith.addf %add3A_1150, %mul3A_1161 : vector<16xf32>
        %add3A_1163 = arith.constant 1 : i32
        %add3A_1164 = vector.broadcast %add3A_1163 : i32 to vector<16xi32>
        %add3A_1165 = arith.addi %and3A_1156, %add3A_1164 : vector<16xi32>
        %and3A_1166 = arith.constant 63 : i32
        %and3A_1167 = vector.broadcast %and3A_1166 : i32 to vector<16xi32>
        %and3A_1168 = arith.andi %add3A_1165, %and3A_1167 : vector<16xi32>
        scf.yield %add3A_1160, %add3A_1162, %and3A_1168 : vector<16xf32>, vector<16xf32>, vector<16xi32>
      }
      %scan3A_894 = arith.constant 4 : i32
      %bitcast_convert_type3A = tpu.bitcast %scan3A_893#0 : vector<16xf32> -> vector<16xi32>
      %shift_right_arithmetic3A = arith.constant 1 : i32
      %shift_right_arithmetic3A_895 = vector.broadcast %shift_right_arithmetic3A : i32 to vector<16xi32>
      %shift_right_arithmetic3A_896 = arith.shrsi %bitcast_convert_type3A, %shift_right_arithmetic3A_895 : vector<16xi32>
      %sub3A_897 = arith.constant 1597463007 : i32
      %sub3A_898 = vector.broadcast %sub3A_897 : i32 to vector<16xi32>
      %sub3A_899 = arith.subi %sub3A_898, %shift_right_arithmetic3A_896 : vector<16xi32>
      %bitcast_convert_type3A_900 = tpu.bitcast %sub3A_899 : vector<16xi32> -> vector<16xf32>
      %mul3A_901 = arith.constant 5.000000e-01 : f32
      %mul3A_902 = vector.broadcast %mul3A_901 : f32 to vector<16xf32>
      %mul3A_903 = arith.mulf %mul3A_902, %scan3A_893#0 : vector<16xf32>
      %mul3A_904 = arith.mulf %mul3A_903, %bitcast_convert_type3A_900 : vector<16xf32>
      %mul3A_905 = arith.mulf %mul3A_904, %bitcast_convert_type3A_900 : vector<16xf32>
      %sub3A_906 = arith.constant 1.500000e+00 : f32
      %sub3A_907 = vector.broadcast %sub3A_906 : f32 to vector<16xf32>
      %sub3A_908 = arith.subf %sub3A_907, %mul3A_905 : vector<16xf32>
      %mul3A_909 = arith.mulf %bitcast_convert_type3A_900, %sub3A_908 : vector<16xf32>
      %mul3A_910 = arith.constant 5.000000e-01 : f32
      %mul3A_911 = vector.broadcast %mul3A_910 : f32 to vector<16xf32>
      %mul3A_912 = arith.mulf %mul3A_911, %scan3A_893#0 : vector<16xf32>
      %mul3A_913 = arith.mulf %mul3A_912, %mul3A_909 : vector<16xf32>
      %mul3A_914 = arith.mulf %mul3A_913, %mul3A_909 : vector<16xf32>
      %sub3A_915 = arith.constant 1.500000e+00 : f32
      %sub3A_916 = vector.broadcast %sub3A_915 : f32 to vector<16xf32>
      %sub3A_917 = arith.subf %sub3A_916, %mul3A_914 : vector<16xf32>
      %mul3A_918 = arith.mulf %mul3A_909, %sub3A_917 : vector<16xf32>
      %mul3A_919 = arith.constant 5.000000e-01 : f32
      %mul3A_920 = vector.broadcast %mul3A_919 : f32 to vector<16xf32>
      %mul3A_921 = arith.mulf %mul3A_920, %scan3A_893#0 : vector<16xf32>
      %mul3A_922 = arith.mulf %mul3A_921, %mul3A_918 : vector<16xf32>
      %mul3A_923 = arith.mulf %mul3A_922, %mul3A_918 : vector<16xf32>
      %sub3A_924 = arith.constant 1.500000e+00 : f32
      %sub3A_925 = vector.broadcast %sub3A_924 : f32 to vector<16xf32>
      %sub3A_926 = arith.subf %sub3A_925, %mul3A_923 : vector<16xf32>
      %mul3A_927 = arith.mulf %mul3A_918, %sub3A_926 : vector<16xf32>
      %bitcast_convert_type3A_928 = tpu.bitcast %scan3A_893#1 : vector<16xf32> -> vector<16xi32>
      %shift_right_arithmetic3A_929 = arith.constant 1 : i32
      %shift_right_arithmetic3A_930 = vector.broadcast %shift_right_arithmetic3A_929 : i32 to vector<16xi32>
      %shift_right_arithmetic3A_931 = arith.shrsi %bitcast_convert_type3A_928, %shift_right_arithmetic3A_930 : vector<16xi32>
      %sub3A_932 = arith.constant 1597463007 : i32
      %sub3A_933 = vector.broadcast %sub3A_932 : i32 to vector<16xi32>
      %sub3A_934 = arith.subi %sub3A_933, %shift_right_arithmetic3A_931 : vector<16xi32>
      %bitcast_convert_type3A_935 = tpu.bitcast %sub3A_934 : vector<16xi32> -> vector<16xf32>
      %mul3A_936 = arith.constant 5.000000e-01 : f32
      %mul3A_937 = vector.broadcast %mul3A_936 : f32 to vector<16xf32>
      %mul3A_938 = arith.mulf %mul3A_937, %scan3A_893#1 : vector<16xf32>
      %mul3A_939 = arith.mulf %mul3A_938, %bitcast_convert_type3A_935 : vector<16xf32>
      %mul3A_940 = arith.mulf %mul3A_939, %bitcast_convert_type3A_935 : vector<16xf32>
      %sub3A_941 = arith.constant 1.500000e+00 : f32
      %sub3A_942 = vector.broadcast %sub3A_941 : f32 to vector<16xf32>
      %sub3A_943 = arith.subf %sub3A_942, %mul3A_940 : vector<16xf32>
      %mul3A_944 = arith.mulf %bitcast_convert_type3A_935, %sub3A_943 : vector<16xf32>
      %mul3A_945 = arith.constant 5.000000e-01 : f32
      %mul3A_946 = vector.broadcast %mul3A_945 : f32 to vector<16xf32>
      %mul3A_947 = arith.mulf %mul3A_946, %scan3A_893#1 : vector<16xf32>
      %mul3A_948 = arith.mulf %mul3A_947, %mul3A_944 : vector<16xf32>
      %mul3A_949 = arith.mulf %mul3A_948, %mul3A_944 : vector<16xf32>
      %sub3A_950 = arith.constant 1.500000e+00 : f32
      %sub3A_951 = vector.broadcast %sub3A_950 : f32 to vector<16xf32>
      %sub3A_952 = arith.subf %sub3A_951, %mul3A_949 : vector<16xf32>
      %mul3A_953 = arith.mulf %mul3A_944, %sub3A_952 : vector<16xf32>
      %mul3A_954 = arith.constant 5.000000e-01 : f32
      %mul3A_955 = vector.broadcast %mul3A_954 : f32 to vector<16xf32>
      %mul3A_956 = arith.mulf %mul3A_955, %scan3A_893#1 : vector<16xf32>
      %mul3A_957 = arith.mulf %mul3A_956, %mul3A_953 : vector<16xf32>
      %mul3A_958 = arith.mulf %mul3A_957, %mul3A_953 : vector<16xf32>
      %sub3A_959 = arith.constant 1.500000e+00 : f32
      %sub3A_960 = vector.broadcast %sub3A_959 : f32 to vector<16xf32>
      %sub3A_961 = arith.subf %sub3A_960, %mul3A_958 : vector<16xf32>
      %mul3A_962 = arith.mulf %mul3A_953, %sub3A_961 : vector<16xf32>
      %scan3A_963 = arith.constant 0 : i32
      %scan3A_964 = arith.constant 4 : i32
      %scan3A_965 = arith.addi %scan3A_963, %scan3A_964 : i32
      %scan3A_966 = arith.constant 1 : i32
      %scan3A_967:2 = scf.for %scan3A_975 = %scan3A_963 to %scan3A_965 step %scan3A_966 iter_args(%scan3A_976 = %broadcast_in_dim3A_1, %scan3A_977 = %iota3A) -> (vector<16xf32>, vector<16xi32>)  : i32 {
        %gather3A = tpu.vector_load_idx %arg17[%scan3A_888, %scan3A_977] : memref<256x64xf32, #tpu.memory_space<vmem>>[vector<16xi32>, vector<16xi32>], vector<16xf32>,
        %gather3A_978 = tpu.vector_load_idx %arg18[%scan3A_888, %scan3A_977] : memref<256x64xf32, #tpu.memory_space<vmem>>[vector<16xi32>, vector<16xi32>], vector<16xf32>,
        %gather3A_979 = tpu.vector_load_idx %arg19[%scan3A_888, %scan3A_977] : memref<256x64xf32, #tpu.memory_space<vmem>>[vector<16xi32>, vector<16xi32>], vector<16xf32>,
        %mul3A_980 = arith.mulf %gather3A, %mul3A_927 : vector<16xf32>
        %add3A_981 = arith.addf %mul3A_980, %gather3A_978 : vector<16xf32>
        %mul3A_982 = arith.mulf %gather3A_979, %mul3A_962 : vector<16xf32>
        %sub3A_983 = arith.subf %add3A_981, %mul3A_982 : vector<16xf32>
        %abs3A = math.absf %sub3A_983 : vector<16xf32>
        %add3A_984 = arith.addf %scan3A_976, %abs3A : vector<16xf32>
        %add3A_985 = arith.constant 1 : i32
        %add3A_986 = vector.broadcast %add3A_985 : i32 to vector<16xi32>
        %add3A_987 = arith.addi %scan3A_977, %add3A_986 : vector<16xi32>
        %and3A = arith.constant 63 : i32
        %and3A_988 = vector.broadcast %and3A : i32 to vector<16xi32>
        %and3A_989 = arith.andi %add3A_987, %and3A_988 : vector<16xi32>
        %gather3A_990 = tpu.vector_load_idx %arg17[%scan3A_888, %and3A_989] : memref<256x64xf32, #tpu.memory_space<vmem>>[vector<16xi32>, vector<16xi32>], vector<16xf32>,
        %gather3A_991 = tpu.vector_load_idx %arg18[%scan3A_888, %and3A_989] : memref<256x64xf32, #tpu.memory_space<vmem>>[vector<16xi32>, vector<16xi32>], vector<16xf32>,
        %gather3A_992 = tpu.vector_load_idx %arg19[%scan3A_888, %and3A_989] : memref<256x64xf32, #tpu.memory_space<vmem>>[vector<16xi32>, vector<16xi32>], vector<16xf32>,
        %mul3A_993 = arith.mulf %gather3A_990, %mul3A_927 : vector<16xf32>
        %add3A_994 = arith.addf %mul3A_993, %gather3A_991 : vector<16xf32>
        %mul3A_995 = arith.mulf %gather3A_992, %mul3A_962 : vector<16xf32>
        %sub3A_996 = arith.subf %add3A_994, %mul3A_995 : vector<16xf32>
        %abs3A_997 = math.absf %sub3A_996 : vector<16xf32>
        %add3A_998 = arith.addf %add3A_984, %abs3A_997 : vector<16xf32>
        %add3A_999 = arith.constant 1 : i32
        %add3A_1000 = vector.broadcast %add3A_999 : i32 to vector<16xi32>
        %add3A_1001 = arith.addi %and3A_989, %add3A_1000 : vector<16xi32>
        %and3A_1002 = arith.constant 63 : i32
        %and3A_1003 = vector.broadcast %and3A_1002 : i32 to vector<16xi32>
        %and3A_1004 = arith.andi %add3A_1001, %and3A_1003 : vector<16xi32>
        %gather3A_1005 = tpu.vector_load_idx %arg17[%scan3A_888, %and3A_1004] : memref<256x64xf32, #tpu.memory_space<vmem>>[vector<16xi32>, vector<16xi32>], vector<16xf32>,
        %gather3A_1006 = tpu.vector_load_idx %arg18[%scan3A_888, %and3A_1004] : memref<256x64xf32, #tpu.memory_space<vmem>>[vector<16xi32>, vector<16xi32>], vector<16xf32>,
        %gather3A_1007 = tpu.vector_load_idx %arg19[%scan3A_888, %and3A_1004] : memref<256x64xf32, #tpu.memory_space<vmem>>[vector<16xi32>, vector<16xi32>], vector<16xf32>,
        %mul3A_1008 = arith.mulf %gather3A_1005, %mul3A_927 : vector<16xf32>
        %add3A_1009 = arith.addf %mul3A_1008, %gather3A_1006 : vector<16xf32>
        %mul3A_1010 = arith.mulf %gather3A_1007, %mul3A_962 : vector<16xf32>
        %sub3A_1011 = arith.subf %add3A_1009, %mul3A_1010 : vector<16xf32>
        %abs3A_1012 = math.absf %sub3A_1011 : vector<16xf32>
        %add3A_1013 = arith.addf %add3A_998, %abs3A_1012 : vector<16xf32>
        %add3A_1014 = arith.constant 1 : i32
        %add3A_1015 = vector.broadcast %add3A_1014 : i32 to vector<16xi32>
        %add3A_1016 = arith.addi %and3A_1004, %add3A_1015 : vector<16xi32>
        %and3A_1017 = arith.constant 63 : i32
        %and3A_1018 = vector.broadcast %and3A_1017 : i32 to vector<16xi32>
        %and3A_1019 = arith.andi %add3A_1016, %and3A_1018 : vector<16xi32>
        %gather3A_1020 = tpu.vector_load_idx %arg17[%scan3A_888, %and3A_1019] : memref<256x64xf32, #tpu.memory_space<vmem>>[vector<16xi32>, vector<16xi32>], vector<16xf32>,
        %gather3A_1021 = tpu.vector_load_idx %arg18[%scan3A_888, %and3A_1019] : memref<256x64xf32, #tpu.memory_space<vmem>>[vector<16xi32>, vector<16xi32>], vector<16xf32>,
        %gather3A_1022 = tpu.vector_load_idx %arg19[%scan3A_888, %and3A_1019] : memref<256x64xf32, #tpu.memory_space<vmem>>[vector<16xi32>, vector<16xi32>], vector<16xf32>,
        %mul3A_1023 = arith.mulf %gather3A_1020, %mul3A_927 : vector<16xf32>
        %add3A_1024 = arith.addf %mul3A_1023, %gather3A_1021 : vector<16xf32>
        %mul3A_1025 = arith.mulf %gather3A_1022, %mul3A_962 : vector<16xf32>
        %sub3A_1026 = arith.subf %add3A_1024, %mul3A_1025 : vector<16xf32>
        %abs3A_1027 = math.absf %sub3A_1026 : vector<16xf32>
        %add3A_1028 = arith.addf %add3A_1013, %abs3A_1027 : vector<16xf32>
        %add3A_1029 = arith.constant 1 : i32
        %add3A_1030 = vector.broadcast %add3A_1029 : i32 to vector<16xi32>
        %add3A_1031 = arith.addi %and3A_1019, %add3A_1030 : vector<16xi32>
        %and3A_1032 = arith.constant 63 : i32
        %and3A_1033 = vector.broadcast %and3A_1032 : i32 to vector<16xi32>
        %and3A_1034 = arith.andi %add3A_1031, %and3A_1033 : vector<16xi32>
        %gather3A_1035 = tpu.vector_load_idx %arg17[%scan3A_888, %and3A_1034] : memref<256x64xf32, #tpu.memory_space<vmem>>[vector<16xi32>, vector<16xi32>], vector<16xf32>,
        %gather3A_1036 = tpu.vector_load_idx %arg18[%scan3A_888, %and3A_1034] : memref<256x64xf32, #tpu.memory_space<vmem>>[vector<16xi32>, vector<16xi32>], vector<16xf32>,
        %gather3A_1037 = tpu.vector_load_idx %arg19[%scan3A_888, %and3A_1034] : memref<256x64xf32, #tpu.memory_space<vmem>>[vector<16xi32>, vector<16xi32>], vector<16xf32>,
        %mul3A_1038 = arith.mulf %gather3A_1035, %mul3A_927 : vector<16xf32>
        %add3A_1039 = arith.addf %mul3A_1038, %gather3A_1036 : vector<16xf32>
        %mul3A_1040 = arith.mulf %gather3A_1037, %mul3A_962 : vector<16xf32>
        %sub3A_1041 = arith.subf %add3A_1039, %mul3A_1040 : vector<16xf32>
        %abs3A_1042 = math.absf %sub3A_1041 : vector<16xf32>
        %add3A_1043 = arith.addf %add3A_1028, %abs3A_1042 : vector<16xf32>
        %add3A_1044 = arith.constant 1 : i32
        %add3A_1045 = vector.broadcast %add3A_1044 : i32 to vector<16xi32>
        %add3A_1046 = arith.addi %and3A_1034, %add3A_1045 : vector<16xi32>
        %and3A_1047 = arith.constant 63 : i32
        %and3A_1048 = vector.broadcast %and3A_1047 : i32 to vector<16xi32>
        %and3A_1049 = arith.andi %add3A_1046, %and3A_1048 : vector<16xi32>
        %gather3A_1050 = tpu.vector_load_idx %arg17[%scan3A_888, %and3A_1049] : memref<256x64xf32, #tpu.memory_space<vmem>>[vector<16xi32>, vector<16xi32>], vector<16xf32>,
        %gather3A_1051 = tpu.vector_load_idx %arg18[%scan3A_888, %and3A_1049] : memref<256x64xf32, #tpu.memory_space<vmem>>[vector<16xi32>, vector<16xi32>], vector<16xf32>,
        %gather3A_1052 = tpu.vector_load_idx %arg19[%scan3A_888, %and3A_1049] : memref<256x64xf32, #tpu.memory_space<vmem>>[vector<16xi32>, vector<16xi32>], vector<16xf32>,
        %mul3A_1053 = arith.mulf %gather3A_1050, %mul3A_927 : vector<16xf32>
        %add3A_1054 = arith.addf %mul3A_1053, %gather3A_1051 : vector<16xf32>
        %mul3A_1055 = arith.mulf %gather3A_1052, %mul3A_962 : vector<16xf32>
        %sub3A_1056 = arith.subf %add3A_1054, %mul3A_1055 : vector<16xf32>
        %abs3A_1057 = math.absf %sub3A_1056 : vector<16xf32>
        %add3A_1058 = arith.addf %add3A_1043, %abs3A_1057 : vector<16xf32>
        %add3A_1059 = arith.constant 1 : i32
        %add3A_1060 = vector.broadcast %add3A_1059 : i32 to vector<16xi32>
        %add3A_1061 = arith.addi %and3A_1049, %add3A_1060 : vector<16xi32>
        %and3A_1062 = arith.constant 63 : i32
        %and3A_1063 = vector.broadcast %and3A_1062 : i32 to vector<16xi32>
        %and3A_1064 = arith.andi %add3A_1061, %and3A_1063 : vector<16xi32>
        %gather3A_1065 = tpu.vector_load_idx %arg17[%scan3A_888, %and3A_1064] : memref<256x64xf32, #tpu.memory_space<vmem>>[vector<16xi32>, vector<16xi32>], vector<16xf32>,
        %gather3A_1066 = tpu.vector_load_idx %arg18[%scan3A_888, %and3A_1064] : memref<256x64xf32, #tpu.memory_space<vmem>>[vector<16xi32>, vector<16xi32>], vector<16xf32>,
        %gather3A_1067 = tpu.vector_load_idx %arg19[%scan3A_888, %and3A_1064] : memref<256x64xf32, #tpu.memory_space<vmem>>[vector<16xi32>, vector<16xi32>], vector<16xf32>,
        %mul3A_1068 = arith.mulf %gather3A_1065, %mul3A_927 : vector<16xf32>
        %add3A_1069 = arith.addf %mul3A_1068, %gather3A_1066 : vector<16xf32>
        %mul3A_1070 = arith.mulf %gather3A_1067, %mul3A_962 : vector<16xf32>
        %sub3A_1071 = arith.subf %add3A_1069, %mul3A_1070 : vector<16xf32>
        %abs3A_1072 = math.absf %sub3A_1071 : vector<16xf32>
        %add3A_1073 = arith.addf %add3A_1058, %abs3A_1072 : vector<16xf32>
        %add3A_1074 = arith.constant 1 : i32
        %add3A_1075 = vector.broadcast %add3A_1074 : i32 to vector<16xi32>
        %add3A_1076 = arith.addi %and3A_1064, %add3A_1075 : vector<16xi32>
        %and3A_1077 = arith.constant 63 : i32
        %and3A_1078 = vector.broadcast %and3A_1077 : i32 to vector<16xi32>
        %and3A_1079 = arith.andi %add3A_1076, %and3A_1078 : vector<16xi32>
        %gather3A_1080 = tpu.vector_load_idx %arg17[%scan3A_888, %and3A_1079] : memref<256x64xf32, #tpu.memory_space<vmem>>[vector<16xi32>, vector<16xi32>], vector<16xf32>,
        %gather3A_1081 = tpu.vector_load_idx %arg18[%scan3A_888, %and3A_1079] : memref<256x64xf32, #tpu.memory_space<vmem>>[vector<16xi32>, vector<16xi32>], vector<16xf32>,
        %gather3A_1082 = tpu.vector_load_idx %arg19[%scan3A_888, %and3A_1079] : memref<256x64xf32, #tpu.memory_space<vmem>>[vector<16xi32>, vector<16xi32>], vector<16xf32>,
        %mul3A_1083 = arith.mulf %gather3A_1080, %mul3A_927 : vector<16xf32>
        %add3A_1084 = arith.addf %mul3A_1083, %gather3A_1081 : vector<16xf32>
        %mul3A_1085 = arith.mulf %gather3A_1082, %mul3A_962 : vector<16xf32>
        %sub3A_1086 = arith.subf %add3A_1084, %mul3A_1085 : vector<16xf32>
        %abs3A_1087 = math.absf %sub3A_1086 : vector<16xf32>
        %add3A_1088 = arith.addf %add3A_1073, %abs3A_1087 : vector<16xf32>
        %add3A_1089 = arith.constant 1 : i32
        %add3A_1090 = vector.broadcast %add3A_1089 : i32 to vector<16xi32>
        %add3A_1091 = arith.addi %and3A_1079, %add3A_1090 : vector<16xi32>
        %and3A_1092 = arith.constant 63 : i32
        %and3A_1093 = vector.broadcast %and3A_1092 : i32 to vector<16xi32>
        %and3A_1094 = arith.andi %add3A_1091, %and3A_1093 : vector<16xi32>
        %gather3A_1095 = tpu.vector_load_idx %arg17[%scan3A_888, %and3A_1094] : memref<256x64xf32, #tpu.memory_space<vmem>>[vector<16xi32>, vector<16xi32>], vector<16xf32>,
        %gather3A_1096 = tpu.vector_load_idx %arg18[%scan3A_888, %and3A_1094] : memref<256x64xf32, #tpu.memory_space<vmem>>[vector<16xi32>, vector<16xi32>], vector<16xf32>,
        %gather3A_1097 = tpu.vector_load_idx %arg19[%scan3A_888, %and3A_1094] : memref<256x64xf32, #tpu.memory_space<vmem>>[vector<16xi32>, vector<16xi32>], vector<16xf32>,
        %mul3A_1098 = arith.mulf %gather3A_1095, %mul3A_927 : vector<16xf32>
        %add3A_1099 = arith.addf %mul3A_1098, %gather3A_1096 : vector<16xf32>
        %mul3A_1100 = arith.mulf %gather3A_1097, %mul3A_962 : vector<16xf32>
        %sub3A_1101 = arith.subf %add3A_1099, %mul3A_1100 : vector<16xf32>
        %abs3A_1102 = math.absf %sub3A_1101 : vector<16xf32>
        %add3A_1103 = arith.addf %add3A_1088, %abs3A_1102 : vector<16xf32>
        %add3A_1104 = arith.constant 1 : i32
        %add3A_1105 = vector.broadcast %add3A_1104 : i32 to vector<16xi32>
        %add3A_1106 = arith.addi %and3A_1094, %add3A_1105 : vector<16xi32>
        %and3A_1107 = arith.constant 63 : i32
        %and3A_1108 = vector.broadcast %and3A_1107 : i32 to vector<16xi32>
        %and3A_1109 = arith.andi %add3A_1106, %and3A_1108 : vector<16xi32>
        %gather3A_1110 = tpu.vector_load_idx %arg17[%scan3A_888, %and3A_1109] : memref<256x64xf32, #tpu.memory_space<vmem>>[vector<16xi32>, vector<16xi32>], vector<16xf32>,
        %gather3A_1111 = tpu.vector_load_idx %arg18[%scan3A_888, %and3A_1109] : memref<256x64xf32, #tpu.memory_space<vmem>>[vector<16xi32>, vector<16xi32>], vector<16xf32>,
        %gather3A_1112 = tpu.vector_load_idx %arg19[%scan3A_888, %and3A_1109] : memref<256x64xf32, #tpu.memory_space<vmem>>[vector<16xi32>, vector<16xi32>], vector<16xf32>,
        %mul3A_1113 = arith.mulf %gather3A_1110, %mul3A_927 : vector<16xf32>
        %add3A_1114 = arith.addf %mul3A_1113, %gather3A_1111 : vector<16xf32>
        %mul3A_1115 = arith.mulf %gather3A_1112, %mul3A_962 : vector<16xf32>
        %sub3A_1116 = arith.subf %add3A_1114, %mul3A_1115 : vector<16xf32>
        %abs3A_1117 = math.absf %sub3A_1116 : vector<16xf32>
        %add3A_1118 = arith.addf %add3A_1103, %abs3A_1117 : vector<16xf32>
        %add3A_1119 = arith.constant 1 : i32
        %add3A_1120 = vector.broadcast %add3A_1119 : i32 to vector<16xi32>
        %add3A_1121 = arith.addi %and3A_1109, %add3A_1120 : vector<16xi32>
        %and3A_1122 = arith.constant 63 : i32
        %and3A_1123 = vector.broadcast %and3A_1122 : i32 to vector<16xi32>
        %and3A_1124 = arith.andi %add3A_1121, %and3A_1123 : vector<16xi32>
        %gather3A_1125 = tpu.vector_load_idx %arg17[%scan3A_888, %and3A_1124] : memref<256x64xf32, #tpu.memory_space<vmem>>[vector<16xi32>, vector<16xi32>], vector<16xf32>,
        %gather3A_1126 = tpu.vector_load_idx %arg18[%scan3A_888, %and3A_1124] : memref<256x64xf32, #tpu.memory_space<vmem>>[vector<16xi32>, vector<16xi32>], vector<16xf32>,
        %gather3A_1127 = tpu.vector_load_idx %arg19[%scan3A_888, %and3A_1124] : memref<256x64xf32, #tpu.memory_space<vmem>>[vector<16xi32>, vector<16xi32>], vector<16xf32>,
        %mul3A_1128 = arith.mulf %gather3A_1125, %mul3A_927 : vector<16xf32>
        %add3A_1129 = arith.addf %mul3A_1128, %gather3A_1126 : vector<16xf32>
        %mul3A_1130 = arith.mulf %gather3A_1127, %mul3A_962 : vector<16xf32>
        %sub3A_1131 = arith.subf %add3A_1129, %mul3A_1130 : vector<16xf32>
        %abs3A_1132 = math.absf %sub3A_1131 : vector<16xf32>
        %add3A_1133 = arith.addf %add3A_1118, %abs3A_1132 : vector<16xf32>
        %add3A_1134 = arith.constant 1 : i32
        %add3A_1135 = vector.broadcast %add3A_1134 : i32 to vector<16xi32>
        %add3A_1136 = arith.addi %and3A_1124, %add3A_1135 : vector<16xi32>
        %and3A_1137 = arith.constant 63 : i32
        %and3A_1138 = vector.broadcast %and3A_1137 : i32 to vector<16xi32>
        %and3A_1139 = arith.andi %add3A_1136, %and3A_1138 : vector<16xi32>
        %gather3A_1140 = tpu.vector_load_idx %arg17[%scan3A_888, %and3A_1139] : memref<256x64xf32, #tpu.memory_space<vmem>>[vector<16xi32>, vector<16xi32>], vector<16xf32>,
        %gather3A_1141 = tpu.vector_load_idx %arg18[%scan3A_888, %and3A_1139] : memref<256x64xf32, #tpu.memory_space<vmem>>[vector<16xi32>, vector<16xi32>], vector<16xf32>,
        %gather3A_1142 = tpu.vector_load_idx %arg19[%scan3A_888, %and3A_1139] : memref<256x64xf32, #tpu.memory_space<vmem>>[vector<16xi32>, vector<16xi32>], vector<16xf32>,
        %mul3A_1143 = arith.mulf %gather3A_1140, %mul3A_927 : vector<16xf32>
        %add3A_1144 = arith.addf %mul3A_1143, %gather3A_1141 : vector<16xf32>
        %mul3A_1145 = arith.mulf %gather3A_1142, %mul3A_962 : vector<16xf32>
        %sub3A_1146 = arith.subf %add3A_1144, %mul3A_1145 : vector<16xf32>
        %abs3A_1147 = math.absf %sub3A_1146 : vector<16xf32>
        %add3A_1148 = arith.addf %add3A_1133, %abs3A_1147 : vector<16xf32>
        %add3A_1149 = arith.constant 1 : i32
        %add3A_1150 = vector.broadcast %add3A_1149 : i32 to vector<16xi32>
        %add3A_1151 = arith.addi %and3A_1139, %add3A_1150 : vector<16xi32>
        %and3A_1152 = arith.constant 63 : i32
        %and3A_1153 = vector.broadcast %and3A_1152 : i32 to vector<16xi32>
        %and3A_1154 = arith.andi %add3A_1151, %and3A_1153 : vector<16xi32>
        %gather3A_1155 = tpu.vector_load_idx %arg17[%scan3A_888, %and3A_1154] : memref<256x64xf32, #tpu.memory_space<vmem>>[vector<16xi32>, vector<16xi32>], vector<16xf32>,
        %gather3A_1156 = tpu.vector_load_idx %arg18[%scan3A_888, %and3A_1154] : memref<256x64xf32, #tpu.memory_space<vmem>>[vector<16xi32>, vector<16xi32>], vector<16xf32>,
        %gather3A_1157 = tpu.vector_load_idx %arg19[%scan3A_888, %and3A_1154] : memref<256x64xf32, #tpu.memory_space<vmem>>[vector<16xi32>, vector<16xi32>], vector<16xf32>,
        %mul3A_1158 = arith.mulf %gather3A_1155, %mul3A_927 : vector<16xf32>
        %add3A_1159 = arith.addf %mul3A_1158, %gather3A_1156 : vector<16xf32>
        %mul3A_1160 = arith.mulf %gather3A_1157, %mul3A_962 : vector<16xf32>
        %sub3A_1161 = arith.subf %add3A_1159, %mul3A_1160 : vector<16xf32>
        %abs3A_1162 = math.absf %sub3A_1161 : vector<16xf32>
        %add3A_1163 = arith.addf %add3A_1148, %abs3A_1162 : vector<16xf32>
        %add3A_1164 = arith.constant 1 : i32
        %add3A_1165 = vector.broadcast %add3A_1164 : i32 to vector<16xi32>
        %add3A_1166 = arith.addi %and3A_1154, %add3A_1165 : vector<16xi32>
        %and3A_1167 = arith.constant 63 : i32
        %and3A_1168 = vector.broadcast %and3A_1167 : i32 to vector<16xi32>
        %and3A_1169 = arith.andi %add3A_1166, %and3A_1168 : vector<16xi32>
        %gather3A_1170 = tpu.vector_load_idx %arg17[%scan3A_888, %and3A_1169] : memref<256x64xf32, #tpu.memory_space<vmem>>[vector<16xi32>, vector<16xi32>], vector<16xf32>,
        %gather3A_1171 = tpu.vector_load_idx %arg18[%scan3A_888, %and3A_1169] : memref<256x64xf32, #tpu.memory_space<vmem>>[vector<16xi32>, vector<16xi32>], vector<16xf32>,
        %gather3A_1172 = tpu.vector_load_idx %arg19[%scan3A_888, %and3A_1169] : memref<256x64xf32, #tpu.memory_space<vmem>>[vector<16xi32>, vector<16xi32>], vector<16xf32>,
        %mul3A_1173 = arith.mulf %gather3A_1170, %mul3A_927 : vector<16xf32>
        %add3A_1174 = arith.addf %mul3A_1173, %gather3A_1171 : vector<16xf32>
        %mul3A_1175 = arith.mulf %gather3A_1172, %mul3A_962 : vector<16xf32>
        %sub3A_1176 = arith.subf %add3A_1174, %mul3A_1175 : vector<16xf32>
        %abs3A_1177 = math.absf %sub3A_1176 : vector<16xf32>
        %add3A_1178 = arith.addf %add3A_1163, %abs3A_1177 : vector<16xf32>
        %add3A_1179 = arith.constant 1 : i32
        %add3A_1180 = vector.broadcast %add3A_1179 : i32 to vector<16xi32>
        %add3A_1181 = arith.addi %and3A_1169, %add3A_1180 : vector<16xi32>
        %and3A_1182 = arith.constant 63 : i32
        %and3A_1183 = vector.broadcast %and3A_1182 : i32 to vector<16xi32>
        %and3A_1184 = arith.andi %add3A_1181, %and3A_1183 : vector<16xi32>
        %gather3A_1185 = tpu.vector_load_idx %arg17[%scan3A_888, %and3A_1184] : memref<256x64xf32, #tpu.memory_space<vmem>>[vector<16xi32>, vector<16xi32>], vector<16xf32>,
        %gather3A_1186 = tpu.vector_load_idx %arg18[%scan3A_888, %and3A_1184] : memref<256x64xf32, #tpu.memory_space<vmem>>[vector<16xi32>, vector<16xi32>], vector<16xf32>,
        %gather3A_1187 = tpu.vector_load_idx %arg19[%scan3A_888, %and3A_1184] : memref<256x64xf32, #tpu.memory_space<vmem>>[vector<16xi32>, vector<16xi32>], vector<16xf32>,
        %mul3A_1188 = arith.mulf %gather3A_1185, %mul3A_927 : vector<16xf32>
        %add3A_1189 = arith.addf %mul3A_1188, %gather3A_1186 : vector<16xf32>
        %mul3A_1190 = arith.mulf %gather3A_1187, %mul3A_962 : vector<16xf32>
        %sub3A_1191 = arith.subf %add3A_1189, %mul3A_1190 : vector<16xf32>
        %abs3A_1192 = math.absf %sub3A_1191 : vector<16xf32>
        %add3A_1193 = arith.addf %add3A_1178, %abs3A_1192 : vector<16xf32>
        %add3A_1194 = arith.constant 1 : i32
        %add3A_1195 = vector.broadcast %add3A_1194 : i32 to vector<16xi32>
        %add3A_1196 = arith.addi %and3A_1184, %add3A_1195 : vector<16xi32>
        %and3A_1197 = arith.constant 63 : i32
        %and3A_1198 = vector.broadcast %and3A_1197 : i32 to vector<16xi32>
        %and3A_1199 = arith.andi %add3A_1196, %and3A_1198 : vector<16xi32>
        %gather3A_1200 = tpu.vector_load_idx %arg17[%scan3A_888, %and3A_1199] : memref<256x64xf32, #tpu.memory_space<vmem>>[vector<16xi32>, vector<16xi32>], vector<16xf32>,
        %gather3A_1201 = tpu.vector_load_idx %arg18[%scan3A_888, %and3A_1199] : memref<256x64xf32, #tpu.memory_space<vmem>>[vector<16xi32>, vector<16xi32>], vector<16xf32>,
        %gather3A_1202 = tpu.vector_load_idx %arg19[%scan3A_888, %and3A_1199] : memref<256x64xf32, #tpu.memory_space<vmem>>[vector<16xi32>, vector<16xi32>], vector<16xf32>,
        %mul3A_1203 = arith.mulf %gather3A_1200, %mul3A_927 : vector<16xf32>
        %add3A_1204 = arith.addf %mul3A_1203, %gather3A_1201 : vector<16xf32>
        %mul3A_1205 = arith.mulf %gather3A_1202, %mul3A_962 : vector<16xf32>
        %sub3A_1206 = arith.subf %add3A_1204, %mul3A_1205 : vector<16xf32>
        %abs3A_1207 = math.absf %sub3A_1206 : vector<16xf32>
        %add3A_1208 = arith.addf %add3A_1193, %abs3A_1207 : vector<16xf32>
        %add3A_1209 = arith.constant 1 : i32
        %add3A_1210 = vector.broadcast %add3A_1209 : i32 to vector<16xi32>
        %add3A_1211 = arith.addi %and3A_1199, %add3A_1210 : vector<16xi32>
        %and3A_1212 = arith.constant 63 : i32
        %and3A_1213 = vector.broadcast %and3A_1212 : i32 to vector<16xi32>
        %and3A_1214 = arith.andi %add3A_1211, %and3A_1213 : vector<16xi32>
        scf.yield %add3A_1208, %and3A_1214 : vector<16xf32>, vector<16xi32>
      }
      %scan3A_968 = arith.constant 4 : i32
      %add3A_969 = arith.constant 0 : i32
      %add3A_970 = vector.broadcast %add3A_969 : i32 to vector<16xi32>
      %add3A_971 = arith.addi %scan3A_888, %add3A_970 : vector<16xi32>
      tpu.vector_store_idx %arg23[%add3A_971], %scan3A_967#0 : memref<512xf32, #tpu.memory_space<vmem>>[vector<16xi32>], vector<16xf32>,
      %add3A_972 = arith.constant 16 : i32
      %add3A_973 = vector.broadcast %add3A_972 : i32 to vector<16xi32>
      %add3A_974 = arith.addi %scan3A_888, %add3A_973 : vector<16xi32>
      scf.yield %add3A_974 : vector<16xi32>
    }
    %scan3A_186 = arith.constant 16 : i32
    %dma_start3A_187 = arith.constant 0 : i32
    %dma_start3A_188 = arith.constant 0 : i32
    %dma_start3A_189 = arith.constant 0 : i32
    %dma_start3A_190 = tpu.memref_slice %arg17[%dma_start3A_188, %dma_start3A_189] : memref<256x64xf32, #tpu.memory_space<vmem>> -> memref<128x64xf32, #tpu.memory_space<vmem>>
    %dma_start3A_191 = arith.constant 0 : i32
    %dma_start3A_192 = tpu.memref_slice %arg14[%dma_start3A_187, %dma_start3A_191] : memref<4x128xi32, #tpu.memory_space<vmem>> -> memref<1x128xi32, #tpu.memory_space<vmem>>
    %dma_start3A_193 = tpu.memref_squeeze %dma_start3A_192 : memref<1x128xi32, #tpu.memory_space<vmem>> -> memref<128xi32, #tpu.memory_space<vmem>>
    %dma_start3A_194 = arith.constant 0 : i32
    %dma_start3A_195 = arith.constant 0 : i32
    %dma_start3A_196 = tpu.memref_slice %arg8[%dma_start3A_194, %dma_start3A_195] : memref<100000x64xf32, #tpu.memory_space<hbm>> -> memref<100000x64xf32, #tpu.memory_space<hbm>>
    tpu.enqueue_indirect_dma source(%dma_start3A_196 : memref<100000x64xf32, #tpu.memory_space<hbm>>) target(%dma_start3A_190 : memref<128x64xf32, #tpu.memory_space<vmem>>) offsets(%dma_start3A_193 : memref<128xi32, #tpu.memory_space<vmem>>) semaphore(%arg26 : memref<!tpu.dma_semaphore, #tpu.memory_space<semaphore_mem>>)
    %dma_start3A_197 = arith.constant 0 : i32
    %dma_start3A_198 = arith.constant 0 : i32
    %dma_start3A_199 = arith.constant 0 : i32
    %dma_start3A_200 = tpu.memref_slice %arg18[%dma_start3A_198, %dma_start3A_199] : memref<256x64xf32, #tpu.memory_space<vmem>> -> memref<128x64xf32, #tpu.memory_space<vmem>>
    %dma_start3A_201 = arith.constant 0 : i32
    %dma_start3A_202 = tpu.memref_slice %arg15[%dma_start3A_197, %dma_start3A_201] : memref<4x128xi32, #tpu.memory_space<vmem>> -> memref<1x128xi32, #tpu.memory_space<vmem>>
    %dma_start3A_203 = tpu.memref_squeeze %dma_start3A_202 : memref<1x128xi32, #tpu.memory_space<vmem>> -> memref<128xi32, #tpu.memory_space<vmem>>
    %dma_start3A_204 = arith.constant 0 : i32
    %dma_start3A_205 = arith.constant 0 : i32
    %dma_start3A_206 = tpu.memref_slice %arg9[%dma_start3A_204, %dma_start3A_205] : memref<100000x64xf32, #tpu.memory_space<hbm>> -> memref<100000x64xf32, #tpu.memory_space<hbm>>
    tpu.enqueue_indirect_dma source(%dma_start3A_206 : memref<100000x64xf32, #tpu.memory_space<hbm>>) target(%dma_start3A_200 : memref<128x64xf32, #tpu.memory_space<vmem>>) offsets(%dma_start3A_203 : memref<128xi32, #tpu.memory_space<vmem>>) semaphore(%arg26 : memref<!tpu.dma_semaphore, #tpu.memory_space<semaphore_mem>>)
    %dma_start3A_207 = arith.constant 0 : i32
    %dma_start3A_208 = arith.constant 0 : i32
    %dma_start3A_209 = arith.constant 0 : i32
    %dma_start3A_210 = tpu.memref_slice %arg19[%dma_start3A_208, %dma_start3A_209] : memref<256x64xf32, #tpu.memory_space<vmem>> -> memref<128x64xf32, #tpu.memory_space<vmem>>
    %dma_start3A_211 = arith.constant 0 : i32
    %dma_start3A_212 = tpu.memref_slice %arg16[%dma_start3A_207, %dma_start3A_211] : memref<4x128xi32, #tpu.memory_space<vmem>> -> memref<1x128xi32, #tpu.memory_space<vmem>>
    %dma_start3A_213 = tpu.memref_squeeze %dma_start3A_212 : memref<1x128xi32, #tpu.memory_space<vmem>> -> memref<128xi32, #tpu.memory_space<vmem>>
    %dma_start3A_214 = arith.constant 0 : i32
    %dma_start3A_215 = arith.constant 0 : i32
    %dma_start3A_216 = tpu.memref_slice %arg8[%dma_start3A_214, %dma_start3A_215] : memref<100000x64xf32, #tpu.memory_space<hbm>> -> memref<100000x64xf32, #tpu.memory_space<hbm>>
    tpu.enqueue_indirect_dma source(%dma_start3A_216 : memref<100000x64xf32, #tpu.memory_space<hbm>>) target(%dma_start3A_210 : memref<128x64xf32, #tpu.memory_space<vmem>>) offsets(%dma_start3A_213 : memref<128xi32, #tpu.memory_space<vmem>>) semaphore(%arg26 : memref<!tpu.dma_semaphore, #tpu.memory_space<semaphore_mem>>)
    %dma_start3A_217 = arith.constant 1 : i32
    %dma_start3A_218 = arith.constant 128 : i32
    %dma_start3A_219 = arith.constant 0 : i32
    %dma_start3A_220 = tpu.memref_slice %arg17[%dma_start3A_218, %dma_start3A_219] : memref<256x64xf32, #tpu.memory_space<vmem>> -> memref<128x64xf32, #tpu.memory_space<vmem>>
    %dma_start3A_221 = arith.constant 0 : i32
    %dma_start3A_222 = tpu.memref_slice %arg14[%dma_start3A_217, %dma_start3A_221] : memref<4x128xi32, #tpu.memory_space<vmem>> -> memref<1x128xi32, #tpu.memory_space<vmem>>
    %dma_start3A_223 = tpu.memref_squeeze %dma_start3A_222 : memref<1x128xi32, #tpu.memory_space<vmem>> -> memref<128xi32, #tpu.memory_space<vmem>>
    %dma_start3A_224 = arith.constant 0 : i32
    %dma_start3A_225 = arith.constant 0 : i32
    %dma_start3A_226 = tpu.memref_slice %arg8[%dma_start3A_224, %dma_start3A_225] : memref<100000x64xf32, #tpu.memory_space<hbm>> -> memref<100000x64xf32, #tpu.memory_space<hbm>>
    tpu.enqueue_indirect_dma source(%dma_start3A_226 : memref<100000x64xf32, #tpu.memory_space<hbm>>) target(%dma_start3A_220 : memref<128x64xf32, #tpu.memory_space<vmem>>) offsets(%dma_start3A_223 : memref<128xi32, #tpu.memory_space<vmem>>) semaphore(%arg26 : memref<!tpu.dma_semaphore, #tpu.memory_space<semaphore_mem>>)
    %dma_start3A_227 = arith.constant 1 : i32
    %dma_start3A_228 = arith.constant 128 : i32
    %dma_start3A_229 = arith.constant 0 : i32
    %dma_start3A_230 = tpu.memref_slice %arg18[%dma_start3A_228, %dma_start3A_229] : memref<256x64xf32, #tpu.memory_space<vmem>> -> memref<128x64xf32, #tpu.memory_space<vmem>>
    %dma_start3A_231 = arith.constant 0 : i32
    %dma_start3A_232 = tpu.memref_slice %arg15[%dma_start3A_227, %dma_start3A_231] : memref<4x128xi32, #tpu.memory_space<vmem>> -> memref<1x128xi32, #tpu.memory_space<vmem>>
    %dma_start3A_233 = tpu.memref_squeeze %dma_start3A_232 : memref<1x128xi32, #tpu.memory_space<vmem>> -> memref<128xi32, #tpu.memory_space<vmem>>
    %dma_start3A_234 = arith.constant 0 : i32
    %dma_start3A_235 = arith.constant 0 : i32
    %dma_start3A_236 = tpu.memref_slice %arg9[%dma_start3A_234, %dma_start3A_235] : memref<100000x64xf32, #tpu.memory_space<hbm>> -> memref<100000x64xf32, #tpu.memory_space<hbm>>
    tpu.enqueue_indirect_dma source(%dma_start3A_236 : memref<100000x64xf32, #tpu.memory_space<hbm>>) target(%dma_start3A_230 : memref<128x64xf32, #tpu.memory_space<vmem>>) offsets(%dma_start3A_233 : memref<128xi32, #tpu.memory_space<vmem>>) semaphore(%arg26 : memref<!tpu.dma_semaphore, #tpu.memory_space<semaphore_mem>>)
    %dma_start3A_237 = arith.constant 1 : i32
    %dma_start3A_238 = arith.constant 128 : i32
    %dma_start3A_239 = arith.constant 0 : i32
    %dma_start3A_240 = tpu.memref_slice %arg19[%dma_start3A_238, %dma_start3A_239] : memref<256x64xf32, #tpu.memory_space<vmem>> -> memref<128x64xf32, #tpu.memory_space<vmem>>
    %dma_start3A_241 = arith.constant 0 : i32
    %dma_start3A_242 = tpu.memref_slice %arg16[%dma_start3A_237, %dma_start3A_241] : memref<4x128xi32, #tpu.memory_space<vmem>> -> memref<1x128xi32, #tpu.memory_space<vmem>>
    %dma_start3A_243 = tpu.memref_squeeze %dma_start3A_242 : memref<1x128xi32, #tpu.memory_space<vmem>> -> memref<128xi32, #tpu.memory_space<vmem>>
    %dma_start3A_244 = arith.constant 0 : i32
    %dma_start3A_245 = arith.constant 0 : i32
    %dma_start3A_246 = tpu.memref_slice %arg8[%dma_start3A_244, %dma_start3A_245] : memref<100000x64xf32, #tpu.memory_space<hbm>> -> memref<100000x64xf32, #tpu.memory_space<hbm>>
    tpu.enqueue_indirect_dma source(%dma_start3A_246 : memref<100000x64xf32, #tpu.memory_space<hbm>>) target(%dma_start3A_240 : memref<128x64xf32, #tpu.memory_space<vmem>>) offsets(%dma_start3A_243 : memref<128xi32, #tpu.memory_space<vmem>>) semaphore(%arg26 : memref<!tpu.dma_semaphore, #tpu.memory_space<semaphore_mem>>)
    %dma_wait3A_247 = arith.constant 2 : i32
    %dma_wait3A_248 = arith.constant 0 : i32
    %dma_wait3A_249 = arith.constant 0 : i32
    %dma_wait3A_250 = tpu.memref_slice %arg20[%dma_wait3A_248, %dma_wait3A_249] : memref<256x64xf32, #tpu.memory_space<vmem>> -> memref<128x64xf32, #tpu.memory_space<vmem>>
    %dma_wait3A_251 = arith.constant 0 : i32
    %dma_wait3A_252 = tpu.memref_slice %arg11[%dma_wait3A_247, %dma_wait3A_251] : memref<4x128xi32, #tpu.memory_space<vmem>> -> memref<1x128xi32, #tpu.memory_space<vmem>>
    %dma_wait3A_253 = tpu.memref_squeeze %dma_wait3A_252 : memref<1x128xi32, #tpu.memory_space<vmem>> -> memref<128xi32, #tpu.memory_space<vmem>>
    %dma_wait3A_254 = arith.constant 0 : i32
    %dma_wait3A_255 = arith.constant 0 : i32
    %dma_wait3A_256 = tpu.memref_slice %arg8[%dma_wait3A_254, %dma_wait3A_255] : memref<100000x64xf32, #tpu.memory_space<hbm>> -> memref<100000x64xf32, #tpu.memory_space<hbm>>
    tpu.wait_indirect_dma semaphore(%arg27 : memref<!tpu.dma_semaphore, #tpu.memory_space<semaphore_mem>>) src(%dma_wait3A_256 : memref<100000x64xf32, #tpu.memory_space<hbm>>) dst(%dma_wait3A_250 : memref<128x64xf32, #tpu.memory_space<vmem>>)
    %dma_wait3A_257 = arith.constant 2 : i32
    %dma_wait3A_258 = arith.constant 0 : i32
    %dma_wait3A_259 = arith.constant 0 : i32
    %dma_wait3A_260 = tpu.memref_slice %arg21[%dma_wait3A_258, %dma_wait3A_259] : memref<256x64xf32, #tpu.memory_space<vmem>> -> memref<128x64xf32, #tpu.memory_space<vmem>>
    %dma_wait3A_261 = arith.constant 0 : i32
    %dma_wait3A_262 = tpu.memref_slice %arg12[%dma_wait3A_257, %dma_wait3A_261] : memref<4x128xi32, #tpu.memory_space<vmem>> -> memref<1x128xi32, #tpu.memory_space<vmem>>
    %dma_wait3A_263 = tpu.memref_squeeze %dma_wait3A_262 : memref<1x128xi32, #tpu.memory_space<vmem>> -> memref<128xi32, #tpu.memory_space<vmem>>
    %dma_wait3A_264 = arith.constant 0 : i32
    %dma_wait3A_265 = arith.constant 0 : i32
    %dma_wait3A_266 = tpu.memref_slice %arg9[%dma_wait3A_264, %dma_wait3A_265] : memref<100000x64xf32, #tpu.memory_space<hbm>> -> memref<100000x64xf32, #tpu.memory_space<hbm>>
    tpu.wait_indirect_dma semaphore(%arg27 : memref<!tpu.dma_semaphore, #tpu.memory_space<semaphore_mem>>) src(%dma_wait3A_266 : memref<100000x64xf32, #tpu.memory_space<hbm>>) dst(%dma_wait3A_260 : memref<128x64xf32, #tpu.memory_space<vmem>>)
    %dma_wait3A_267 = arith.constant 2 : i32
    %dma_wait3A_268 = arith.constant 0 : i32
    %dma_wait3A_269 = arith.constant 0 : i32
    %dma_wait3A_270 = tpu.memref_slice %arg22[%dma_wait3A_268, %dma_wait3A_269] : memref<256x64xf32, #tpu.memory_space<vmem>> -> memref<128x64xf32, #tpu.memory_space<vmem>>
    %dma_wait3A_271 = arith.constant 0 : i32
    %dma_wait3A_272 = tpu.memref_slice %arg13[%dma_wait3A_267, %dma_wait3A_271] : memref<4x128xi32, #tpu.memory_space<vmem>> -> memref<1x128xi32, #tpu.memory_space<vmem>>
    %dma_wait3A_273 = tpu.memref_squeeze %dma_wait3A_272 : memref<1x128xi32, #tpu.memory_space<vmem>> -> memref<128xi32, #tpu.memory_space<vmem>>
    %dma_wait3A_274 = arith.constant 0 : i32
    %dma_wait3A_275 = arith.constant 0 : i32
    %dma_wait3A_276 = tpu.memref_slice %arg8[%dma_wait3A_274, %dma_wait3A_275] : memref<100000x64xf32, #tpu.memory_space<hbm>> -> memref<100000x64xf32, #tpu.memory_space<hbm>>
    tpu.wait_indirect_dma semaphore(%arg27 : memref<!tpu.dma_semaphore, #tpu.memory_space<semaphore_mem>>) src(%dma_wait3A_276 : memref<100000x64xf32, #tpu.memory_space<hbm>>) dst(%dma_wait3A_270 : memref<128x64xf32, #tpu.memory_space<vmem>>)
    %dma_wait3A_277 = arith.constant 3 : i32
    %dma_wait3A_278 = arith.constant 128 : i32
    %dma_wait3A_279 = arith.constant 0 : i32
    %dma_wait3A_280 = tpu.memref_slice %arg20[%dma_wait3A_278, %dma_wait3A_279] : memref<256x64xf32, #tpu.memory_space<vmem>> -> memref<128x64xf32, #tpu.memory_space<vmem>>
    %dma_wait3A_281 = arith.constant 0 : i32
    %dma_wait3A_282 = tpu.memref_slice %arg11[%dma_wait3A_277, %dma_wait3A_281] : memref<4x128xi32, #tpu.memory_space<vmem>> -> memref<1x128xi32, #tpu.memory_space<vmem>>
    %dma_wait3A_283 = tpu.memref_squeeze %dma_wait3A_282 : memref<1x128xi32, #tpu.memory_space<vmem>> -> memref<128xi32, #tpu.memory_space<vmem>>
    %dma_wait3A_284 = arith.constant 0 : i32
    %dma_wait3A_285 = arith.constant 0 : i32
    %dma_wait3A_286 = tpu.memref_slice %arg8[%dma_wait3A_284, %dma_wait3A_285] : memref<100000x64xf32, #tpu.memory_space<hbm>> -> memref<100000x64xf32, #tpu.memory_space<hbm>>
    tpu.wait_indirect_dma semaphore(%arg27 : memref<!tpu.dma_semaphore, #tpu.memory_space<semaphore_mem>>) src(%dma_wait3A_286 : memref<100000x64xf32, #tpu.memory_space<hbm>>) dst(%dma_wait3A_280 : memref<128x64xf32, #tpu.memory_space<vmem>>)
    %dma_wait3A_287 = arith.constant 3 : i32
    %dma_wait3A_288 = arith.constant 128 : i32
    %dma_wait3A_289 = arith.constant 0 : i32
    %dma_wait3A_290 = tpu.memref_slice %arg21[%dma_wait3A_288, %dma_wait3A_289] : memref<256x64xf32, #tpu.memory_space<vmem>> -> memref<128x64xf32, #tpu.memory_space<vmem>>
    %dma_wait3A_291 = arith.constant 0 : i32
    %dma_wait3A_292 = tpu.memref_slice %arg12[%dma_wait3A_287, %dma_wait3A_291] : memref<4x128xi32, #tpu.memory_space<vmem>> -> memref<1x128xi32, #tpu.memory_space<vmem>>
    %dma_wait3A_293 = tpu.memref_squeeze %dma_wait3A_292 : memref<1x128xi32, #tpu.memory_space<vmem>> -> memref<128xi32, #tpu.memory_space<vmem>>
    %dma_wait3A_294 = arith.constant 0 : i32
    %dma_wait3A_295 = arith.constant 0 : i32
    %dma_wait3A_296 = tpu.memref_slice %arg9[%dma_wait3A_294, %dma_wait3A_295] : memref<100000x64xf32, #tpu.memory_space<hbm>> -> memref<100000x64xf32, #tpu.memory_space<hbm>>
    tpu.wait_indirect_dma semaphore(%arg27 : memref<!tpu.dma_semaphore, #tpu.memory_space<semaphore_mem>>) src(%dma_wait3A_296 : memref<100000x64xf32, #tpu.memory_space<hbm>>) dst(%dma_wait3A_290 : memref<128x64xf32, #tpu.memory_space<vmem>>)
    %dma_wait3A_297 = arith.constant 3 : i32
    %dma_wait3A_298 = arith.constant 128 : i32
    %dma_wait3A_299 = arith.constant 0 : i32
    %dma_wait3A_300 = tpu.memref_slice %arg22[%dma_wait3A_298, %dma_wait3A_299] : memref<256x64xf32, #tpu.memory_space<vmem>> -> memref<128x64xf32, #tpu.memory_space<vmem>>
    %dma_wait3A_301 = arith.constant 0 : i32
    %dma_wait3A_302 = tpu.memref_slice %arg13[%dma_wait3A_297, %dma_wait3A_301] : memref<4x128xi32, #tpu.memory_space<vmem>> -> memref<1x128xi32, #tpu.memory_space<vmem>>
    %dma_wait3A_303 = tpu.memref_squeeze %dma_wait3A_302 : memref<1x128xi32, #tpu.memory_space<vmem>> -> memref<128xi32, #tpu.memory_space<vmem>>
    %dma_wait3A_304 = arith.constant 0 : i32
    %dma_wait3A_305 = arith.constant 0 : i32
    %dma_wait3A_306 = tpu.memref_slice %arg8[%dma_wait3A_304, %dma_wait3A_305] : memref<100000x64xf32, #tpu.memory_space<hbm>> -> memref<100000x64xf32, #tpu.memory_space<hbm>>
    tpu.wait_indirect_dma semaphore(%arg27 : memref<!tpu.dma_semaphore, #tpu.memory_space<semaphore_mem>>) src(%dma_wait3A_306 : memref<100000x64xf32, #tpu.memory_space<hbm>>) dst(%dma_wait3A_300 : memref<128x64xf32, #tpu.memory_space<vmem>>)
    %scan3A_307 = arith.constant 0 : i32
    %scan3A_308 = arith.constant 16 : i32
    %scan3A_309 = arith.addi %scan3A_307, %scan3A_308 : i32
    %scan3A_310 = arith.constant 1 : i32
    %scan3A_311 = scf.for %scan3A_887 = %scan3A_307 to %scan3A_309 step %scan3A_310 iter_args(%scan3A_888 = %iota3A) -> (vector<16xi32>)  : i32 {
      %scan3A_889 = arith.constant 0 : i32
      %scan3A_890 = arith.constant 4 : i32
      %scan3A_891 = arith.addi %scan3A_889, %scan3A_890 : i32
      %scan3A_892 = arith.constant 1 : i32
      %scan3A_893:3 = scf.for %scan3A_975 = %scan3A_889 to %scan3A_891 step %scan3A_892 iter_args(%scan3A_976 = %broadcast_in_dim3A_1, %scan3A_977 = %broadcast_in_dim3A_1, %scan3A_978 = %iota3A) -> (vector<16xf32>, vector<16xf32>, vector<16xi32>)  : i32 {
        %gather3A = tpu.vector_load_idx %arg20[%scan3A_888, %scan3A_978] : memref<256x64xf32, #tpu.memory_space<vmem>>[vector<16xi32>, vector<16xi32>], vector<16xf32>,
        %gather3A_979 = tpu.vector_load_idx %arg22[%scan3A_888, %scan3A_978] : memref<256x64xf32, #tpu.memory_space<vmem>>[vector<16xi32>, vector<16xi32>], vector<16xf32>,
        %mul3A_980 = arith.mulf %gather3A, %gather3A : vector<16xf32>
        %add3A_981 = arith.addf %scan3A_976, %mul3A_980 : vector<16xf32>
        %mul3A_982 = arith.mulf %gather3A_979, %gather3A_979 : vector<16xf32>
        %add3A_983 = arith.addf %scan3A_977, %mul3A_982 : vector<16xf32>
        %add3A_984 = arith.constant 1 : i32
        %add3A_985 = vector.broadcast %add3A_984 : i32 to vector<16xi32>
        %add3A_986 = arith.addi %scan3A_978, %add3A_985 : vector<16xi32>
        %and3A = arith.constant 63 : i32
        %and3A_987 = vector.broadcast %and3A : i32 to vector<16xi32>
        %and3A_988 = arith.andi %add3A_986, %and3A_987 : vector<16xi32>
        %gather3A_989 = tpu.vector_load_idx %arg20[%scan3A_888, %and3A_988] : memref<256x64xf32, #tpu.memory_space<vmem>>[vector<16xi32>, vector<16xi32>], vector<16xf32>,
        %gather3A_990 = tpu.vector_load_idx %arg22[%scan3A_888, %and3A_988] : memref<256x64xf32, #tpu.memory_space<vmem>>[vector<16xi32>, vector<16xi32>], vector<16xf32>,
        %mul3A_991 = arith.mulf %gather3A_989, %gather3A_989 : vector<16xf32>
        %add3A_992 = arith.addf %add3A_981, %mul3A_991 : vector<16xf32>
        %mul3A_993 = arith.mulf %gather3A_990, %gather3A_990 : vector<16xf32>
        %add3A_994 = arith.addf %add3A_983, %mul3A_993 : vector<16xf32>
        %add3A_995 = arith.constant 1 : i32
        %add3A_996 = vector.broadcast %add3A_995 : i32 to vector<16xi32>
        %add3A_997 = arith.addi %and3A_988, %add3A_996 : vector<16xi32>
        %and3A_998 = arith.constant 63 : i32
        %and3A_999 = vector.broadcast %and3A_998 : i32 to vector<16xi32>
        %and3A_1000 = arith.andi %add3A_997, %and3A_999 : vector<16xi32>
        %gather3A_1001 = tpu.vector_load_idx %arg20[%scan3A_888, %and3A_1000] : memref<256x64xf32, #tpu.memory_space<vmem>>[vector<16xi32>, vector<16xi32>], vector<16xf32>,
        %gather3A_1002 = tpu.vector_load_idx %arg22[%scan3A_888, %and3A_1000] : memref<256x64xf32, #tpu.memory_space<vmem>>[vector<16xi32>, vector<16xi32>], vector<16xf32>,
        %mul3A_1003 = arith.mulf %gather3A_1001, %gather3A_1001 : vector<16xf32>
        %add3A_1004 = arith.addf %add3A_992, %mul3A_1003 : vector<16xf32>
        %mul3A_1005 = arith.mulf %gather3A_1002, %gather3A_1002 : vector<16xf32>
        %add3A_1006 = arith.addf %add3A_994, %mul3A_1005 : vector<16xf32>
        %add3A_1007 = arith.constant 1 : i32
        %add3A_1008 = vector.broadcast %add3A_1007 : i32 to vector<16xi32>
        %add3A_1009 = arith.addi %and3A_1000, %add3A_1008 : vector<16xi32>
        %and3A_1010 = arith.constant 63 : i32
        %and3A_1011 = vector.broadcast %and3A_1010 : i32 to vector<16xi32>
        %and3A_1012 = arith.andi %add3A_1009, %and3A_1011 : vector<16xi32>
        %gather3A_1013 = tpu.vector_load_idx %arg20[%scan3A_888, %and3A_1012] : memref<256x64xf32, #tpu.memory_space<vmem>>[vector<16xi32>, vector<16xi32>], vector<16xf32>,
        %gather3A_1014 = tpu.vector_load_idx %arg22[%scan3A_888, %and3A_1012] : memref<256x64xf32, #tpu.memory_space<vmem>>[vector<16xi32>, vector<16xi32>], vector<16xf32>,
        %mul3A_1015 = arith.mulf %gather3A_1013, %gather3A_1013 : vector<16xf32>
        %add3A_1016 = arith.addf %add3A_1004, %mul3A_1015 : vector<16xf32>
        %mul3A_1017 = arith.mulf %gather3A_1014, %gather3A_1014 : vector<16xf32>
        %add3A_1018 = arith.addf %add3A_1006, %mul3A_1017 : vector<16xf32>
        %add3A_1019 = arith.constant 1 : i32
        %add3A_1020 = vector.broadcast %add3A_1019 : i32 to vector<16xi32>
        %add3A_1021 = arith.addi %and3A_1012, %add3A_1020 : vector<16xi32>
        %and3A_1022 = arith.constant 63 : i32
        %and3A_1023 = vector.broadcast %and3A_1022 : i32 to vector<16xi32>
        %and3A_1024 = arith.andi %add3A_1021, %and3A_1023 : vector<16xi32>
        %gather3A_1025 = tpu.vector_load_idx %arg20[%scan3A_888, %and3A_1024] : memref<256x64xf32, #tpu.memory_space<vmem>>[vector<16xi32>, vector<16xi32>], vector<16xf32>,
        %gather3A_1026 = tpu.vector_load_idx %arg22[%scan3A_888, %and3A_1024] : memref<256x64xf32, #tpu.memory_space<vmem>>[vector<16xi32>, vector<16xi32>], vector<16xf32>,
        %mul3A_1027 = arith.mulf %gather3A_1025, %gather3A_1025 : vector<16xf32>
        %add3A_1028 = arith.addf %add3A_1016, %mul3A_1027 : vector<16xf32>
        %mul3A_1029 = arith.mulf %gather3A_1026, %gather3A_1026 : vector<16xf32>
        %add3A_1030 = arith.addf %add3A_1018, %mul3A_1029 : vector<16xf32>
        %add3A_1031 = arith.constant 1 : i32
        %add3A_1032 = vector.broadcast %add3A_1031 : i32 to vector<16xi32>
        %add3A_1033 = arith.addi %and3A_1024, %add3A_1032 : vector<16xi32>
        %and3A_1034 = arith.constant 63 : i32
        %and3A_1035 = vector.broadcast %and3A_1034 : i32 to vector<16xi32>
        %and3A_1036 = arith.andi %add3A_1033, %and3A_1035 : vector<16xi32>
        %gather3A_1037 = tpu.vector_load_idx %arg20[%scan3A_888, %and3A_1036] : memref<256x64xf32, #tpu.memory_space<vmem>>[vector<16xi32>, vector<16xi32>], vector<16xf32>,
        %gather3A_1038 = tpu.vector_load_idx %arg22[%scan3A_888, %and3A_1036] : memref<256x64xf32, #tpu.memory_space<vmem>>[vector<16xi32>, vector<16xi32>], vector<16xf32>,
        %mul3A_1039 = arith.mulf %gather3A_1037, %gather3A_1037 : vector<16xf32>
        %add3A_1040 = arith.addf %add3A_1028, %mul3A_1039 : vector<16xf32>
        %mul3A_1041 = arith.mulf %gather3A_1038, %gather3A_1038 : vector<16xf32>
        %add3A_1042 = arith.addf %add3A_1030, %mul3A_1041 : vector<16xf32>
        %add3A_1043 = arith.constant 1 : i32
        %add3A_1044 = vector.broadcast %add3A_1043 : i32 to vector<16xi32>
        %add3A_1045 = arith.addi %and3A_1036, %add3A_1044 : vector<16xi32>
        %and3A_1046 = arith.constant 63 : i32
        %and3A_1047 = vector.broadcast %and3A_1046 : i32 to vector<16xi32>
        %and3A_1048 = arith.andi %add3A_1045, %and3A_1047 : vector<16xi32>
        %gather3A_1049 = tpu.vector_load_idx %arg20[%scan3A_888, %and3A_1048] : memref<256x64xf32, #tpu.memory_space<vmem>>[vector<16xi32>, vector<16xi32>], vector<16xf32>,
        %gather3A_1050 = tpu.vector_load_idx %arg22[%scan3A_888, %and3A_1048] : memref<256x64xf32, #tpu.memory_space<vmem>>[vector<16xi32>, vector<16xi32>], vector<16xf32>,
        %mul3A_1051 = arith.mulf %gather3A_1049, %gather3A_1049 : vector<16xf32>
        %add3A_1052 = arith.addf %add3A_1040, %mul3A_1051 : vector<16xf32>
        %mul3A_1053 = arith.mulf %gather3A_1050, %gather3A_1050 : vector<16xf32>
        %add3A_1054 = arith.addf %add3A_1042, %mul3A_1053 : vector<16xf32>
        %add3A_1055 = arith.constant 1 : i32
        %add3A_1056 = vector.broadcast %add3A_1055 : i32 to vector<16xi32>
        %add3A_1057 = arith.addi %and3A_1048, %add3A_1056 : vector<16xi32>
        %and3A_1058 = arith.constant 63 : i32
        %and3A_1059 = vector.broadcast %and3A_1058 : i32 to vector<16xi32>
        %and3A_1060 = arith.andi %add3A_1057, %and3A_1059 : vector<16xi32>
        %gather3A_1061 = tpu.vector_load_idx %arg20[%scan3A_888, %and3A_1060] : memref<256x64xf32, #tpu.memory_space<vmem>>[vector<16xi32>, vector<16xi32>], vector<16xf32>,
        %gather3A_1062 = tpu.vector_load_idx %arg22[%scan3A_888, %and3A_1060] : memref<256x64xf32, #tpu.memory_space<vmem>>[vector<16xi32>, vector<16xi32>], vector<16xf32>,
        %mul3A_1063 = arith.mulf %gather3A_1061, %gather3A_1061 : vector<16xf32>
        %add3A_1064 = arith.addf %add3A_1052, %mul3A_1063 : vector<16xf32>
        %mul3A_1065 = arith.mulf %gather3A_1062, %gather3A_1062 : vector<16xf32>
        %add3A_1066 = arith.addf %add3A_1054, %mul3A_1065 : vector<16xf32>
        %add3A_1067 = arith.constant 1 : i32
        %add3A_1068 = vector.broadcast %add3A_1067 : i32 to vector<16xi32>
        %add3A_1069 = arith.addi %and3A_1060, %add3A_1068 : vector<16xi32>
        %and3A_1070 = arith.constant 63 : i32
        %and3A_1071 = vector.broadcast %and3A_1070 : i32 to vector<16xi32>
        %and3A_1072 = arith.andi %add3A_1069, %and3A_1071 : vector<16xi32>
        %gather3A_1073 = tpu.vector_load_idx %arg20[%scan3A_888, %and3A_1072] : memref<256x64xf32, #tpu.memory_space<vmem>>[vector<16xi32>, vector<16xi32>], vector<16xf32>,
        %gather3A_1074 = tpu.vector_load_idx %arg22[%scan3A_888, %and3A_1072] : memref<256x64xf32, #tpu.memory_space<vmem>>[vector<16xi32>, vector<16xi32>], vector<16xf32>,
        %mul3A_1075 = arith.mulf %gather3A_1073, %gather3A_1073 : vector<16xf32>
        %add3A_1076 = arith.addf %add3A_1064, %mul3A_1075 : vector<16xf32>
        %mul3A_1077 = arith.mulf %gather3A_1074, %gather3A_1074 : vector<16xf32>
        %add3A_1078 = arith.addf %add3A_1066, %mul3A_1077 : vector<16xf32>
        %add3A_1079 = arith.constant 1 : i32
        %add3A_1080 = vector.broadcast %add3A_1079 : i32 to vector<16xi32>
        %add3A_1081 = arith.addi %and3A_1072, %add3A_1080 : vector<16xi32>
        %and3A_1082 = arith.constant 63 : i32
        %and3A_1083 = vector.broadcast %and3A_1082 : i32 to vector<16xi32>
        %and3A_1084 = arith.andi %add3A_1081, %and3A_1083 : vector<16xi32>
        %gather3A_1085 = tpu.vector_load_idx %arg20[%scan3A_888, %and3A_1084] : memref<256x64xf32, #tpu.memory_space<vmem>>[vector<16xi32>, vector<16xi32>], vector<16xf32>,
        %gather3A_1086 = tpu.vector_load_idx %arg22[%scan3A_888, %and3A_1084] : memref<256x64xf32, #tpu.memory_space<vmem>>[vector<16xi32>, vector<16xi32>], vector<16xf32>,
        %mul3A_1087 = arith.mulf %gather3A_1085, %gather3A_1085 : vector<16xf32>
        %add3A_1088 = arith.addf %add3A_1076, %mul3A_1087 : vector<16xf32>
        %mul3A_1089 = arith.mulf %gather3A_1086, %gather3A_1086 : vector<16xf32>
        %add3A_1090 = arith.addf %add3A_1078, %mul3A_1089 : vector<16xf32>
        %add3A_1091 = arith.constant 1 : i32
        %add3A_1092 = vector.broadcast %add3A_1091 : i32 to vector<16xi32>
        %add3A_1093 = arith.addi %and3A_1084, %add3A_1092 : vector<16xi32>
        %and3A_1094 = arith.constant 63 : i32
        %and3A_1095 = vector.broadcast %and3A_1094 : i32 to vector<16xi32>
        %and3A_1096 = arith.andi %add3A_1093, %and3A_1095 : vector<16xi32>
        %gather3A_1097 = tpu.vector_load_idx %arg20[%scan3A_888, %and3A_1096] : memref<256x64xf32, #tpu.memory_space<vmem>>[vector<16xi32>, vector<16xi32>], vector<16xf32>,
        %gather3A_1098 = tpu.vector_load_idx %arg22[%scan3A_888, %and3A_1096] : memref<256x64xf32, #tpu.memory_space<vmem>>[vector<16xi32>, vector<16xi32>], vector<16xf32>,
        %mul3A_1099 = arith.mulf %gather3A_1097, %gather3A_1097 : vector<16xf32>
        %add3A_1100 = arith.addf %add3A_1088, %mul3A_1099 : vector<16xf32>
        %mul3A_1101 = arith.mulf %gather3A_1098, %gather3A_1098 : vector<16xf32>
        %add3A_1102 = arith.addf %add3A_1090, %mul3A_1101 : vector<16xf32>
        %add3A_1103 = arith.constant 1 : i32
        %add3A_1104 = vector.broadcast %add3A_1103 : i32 to vector<16xi32>
        %add3A_1105 = arith.addi %and3A_1096, %add3A_1104 : vector<16xi32>
        %and3A_1106 = arith.constant 63 : i32
        %and3A_1107 = vector.broadcast %and3A_1106 : i32 to vector<16xi32>
        %and3A_1108 = arith.andi %add3A_1105, %and3A_1107 : vector<16xi32>
        %gather3A_1109 = tpu.vector_load_idx %arg20[%scan3A_888, %and3A_1108] : memref<256x64xf32, #tpu.memory_space<vmem>>[vector<16xi32>, vector<16xi32>], vector<16xf32>,
        %gather3A_1110 = tpu.vector_load_idx %arg22[%scan3A_888, %and3A_1108] : memref<256x64xf32, #tpu.memory_space<vmem>>[vector<16xi32>, vector<16xi32>], vector<16xf32>,
        %mul3A_1111 = arith.mulf %gather3A_1109, %gather3A_1109 : vector<16xf32>
        %add3A_1112 = arith.addf %add3A_1100, %mul3A_1111 : vector<16xf32>
        %mul3A_1113 = arith.mulf %gather3A_1110, %gather3A_1110 : vector<16xf32>
        %add3A_1114 = arith.addf %add3A_1102, %mul3A_1113 : vector<16xf32>
        %add3A_1115 = arith.constant 1 : i32
        %add3A_1116 = vector.broadcast %add3A_1115 : i32 to vector<16xi32>
        %add3A_1117 = arith.addi %and3A_1108, %add3A_1116 : vector<16xi32>
        %and3A_1118 = arith.constant 63 : i32
        %and3A_1119 = vector.broadcast %and3A_1118 : i32 to vector<16xi32>
        %and3A_1120 = arith.andi %add3A_1117, %and3A_1119 : vector<16xi32>
        %gather3A_1121 = tpu.vector_load_idx %arg20[%scan3A_888, %and3A_1120] : memref<256x64xf32, #tpu.memory_space<vmem>>[vector<16xi32>, vector<16xi32>], vector<16xf32>,
        %gather3A_1122 = tpu.vector_load_idx %arg22[%scan3A_888, %and3A_1120] : memref<256x64xf32, #tpu.memory_space<vmem>>[vector<16xi32>, vector<16xi32>], vector<16xf32>,
        %mul3A_1123 = arith.mulf %gather3A_1121, %gather3A_1121 : vector<16xf32>
        %add3A_1124 = arith.addf %add3A_1112, %mul3A_1123 : vector<16xf32>
        %mul3A_1125 = arith.mulf %gather3A_1122, %gather3A_1122 : vector<16xf32>
        %add3A_1126 = arith.addf %add3A_1114, %mul3A_1125 : vector<16xf32>
        %add3A_1127 = arith.constant 1 : i32
        %add3A_1128 = vector.broadcast %add3A_1127 : i32 to vector<16xi32>
        %add3A_1129 = arith.addi %and3A_1120, %add3A_1128 : vector<16xi32>
        %and3A_1130 = arith.constant 63 : i32
        %and3A_1131 = vector.broadcast %and3A_1130 : i32 to vector<16xi32>
        %and3A_1132 = arith.andi %add3A_1129, %and3A_1131 : vector<16xi32>
        %gather3A_1133 = tpu.vector_load_idx %arg20[%scan3A_888, %and3A_1132] : memref<256x64xf32, #tpu.memory_space<vmem>>[vector<16xi32>, vector<16xi32>], vector<16xf32>,
        %gather3A_1134 = tpu.vector_load_idx %arg22[%scan3A_888, %and3A_1132] : memref<256x64xf32, #tpu.memory_space<vmem>>[vector<16xi32>, vector<16xi32>], vector<16xf32>,
        %mul3A_1135 = arith.mulf %gather3A_1133, %gather3A_1133 : vector<16xf32>
        %add3A_1136 = arith.addf %add3A_1124, %mul3A_1135 : vector<16xf32>
        %mul3A_1137 = arith.mulf %gather3A_1134, %gather3A_1134 : vector<16xf32>
        %add3A_1138 = arith.addf %add3A_1126, %mul3A_1137 : vector<16xf32>
        %add3A_1139 = arith.constant 1 : i32
        %add3A_1140 = vector.broadcast %add3A_1139 : i32 to vector<16xi32>
        %add3A_1141 = arith.addi %and3A_1132, %add3A_1140 : vector<16xi32>
        %and3A_1142 = arith.constant 63 : i32
        %and3A_1143 = vector.broadcast %and3A_1142 : i32 to vector<16xi32>
        %and3A_1144 = arith.andi %add3A_1141, %and3A_1143 : vector<16xi32>
        %gather3A_1145 = tpu.vector_load_idx %arg20[%scan3A_888, %and3A_1144] : memref<256x64xf32, #tpu.memory_space<vmem>>[vector<16xi32>, vector<16xi32>], vector<16xf32>,
        %gather3A_1146 = tpu.vector_load_idx %arg22[%scan3A_888, %and3A_1144] : memref<256x64xf32, #tpu.memory_space<vmem>>[vector<16xi32>, vector<16xi32>], vector<16xf32>,
        %mul3A_1147 = arith.mulf %gather3A_1145, %gather3A_1145 : vector<16xf32>
        %add3A_1148 = arith.addf %add3A_1136, %mul3A_1147 : vector<16xf32>
        %mul3A_1149 = arith.mulf %gather3A_1146, %gather3A_1146 : vector<16xf32>
        %add3A_1150 = arith.addf %add3A_1138, %mul3A_1149 : vector<16xf32>
        %add3A_1151 = arith.constant 1 : i32
        %add3A_1152 = vector.broadcast %add3A_1151 : i32 to vector<16xi32>
        %add3A_1153 = arith.addi %and3A_1144, %add3A_1152 : vector<16xi32>
        %and3A_1154 = arith.constant 63 : i32
        %and3A_1155 = vector.broadcast %and3A_1154 : i32 to vector<16xi32>
        %and3A_1156 = arith.andi %add3A_1153, %and3A_1155 : vector<16xi32>
        %gather3A_1157 = tpu.vector_load_idx %arg20[%scan3A_888, %and3A_1156] : memref<256x64xf32, #tpu.memory_space<vmem>>[vector<16xi32>, vector<16xi32>], vector<16xf32>,
        %gather3A_1158 = tpu.vector_load_idx %arg22[%scan3A_888, %and3A_1156] : memref<256x64xf32, #tpu.memory_space<vmem>>[vector<16xi32>, vector<16xi32>], vector<16xf32>,
        %mul3A_1159 = arith.mulf %gather3A_1157, %gather3A_1157 : vector<16xf32>
        %add3A_1160 = arith.addf %add3A_1148, %mul3A_1159 : vector<16xf32>
        %mul3A_1161 = arith.mulf %gather3A_1158, %gather3A_1158 : vector<16xf32>
        %add3A_1162 = arith.addf %add3A_1150, %mul3A_1161 : vector<16xf32>
        %add3A_1163 = arith.constant 1 : i32
        %add3A_1164 = vector.broadcast %add3A_1163 : i32 to vector<16xi32>
        %add3A_1165 = arith.addi %and3A_1156, %add3A_1164 : vector<16xi32>
        %and3A_1166 = arith.constant 63 : i32
        %and3A_1167 = vector.broadcast %and3A_1166 : i32 to vector<16xi32>
        %and3A_1168 = arith.andi %add3A_1165, %and3A_1167 : vector<16xi32>
        scf.yield %add3A_1160, %add3A_1162, %and3A_1168 : vector<16xf32>, vector<16xf32>, vector<16xi32>
      }
      %scan3A_894 = arith.constant 4 : i32
      %bitcast_convert_type3A = tpu.bitcast %scan3A_893#0 : vector<16xf32> -> vector<16xi32>
      %shift_right_arithmetic3A = arith.constant 1 : i32
      %shift_right_arithmetic3A_895 = vector.broadcast %shift_right_arithmetic3A : i32 to vector<16xi32>
      %shift_right_arithmetic3A_896 = arith.shrsi %bitcast_convert_type3A, %shift_right_arithmetic3A_895 : vector<16xi32>
      %sub3A_897 = arith.constant 1597463007 : i32
      %sub3A_898 = vector.broadcast %sub3A_897 : i32 to vector<16xi32>
      %sub3A_899 = arith.subi %sub3A_898, %shift_right_arithmetic3A_896 : vector<16xi32>
      %bitcast_convert_type3A_900 = tpu.bitcast %sub3A_899 : vector<16xi32> -> vector<16xf32>
      %mul3A_901 = arith.constant 5.000000e-01 : f32
      %mul3A_902 = vector.broadcast %mul3A_901 : f32 to vector<16xf32>
      %mul3A_903 = arith.mulf %mul3A_902, %scan3A_893#0 : vector<16xf32>
      %mul3A_904 = arith.mulf %mul3A_903, %bitcast_convert_type3A_900 : vector<16xf32>
      %mul3A_905 = arith.mulf %mul3A_904, %bitcast_convert_type3A_900 : vector<16xf32>
      %sub3A_906 = arith.constant 1.500000e+00 : f32
      %sub3A_907 = vector.broadcast %sub3A_906 : f32 to vector<16xf32>
      %sub3A_908 = arith.subf %sub3A_907, %mul3A_905 : vector<16xf32>
      %mul3A_909 = arith.mulf %bitcast_convert_type3A_900, %sub3A_908 : vector<16xf32>
      %mul3A_910 = arith.constant 5.000000e-01 : f32
      %mul3A_911 = vector.broadcast %mul3A_910 : f32 to vector<16xf32>
      %mul3A_912 = arith.mulf %mul3A_911, %scan3A_893#0 : vector<16xf32>
      %mul3A_913 = arith.mulf %mul3A_912, %mul3A_909 : vector<16xf32>
      %mul3A_914 = arith.mulf %mul3A_913, %mul3A_909 : vector<16xf32>
      %sub3A_915 = arith.constant 1.500000e+00 : f32
      %sub3A_916 = vector.broadcast %sub3A_915 : f32 to vector<16xf32>
      %sub3A_917 = arith.subf %sub3A_916, %mul3A_914 : vector<16xf32>
      %mul3A_918 = arith.mulf %mul3A_909, %sub3A_917 : vector<16xf32>
      %mul3A_919 = arith.constant 5.000000e-01 : f32
      %mul3A_920 = vector.broadcast %mul3A_919 : f32 to vector<16xf32>
      %mul3A_921 = arith.mulf %mul3A_920, %scan3A_893#0 : vector<16xf32>
      %mul3A_922 = arith.mulf %mul3A_921, %mul3A_918 : vector<16xf32>
      %mul3A_923 = arith.mulf %mul3A_922, %mul3A_918 : vector<16xf32>
      %sub3A_924 = arith.constant 1.500000e+00 : f32
      %sub3A_925 = vector.broadcast %sub3A_924 : f32 to vector<16xf32>
      %sub3A_926 = arith.subf %sub3A_925, %mul3A_923 : vector<16xf32>
      %mul3A_927 = arith.mulf %mul3A_918, %sub3A_926 : vector<16xf32>
      %bitcast_convert_type3A_928 = tpu.bitcast %scan3A_893#1 : vector<16xf32> -> vector<16xi32>
      %shift_right_arithmetic3A_929 = arith.constant 1 : i32
      %shift_right_arithmetic3A_930 = vector.broadcast %shift_right_arithmetic3A_929 : i32 to vector<16xi32>
      %shift_right_arithmetic3A_931 = arith.shrsi %bitcast_convert_type3A_928, %shift_right_arithmetic3A_930 : vector<16xi32>
      %sub3A_932 = arith.constant 1597463007 : i32
      %sub3A_933 = vector.broadcast %sub3A_932 : i32 to vector<16xi32>
      %sub3A_934 = arith.subi %sub3A_933, %shift_right_arithmetic3A_931 : vector<16xi32>
      %bitcast_convert_type3A_935 = tpu.bitcast %sub3A_934 : vector<16xi32> -> vector<16xf32>
      %mul3A_936 = arith.constant 5.000000e-01 : f32
      %mul3A_937 = vector.broadcast %mul3A_936 : f32 to vector<16xf32>
      %mul3A_938 = arith.mulf %mul3A_937, %scan3A_893#1 : vector<16xf32>
      %mul3A_939 = arith.mulf %mul3A_938, %bitcast_convert_type3A_935 : vector<16xf32>
      %mul3A_940 = arith.mulf %mul3A_939, %bitcast_convert_type3A_935 : vector<16xf32>
      %sub3A_941 = arith.constant 1.500000e+00 : f32
      %sub3A_942 = vector.broadcast %sub3A_941 : f32 to vector<16xf32>
      %sub3A_943 = arith.subf %sub3A_942, %mul3A_940 : vector<16xf32>
      %mul3A_944 = arith.mulf %bitcast_convert_type3A_935, %sub3A_943 : vector<16xf32>
      %mul3A_945 = arith.constant 5.000000e-01 : f32
      %mul3A_946 = vector.broadcast %mul3A_945 : f32 to vector<16xf32>
      %mul3A_947 = arith.mulf %mul3A_946, %scan3A_893#1 : vector<16xf32>
      %mul3A_948 = arith.mulf %mul3A_947, %mul3A_944 : vector<16xf32>
      %mul3A_949 = arith.mulf %mul3A_948, %mul3A_944 : vector<16xf32>
      %sub3A_950 = arith.constant 1.500000e+00 : f32
      %sub3A_951 = vector.broadcast %sub3A_950 : f32 to vector<16xf32>
      %sub3A_952 = arith.subf %sub3A_951, %mul3A_949 : vector<16xf32>
      %mul3A_953 = arith.mulf %mul3A_944, %sub3A_952 : vector<16xf32>
      %mul3A_954 = arith.constant 5.000000e-01 : f32
      %mul3A_955 = vector.broadcast %mul3A_954 : f32 to vector<16xf32>
      %mul3A_956 = arith.mulf %mul3A_955, %scan3A_893#1 : vector<16xf32>
      %mul3A_957 = arith.mulf %mul3A_956, %mul3A_953 : vector<16xf32>
      %mul3A_958 = arith.mulf %mul3A_957, %mul3A_953 : vector<16xf32>
      %sub3A_959 = arith.constant 1.500000e+00 : f32
      %sub3A_960 = vector.broadcast %sub3A_959 : f32 to vector<16xf32>
      %sub3A_961 = arith.subf %sub3A_960, %mul3A_958 : vector<16xf32>
      %mul3A_962 = arith.mulf %mul3A_953, %sub3A_961 : vector<16xf32>
      %scan3A_963 = arith.constant 0 : i32
      %scan3A_964 = arith.constant 4 : i32
      %scan3A_965 = arith.addi %scan3A_963, %scan3A_964 : i32
      %scan3A_966 = arith.constant 1 : i32
      %scan3A_967:2 = scf.for %scan3A_975 = %scan3A_963 to %scan3A_965 step %scan3A_966 iter_args(%scan3A_976 = %broadcast_in_dim3A_1, %scan3A_977 = %iota3A) -> (vector<16xf32>, vector<16xi32>)  : i32 {
        %gather3A = tpu.vector_load_idx %arg20[%scan3A_888, %scan3A_977] : memref<256x64xf32, #tpu.memory_space<vmem>>[vector<16xi32>, vector<16xi32>], vector<16xf32>,
        %gather3A_978 = tpu.vector_load_idx %arg21[%scan3A_888, %scan3A_977] : memref<256x64xf32, #tpu.memory_space<vmem>>[vector<16xi32>, vector<16xi32>], vector<16xf32>,
        %gather3A_979 = tpu.vector_load_idx %arg22[%scan3A_888, %scan3A_977] : memref<256x64xf32, #tpu.memory_space<vmem>>[vector<16xi32>, vector<16xi32>], vector<16xf32>,
        %mul3A_980 = arith.mulf %gather3A, %mul3A_927 : vector<16xf32>
        %add3A_981 = arith.addf %mul3A_980, %gather3A_978 : vector<16xf32>
        %mul3A_982 = arith.mulf %gather3A_979, %mul3A_962 : vector<16xf32>
        %sub3A_983 = arith.subf %add3A_981, %mul3A_982 : vector<16xf32>
        %abs3A = math.absf %sub3A_983 : vector<16xf32>
        %add3A_984 = arith.addf %scan3A_976, %abs3A : vector<16xf32>
        %add3A_985 = arith.constant 1 : i32
        %add3A_986 = vector.broadcast %add3A_985 : i32 to vector<16xi32>
        %add3A_987 = arith.addi %scan3A_977, %add3A_986 : vector<16xi32>
        %and3A = arith.constant 63 : i32
        %and3A_988 = vector.broadcast %and3A : i32 to vector<16xi32>
        %and3A_989 = arith.andi %add3A_987, %and3A_988 : vector<16xi32>
        %gather3A_990 = tpu.vector_load_idx %arg20[%scan3A_888, %and3A_989] : memref<256x64xf32, #tpu.memory_space<vmem>>[vector<16xi32>, vector<16xi32>], vector<16xf32>,
        %gather3A_991 = tpu.vector_load_idx %arg21[%scan3A_888, %and3A_989] : memref<256x64xf32, #tpu.memory_space<vmem>>[vector<16xi32>, vector<16xi32>], vector<16xf32>,
        %gather3A_992 = tpu.vector_load_idx %arg22[%scan3A_888, %and3A_989] : memref<256x64xf32, #tpu.memory_space<vmem>>[vector<16xi32>, vector<16xi32>], vector<16xf32>,
        %mul3A_993 = arith.mulf %gather3A_990, %mul3A_927 : vector<16xf32>
        %add3A_994 = arith.addf %mul3A_993, %gather3A_991 : vector<16xf32>
        %mul3A_995 = arith.mulf %gather3A_992, %mul3A_962 : vector<16xf32>
        %sub3A_996 = arith.subf %add3A_994, %mul3A_995 : vector<16xf32>
        %abs3A_997 = math.absf %sub3A_996 : vector<16xf32>
        %add3A_998 = arith.addf %add3A_984, %abs3A_997 : vector<16xf32>
        %add3A_999 = arith.constant 1 : i32
        %add3A_1000 = vector.broadcast %add3A_999 : i32 to vector<16xi32>
        %add3A_1001 = arith.addi %and3A_989, %add3A_1000 : vector<16xi32>
        %and3A_1002 = arith.constant 63 : i32
        %and3A_1003 = vector.broadcast %and3A_1002 : i32 to vector<16xi32>
        %and3A_1004 = arith.andi %add3A_1001, %and3A_1003 : vector<16xi32>
        %gather3A_1005 = tpu.vector_load_idx %arg20[%scan3A_888, %and3A_1004] : memref<256x64xf32, #tpu.memory_space<vmem>>[vector<16xi32>, vector<16xi32>], vector<16xf32>,
        %gather3A_1006 = tpu.vector_load_idx %arg21[%scan3A_888, %and3A_1004] : memref<256x64xf32, #tpu.memory_space<vmem>>[vector<16xi32>, vector<16xi32>], vector<16xf32>,
        %gather3A_1007 = tpu.vector_load_idx %arg22[%scan3A_888, %and3A_1004] : memref<256x64xf32, #tpu.memory_space<vmem>>[vector<16xi32>, vector<16xi32>], vector<16xf32>,
        %mul3A_1008 = arith.mulf %gather3A_1005, %mul3A_927 : vector<16xf32>
        %add3A_1009 = arith.addf %mul3A_1008, %gather3A_1006 : vector<16xf32>
        %mul3A_1010 = arith.mulf %gather3A_1007, %mul3A_962 : vector<16xf32>
        %sub3A_1011 = arith.subf %add3A_1009, %mul3A_1010 : vector<16xf32>
        %abs3A_1012 = math.absf %sub3A_1011 : vector<16xf32>
        %add3A_1013 = arith.addf %add3A_998, %abs3A_1012 : vector<16xf32>
        %add3A_1014 = arith.constant 1 : i32
        %add3A_1015 = vector.broadcast %add3A_1014 : i32 to vector<16xi32>
        %add3A_1016 = arith.addi %and3A_1004, %add3A_1015 : vector<16xi32>
        %and3A_1017 = arith.constant 63 : i32
        %and3A_1018 = vector.broadcast %and3A_1017 : i32 to vector<16xi32>
        %and3A_1019 = arith.andi %add3A_1016, %and3A_1018 : vector<16xi32>
        %gather3A_1020 = tpu.vector_load_idx %arg20[%scan3A_888, %and3A_1019] : memref<256x64xf32, #tpu.memory_space<vmem>>[vector<16xi32>, vector<16xi32>], vector<16xf32>,
        %gather3A_1021 = tpu.vector_load_idx %arg21[%scan3A_888, %and3A_1019] : memref<256x64xf32, #tpu.memory_space<vmem>>[vector<16xi32>, vector<16xi32>], vector<16xf32>,
        %gather3A_1022 = tpu.vector_load_idx %arg22[%scan3A_888, %and3A_1019] : memref<256x64xf32, #tpu.memory_space<vmem>>[vector<16xi32>, vector<16xi32>], vector<16xf32>,
        %mul3A_1023 = arith.mulf %gather3A_1020, %mul3A_927 : vector<16xf32>
        %add3A_1024 = arith.addf %mul3A_1023, %gather3A_1021 : vector<16xf32>
        %mul3A_1025 = arith.mulf %gather3A_1022, %mul3A_962 : vector<16xf32>
        %sub3A_1026 = arith.subf %add3A_1024, %mul3A_1025 : vector<16xf32>
        %abs3A_1027 = math.absf %sub3A_1026 : vector<16xf32>
        %add3A_1028 = arith.addf %add3A_1013, %abs3A_1027 : vector<16xf32>
        %add3A_1029 = arith.constant 1 : i32
        %add3A_1030 = vector.broadcast %add3A_1029 : i32 to vector<16xi32>
        %add3A_1031 = arith.addi %and3A_1019, %add3A_1030 : vector<16xi32>
        %and3A_1032 = arith.constant 63 : i32
        %and3A_1033 = vector.broadcast %and3A_1032 : i32 to vector<16xi32>
        %and3A_1034 = arith.andi %add3A_1031, %and3A_1033 : vector<16xi32>
        %gather3A_1035 = tpu.vector_load_idx %arg20[%scan3A_888, %and3A_1034] : memref<256x64xf32, #tpu.memory_space<vmem>>[vector<16xi32>, vector<16xi32>], vector<16xf32>,
        %gather3A_1036 = tpu.vector_load_idx %arg21[%scan3A_888, %and3A_1034] : memref<256x64xf32, #tpu.memory_space<vmem>>[vector<16xi32>, vector<16xi32>], vector<16xf32>,
        %gather3A_1037 = tpu.vector_load_idx %arg22[%scan3A_888, %and3A_1034] : memref<256x64xf32, #tpu.memory_space<vmem>>[vector<16xi32>, vector<16xi32>], vector<16xf32>,
        %mul3A_1038 = arith.mulf %gather3A_1035, %mul3A_927 : vector<16xf32>
        %add3A_1039 = arith.addf %mul3A_1038, %gather3A_1036 : vector<16xf32>
        %mul3A_1040 = arith.mulf %gather3A_1037, %mul3A_962 : vector<16xf32>
        %sub3A_1041 = arith.subf %add3A_1039, %mul3A_1040 : vector<16xf32>
        %abs3A_1042 = math.absf %sub3A_1041 : vector<16xf32>
        %add3A_1043 = arith.addf %add3A_1028, %abs3A_1042 : vector<16xf32>
        %add3A_1044 = arith.constant 1 : i32
        %add3A_1045 = vector.broadcast %add3A_1044 : i32 to vector<16xi32>
        %add3A_1046 = arith.addi %and3A_1034, %add3A_1045 : vector<16xi32>
        %and3A_1047 = arith.constant 63 : i32
        %and3A_1048 = vector.broadcast %and3A_1047 : i32 to vector<16xi32>
        %and3A_1049 = arith.andi %add3A_1046, %and3A_1048 : vector<16xi32>
        %gather3A_1050 = tpu.vector_load_idx %arg20[%scan3A_888, %and3A_1049] : memref<256x64xf32, #tpu.memory_space<vmem>>[vector<16xi32>, vector<16xi32>], vector<16xf32>,
        %gather3A_1051 = tpu.vector_load_idx %arg21[%scan3A_888, %and3A_1049] : memref<256x64xf32, #tpu.memory_space<vmem>>[vector<16xi32>, vector<16xi32>], vector<16xf32>,
        %gather3A_1052 = tpu.vector_load_idx %arg22[%scan3A_888, %and3A_1049] : memref<256x64xf32, #tpu.memory_space<vmem>>[vector<16xi32>, vector<16xi32>], vector<16xf32>,
        %mul3A_1053 = arith.mulf %gather3A_1050, %mul3A_927 : vector<16xf32>
        %add3A_1054 = arith.addf %mul3A_1053, %gather3A_1051 : vector<16xf32>
        %mul3A_1055 = arith.mulf %gather3A_1052, %mul3A_962 : vector<16xf32>
        %sub3A_1056 = arith.subf %add3A_1054, %mul3A_1055 : vector<16xf32>
        %abs3A_1057 = math.absf %sub3A_1056 : vector<16xf32>
        %add3A_1058 = arith.addf %add3A_1043, %abs3A_1057 : vector<16xf32>
        %add3A_1059 = arith.constant 1 : i32
        %add3A_1060 = vector.broadcast %add3A_1059 : i32 to vector<16xi32>
        %add3A_1061 = arith.addi %and3A_1049, %add3A_1060 : vector<16xi32>
        %and3A_1062 = arith.constant 63 : i32
        %and3A_1063 = vector.broadcast %and3A_1062 : i32 to vector<16xi32>
        %and3A_1064 = arith.andi %add3A_1061, %and3A_1063 : vector<16xi32>
        %gather3A_1065 = tpu.vector_load_idx %arg20[%scan3A_888, %and3A_1064] : memref<256x64xf32, #tpu.memory_space<vmem>>[vector<16xi32>, vector<16xi32>], vector<16xf32>,
        %gather3A_1066 = tpu.vector_load_idx %arg21[%scan3A_888, %and3A_1064] : memref<256x64xf32, #tpu.memory_space<vmem>>[vector<16xi32>, vector<16xi32>], vector<16xf32>,
        %gather3A_1067 = tpu.vector_load_idx %arg22[%scan3A_888, %and3A_1064] : memref<256x64xf32, #tpu.memory_space<vmem>>[vector<16xi32>, vector<16xi32>], vector<16xf32>,
        %mul3A_1068 = arith.mulf %gather3A_1065, %mul3A_927 : vector<16xf32>
        %add3A_1069 = arith.addf %mul3A_1068, %gather3A_1066 : vector<16xf32>
        %mul3A_1070 = arith.mulf %gather3A_1067, %mul3A_962 : vector<16xf32>
        %sub3A_1071 = arith.subf %add3A_1069, %mul3A_1070 : vector<16xf32>
        %abs3A_1072 = math.absf %sub3A_1071 : vector<16xf32>
        %add3A_1073 = arith.addf %add3A_1058, %abs3A_1072 : vector<16xf32>
        %add3A_1074 = arith.constant 1 : i32
        %add3A_1075 = vector.broadcast %add3A_1074 : i32 to vector<16xi32>
        %add3A_1076 = arith.addi %and3A_1064, %add3A_1075 : vector<16xi32>
        %and3A_1077 = arith.constant 63 : i32
        %and3A_1078 = vector.broadcast %and3A_1077 : i32 to vector<16xi32>
        %and3A_1079 = arith.andi %add3A_1076, %and3A_1078 : vector<16xi32>
        %gather3A_1080 = tpu.vector_load_idx %arg20[%scan3A_888, %and3A_1079] : memref<256x64xf32, #tpu.memory_space<vmem>>[vector<16xi32>, vector<16xi32>], vector<16xf32>,
        %gather3A_1081 = tpu.vector_load_idx %arg21[%scan3A_888, %and3A_1079] : memref<256x64xf32, #tpu.memory_space<vmem>>[vector<16xi32>, vector<16xi32>], vector<16xf32>,
        %gather3A_1082 = tpu.vector_load_idx %arg22[%scan3A_888, %and3A_1079] : memref<256x64xf32, #tpu.memory_space<vmem>>[vector<16xi32>, vector<16xi32>], vector<16xf32>,
        %mul3A_1083 = arith.mulf %gather3A_1080, %mul3A_927 : vector<16xf32>
        %add3A_1084 = arith.addf %mul3A_1083, %gather3A_1081 : vector<16xf32>
        %mul3A_1085 = arith.mulf %gather3A_1082, %mul3A_962 : vector<16xf32>
        %sub3A_1086 = arith.subf %add3A_1084, %mul3A_1085 : vector<16xf32>
        %abs3A_1087 = math.absf %sub3A_1086 : vector<16xf32>
        %add3A_1088 = arith.addf %add3A_1073, %abs3A_1087 : vector<16xf32>
        %add3A_1089 = arith.constant 1 : i32
        %add3A_1090 = vector.broadcast %add3A_1089 : i32 to vector<16xi32>
        %add3A_1091 = arith.addi %and3A_1079, %add3A_1090 : vector<16xi32>
        %and3A_1092 = arith.constant 63 : i32
        %and3A_1093 = vector.broadcast %and3A_1092 : i32 to vector<16xi32>
        %and3A_1094 = arith.andi %add3A_1091, %and3A_1093 : vector<16xi32>
        %gather3A_1095 = tpu.vector_load_idx %arg20[%scan3A_888, %and3A_1094] : memref<256x64xf32, #tpu.memory_space<vmem>>[vector<16xi32>, vector<16xi32>], vector<16xf32>,
        %gather3A_1096 = tpu.vector_load_idx %arg21[%scan3A_888, %and3A_1094] : memref<256x64xf32, #tpu.memory_space<vmem>>[vector<16xi32>, vector<16xi32>], vector<16xf32>,
        %gather3A_1097 = tpu.vector_load_idx %arg22[%scan3A_888, %and3A_1094] : memref<256x64xf32, #tpu.memory_space<vmem>>[vector<16xi32>, vector<16xi32>], vector<16xf32>,
        %mul3A_1098 = arith.mulf %gather3A_1095, %mul3A_927 : vector<16xf32>
        %add3A_1099 = arith.addf %mul3A_1098, %gather3A_1096 : vector<16xf32>
        %mul3A_1100 = arith.mulf %gather3A_1097, %mul3A_962 : vector<16xf32>
        %sub3A_1101 = arith.subf %add3A_1099, %mul3A_1100 : vector<16xf32>
        %abs3A_1102 = math.absf %sub3A_1101 : vector<16xf32>
        %add3A_1103 = arith.addf %add3A_1088, %abs3A_1102 : vector<16xf32>
        %add3A_1104 = arith.constant 1 : i32
        %add3A_1105 = vector.broadcast %add3A_1104 : i32 to vector<16xi32>
        %add3A_1106 = arith.addi %and3A_1094, %add3A_1105 : vector<16xi32>
        %and3A_1107 = arith.constant 63 : i32
        %and3A_1108 = vector.broadcast %and3A_1107 : i32 to vector<16xi32>
        %and3A_1109 = arith.andi %add3A_1106, %and3A_1108 : vector<16xi32>
        %gather3A_1110 = tpu.vector_load_idx %arg20[%scan3A_888, %and3A_1109] : memref<256x64xf32, #tpu.memory_space<vmem>>[vector<16xi32>, vector<16xi32>], vector<16xf32>,
        %gather3A_1111 = tpu.vector_load_idx %arg21[%scan3A_888, %and3A_1109] : memref<256x64xf32, #tpu.memory_space<vmem>>[vector<16xi32>, vector<16xi32>], vector<16xf32>,
        %gather3A_1112 = tpu.vector_load_idx %arg22[%scan3A_888, %and3A_1109] : memref<256x64xf32, #tpu.memory_space<vmem>>[vector<16xi32>, vector<16xi32>], vector<16xf32>,
        %mul3A_1113 = arith.mulf %gather3A_1110, %mul3A_927 : vector<16xf32>
        %add3A_1114 = arith.addf %mul3A_1113, %gather3A_1111 : vector<16xf32>
        %mul3A_1115 = arith.mulf %gather3A_1112, %mul3A_962 : vector<16xf32>
        %sub3A_1116 = arith.subf %add3A_1114, %mul3A_1115 : vector<16xf32>
        %abs3A_1117 = math.absf %sub3A_1116 : vector<16xf32>
        %add3A_1118 = arith.addf %add3A_1103, %abs3A_1117 : vector<16xf32>
        %add3A_1119 = arith.constant 1 : i32
        %add3A_1120 = vector.broadcast %add3A_1119 : i32 to vector<16xi32>
        %add3A_1121 = arith.addi %and3A_1109, %add3A_1120 : vector<16xi32>
        %and3A_1122 = arith.constant 63 : i32
        %and3A_1123 = vector.broadcast %and3A_1122 : i32 to vector<16xi32>
        %and3A_1124 = arith.andi %add3A_1121, %and3A_1123 : vector<16xi32>
        %gather3A_1125 = tpu.vector_load_idx %arg20[%scan3A_888, %and3A_1124] : memref<256x64xf32, #tpu.memory_space<vmem>>[vector<16xi32>, vector<16xi32>], vector<16xf32>,
        %gather3A_1126 = tpu.vector_load_idx %arg21[%scan3A_888, %and3A_1124] : memref<256x64xf32, #tpu.memory_space<vmem>>[vector<16xi32>, vector<16xi32>], vector<16xf32>,
        %gather3A_1127 = tpu.vector_load_idx %arg22[%scan3A_888, %and3A_1124] : memref<256x64xf32, #tpu.memory_space<vmem>>[vector<16xi32>, vector<16xi32>], vector<16xf32>,
        %mul3A_1128 = arith.mulf %gather3A_1125, %mul3A_927 : vector<16xf32>
        %add3A_1129 = arith.addf %mul3A_1128, %gather3A_1126 : vector<16xf32>
        %mul3A_1130 = arith.mulf %gather3A_1127, %mul3A_962 : vector<16xf32>
        %sub3A_1131 = arith.subf %add3A_1129, %mul3A_1130 : vector<16xf32>
        %abs3A_1132 = math.absf %sub3A_1131 : vector<16xf32>
        %add3A_1133 = arith.addf %add3A_1118, %abs3A_1132 : vector<16xf32>
        %add3A_1134 = arith.constant 1 : i32
        %add3A_1135 = vector.broadcast %add3A_1134 : i32 to vector<16xi32>
        %add3A_1136 = arith.addi %and3A_1124, %add3A_1135 : vector<16xi32>
        %and3A_1137 = arith.constant 63 : i32
        %and3A_1138 = vector.broadcast %and3A_1137 : i32 to vector<16xi32>
        %and3A_1139 = arith.andi %add3A_1136, %and3A_1138 : vector<16xi32>
        %gather3A_1140 = tpu.vector_load_idx %arg20[%scan3A_888, %and3A_1139] : memref<256x64xf32, #tpu.memory_space<vmem>>[vector<16xi32>, vector<16xi32>], vector<16xf32>,
        %gather3A_1141 = tpu.vector_load_idx %arg21[%scan3A_888, %and3A_1139] : memref<256x64xf32, #tpu.memory_space<vmem>>[vector<16xi32>, vector<16xi32>], vector<16xf32>,
        %gather3A_1142 = tpu.vector_load_idx %arg22[%scan3A_888, %and3A_1139] : memref<256x64xf32, #tpu.memory_space<vmem>>[vector<16xi32>, vector<16xi32>], vector<16xf32>,
        %mul3A_1143 = arith.mulf %gather3A_1140, %mul3A_927 : vector<16xf32>
        %add3A_1144 = arith.addf %mul3A_1143, %gather3A_1141 : vector<16xf32>
        %mul3A_1145 = arith.mulf %gather3A_1142, %mul3A_962 : vector<16xf32>
        %sub3A_1146 = arith.subf %add3A_1144, %mul3A_1145 : vector<16xf32>
        %abs3A_1147 = math.absf %sub3A_1146 : vector<16xf32>
        %add3A_1148 = arith.addf %add3A_1133, %abs3A_1147 : vector<16xf32>
        %add3A_1149 = arith.constant 1 : i32
        %add3A_1150 = vector.broadcast %add3A_1149 : i32 to vector<16xi32>
        %add3A_1151 = arith.addi %and3A_1139, %add3A_1150 : vector<16xi32>
        %and3A_1152 = arith.constant 63 : i32
        %and3A_1153 = vector.broadcast %and3A_1152 : i32 to vector<16xi32>
        %and3A_1154 = arith.andi %add3A_1151, %and3A_1153 : vector<16xi32>
        %gather3A_1155 = tpu.vector_load_idx %arg20[%scan3A_888, %and3A_1154] : memref<256x64xf32, #tpu.memory_space<vmem>>[vector<16xi32>, vector<16xi32>], vector<16xf32>,
        %gather3A_1156 = tpu.vector_load_idx %arg21[%scan3A_888, %and3A_1154] : memref<256x64xf32, #tpu.memory_space<vmem>>[vector<16xi32>, vector<16xi32>], vector<16xf32>,
        %gather3A_1157 = tpu.vector_load_idx %arg22[%scan3A_888, %and3A_1154] : memref<256x64xf32, #tpu.memory_space<vmem>>[vector<16xi32>, vector<16xi32>], vector<16xf32>,
        %mul3A_1158 = arith.mulf %gather3A_1155, %mul3A_927 : vector<16xf32>
        %add3A_1159 = arith.addf %mul3A_1158, %gather3A_1156 : vector<16xf32>
        %mul3A_1160 = arith.mulf %gather3A_1157, %mul3A_962 : vector<16xf32>
        %sub3A_1161 = arith.subf %add3A_1159, %mul3A_1160 : vector<16xf32>
        %abs3A_1162 = math.absf %sub3A_1161 : vector<16xf32>
        %add3A_1163 = arith.addf %add3A_1148, %abs3A_1162 : vector<16xf32>
        %add3A_1164 = arith.constant 1 : i32
        %add3A_1165 = vector.broadcast %add3A_1164 : i32 to vector<16xi32>
        %add3A_1166 = arith.addi %and3A_1154, %add3A_1165 : vector<16xi32>
        %and3A_1167 = arith.constant 63 : i32
        %and3A_1168 = vector.broadcast %and3A_1167 : i32 to vector<16xi32>
        %and3A_1169 = arith.andi %add3A_1166, %and3A_1168 : vector<16xi32>
        %gather3A_1170 = tpu.vector_load_idx %arg20[%scan3A_888, %and3A_1169] : memref<256x64xf32, #tpu.memory_space<vmem>>[vector<16xi32>, vector<16xi32>], vector<16xf32>,
        %gather3A_1171 = tpu.vector_load_idx %arg21[%scan3A_888, %and3A_1169] : memref<256x64xf32, #tpu.memory_space<vmem>>[vector<16xi32>, vector<16xi32>], vector<16xf32>,
        %gather3A_1172 = tpu.vector_load_idx %arg22[%scan3A_888, %and3A_1169] : memref<256x64xf32, #tpu.memory_space<vmem>>[vector<16xi32>, vector<16xi32>], vector<16xf32>,
        %mul3A_1173 = arith.mulf %gather3A_1170, %mul3A_927 : vector<16xf32>
        %add3A_1174 = arith.addf %mul3A_1173, %gather3A_1171 : vector<16xf32>
        %mul3A_1175 = arith.mulf %gather3A_1172, %mul3A_962 : vector<16xf32>
        %sub3A_1176 = arith.subf %add3A_1174, %mul3A_1175 : vector<16xf32>
        %abs3A_1177 = math.absf %sub3A_1176 : vector<16xf32>
        %add3A_1178 = arith.addf %add3A_1163, %abs3A_1177 : vector<16xf32>
        %add3A_1179 = arith.constant 1 : i32
        %add3A_1180 = vector.broadcast %add3A_1179 : i32 to vector<16xi32>
        %add3A_1181 = arith.addi %and3A_1169, %add3A_1180 : vector<16xi32>
        %and3A_1182 = arith.constant 63 : i32
        %and3A_1183 = vector.broadcast %and3A_1182 : i32 to vector<16xi32>
        %and3A_1184 = arith.andi %add3A_1181, %and3A_1183 : vector<16xi32>
        %gather3A_1185 = tpu.vector_load_idx %arg20[%scan3A_888, %and3A_1184] : memref<256x64xf32, #tpu.memory_space<vmem>>[vector<16xi32>, vector<16xi32>], vector<16xf32>,
        %gather3A_1186 = tpu.vector_load_idx %arg21[%scan3A_888, %and3A_1184] : memref<256x64xf32, #tpu.memory_space<vmem>>[vector<16xi32>, vector<16xi32>], vector<16xf32>,
        %gather3A_1187 = tpu.vector_load_idx %arg22[%scan3A_888, %and3A_1184] : memref<256x64xf32, #tpu.memory_space<vmem>>[vector<16xi32>, vector<16xi32>], vector<16xf32>,
        %mul3A_1188 = arith.mulf %gather3A_1185, %mul3A_927 : vector<16xf32>
        %add3A_1189 = arith.addf %mul3A_1188, %gather3A_1186 : vector<16xf32>
        %mul3A_1190 = arith.mulf %gather3A_1187, %mul3A_962 : vector<16xf32>
        %sub3A_1191 = arith.subf %add3A_1189, %mul3A_1190 : vector<16xf32>
        %abs3A_1192 = math.absf %sub3A_1191 : vector<16xf32>
        %add3A_1193 = arith.addf %add3A_1178, %abs3A_1192 : vector<16xf32>
        %add3A_1194 = arith.constant 1 : i32
        %add3A_1195 = vector.broadcast %add3A_1194 : i32 to vector<16xi32>
        %add3A_1196 = arith.addi %and3A_1184, %add3A_1195 : vector<16xi32>
        %and3A_1197 = arith.constant 63 : i32
        %and3A_1198 = vector.broadcast %and3A_1197 : i32 to vector<16xi32>
        %and3A_1199 = arith.andi %add3A_1196, %and3A_1198 : vector<16xi32>
        %gather3A_1200 = tpu.vector_load_idx %arg20[%scan3A_888, %and3A_1199] : memref<256x64xf32, #tpu.memory_space<vmem>>[vector<16xi32>, vector<16xi32>], vector<16xf32>,
        %gather3A_1201 = tpu.vector_load_idx %arg21[%scan3A_888, %and3A_1199] : memref<256x64xf32, #tpu.memory_space<vmem>>[vector<16xi32>, vector<16xi32>], vector<16xf32>,
        %gather3A_1202 = tpu.vector_load_idx %arg22[%scan3A_888, %and3A_1199] : memref<256x64xf32, #tpu.memory_space<vmem>>[vector<16xi32>, vector<16xi32>], vector<16xf32>,
        %mul3A_1203 = arith.mulf %gather3A_1200, %mul3A_927 : vector<16xf32>
        %add3A_1204 = arith.addf %mul3A_1203, %gather3A_1201 : vector<16xf32>
        %mul3A_1205 = arith.mulf %gather3A_1202, %mul3A_962 : vector<16xf32>
        %sub3A_1206 = arith.subf %add3A_1204, %mul3A_1205 : vector<16xf32>
        %abs3A_1207 = math.absf %sub3A_1206 : vector<16xf32>
        %add3A_1208 = arith.addf %add3A_1193, %abs3A_1207 : vector<16xf32>
        %add3A_1209 = arith.constant 1 : i32
        %add3A_1210 = vector.broadcast %add3A_1209 : i32 to vector<16xi32>
        %add3A_1211 = arith.addi %and3A_1199, %add3A_1210 : vector<16xi32>
        %and3A_1212 = arith.constant 63 : i32
        %and3A_1213 = vector.broadcast %and3A_1212 : i32 to vector<16xi32>
        %and3A_1214 = arith.andi %add3A_1211, %and3A_1213 : vector<16xi32>
        scf.yield %add3A_1208, %and3A_1214 : vector<16xf32>, vector<16xi32>
      }
      %scan3A_968 = arith.constant 4 : i32
      %add3A_969 = arith.constant 256 : i32
      %add3A_970 = vector.broadcast %add3A_969 : i32 to vector<16xi32>
      %add3A_971 = arith.addi %scan3A_888, %add3A_970 : vector<16xi32>
      tpu.vector_store_idx %arg23[%add3A_971], %scan3A_967#0 : memref<512xf32, #tpu.memory_space<vmem>>[vector<16xi32>], vector<16xf32>,
      %add3A_972 = arith.constant 16 : i32
      %add3A_973 = vector.broadcast %add3A_972 : i32 to vector<16xi32>
      %add3A_974 = arith.addi %scan3A_888, %add3A_973 : vector<16xi32>
      scf.yield %add3A_974 : vector<16xi32>
    }
    %scan3A_312 = arith.constant 16 : i32
    %dma_start3A_313 = arith.constant 2 : i32
    %dma_start3A_314 = arith.constant 0 : i32
    %dma_start3A_315 = arith.constant 0 : i32
    %dma_start3A_316 = tpu.memref_slice %arg20[%dma_start3A_314, %dma_start3A_315] : memref<256x64xf32, #tpu.memory_space<vmem>> -> memref<128x64xf32, #tpu.memory_space<vmem>>
    %dma_start3A_317 = arith.constant 0 : i32
    %dma_start3A_318 = tpu.memref_slice %arg14[%dma_start3A_313, %dma_start3A_317] : memref<4x128xi32, #tpu.memory_space<vmem>> -> memref<1x128xi32, #tpu.memory_space<vmem>>
    %dma_start3A_319 = tpu.memref_squeeze %dma_start3A_318 : memref<1x128xi32, #tpu.memory_space<vmem>> -> memref<128xi32, #tpu.memory_space<vmem>>
    %dma_start3A_320 = arith.constant 0 : i32
    %dma_start3A_321 = arith.constant 0 : i32
    %dma_start3A_322 = tpu.memref_slice %arg8[%dma_start3A_320, %dma_start3A_321] : memref<100000x64xf32, #tpu.memory_space<hbm>> -> memref<100000x64xf32, #tpu.memory_space<hbm>>
    tpu.enqueue_indirect_dma source(%dma_start3A_322 : memref<100000x64xf32, #tpu.memory_space<hbm>>) target(%dma_start3A_316 : memref<128x64xf32, #tpu.memory_space<vmem>>) offsets(%dma_start3A_319 : memref<128xi32, #tpu.memory_space<vmem>>) semaphore(%arg27 : memref<!tpu.dma_semaphore, #tpu.memory_space<semaphore_mem>>)
    %dma_start3A_323 = arith.constant 2 : i32
    %dma_start3A_324 = arith.constant 0 : i32
    %dma_start3A_325 = arith.constant 0 : i32
    %dma_start3A_326 = tpu.memref_slice %arg21[%dma_start3A_324, %dma_start3A_325] : memref<256x64xf32, #tpu.memory_space<vmem>> -> memref<128x64xf32, #tpu.memory_space<vmem>>
    %dma_start3A_327 = arith.constant 0 : i32
    %dma_start3A_328 = tpu.memref_slice %arg15[%dma_start3A_323, %dma_start3A_327] : memref<4x128xi32, #tpu.memory_space<vmem>> -> memref<1x128xi32, #tpu.memory_space<vmem>>
    %dma_start3A_329 = tpu.memref_squeeze %dma_start3A_328 : memref<1x128xi32, #tpu.memory_space<vmem>> -> memref<128xi32, #tpu.memory_space<vmem>>
    %dma_start3A_330 = arith.constant 0 : i32
    %dma_start3A_331 = arith.constant 0 : i32
    %dma_start3A_332 = tpu.memref_slice %arg9[%dma_start3A_330, %dma_start3A_331] : memref<100000x64xf32, #tpu.memory_space<hbm>> -> memref<100000x64xf32, #tpu.memory_space<hbm>>
    tpu.enqueue_indirect_dma source(%dma_start3A_332 : memref<100000x64xf32, #tpu.memory_space<hbm>>) target(%dma_start3A_326 : memref<128x64xf32, #tpu.memory_space<vmem>>) offsets(%dma_start3A_329 : memref<128xi32, #tpu.memory_space<vmem>>) semaphore(%arg27 : memref<!tpu.dma_semaphore, #tpu.memory_space<semaphore_mem>>)
    %dma_start3A_333 = arith.constant 2 : i32
    %dma_start3A_334 = arith.constant 0 : i32
    %dma_start3A_335 = arith.constant 0 : i32
    %dma_start3A_336 = tpu.memref_slice %arg22[%dma_start3A_334, %dma_start3A_335] : memref<256x64xf32, #tpu.memory_space<vmem>> -> memref<128x64xf32, #tpu.memory_space<vmem>>
    %dma_start3A_337 = arith.constant 0 : i32
    %dma_start3A_338 = tpu.memref_slice %arg16[%dma_start3A_333, %dma_start3A_337] : memref<4x128xi32, #tpu.memory_space<vmem>> -> memref<1x128xi32, #tpu.memory_space<vmem>>
    %dma_start3A_339 = tpu.memref_squeeze %dma_start3A_338 : memref<1x128xi32, #tpu.memory_space<vmem>> -> memref<128xi32, #tpu.memory_space<vmem>>
    %dma_start3A_340 = arith.constant 0 : i32
    %dma_start3A_341 = arith.constant 0 : i32
    %dma_start3A_342 = tpu.memref_slice %arg8[%dma_start3A_340, %dma_start3A_341] : memref<100000x64xf32, #tpu.memory_space<hbm>> -> memref<100000x64xf32, #tpu.memory_space<hbm>>
    tpu.enqueue_indirect_dma source(%dma_start3A_342 : memref<100000x64xf32, #tpu.memory_space<hbm>>) target(%dma_start3A_336 : memref<128x64xf32, #tpu.memory_space<vmem>>) offsets(%dma_start3A_339 : memref<128xi32, #tpu.memory_space<vmem>>) semaphore(%arg27 : memref<!tpu.dma_semaphore, #tpu.memory_space<semaphore_mem>>)
    %dma_start3A_343 = arith.constant 3 : i32
    %dma_start3A_344 = arith.constant 128 : i32
    %dma_start3A_345 = arith.constant 0 : i32
    %dma_start3A_346 = tpu.memref_slice %arg20[%dma_start3A_344, %dma_start3A_345] : memref<256x64xf32, #tpu.memory_space<vmem>> -> memref<128x64xf32, #tpu.memory_space<vmem>>
    %dma_start3A_347 = arith.constant 0 : i32
    %dma_start3A_348 = tpu.memref_slice %arg14[%dma_start3A_343, %dma_start3A_347] : memref<4x128xi32, #tpu.memory_space<vmem>> -> memref<1x128xi32, #tpu.memory_space<vmem>>
    %dma_start3A_349 = tpu.memref_squeeze %dma_start3A_348 : memref<1x128xi32, #tpu.memory_space<vmem>> -> memref<128xi32, #tpu.memory_space<vmem>>
    %dma_start3A_350 = arith.constant 0 : i32
    %dma_start3A_351 = arith.constant 0 : i32
    %dma_start3A_352 = tpu.memref_slice %arg8[%dma_start3A_350, %dma_start3A_351] : memref<100000x64xf32, #tpu.memory_space<hbm>> -> memref<100000x64xf32, #tpu.memory_space<hbm>>
    tpu.enqueue_indirect_dma source(%dma_start3A_352 : memref<100000x64xf32, #tpu.memory_space<hbm>>) target(%dma_start3A_346 : memref<128x64xf32, #tpu.memory_space<vmem>>) offsets(%dma_start3A_349 : memref<128xi32, #tpu.memory_space<vmem>>) semaphore(%arg27 : memref<!tpu.dma_semaphore, #tpu.memory_space<semaphore_mem>>)
    %dma_start3A_353 = arith.constant 3 : i32
    %dma_start3A_354 = arith.constant 128 : i32
    %dma_start3A_355 = arith.constant 0 : i32
    %dma_start3A_356 = tpu.memref_slice %arg21[%dma_start3A_354, %dma_start3A_355] : memref<256x64xf32, #tpu.memory_space<vmem>> -> memref<128x64xf32, #tpu.memory_space<vmem>>
    %dma_start3A_357 = arith.constant 0 : i32
    %dma_start3A_358 = tpu.memref_slice %arg15[%dma_start3A_353, %dma_start3A_357] : memref<4x128xi32, #tpu.memory_space<vmem>> -> memref<1x128xi32, #tpu.memory_space<vmem>>
    %dma_start3A_359 = tpu.memref_squeeze %dma_start3A_358 : memref<1x128xi32, #tpu.memory_space<vmem>> -> memref<128xi32, #tpu.memory_space<vmem>>
    %dma_start3A_360 = arith.constant 0 : i32
    %dma_start3A_361 = arith.constant 0 : i32
    %dma_start3A_362 = tpu.memref_slice %arg9[%dma_start3A_360, %dma_start3A_361] : memref<100000x64xf32, #tpu.memory_space<hbm>> -> memref<100000x64xf32, #tpu.memory_space<hbm>>
    tpu.enqueue_indirect_dma source(%dma_start3A_362 : memref<100000x64xf32, #tpu.memory_space<hbm>>) target(%dma_start3A_356 : memref<128x64xf32, #tpu.memory_space<vmem>>) offsets(%dma_start3A_359 : memref<128xi32, #tpu.memory_space<vmem>>) semaphore(%arg27 : memref<!tpu.dma_semaphore, #tpu.memory_space<semaphore_mem>>)
    %dma_start3A_363 = arith.constant 3 : i32
    %dma_start3A_364 = arith.constant 128 : i32
    %dma_start3A_365 = arith.constant 0 : i32
    %dma_start3A_366 = tpu.memref_slice %arg22[%dma_start3A_364, %dma_start3A_365] : memref<256x64xf32, #tpu.memory_space<vmem>> -> memref<128x64xf32, #tpu.memory_space<vmem>>
    %dma_start3A_367 = arith.constant 0 : i32
    %dma_start3A_368 = tpu.memref_slice %arg16[%dma_start3A_363, %dma_start3A_367] : memref<4x128xi32, #tpu.memory_space<vmem>> -> memref<1x128xi32, #tpu.memory_space<vmem>>
    %dma_start3A_369 = tpu.memref_squeeze %dma_start3A_368 : memref<1x128xi32, #tpu.memory_space<vmem>> -> memref<128xi32, #tpu.memory_space<vmem>>
    %dma_start3A_370 = arith.constant 0 : i32
    %dma_start3A_371 = arith.constant 0 : i32
    %dma_start3A_372 = tpu.memref_slice %arg8[%dma_start3A_370, %dma_start3A_371] : memref<100000x64xf32, #tpu.memory_space<hbm>> -> memref<100000x64xf32, #tpu.memory_space<hbm>>
    tpu.enqueue_indirect_dma source(%dma_start3A_372 : memref<100000x64xf32, #tpu.memory_space<hbm>>) target(%dma_start3A_366 : memref<128x64xf32, #tpu.memory_space<vmem>>) offsets(%dma_start3A_369 : memref<128xi32, #tpu.memory_space<vmem>>) semaphore(%arg27 : memref<!tpu.dma_semaphore, #tpu.memory_space<semaphore_mem>>)
    %dma_wait3A_373 = arith.constant 0 : i32
    %dma_wait3A_374 = arith.constant 0 : i32
    %dma_wait3A_375 = arith.constant 0 : i32
    %dma_wait3A_376 = tpu.memref_slice %arg17[%dma_wait3A_374, %dma_wait3A_375] : memref<256x64xf32, #tpu.memory_space<vmem>> -> memref<128x64xf32, #tpu.memory_space<vmem>>
    %dma_wait3A_377 = arith.constant 0 : i32
    %dma_wait3A_378 = tpu.memref_slice %arg14[%dma_wait3A_373, %dma_wait3A_377] : memref<4x128xi32, #tpu.memory_space<vmem>> -> memref<1x128xi32, #tpu.memory_space<vmem>>
    %dma_wait3A_379 = tpu.memref_squeeze %dma_wait3A_378 : memref<1x128xi32, #tpu.memory_space<vmem>> -> memref<128xi32, #tpu.memory_space<vmem>>
    %dma_wait3A_380 = arith.constant 0 : i32
    %dma_wait3A_381 = arith.constant 0 : i32
    %dma_wait3A_382 = tpu.memref_slice %arg8[%dma_wait3A_380, %dma_wait3A_381] : memref<100000x64xf32, #tpu.memory_space<hbm>> -> memref<100000x64xf32, #tpu.memory_space<hbm>>
    tpu.wait_indirect_dma semaphore(%arg26 : memref<!tpu.dma_semaphore, #tpu.memory_space<semaphore_mem>>) src(%dma_wait3A_382 : memref<100000x64xf32, #tpu.memory_space<hbm>>) dst(%dma_wait3A_376 : memref<128x64xf32, #tpu.memory_space<vmem>>)
    %dma_wait3A_383 = arith.constant 0 : i32
    %dma_wait3A_384 = arith.constant 0 : i32
    %dma_wait3A_385 = arith.constant 0 : i32
    %dma_wait3A_386 = tpu.memref_slice %arg18[%dma_wait3A_384, %dma_wait3A_385] : memref<256x64xf32, #tpu.memory_space<vmem>> -> memref<128x64xf32, #tpu.memory_space<vmem>>
    %dma_wait3A_387 = arith.constant 0 : i32
    %dma_wait3A_388 = tpu.memref_slice %arg15[%dma_wait3A_383, %dma_wait3A_387] : memref<4x128xi32, #tpu.memory_space<vmem>> -> memref<1x128xi32, #tpu.memory_space<vmem>>
    %dma_wait3A_389 = tpu.memref_squeeze %dma_wait3A_388 : memref<1x128xi32, #tpu.memory_space<vmem>> -> memref<128xi32, #tpu.memory_space<vmem>>
    %dma_wait3A_390 = arith.constant 0 : i32
    %dma_wait3A_391 = arith.constant 0 : i32
    %dma_wait3A_392 = tpu.memref_slice %arg9[%dma_wait3A_390, %dma_wait3A_391] : memref<100000x64xf32, #tpu.memory_space<hbm>> -> memref<100000x64xf32, #tpu.memory_space<hbm>>
    tpu.wait_indirect_dma semaphore(%arg26 : memref<!tpu.dma_semaphore, #tpu.memory_space<semaphore_mem>>) src(%dma_wait3A_392 : memref<100000x64xf32, #tpu.memory_space<hbm>>) dst(%dma_wait3A_386 : memref<128x64xf32, #tpu.memory_space<vmem>>)
    %dma_wait3A_393 = arith.constant 0 : i32
    %dma_wait3A_394 = arith.constant 0 : i32
    %dma_wait3A_395 = arith.constant 0 : i32
    %dma_wait3A_396 = tpu.memref_slice %arg19[%dma_wait3A_394, %dma_wait3A_395] : memref<256x64xf32, #tpu.memory_space<vmem>> -> memref<128x64xf32, #tpu.memory_space<vmem>>
    %dma_wait3A_397 = arith.constant 0 : i32
    %dma_wait3A_398 = tpu.memref_slice %arg16[%dma_wait3A_393, %dma_wait3A_397] : memref<4x128xi32, #tpu.memory_space<vmem>> -> memref<1x128xi32, #tpu.memory_space<vmem>>
    %dma_wait3A_399 = tpu.memref_squeeze %dma_wait3A_398 : memref<1x128xi32, #tpu.memory_space<vmem>> -> memref<128xi32, #tpu.memory_space<vmem>>
    %dma_wait3A_400 = arith.constant 0 : i32
    %dma_wait3A_401 = arith.constant 0 : i32
    %dma_wait3A_402 = tpu.memref_slice %arg8[%dma_wait3A_400, %dma_wait3A_401] : memref<100000x64xf32, #tpu.memory_space<hbm>> -> memref<100000x64xf32, #tpu.memory_space<hbm>>
    tpu.wait_indirect_dma semaphore(%arg26 : memref<!tpu.dma_semaphore, #tpu.memory_space<semaphore_mem>>) src(%dma_wait3A_402 : memref<100000x64xf32, #tpu.memory_space<hbm>>) dst(%dma_wait3A_396 : memref<128x64xf32, #tpu.memory_space<vmem>>)
    %dma_wait3A_403 = arith.constant 1 : i32
    %dma_wait3A_404 = arith.constant 128 : i32
    %dma_wait3A_405 = arith.constant 0 : i32
    %dma_wait3A_406 = tpu.memref_slice %arg17[%dma_wait3A_404, %dma_wait3A_405] : memref<256x64xf32, #tpu.memory_space<vmem>> -> memref<128x64xf32, #tpu.memory_space<vmem>>
    %dma_wait3A_407 = arith.constant 0 : i32
    %dma_wait3A_408 = tpu.memref_slice %arg14[%dma_wait3A_403, %dma_wait3A_407] : memref<4x128xi32, #tpu.memory_space<vmem>> -> memref<1x128xi32, #tpu.memory_space<vmem>>
    %dma_wait3A_409 = tpu.memref_squeeze %dma_wait3A_408 : memref<1x128xi32, #tpu.memory_space<vmem>> -> memref<128xi32, #tpu.memory_space<vmem>>
    %dma_wait3A_410 = arith.constant 0 : i32
    %dma_wait3A_411 = arith.constant 0 : i32
    %dma_wait3A_412 = tpu.memref_slice %arg8[%dma_wait3A_410, %dma_wait3A_411] : memref<100000x64xf32, #tpu.memory_space<hbm>> -> memref<100000x64xf32, #tpu.memory_space<hbm>>
    tpu.wait_indirect_dma semaphore(%arg26 : memref<!tpu.dma_semaphore, #tpu.memory_space<semaphore_mem>>) src(%dma_wait3A_412 : memref<100000x64xf32, #tpu.memory_space<hbm>>) dst(%dma_wait3A_406 : memref<128x64xf32, #tpu.memory_space<vmem>>)
    %dma_wait3A_413 = arith.constant 1 : i32
    %dma_wait3A_414 = arith.constant 128 : i32
    %dma_wait3A_415 = arith.constant 0 : i32
    %dma_wait3A_416 = tpu.memref_slice %arg18[%dma_wait3A_414, %dma_wait3A_415] : memref<256x64xf32, #tpu.memory_space<vmem>> -> memref<128x64xf32, #tpu.memory_space<vmem>>
    %dma_wait3A_417 = arith.constant 0 : i32
    %dma_wait3A_418 = tpu.memref_slice %arg15[%dma_wait3A_413, %dma_wait3A_417] : memref<4x128xi32, #tpu.memory_space<vmem>> -> memref<1x128xi32, #tpu.memory_space<vmem>>
    %dma_wait3A_419 = tpu.memref_squeeze %dma_wait3A_418 : memref<1x128xi32, #tpu.memory_space<vmem>> -> memref<128xi32, #tpu.memory_space<vmem>>
    %dma_wait3A_420 = arith.constant 0 : i32
    %dma_wait3A_421 = arith.constant 0 : i32
    %dma_wait3A_422 = tpu.memref_slice %arg9[%dma_wait3A_420, %dma_wait3A_421] : memref<100000x64xf32, #tpu.memory_space<hbm>> -> memref<100000x64xf32, #tpu.memory_space<hbm>>
    tpu.wait_indirect_dma semaphore(%arg26 : memref<!tpu.dma_semaphore, #tpu.memory_space<semaphore_mem>>) src(%dma_wait3A_422 : memref<100000x64xf32, #tpu.memory_space<hbm>>) dst(%dma_wait3A_416 : memref<128x64xf32, #tpu.memory_space<vmem>>)
    %dma_wait3A_423 = arith.constant 1 : i32
    %dma_wait3A_424 = arith.constant 128 : i32
    %dma_wait3A_425 = arith.constant 0 : i32
    %dma_wait3A_426 = tpu.memref_slice %arg19[%dma_wait3A_424, %dma_wait3A_425] : memref<256x64xf32, #tpu.memory_space<vmem>> -> memref<128x64xf32, #tpu.memory_space<vmem>>
    %dma_wait3A_427 = arith.constant 0 : i32
    %dma_wait3A_428 = tpu.memref_slice %arg16[%dma_wait3A_423, %dma_wait3A_427] : memref<4x128xi32, #tpu.memory_space<vmem>> -> memref<1x128xi32, #tpu.memory_space<vmem>>
    %dma_wait3A_429 = tpu.memref_squeeze %dma_wait3A_428 : memref<1x128xi32, #tpu.memory_space<vmem>> -> memref<128xi32, #tpu.memory_space<vmem>>
    %dma_wait3A_430 = arith.constant 0 : i32
    %dma_wait3A_431 = arith.constant 0 : i32
    %dma_wait3A_432 = tpu.memref_slice %arg8[%dma_wait3A_430, %dma_wait3A_431] : memref<100000x64xf32, #tpu.memory_space<hbm>> -> memref<100000x64xf32, #tpu.memory_space<hbm>>
    tpu.wait_indirect_dma semaphore(%arg26 : memref<!tpu.dma_semaphore, #tpu.memory_space<semaphore_mem>>) src(%dma_wait3A_432 : memref<100000x64xf32, #tpu.memory_space<hbm>>) dst(%dma_wait3A_426 : memref<128x64xf32, #tpu.memory_space<vmem>>)
    %scan3A_433 = arith.constant 0 : i32
    %scan3A_434 = arith.constant 16 : i32
    %scan3A_435 = arith.addi %scan3A_433, %scan3A_434 : i32
    %scan3A_436 = arith.constant 1 : i32
    %scan3A_437 = scf.for %scan3A_887 = %scan3A_433 to %scan3A_435 step %scan3A_436 iter_args(%scan3A_888 = %iota3A) -> (vector<16xi32>)  : i32 {
      %scan3A_889 = arith.constant 0 : i32
      %scan3A_890 = arith.constant 4 : i32
      %scan3A_891 = arith.addi %scan3A_889, %scan3A_890 : i32
      %scan3A_892 = arith.constant 1 : i32
      %scan3A_893:3 = scf.for %scan3A_975 = %scan3A_889 to %scan3A_891 step %scan3A_892 iter_args(%scan3A_976 = %broadcast_in_dim3A_1, %scan3A_977 = %broadcast_in_dim3A_1, %scan3A_978 = %iota3A) -> (vector<16xf32>, vector<16xf32>, vector<16xi32>)  : i32 {
        %gather3A = tpu.vector_load_idx %arg17[%scan3A_888, %scan3A_978] : memref<256x64xf32, #tpu.memory_space<vmem>>[vector<16xi32>, vector<16xi32>], vector<16xf32>,
        %gather3A_979 = tpu.vector_load_idx %arg19[%scan3A_888, %scan3A_978] : memref<256x64xf32, #tpu.memory_space<vmem>>[vector<16xi32>, vector<16xi32>], vector<16xf32>,
        %mul3A_980 = arith.mulf %gather3A, %gather3A : vector<16xf32>
        %add3A_981 = arith.addf %scan3A_976, %mul3A_980 : vector<16xf32>
        %mul3A_982 = arith.mulf %gather3A_979, %gather3A_979 : vector<16xf32>
        %add3A_983 = arith.addf %scan3A_977, %mul3A_982 : vector<16xf32>
        %add3A_984 = arith.constant 1 : i32
        %add3A_985 = vector.broadcast %add3A_984 : i32 to vector<16xi32>
        %add3A_986 = arith.addi %scan3A_978, %add3A_985 : vector<16xi32>
        %and3A = arith.constant 63 : i32
        %and3A_987 = vector.broadcast %and3A : i32 to vector<16xi32>
        %and3A_988 = arith.andi %add3A_986, %and3A_987 : vector<16xi32>
        %gather3A_989 = tpu.vector_load_idx %arg17[%scan3A_888, %and3A_988] : memref<256x64xf32, #tpu.memory_space<vmem>>[vector<16xi32>, vector<16xi32>], vector<16xf32>,
        %gather3A_990 = tpu.vector_load_idx %arg19[%scan3A_888, %and3A_988] : memref<256x64xf32, #tpu.memory_space<vmem>>[vector<16xi32>, vector<16xi32>], vector<16xf32>,
        %mul3A_991 = arith.mulf %gather3A_989, %gather3A_989 : vector<16xf32>
        %add3A_992 = arith.addf %add3A_981, %mul3A_991 : vector<16xf32>
        %mul3A_993 = arith.mulf %gather3A_990, %gather3A_990 : vector<16xf32>
        %add3A_994 = arith.addf %add3A_983, %mul3A_993 : vector<16xf32>
        %add3A_995 = arith.constant 1 : i32
        %add3A_996 = vector.broadcast %add3A_995 : i32 to vector<16xi32>
        %add3A_997 = arith.addi %and3A_988, %add3A_996 : vector<16xi32>
        %and3A_998 = arith.constant 63 : i32
        %and3A_999 = vector.broadcast %and3A_998 : i32 to vector<16xi32>
        %and3A_1000 = arith.andi %add3A_997, %and3A_999 : vector<16xi32>
        %gather3A_1001 = tpu.vector_load_idx %arg17[%scan3A_888, %and3A_1000] : memref<256x64xf32, #tpu.memory_space<vmem>>[vector<16xi32>, vector<16xi32>], vector<16xf32>,
        %gather3A_1002 = tpu.vector_load_idx %arg19[%scan3A_888, %and3A_1000] : memref<256x64xf32, #tpu.memory_space<vmem>>[vector<16xi32>, vector<16xi32>], vector<16xf32>,
        %mul3A_1003 = arith.mulf %gather3A_1001, %gather3A_1001 : vector<16xf32>
        %add3A_1004 = arith.addf %add3A_992, %mul3A_1003 : vector<16xf32>
        %mul3A_1005 = arith.mulf %gather3A_1002, %gather3A_1002 : vector<16xf32>
        %add3A_1006 = arith.addf %add3A_994, %mul3A_1005 : vector<16xf32>
        %add3A_1007 = arith.constant 1 : i32
        %add3A_1008 = vector.broadcast %add3A_1007 : i32 to vector<16xi32>
        %add3A_1009 = arith.addi %and3A_1000, %add3A_1008 : vector<16xi32>
        %and3A_1010 = arith.constant 63 : i32
        %and3A_1011 = vector.broadcast %and3A_1010 : i32 to vector<16xi32>
        %and3A_1012 = arith.andi %add3A_1009, %and3A_1011 : vector<16xi32>
        %gather3A_1013 = tpu.vector_load_idx %arg17[%scan3A_888, %and3A_1012] : memref<256x64xf32, #tpu.memory_space<vmem>>[vector<16xi32>, vector<16xi32>], vector<16xf32>,
        %gather3A_1014 = tpu.vector_load_idx %arg19[%scan3A_888, %and3A_1012] : memref<256x64xf32, #tpu.memory_space<vmem>>[vector<16xi32>, vector<16xi32>], vector<16xf32>,
        %mul3A_1015 = arith.mulf %gather3A_1013, %gather3A_1013 : vector<16xf32>
        %add3A_1016 = arith.addf %add3A_1004, %mul3A_1015 : vector<16xf32>
        %mul3A_1017 = arith.mulf %gather3A_1014, %gather3A_1014 : vector<16xf32>
        %add3A_1018 = arith.addf %add3A_1006, %mul3A_1017 : vector<16xf32>
        %add3A_1019 = arith.constant 1 : i32
        %add3A_1020 = vector.broadcast %add3A_1019 : i32 to vector<16xi32>
        %add3A_1021 = arith.addi %and3A_1012, %add3A_1020 : vector<16xi32>
        %and3A_1022 = arith.constant 63 : i32
        %and3A_1023 = vector.broadcast %and3A_1022 : i32 to vector<16xi32>
        %and3A_1024 = arith.andi %add3A_1021, %and3A_1023 : vector<16xi32>
        %gather3A_1025 = tpu.vector_load_idx %arg17[%scan3A_888, %and3A_1024] : memref<256x64xf32, #tpu.memory_space<vmem>>[vector<16xi32>, vector<16xi32>], vector<16xf32>,
        %gather3A_1026 = tpu.vector_load_idx %arg19[%scan3A_888, %and3A_1024] : memref<256x64xf32, #tpu.memory_space<vmem>>[vector<16xi32>, vector<16xi32>], vector<16xf32>,
        %mul3A_1027 = arith.mulf %gather3A_1025, %gather3A_1025 : vector<16xf32>
        %add3A_1028 = arith.addf %add3A_1016, %mul3A_1027 : vector<16xf32>
        %mul3A_1029 = arith.mulf %gather3A_1026, %gather3A_1026 : vector<16xf32>
        %add3A_1030 = arith.addf %add3A_1018, %mul3A_1029 : vector<16xf32>
        %add3A_1031 = arith.constant 1 : i32
        %add3A_1032 = vector.broadcast %add3A_1031 : i32 to vector<16xi32>
        %add3A_1033 = arith.addi %and3A_1024, %add3A_1032 : vector<16xi32>
        %and3A_1034 = arith.constant 63 : i32
        %and3A_1035 = vector.broadcast %and3A_1034 : i32 to vector<16xi32>
        %and3A_1036 = arith.andi %add3A_1033, %and3A_1035 : vector<16xi32>
        %gather3A_1037 = tpu.vector_load_idx %arg17[%scan3A_888, %and3A_1036] : memref<256x64xf32, #tpu.memory_space<vmem>>[vector<16xi32>, vector<16xi32>], vector<16xf32>,
        %gather3A_1038 = tpu.vector_load_idx %arg19[%scan3A_888, %and3A_1036] : memref<256x64xf32, #tpu.memory_space<vmem>>[vector<16xi32>, vector<16xi32>], vector<16xf32>,
        %mul3A_1039 = arith.mulf %gather3A_1037, %gather3A_1037 : vector<16xf32>
        %add3A_1040 = arith.addf %add3A_1028, %mul3A_1039 : vector<16xf32>
        %mul3A_1041 = arith.mulf %gather3A_1038, %gather3A_1038 : vector<16xf32>
        %add3A_1042 = arith.addf %add3A_1030, %mul3A_1041 : vector<16xf32>
        %add3A_1043 = arith.constant 1 : i32
        %add3A_1044 = vector.broadcast %add3A_1043 : i32 to vector<16xi32>
        %add3A_1045 = arith.addi %and3A_1036, %add3A_1044 : vector<16xi32>
        %and3A_1046 = arith.constant 63 : i32
        %and3A_1047 = vector.broadcast %and3A_1046 : i32 to vector<16xi32>
        %and3A_1048 = arith.andi %add3A_1045, %and3A_1047 : vector<16xi32>
        %gather3A_1049 = tpu.vector_load_idx %arg17[%scan3A_888, %and3A_1048] : memref<256x64xf32, #tpu.memory_space<vmem>>[vector<16xi32>, vector<16xi32>], vector<16xf32>,
        %gather3A_1050 = tpu.vector_load_idx %arg19[%scan3A_888, %and3A_1048] : memref<256x64xf32, #tpu.memory_space<vmem>>[vector<16xi32>, vector<16xi32>], vector<16xf32>,
        %mul3A_1051 = arith.mulf %gather3A_1049, %gather3A_1049 : vector<16xf32>
        %add3A_1052 = arith.addf %add3A_1040, %mul3A_1051 : vector<16xf32>
        %mul3A_1053 = arith.mulf %gather3A_1050, %gather3A_1050 : vector<16xf32>
        %add3A_1054 = arith.addf %add3A_1042, %mul3A_1053 : vector<16xf32>
        %add3A_1055 = arith.constant 1 : i32
        %add3A_1056 = vector.broadcast %add3A_1055 : i32 to vector<16xi32>
        %add3A_1057 = arith.addi %and3A_1048, %add3A_1056 : vector<16xi32>
        %and3A_1058 = arith.constant 63 : i32
        %and3A_1059 = vector.broadcast %and3A_1058 : i32 to vector<16xi32>
        %and3A_1060 = arith.andi %add3A_1057, %and3A_1059 : vector<16xi32>
        %gather3A_1061 = tpu.vector_load_idx %arg17[%scan3A_888, %and3A_1060] : memref<256x64xf32, #tpu.memory_space<vmem>>[vector<16xi32>, vector<16xi32>], vector<16xf32>,
        %gather3A_1062 = tpu.vector_load_idx %arg19[%scan3A_888, %and3A_1060] : memref<256x64xf32, #tpu.memory_space<vmem>>[vector<16xi32>, vector<16xi32>], vector<16xf32>,
        %mul3A_1063 = arith.mulf %gather3A_1061, %gather3A_1061 : vector<16xf32>
        %add3A_1064 = arith.addf %add3A_1052, %mul3A_1063 : vector<16xf32>
        %mul3A_1065 = arith.mulf %gather3A_1062, %gather3A_1062 : vector<16xf32>
        %add3A_1066 = arith.addf %add3A_1054, %mul3A_1065 : vector<16xf32>
        %add3A_1067 = arith.constant 1 : i32
        %add3A_1068 = vector.broadcast %add3A_1067 : i32 to vector<16xi32>
        %add3A_1069 = arith.addi %and3A_1060, %add3A_1068 : vector<16xi32>
        %and3A_1070 = arith.constant 63 : i32
        %and3A_1071 = vector.broadcast %and3A_1070 : i32 to vector<16xi32>
        %and3A_1072 = arith.andi %add3A_1069, %and3A_1071 : vector<16xi32>
        %gather3A_1073 = tpu.vector_load_idx %arg17[%scan3A_888, %and3A_1072] : memref<256x64xf32, #tpu.memory_space<vmem>>[vector<16xi32>, vector<16xi32>], vector<16xf32>,
        %gather3A_1074 = tpu.vector_load_idx %arg19[%scan3A_888, %and3A_1072] : memref<256x64xf32, #tpu.memory_space<vmem>>[vector<16xi32>, vector<16xi32>], vector<16xf32>,
        %mul3A_1075 = arith.mulf %gather3A_1073, %gather3A_1073 : vector<16xf32>
        %add3A_1076 = arith.addf %add3A_1064, %mul3A_1075 : vector<16xf32>
        %mul3A_1077 = arith.mulf %gather3A_1074, %gather3A_1074 : vector<16xf32>
        %add3A_1078 = arith.addf %add3A_1066, %mul3A_1077 : vector<16xf32>
        %add3A_1079 = arith.constant 1 : i32
        %add3A_1080 = vector.broadcast %add3A_1079 : i32 to vector<16xi32>
        %add3A_1081 = arith.addi %and3A_1072, %add3A_1080 : vector<16xi32>
        %and3A_1082 = arith.constant 63 : i32
        %and3A_1083 = vector.broadcast %and3A_1082 : i32 to vector<16xi32>
        %and3A_1084 = arith.andi %add3A_1081, %and3A_1083 : vector<16xi32>
        %gather3A_1085 = tpu.vector_load_idx %arg17[%scan3A_888, %and3A_1084] : memref<256x64xf32, #tpu.memory_space<vmem>>[vector<16xi32>, vector<16xi32>], vector<16xf32>,
        %gather3A_1086 = tpu.vector_load_idx %arg19[%scan3A_888, %and3A_1084] : memref<256x64xf32, #tpu.memory_space<vmem>>[vector<16xi32>, vector<16xi32>], vector<16xf32>,
        %mul3A_1087 = arith.mulf %gather3A_1085, %gather3A_1085 : vector<16xf32>
        %add3A_1088 = arith.addf %add3A_1076, %mul3A_1087 : vector<16xf32>
        %mul3A_1089 = arith.mulf %gather3A_1086, %gather3A_1086 : vector<16xf32>
        %add3A_1090 = arith.addf %add3A_1078, %mul3A_1089 : vector<16xf32>
        %add3A_1091 = arith.constant 1 : i32
        %add3A_1092 = vector.broadcast %add3A_1091 : i32 to vector<16xi32>
        %add3A_1093 = arith.addi %and3A_1084, %add3A_1092 : vector<16xi32>
        %and3A_1094 = arith.constant 63 : i32
        %and3A_1095 = vector.broadcast %and3A_1094 : i32 to vector<16xi32>
        %and3A_1096 = arith.andi %add3A_1093, %and3A_1095 : vector<16xi32>
        %gather3A_1097 = tpu.vector_load_idx %arg17[%scan3A_888, %and3A_1096] : memref<256x64xf32, #tpu.memory_space<vmem>>[vector<16xi32>, vector<16xi32>], vector<16xf32>,
        %gather3A_1098 = tpu.vector_load_idx %arg19[%scan3A_888, %and3A_1096] : memref<256x64xf32, #tpu.memory_space<vmem>>[vector<16xi32>, vector<16xi32>], vector<16xf32>,
        %mul3A_1099 = arith.mulf %gather3A_1097, %gather3A_1097 : vector<16xf32>
        %add3A_1100 = arith.addf %add3A_1088, %mul3A_1099 : vector<16xf32>
        %mul3A_1101 = arith.mulf %gather3A_1098, %gather3A_1098 : vector<16xf32>
        %add3A_1102 = arith.addf %add3A_1090, %mul3A_1101 : vector<16xf32>
        %add3A_1103 = arith.constant 1 : i32
        %add3A_1104 = vector.broadcast %add3A_1103 : i32 to vector<16xi32>
        %add3A_1105 = arith.addi %and3A_1096, %add3A_1104 : vector<16xi32>
        %and3A_1106 = arith.constant 63 : i32
        %and3A_1107 = vector.broadcast %and3A_1106 : i32 to vector<16xi32>
        %and3A_1108 = arith.andi %add3A_1105, %and3A_1107 : vector<16xi32>
        %gather3A_1109 = tpu.vector_load_idx %arg17[%scan3A_888, %and3A_1108] : memref<256x64xf32, #tpu.memory_space<vmem>>[vector<16xi32>, vector<16xi32>], vector<16xf32>,
        %gather3A_1110 = tpu.vector_load_idx %arg19[%scan3A_888, %and3A_1108] : memref<256x64xf32, #tpu.memory_space<vmem>>[vector<16xi32>, vector<16xi32>], vector<16xf32>,
        %mul3A_1111 = arith.mulf %gather3A_1109, %gather3A_1109 : vector<16xf32>
        %add3A_1112 = arith.addf %add3A_1100, %mul3A_1111 : vector<16xf32>
        %mul3A_1113 = arith.mulf %gather3A_1110, %gather3A_1110 : vector<16xf32>
        %add3A_1114 = arith.addf %add3A_1102, %mul3A_1113 : vector<16xf32>
        %add3A_1115 = arith.constant 1 : i32
        %add3A_1116 = vector.broadcast %add3A_1115 : i32 to vector<16xi32>
        %add3A_1117 = arith.addi %and3A_1108, %add3A_1116 : vector<16xi32>
        %and3A_1118 = arith.constant 63 : i32
        %and3A_1119 = vector.broadcast %and3A_1118 : i32 to vector<16xi32>
        %and3A_1120 = arith.andi %add3A_1117, %and3A_1119 : vector<16xi32>
        %gather3A_1121 = tpu.vector_load_idx %arg17[%scan3A_888, %and3A_1120] : memref<256x64xf32, #tpu.memory_space<vmem>>[vector<16xi32>, vector<16xi32>], vector<16xf32>,
        %gather3A_1122 = tpu.vector_load_idx %arg19[%scan3A_888, %and3A_1120] : memref<256x64xf32, #tpu.memory_space<vmem>>[vector<16xi32>, vector<16xi32>], vector<16xf32>,
        %mul3A_1123 = arith.mulf %gather3A_1121, %gather3A_1121 : vector<16xf32>
        %add3A_1124 = arith.addf %add3A_1112, %mul3A_1123 : vector<16xf32>
        %mul3A_1125 = arith.mulf %gather3A_1122, %gather3A_1122 : vector<16xf32>
        %add3A_1126 = arith.addf %add3A_1114, %mul3A_1125 : vector<16xf32>
        %add3A_1127 = arith.constant 1 : i32
        %add3A_1128 = vector.broadcast %add3A_1127 : i32 to vector<16xi32>
        %add3A_1129 = arith.addi %and3A_1120, %add3A_1128 : vector<16xi32>
        %and3A_1130 = arith.constant 63 : i32
        %and3A_1131 = vector.broadcast %and3A_1130 : i32 to vector<16xi32>
        %and3A_1132 = arith.andi %add3A_1129, %and3A_1131 : vector<16xi32>
        %gather3A_1133 = tpu.vector_load_idx %arg17[%scan3A_888, %and3A_1132] : memref<256x64xf32, #tpu.memory_space<vmem>>[vector<16xi32>, vector<16xi32>], vector<16xf32>,
        %gather3A_1134 = tpu.vector_load_idx %arg19[%scan3A_888, %and3A_1132] : memref<256x64xf32, #tpu.memory_space<vmem>>[vector<16xi32>, vector<16xi32>], vector<16xf32>,
        %mul3A_1135 = arith.mulf %gather3A_1133, %gather3A_1133 : vector<16xf32>
        %add3A_1136 = arith.addf %add3A_1124, %mul3A_1135 : vector<16xf32>
        %mul3A_1137 = arith.mulf %gather3A_1134, %gather3A_1134 : vector<16xf32>
        %add3A_1138 = arith.addf %add3A_1126, %mul3A_1137 : vector<16xf32>
        %add3A_1139 = arith.constant 1 : i32
        %add3A_1140 = vector.broadcast %add3A_1139 : i32 to vector<16xi32>
        %add3A_1141 = arith.addi %and3A_1132, %add3A_1140 : vector<16xi32>
        %and3A_1142 = arith.constant 63 : i32
        %and3A_1143 = vector.broadcast %and3A_1142 : i32 to vector<16xi32>
        %and3A_1144 = arith.andi %add3A_1141, %and3A_1143 : vector<16xi32>
        %gather3A_1145 = tpu.vector_load_idx %arg17[%scan3A_888, %and3A_1144] : memref<256x64xf32, #tpu.memory_space<vmem>>[vector<16xi32>, vector<16xi32>], vector<16xf32>,
        %gather3A_1146 = tpu.vector_load_idx %arg19[%scan3A_888, %and3A_1144] : memref<256x64xf32, #tpu.memory_space<vmem>>[vector<16xi32>, vector<16xi32>], vector<16xf32>,
        %mul3A_1147 = arith.mulf %gather3A_1145, %gather3A_1145 : vector<16xf32>
        %add3A_1148 = arith.addf %add3A_1136, %mul3A_1147 : vector<16xf32>
        %mul3A_1149 = arith.mulf %gather3A_1146, %gather3A_1146 : vector<16xf32>
        %add3A_1150 = arith.addf %add3A_1138, %mul3A_1149 : vector<16xf32>
        %add3A_1151 = arith.constant 1 : i32
        %add3A_1152 = vector.broadcast %add3A_1151 : i32 to vector<16xi32>
        %add3A_1153 = arith.addi %and3A_1144, %add3A_1152 : vector<16xi32>
        %and3A_1154 = arith.constant 63 : i32
        %and3A_1155 = vector.broadcast %and3A_1154 : i32 to vector<16xi32>
        %and3A_1156 = arith.andi %add3A_1153, %and3A_1155 : vector<16xi32>
        %gather3A_1157 = tpu.vector_load_idx %arg17[%scan3A_888, %and3A_1156] : memref<256x64xf32, #tpu.memory_space<vmem>>[vector<16xi32>, vector<16xi32>], vector<16xf32>,
        %gather3A_1158 = tpu.vector_load_idx %arg19[%scan3A_888, %and3A_1156] : memref<256x64xf32, #tpu.memory_space<vmem>>[vector<16xi32>, vector<16xi32>], vector<16xf32>,
        %mul3A_1159 = arith.mulf %gather3A_1157, %gather3A_1157 : vector<16xf32>
        %add3A_1160 = arith.addf %add3A_1148, %mul3A_1159 : vector<16xf32>
        %mul3A_1161 = arith.mulf %gather3A_1158, %gather3A_1158 : vector<16xf32>
        %add3A_1162 = arith.addf %add3A_1150, %mul3A_1161 : vector<16xf32>
        %add3A_1163 = arith.constant 1 : i32
        %add3A_1164 = vector.broadcast %add3A_1163 : i32 to vector<16xi32>
        %add3A_1165 = arith.addi %and3A_1156, %add3A_1164 : vector<16xi32>
        %and3A_1166 = arith.constant 63 : i32
        %and3A_1167 = vector.broadcast %and3A_1166 : i32 to vector<16xi32>
        %and3A_1168 = arith.andi %add3A_1165, %and3A_1167 : vector<16xi32>
        scf.yield %add3A_1160, %add3A_1162, %and3A_1168 : vector<16xf32>, vector<16xf32>, vector<16xi32>
      }
      %scan3A_894 = arith.constant 4 : i32
      %bitcast_convert_type3A = tpu.bitcast %scan3A_893#0 : vector<16xf32> -> vector<16xi32>
      %shift_right_arithmetic3A = arith.constant 1 : i32
      %shift_right_arithmetic3A_895 = vector.broadcast %shift_right_arithmetic3A : i32 to vector<16xi32>
      %shift_right_arithmetic3A_896 = arith.shrsi %bitcast_convert_type3A, %shift_right_arithmetic3A_895 : vector<16xi32>
      %sub3A_897 = arith.constant 1597463007 : i32
      %sub3A_898 = vector.broadcast %sub3A_897 : i32 to vector<16xi32>
      %sub3A_899 = arith.subi %sub3A_898, %shift_right_arithmetic3A_896 : vector<16xi32>
      %bitcast_convert_type3A_900 = tpu.bitcast %sub3A_899 : vector<16xi32> -> vector<16xf32>
      %mul3A_901 = arith.constant 5.000000e-01 : f32
      %mul3A_902 = vector.broadcast %mul3A_901 : f32 to vector<16xf32>
      %mul3A_903 = arith.mulf %mul3A_902, %scan3A_893#0 : vector<16xf32>
      %mul3A_904 = arith.mulf %mul3A_903, %bitcast_convert_type3A_900 : vector<16xf32>
      %mul3A_905 = arith.mulf %mul3A_904, %bitcast_convert_type3A_900 : vector<16xf32>
      %sub3A_906 = arith.constant 1.500000e+00 : f32
      %sub3A_907 = vector.broadcast %sub3A_906 : f32 to vector<16xf32>
      %sub3A_908 = arith.subf %sub3A_907, %mul3A_905 : vector<16xf32>
      %mul3A_909 = arith.mulf %bitcast_convert_type3A_900, %sub3A_908 : vector<16xf32>
      %mul3A_910 = arith.constant 5.000000e-01 : f32
      %mul3A_911 = vector.broadcast %mul3A_910 : f32 to vector<16xf32>
      %mul3A_912 = arith.mulf %mul3A_911, %scan3A_893#0 : vector<16xf32>
      %mul3A_913 = arith.mulf %mul3A_912, %mul3A_909 : vector<16xf32>
      %mul3A_914 = arith.mulf %mul3A_913, %mul3A_909 : vector<16xf32>
      %sub3A_915 = arith.constant 1.500000e+00 : f32
      %sub3A_916 = vector.broadcast %sub3A_915 : f32 to vector<16xf32>
      %sub3A_917 = arith.subf %sub3A_916, %mul3A_914 : vector<16xf32>
      %mul3A_918 = arith.mulf %mul3A_909, %sub3A_917 : vector<16xf32>
      %mul3A_919 = arith.constant 5.000000e-01 : f32
      %mul3A_920 = vector.broadcast %mul3A_919 : f32 to vector<16xf32>
      %mul3A_921 = arith.mulf %mul3A_920, %scan3A_893#0 : vector<16xf32>
      %mul3A_922 = arith.mulf %mul3A_921, %mul3A_918 : vector<16xf32>
      %mul3A_923 = arith.mulf %mul3A_922, %mul3A_918 : vector<16xf32>
      %sub3A_924 = arith.constant 1.500000e+00 : f32
      %sub3A_925 = vector.broadcast %sub3A_924 : f32 to vector<16xf32>
      %sub3A_926 = arith.subf %sub3A_925, %mul3A_923 : vector<16xf32>
      %mul3A_927 = arith.mulf %mul3A_918, %sub3A_926 : vector<16xf32>
      %bitcast_convert_type3A_928 = tpu.bitcast %scan3A_893#1 : vector<16xf32> -> vector<16xi32>
      %shift_right_arithmetic3A_929 = arith.constant 1 : i32
      %shift_right_arithmetic3A_930 = vector.broadcast %shift_right_arithmetic3A_929 : i32 to vector<16xi32>
      %shift_right_arithmetic3A_931 = arith.shrsi %bitcast_convert_type3A_928, %shift_right_arithmetic3A_930 : vector<16xi32>
      %sub3A_932 = arith.constant 1597463007 : i32
      %sub3A_933 = vector.broadcast %sub3A_932 : i32 to vector<16xi32>
      %sub3A_934 = arith.subi %sub3A_933, %shift_right_arithmetic3A_931 : vector<16xi32>
      %bitcast_convert_type3A_935 = tpu.bitcast %sub3A_934 : vector<16xi32> -> vector<16xf32>
      %mul3A_936 = arith.constant 5.000000e-01 : f32
      %mul3A_937 = vector.broadcast %mul3A_936 : f32 to vector<16xf32>
      %mul3A_938 = arith.mulf %mul3A_937, %scan3A_893#1 : vector<16xf32>
      %mul3A_939 = arith.mulf %mul3A_938, %bitcast_convert_type3A_935 : vector<16xf32>
      %mul3A_940 = arith.mulf %mul3A_939, %bitcast_convert_type3A_935 : vector<16xf32>
      %sub3A_941 = arith.constant 1.500000e+00 : f32
      %sub3A_942 = vector.broadcast %sub3A_941 : f32 to vector<16xf32>
      %sub3A_943 = arith.subf %sub3A_942, %mul3A_940 : vector<16xf32>
      %mul3A_944 = arith.mulf %bitcast_convert_type3A_935, %sub3A_943 : vector<16xf32>
      %mul3A_945 = arith.constant 5.000000e-01 : f32
      %mul3A_946 = vector.broadcast %mul3A_945 : f32 to vector<16xf32>
      %mul3A_947 = arith.mulf %mul3A_946, %scan3A_893#1 : vector<16xf32>
      %mul3A_948 = arith.mulf %mul3A_947, %mul3A_944 : vector<16xf32>
      %mul3A_949 = arith.mulf %mul3A_948, %mul3A_944 : vector<16xf32>
      %sub3A_950 = arith.constant 1.500000e+00 : f32
      %sub3A_951 = vector.broadcast %sub3A_950 : f32 to vector<16xf32>
      %sub3A_952 = arith.subf %sub3A_951, %mul3A_949 : vector<16xf32>
      %mul3A_953 = arith.mulf %mul3A_944, %sub3A_952 : vector<16xf32>
      %mul3A_954 = arith.constant 5.000000e-01 : f32
      %mul3A_955 = vector.broadcast %mul3A_954 : f32 to vector<16xf32>
      %mul3A_956 = arith.mulf %mul3A_955, %scan3A_893#1 : vector<16xf32>
      %mul3A_957 = arith.mulf %mul3A_956, %mul3A_953 : vector<16xf32>
      %mul3A_958 = arith.mulf %mul3A_957, %mul3A_953 : vector<16xf32>
      %sub3A_959 = arith.constant 1.500000e+00 : f32
      %sub3A_960 = vector.broadcast %sub3A_959 : f32 to vector<16xf32>
      %sub3A_961 = arith.subf %sub3A_960, %mul3A_958 : vector<16xf32>
      %mul3A_962 = arith.mulf %mul3A_953, %sub3A_961 : vector<16xf32>
      %scan3A_963 = arith.constant 0 : i32
      %scan3A_964 = arith.constant 4 : i32
      %scan3A_965 = arith.addi %scan3A_963, %scan3A_964 : i32
      %scan3A_966 = arith.constant 1 : i32
      %scan3A_967:2 = scf.for %scan3A_975 = %scan3A_963 to %scan3A_965 step %scan3A_966 iter_args(%scan3A_976 = %broadcast_in_dim3A_1, %scan3A_977 = %iota3A) -> (vector<16xf32>, vector<16xi32>)  : i32 {
        %gather3A = tpu.vector_load_idx %arg17[%scan3A_888, %scan3A_977] : memref<256x64xf32, #tpu.memory_space<vmem>>[vector<16xi32>, vector<16xi32>], vector<16xf32>,
        %gather3A_978 = tpu.vector_load_idx %arg18[%scan3A_888, %scan3A_977] : memref<256x64xf32, #tpu.memory_space<vmem>>[vector<16xi32>, vector<16xi32>], vector<16xf32>,
        %gather3A_979 = tpu.vector_load_idx %arg19[%scan3A_888, %scan3A_977] : memref<256x64xf32, #tpu.memory_space<vmem>>[vector<16xi32>, vector<16xi32>], vector<16xf32>,
        %mul3A_980 = arith.mulf %gather3A, %mul3A_927 : vector<16xf32>
        %add3A_981 = arith.addf %mul3A_980, %gather3A_978 : vector<16xf32>
        %mul3A_982 = arith.mulf %gather3A_979, %mul3A_962 : vector<16xf32>
        %sub3A_983 = arith.subf %add3A_981, %mul3A_982 : vector<16xf32>
        %abs3A = math.absf %sub3A_983 : vector<16xf32>
        %add3A_984 = arith.addf %scan3A_976, %abs3A : vector<16xf32>
        %add3A_985 = arith.constant 1 : i32
        %add3A_986 = vector.broadcast %add3A_985 : i32 to vector<16xi32>
        %add3A_987 = arith.addi %scan3A_977, %add3A_986 : vector<16xi32>
        %and3A = arith.constant 63 : i32
        %and3A_988 = vector.broadcast %and3A : i32 to vector<16xi32>
        %and3A_989 = arith.andi %add3A_987, %and3A_988 : vector<16xi32>
        %gather3A_990 = tpu.vector_load_idx %arg17[%scan3A_888, %and3A_989] : memref<256x64xf32, #tpu.memory_space<vmem>>[vector<16xi32>, vector<16xi32>], vector<16xf32>,
        %gather3A_991 = tpu.vector_load_idx %arg18[%scan3A_888, %and3A_989] : memref<256x64xf32, #tpu.memory_space<vmem>>[vector<16xi32>, vector<16xi32>], vector<16xf32>,
        %gather3A_992 = tpu.vector_load_idx %arg19[%scan3A_888, %and3A_989] : memref<256x64xf32, #tpu.memory_space<vmem>>[vector<16xi32>, vector<16xi32>], vector<16xf32>,
        %mul3A_993 = arith.mulf %gather3A_990, %mul3A_927 : vector<16xf32>
        %add3A_994 = arith.addf %mul3A_993, %gather3A_991 : vector<16xf32>
        %mul3A_995 = arith.mulf %gather3A_992, %mul3A_962 : vector<16xf32>
        %sub3A_996 = arith.subf %add3A_994, %mul3A_995 : vector<16xf32>
        %abs3A_997 = math.absf %sub3A_996 : vector<16xf32>
        %add3A_998 = arith.addf %add3A_984, %abs3A_997 : vector<16xf32>
        %add3A_999 = arith.constant 1 : i32
        %add3A_1000 = vector.broadcast %add3A_999 : i32 to vector<16xi32>
        %add3A_1001 = arith.addi %and3A_989, %add3A_1000 : vector<16xi32>
        %and3A_1002 = arith.constant 63 : i32
        %and3A_1003 = vector.broadcast %and3A_1002 : i32 to vector<16xi32>
        %and3A_1004 = arith.andi %add3A_1001, %and3A_1003 : vector<16xi32>
        %gather3A_1005 = tpu.vector_load_idx %arg17[%scan3A_888, %and3A_1004] : memref<256x64xf32, #tpu.memory_space<vmem>>[vector<16xi32>, vector<16xi32>], vector<16xf32>,
        %gather3A_1006 = tpu.vector_load_idx %arg18[%scan3A_888, %and3A_1004] : memref<256x64xf32, #tpu.memory_space<vmem>>[vector<16xi32>, vector<16xi32>], vector<16xf32>,
        %gather3A_1007 = tpu.vector_load_idx %arg19[%scan3A_888, %and3A_1004] : memref<256x64xf32, #tpu.memory_space<vmem>>[vector<16xi32>, vector<16xi32>], vector<16xf32>,
        %mul3A_1008 = arith.mulf %gather3A_1005, %mul3A_927 : vector<16xf32>
        %add3A_1009 = arith.addf %mul3A_1008, %gather3A_1006 : vector<16xf32>
        %mul3A_1010 = arith.mulf %gather3A_1007, %mul3A_962 : vector<16xf32>
        %sub3A_1011 = arith.subf %add3A_1009, %mul3A_1010 : vector<16xf32>
        %abs3A_1012 = math.absf %sub3A_1011 : vector<16xf32>
        %add3A_1013 = arith.addf %add3A_998, %abs3A_1012 : vector<16xf32>
        %add3A_1014 = arith.constant 1 : i32
        %add3A_1015 = vector.broadcast %add3A_1014 : i32 to vector<16xi32>
        %add3A_1016 = arith.addi %and3A_1004, %add3A_1015 : vector<16xi32>
        %and3A_1017 = arith.constant 63 : i32
        %and3A_1018 = vector.broadcast %and3A_1017 : i32 to vector<16xi32>
        %and3A_1019 = arith.andi %add3A_1016, %and3A_1018 : vector<16xi32>
        %gather3A_1020 = tpu.vector_load_idx %arg17[%scan3A_888, %and3A_1019] : memref<256x64xf32, #tpu.memory_space<vmem>>[vector<16xi32>, vector<16xi32>], vector<16xf32>,
        %gather3A_1021 = tpu.vector_load_idx %arg18[%scan3A_888, %and3A_1019] : memref<256x64xf32, #tpu.memory_space<vmem>>[vector<16xi32>, vector<16xi32>], vector<16xf32>,
        %gather3A_1022 = tpu.vector_load_idx %arg19[%scan3A_888, %and3A_1019] : memref<256x64xf32, #tpu.memory_space<vmem>>[vector<16xi32>, vector<16xi32>], vector<16xf32>,
        %mul3A_1023 = arith.mulf %gather3A_1020, %mul3A_927 : vector<16xf32>
        %add3A_1024 = arith.addf %mul3A_1023, %gather3A_1021 : vector<16xf32>
        %mul3A_1025 = arith.mulf %gather3A_1022, %mul3A_962 : vector<16xf32>
        %sub3A_1026 = arith.subf %add3A_1024, %mul3A_1025 : vector<16xf32>
        %abs3A_1027 = math.absf %sub3A_1026 : vector<16xf32>
        %add3A_1028 = arith.addf %add3A_1013, %abs3A_1027 : vector<16xf32>
        %add3A_1029 = arith.constant 1 : i32
        %add3A_1030 = vector.broadcast %add3A_1029 : i32 to vector<16xi32>
        %add3A_1031 = arith.addi %and3A_1019, %add3A_1030 : vector<16xi32>
        %and3A_1032 = arith.constant 63 : i32
        %and3A_1033 = vector.broadcast %and3A_1032 : i32 to vector<16xi32>
        %and3A_1034 = arith.andi %add3A_1031, %and3A_1033 : vector<16xi32>
        %gather3A_1035 = tpu.vector_load_idx %arg17[%scan3A_888, %and3A_1034] : memref<256x64xf32, #tpu.memory_space<vmem>>[vector<16xi32>, vector<16xi32>], vector<16xf32>,
        %gather3A_1036 = tpu.vector_load_idx %arg18[%scan3A_888, %and3A_1034] : memref<256x64xf32, #tpu.memory_space<vmem>>[vector<16xi32>, vector<16xi32>], vector<16xf32>,
        %gather3A_1037 = tpu.vector_load_idx %arg19[%scan3A_888, %and3A_1034] : memref<256x64xf32, #tpu.memory_space<vmem>>[vector<16xi32>, vector<16xi32>], vector<16xf32>,
        %mul3A_1038 = arith.mulf %gather3A_1035, %mul3A_927 : vector<16xf32>
        %add3A_1039 = arith.addf %mul3A_1038, %gather3A_1036 : vector<16xf32>
        %mul3A_1040 = arith.mulf %gather3A_1037, %mul3A_962 : vector<16xf32>
        %sub3A_1041 = arith.subf %add3A_1039, %mul3A_1040 : vector<16xf32>
        %abs3A_1042 = math.absf %sub3A_1041 : vector<16xf32>
        %add3A_1043 = arith.addf %add3A_1028, %abs3A_1042 : vector<16xf32>
        %add3A_1044 = arith.constant 1 : i32
        %add3A_1045 = vector.broadcast %add3A_1044 : i32 to vector<16xi32>
        %add3A_1046 = arith.addi %and3A_1034, %add3A_1045 : vector<16xi32>
        %and3A_1047 = arith.constant 63 : i32
        %and3A_1048 = vector.broadcast %and3A_1047 : i32 to vector<16xi32>
        %and3A_1049 = arith.andi %add3A_1046, %and3A_1048 : vector<16xi32>
        %gather3A_1050 = tpu.vector_load_idx %arg17[%scan3A_888, %and3A_1049] : memref<256x64xf32, #tpu.memory_space<vmem>>[vector<16xi32>, vector<16xi32>], vector<16xf32>,
        %gather3A_1051 = tpu.vector_load_idx %arg18[%scan3A_888, %and3A_1049] : memref<256x64xf32, #tpu.memory_space<vmem>>[vector<16xi32>, vector<16xi32>], vector<16xf32>,
        %gather3A_1052 = tpu.vector_load_idx %arg19[%scan3A_888, %and3A_1049] : memref<256x64xf32, #tpu.memory_space<vmem>>[vector<16xi32>, vector<16xi32>], vector<16xf32>,
        %mul3A_1053 = arith.mulf %gather3A_1050, %mul3A_927 : vector<16xf32>
        %add3A_1054 = arith.addf %mul3A_1053, %gather3A_1051 : vector<16xf32>
        %mul3A_1055 = arith.mulf %gather3A_1052, %mul3A_962 : vector<16xf32>
        %sub3A_1056 = arith.subf %add3A_1054, %mul3A_1055 : vector<16xf32>
        %abs3A_1057 = math.absf %sub3A_1056 : vector<16xf32>
        %add3A_1058 = arith.addf %add3A_1043, %abs3A_1057 : vector<16xf32>
        %add3A_1059 = arith.constant 1 : i32
        %add3A_1060 = vector.broadcast %add3A_1059 : i32 to vector<16xi32>
        %add3A_1061 = arith.addi %and3A_1049, %add3A_1060 : vector<16xi32>
        %and3A_1062 = arith.constant 63 : i32
        %and3A_1063 = vector.broadcast %and3A_1062 : i32 to vector<16xi32>
        %and3A_1064 = arith.andi %add3A_1061, %and3A_1063 : vector<16xi32>
        %gather3A_1065 = tpu.vector_load_idx %arg17[%scan3A_888, %and3A_1064] : memref<256x64xf32, #tpu.memory_space<vmem>>[vector<16xi32>, vector<16xi32>], vector<16xf32>,
        %gather3A_1066 = tpu.vector_load_idx %arg18[%scan3A_888, %and3A_1064] : memref<256x64xf32, #tpu.memory_space<vmem>>[vector<16xi32>, vector<16xi32>], vector<16xf32>,
        %gather3A_1067 = tpu.vector_load_idx %arg19[%scan3A_888, %and3A_1064] : memref<256x64xf32, #tpu.memory_space<vmem>>[vector<16xi32>, vector<16xi32>], vector<16xf32>,
        %mul3A_1068 = arith.mulf %gather3A_1065, %mul3A_927 : vector<16xf32>
        %add3A_1069 = arith.addf %mul3A_1068, %gather3A_1066 : vector<16xf32>
        %mul3A_1070 = arith.mulf %gather3A_1067, %mul3A_962 : vector<16xf32>
        %sub3A_1071 = arith.subf %add3A_1069, %mul3A_1070 : vector<16xf32>
        %abs3A_1072 = math.absf %sub3A_1071 : vector<16xf32>
        %add3A_1073 = arith.addf %add3A_1058, %abs3A_1072 : vector<16xf32>
        %add3A_1074 = arith.constant 1 : i32
        %add3A_1075 = vector.broadcast %add3A_1074 : i32 to vector<16xi32>
        %add3A_1076 = arith.addi %and3A_1064, %add3A_1075 : vector<16xi32>
        %and3A_1077 = arith.constant 63 : i32
        %and3A_1078 = vector.broadcast %and3A_1077 : i32 to vector<16xi32>
        %and3A_1079 = arith.andi %add3A_1076, %and3A_1078 : vector<16xi32>
        %gather3A_1080 = tpu.vector_load_idx %arg17[%scan3A_888, %and3A_1079] : memref<256x64xf32, #tpu.memory_space<vmem>>[vector<16xi32>, vector<16xi32>], vector<16xf32>,
        %gather3A_1081 = tpu.vector_load_idx %arg18[%scan3A_888, %and3A_1079] : memref<256x64xf32, #tpu.memory_space<vmem>>[vector<16xi32>, vector<16xi32>], vector<16xf32>,
        %gather3A_1082 = tpu.vector_load_idx %arg19[%scan3A_888, %and3A_1079] : memref<256x64xf32, #tpu.memory_space<vmem>>[vector<16xi32>, vector<16xi32>], vector<16xf32>,
        %mul3A_1083 = arith.mulf %gather3A_1080, %mul3A_927 : vector<16xf32>
        %add3A_1084 = arith.addf %mul3A_1083, %gather3A_1081 : vector<16xf32>
        %mul3A_1085 = arith.mulf %gather3A_1082, %mul3A_962 : vector<16xf32>
        %sub3A_1086 = arith.subf %add3A_1084, %mul3A_1085 : vector<16xf32>
        %abs3A_1087 = math.absf %sub3A_1086 : vector<16xf32>
        %add3A_1088 = arith.addf %add3A_1073, %abs3A_1087 : vector<16xf32>
        %add3A_1089 = arith.constant 1 : i32
        %add3A_1090 = vector.broadcast %add3A_1089 : i32 to vector<16xi32>
        %add3A_1091 = arith.addi %and3A_1079, %add3A_1090 : vector<16xi32>
        %and3A_1092 = arith.constant 63 : i32
        %and3A_1093 = vector.broadcast %and3A_1092 : i32 to vector<16xi32>
        %and3A_1094 = arith.andi %add3A_1091, %and3A_1093 : vector<16xi32>
        %gather3A_1095 = tpu.vector_load_idx %arg17[%scan3A_888, %and3A_1094] : memref<256x64xf32, #tpu.memory_space<vmem>>[vector<16xi32>, vector<16xi32>], vector<16xf32>,
        %gather3A_1096 = tpu.vector_load_idx %arg18[%scan3A_888, %and3A_1094] : memref<256x64xf32, #tpu.memory_space<vmem>>[vector<16xi32>, vector<16xi32>], vector<16xf32>,
        %gather3A_1097 = tpu.vector_load_idx %arg19[%scan3A_888, %and3A_1094] : memref<256x64xf32, #tpu.memory_space<vmem>>[vector<16xi32>, vector<16xi32>], vector<16xf32>,
        %mul3A_1098 = arith.mulf %gather3A_1095, %mul3A_927 : vector<16xf32>
        %add3A_1099 = arith.addf %mul3A_1098, %gather3A_1096 : vector<16xf32>
        %mul3A_1100 = arith.mulf %gather3A_1097, %mul3A_962 : vector<16xf32>
        %sub3A_1101 = arith.subf %add3A_1099, %mul3A_1100 : vector<16xf32>
        %abs3A_1102 = math.absf %sub3A_1101 : vector<16xf32>
        %add3A_1103 = arith.addf %add3A_1088, %abs3A_1102 : vector<16xf32>
        %add3A_1104 = arith.constant 1 : i32
        %add3A_1105 = vector.broadcast %add3A_1104 : i32 to vector<16xi32>
        %add3A_1106 = arith.addi %and3A_1094, %add3A_1105 : vector<16xi32>
        %and3A_1107 = arith.constant 63 : i32
        %and3A_1108 = vector.broadcast %and3A_1107 : i32 to vector<16xi32>
        %and3A_1109 = arith.andi %add3A_1106, %and3A_1108 : vector<16xi32>
        %gather3A_1110 = tpu.vector_load_idx %arg17[%scan3A_888, %and3A_1109] : memref<256x64xf32, #tpu.memory_space<vmem>>[vector<16xi32>, vector<16xi32>], vector<16xf32>,
        %gather3A_1111 = tpu.vector_load_idx %arg18[%scan3A_888, %and3A_1109] : memref<256x64xf32, #tpu.memory_space<vmem>>[vector<16xi32>, vector<16xi32>], vector<16xf32>,
        %gather3A_1112 = tpu.vector_load_idx %arg19[%scan3A_888, %and3A_1109] : memref<256x64xf32, #tpu.memory_space<vmem>>[vector<16xi32>, vector<16xi32>], vector<16xf32>,
        %mul3A_1113 = arith.mulf %gather3A_1110, %mul3A_927 : vector<16xf32>
        %add3A_1114 = arith.addf %mul3A_1113, %gather3A_1111 : vector<16xf32>
        %mul3A_1115 = arith.mulf %gather3A_1112, %mul3A_962 : vector<16xf32>
        %sub3A_1116 = arith.subf %add3A_1114, %mul3A_1115 : vector<16xf32>
        %abs3A_1117 = math.absf %sub3A_1116 : vector<16xf32>
        %add3A_1118 = arith.addf %add3A_1103, %abs3A_1117 : vector<16xf32>
        %add3A_1119 = arith.constant 1 : i32
        %add3A_1120 = vector.broadcast %add3A_1119 : i32 to vector<16xi32>
        %add3A_1121 = arith.addi %and3A_1109, %add3A_1120 : vector<16xi32>
        %and3A_1122 = arith.constant 63 : i32
        %and3A_1123 = vector.broadcast %and3A_1122 : i32 to vector<16xi32>
        %and3A_1124 = arith.andi %add3A_1121, %and3A_1123 : vector<16xi32>
        %gather3A_1125 = tpu.vector_load_idx %arg17[%scan3A_888, %and3A_1124] : memref<256x64xf32, #tpu.memory_space<vmem>>[vector<16xi32>, vector<16xi32>], vector<16xf32>,
        %gather3A_1126 = tpu.vector_load_idx %arg18[%scan3A_888, %and3A_1124] : memref<256x64xf32, #tpu.memory_space<vmem>>[vector<16xi32>, vector<16xi32>], vector<16xf32>,
        %gather3A_1127 = tpu.vector_load_idx %arg19[%scan3A_888, %and3A_1124] : memref<256x64xf32, #tpu.memory_space<vmem>>[vector<16xi32>, vector<16xi32>], vector<16xf32>,
        %mul3A_1128 = arith.mulf %gather3A_1125, %mul3A_927 : vector<16xf32>
        %add3A_1129 = arith.addf %mul3A_1128, %gather3A_1126 : vector<16xf32>
        %mul3A_1130 = arith.mulf %gather3A_1127, %mul3A_962 : vector<16xf32>
        %sub3A_1131 = arith.subf %add3A_1129, %mul3A_1130 : vector<16xf32>
        %abs3A_1132 = math.absf %sub3A_1131 : vector<16xf32>
        %add3A_1133 = arith.addf %add3A_1118, %abs3A_1132 : vector<16xf32>
        %add3A_1134 = arith.constant 1 : i32
        %add3A_1135 = vector.broadcast %add3A_1134 : i32 to vector<16xi32>
        %add3A_1136 = arith.addi %and3A_1124, %add3A_1135 : vector<16xi32>
        %and3A_1137 = arith.constant 63 : i32
        %and3A_1138 = vector.broadcast %and3A_1137 : i32 to vector<16xi32>
        %and3A_1139 = arith.andi %add3A_1136, %and3A_1138 : vector<16xi32>
        %gather3A_1140 = tpu.vector_load_idx %arg17[%scan3A_888, %and3A_1139] : memref<256x64xf32, #tpu.memory_space<vmem>>[vector<16xi32>, vector<16xi32>], vector<16xf32>,
        %gather3A_1141 = tpu.vector_load_idx %arg18[%scan3A_888, %and3A_1139] : memref<256x64xf32, #tpu.memory_space<vmem>>[vector<16xi32>, vector<16xi32>], vector<16xf32>,
        %gather3A_1142 = tpu.vector_load_idx %arg19[%scan3A_888, %and3A_1139] : memref<256x64xf32, #tpu.memory_space<vmem>>[vector<16xi32>, vector<16xi32>], vector<16xf32>,
        %mul3A_1143 = arith.mulf %gather3A_1140, %mul3A_927 : vector<16xf32>
        %add3A_1144 = arith.addf %mul3A_1143, %gather3A_1141 : vector<16xf32>
        %mul3A_1145 = arith.mulf %gather3A_1142, %mul3A_962 : vector<16xf32>
        %sub3A_1146 = arith.subf %add3A_1144, %mul3A_1145 : vector<16xf32>
        %abs3A_1147 = math.absf %sub3A_1146 : vector<16xf32>
        %add3A_1148 = arith.addf %add3A_1133, %abs3A_1147 : vector<16xf32>
        %add3A_1149 = arith.constant 1 : i32
        %add3A_1150 = vector.broadcast %add3A_1149 : i32 to vector<16xi32>
        %add3A_1151 = arith.addi %and3A_1139, %add3A_1150 : vector<16xi32>
        %and3A_1152 = arith.constant 63 : i32
        %and3A_1153 = vector.broadcast %and3A_1152 : i32 to vector<16xi32>
        %and3A_1154 = arith.andi %add3A_1151, %and3A_1153 : vector<16xi32>
        %gather3A_1155 = tpu.vector_load_idx %arg17[%scan3A_888, %and3A_1154] : memref<256x64xf32, #tpu.memory_space<vmem>>[vector<16xi32>, vector<16xi32>], vector<16xf32>,
        %gather3A_1156 = tpu.vector_load_idx %arg18[%scan3A_888, %and3A_1154] : memref<256x64xf32, #tpu.memory_space<vmem>>[vector<16xi32>, vector<16xi32>], vector<16xf32>,
        %gather3A_1157 = tpu.vector_load_idx %arg19[%scan3A_888, %and3A_1154] : memref<256x64xf32, #tpu.memory_space<vmem>>[vector<16xi32>, vector<16xi32>], vector<16xf32>,
        %mul3A_1158 = arith.mulf %gather3A_1155, %mul3A_927 : vector<16xf32>
        %add3A_1159 = arith.addf %mul3A_1158, %gather3A_1156 : vector<16xf32>
        %mul3A_1160 = arith.mulf %gather3A_1157, %mul3A_962 : vector<16xf32>
        %sub3A_1161 = arith.subf %add3A_1159, %mul3A_1160 : vector<16xf32>
        %abs3A_1162 = math.absf %sub3A_1161 : vector<16xf32>
        %add3A_1163 = arith.addf %add3A_1148, %abs3A_1162 : vector<16xf32>
        %add3A_1164 = arith.constant 1 : i32
        %add3A_1165 = vector.broadcast %add3A_1164 : i32 to vector<16xi32>
        %add3A_1166 = arith.addi %and3A_1154, %add3A_1165 : vector<16xi32>
        %and3A_1167 = arith.constant 63 : i32
        %and3A_1168 = vector.broadcast %and3A_1167 : i32 to vector<16xi32>
        %and3A_1169 = arith.andi %add3A_1166, %and3A_1168 : vector<16xi32>
        %gather3A_1170 = tpu.vector_load_idx %arg17[%scan3A_888, %and3A_1169] : memref<256x64xf32, #tpu.memory_space<vmem>>[vector<16xi32>, vector<16xi32>], vector<16xf32>,
        %gather3A_1171 = tpu.vector_load_idx %arg18[%scan3A_888, %and3A_1169] : memref<256x64xf32, #tpu.memory_space<vmem>>[vector<16xi32>, vector<16xi32>], vector<16xf32>,
        %gather3A_1172 = tpu.vector_load_idx %arg19[%scan3A_888, %and3A_1169] : memref<256x64xf32, #tpu.memory_space<vmem>>[vector<16xi32>, vector<16xi32>], vector<16xf32>,
        %mul3A_1173 = arith.mulf %gather3A_1170, %mul3A_927 : vector<16xf32>
        %add3A_1174 = arith.addf %mul3A_1173, %gather3A_1171 : vector<16xf32>
        %mul3A_1175 = arith.mulf %gather3A_1172, %mul3A_962 : vector<16xf32>
        %sub3A_1176 = arith.subf %add3A_1174, %mul3A_1175 : vector<16xf32>
        %abs3A_1177 = math.absf %sub3A_1176 : vector<16xf32>
        %add3A_1178 = arith.addf %add3A_1163, %abs3A_1177 : vector<16xf32>
        %add3A_1179 = arith.constant 1 : i32
        %add3A_1180 = vector.broadcast %add3A_1179 : i32 to vector<16xi32>
        %add3A_1181 = arith.addi %and3A_1169, %add3A_1180 : vector<16xi32>
        %and3A_1182 = arith.constant 63 : i32
        %and3A_1183 = vector.broadcast %and3A_1182 : i32 to vector<16xi32>
        %and3A_1184 = arith.andi %add3A_1181, %and3A_1183 : vector<16xi32>
        %gather3A_1185 = tpu.vector_load_idx %arg17[%scan3A_888, %and3A_1184] : memref<256x64xf32, #tpu.memory_space<vmem>>[vector<16xi32>, vector<16xi32>], vector<16xf32>,
        %gather3A_1186 = tpu.vector_load_idx %arg18[%scan3A_888, %and3A_1184] : memref<256x64xf32, #tpu.memory_space<vmem>>[vector<16xi32>, vector<16xi32>], vector<16xf32>,
        %gather3A_1187 = tpu.vector_load_idx %arg19[%scan3A_888, %and3A_1184] : memref<256x64xf32, #tpu.memory_space<vmem>>[vector<16xi32>, vector<16xi32>], vector<16xf32>,
        %mul3A_1188 = arith.mulf %gather3A_1185, %mul3A_927 : vector<16xf32>
        %add3A_1189 = arith.addf %mul3A_1188, %gather3A_1186 : vector<16xf32>
        %mul3A_1190 = arith.mulf %gather3A_1187, %mul3A_962 : vector<16xf32>
        %sub3A_1191 = arith.subf %add3A_1189, %mul3A_1190 : vector<16xf32>
        %abs3A_1192 = math.absf %sub3A_1191 : vector<16xf32>
        %add3A_1193 = arith.addf %add3A_1178, %abs3A_1192 : vector<16xf32>
        %add3A_1194 = arith.constant 1 : i32
        %add3A_1195 = vector.broadcast %add3A_1194 : i32 to vector<16xi32>
        %add3A_1196 = arith.addi %and3A_1184, %add3A_1195 : vector<16xi32>
        %and3A_1197 = arith.constant 63 : i32
        %and3A_1198 = vector.broadcast %and3A_1197 : i32 to vector<16xi32>
        %and3A_1199 = arith.andi %add3A_1196, %and3A_1198 : vector<16xi32>
        %gather3A_1200 = tpu.vector_load_idx %arg17[%scan3A_888, %and3A_1199] : memref<256x64xf32, #tpu.memory_space<vmem>>[vector<16xi32>, vector<16xi32>], vector<16xf32>,
        %gather3A_1201 = tpu.vector_load_idx %arg18[%scan3A_888, %and3A_1199] : memref<256x64xf32, #tpu.memory_space<vmem>>[vector<16xi32>, vector<16xi32>], vector<16xf32>,
        %gather3A_1202 = tpu.vector_load_idx %arg19[%scan3A_888, %and3A_1199] : memref<256x64xf32, #tpu.memory_space<vmem>>[vector<16xi32>, vector<16xi32>], vector<16xf32>,
        %mul3A_1203 = arith.mulf %gather3A_1200, %mul3A_927 : vector<16xf32>
        %add3A_1204 = arith.addf %mul3A_1203, %gather3A_1201 : vector<16xf32>
        %mul3A_1205 = arith.mulf %gather3A_1202, %mul3A_962 : vector<16xf32>
        %sub3A_1206 = arith.subf %add3A_1204, %mul3A_1205 : vector<16xf32>
        %abs3A_1207 = math.absf %sub3A_1206 : vector<16xf32>
        %add3A_1208 = arith.addf %add3A_1193, %abs3A_1207 : vector<16xf32>
        %add3A_1209 = arith.constant 1 : i32
        %add3A_1210 = vector.broadcast %add3A_1209 : i32 to vector<16xi32>
        %add3A_1211 = arith.addi %and3A_1199, %add3A_1210 : vector<16xi32>
        %and3A_1212 = arith.constant 63 : i32
        %and3A_1213 = vector.broadcast %and3A_1212 : i32 to vector<16xi32>
        %and3A_1214 = arith.andi %add3A_1211, %and3A_1213 : vector<16xi32>
        scf.yield %add3A_1208, %and3A_1214 : vector<16xf32>, vector<16xi32>
      }
      %scan3A_968 = arith.constant 4 : i32
      %add3A_969 = arith.constant 0 : i32
      %add3A_970 = vector.broadcast %add3A_969 : i32 to vector<16xi32>
      %add3A_971 = arith.addi %scan3A_888, %add3A_970 : vector<16xi32>
      tpu.vector_store_idx %arg24[%add3A_971], %scan3A_967#0 : memref<512xf32, #tpu.memory_space<vmem>>[vector<16xi32>], vector<16xf32>,
      %add3A_972 = arith.constant 16 : i32
      %add3A_973 = vector.broadcast %add3A_972 : i32 to vector<16xi32>
      %add3A_974 = arith.addi %scan3A_888, %add3A_973 : vector<16xi32>
      scf.yield %add3A_974 : vector<16xi32>
    }
    %scan3A_438 = arith.constant 16 : i32
    %dma_wait3A_439 = arith.constant 2 : i32
    %dma_wait3A_440 = arith.constant 0 : i32
    %dma_wait3A_441 = arith.constant 0 : i32
    %dma_wait3A_442 = tpu.memref_slice %arg20[%dma_wait3A_440, %dma_wait3A_441] : memref<256x64xf32, #tpu.memory_space<vmem>> -> memref<128x64xf32, #tpu.memory_space<vmem>>
    %dma_wait3A_443 = arith.constant 0 : i32
    %dma_wait3A_444 = tpu.memref_slice %arg14[%dma_wait3A_439, %dma_wait3A_443] : memref<4x128xi32, #tpu.memory_space<vmem>> -> memref<1x128xi32, #tpu.memory_space<vmem>>
    %dma_wait3A_445 = tpu.memref_squeeze %dma_wait3A_444 : memref<1x128xi32, #tpu.memory_space<vmem>> -> memref<128xi32, #tpu.memory_space<vmem>>
    %dma_wait3A_446 = arith.constant 0 : i32
    %dma_wait3A_447 = arith.constant 0 : i32
    %dma_wait3A_448 = tpu.memref_slice %arg8[%dma_wait3A_446, %dma_wait3A_447] : memref<100000x64xf32, #tpu.memory_space<hbm>> -> memref<100000x64xf32, #tpu.memory_space<hbm>>
    tpu.wait_indirect_dma semaphore(%arg27 : memref<!tpu.dma_semaphore, #tpu.memory_space<semaphore_mem>>) src(%dma_wait3A_448 : memref<100000x64xf32, #tpu.memory_space<hbm>>) dst(%dma_wait3A_442 : memref<128x64xf32, #tpu.memory_space<vmem>>)
    %dma_wait3A_449 = arith.constant 2 : i32
    %dma_wait3A_450 = arith.constant 0 : i32
    %dma_wait3A_451 = arith.constant 0 : i32
    %dma_wait3A_452 = tpu.memref_slice %arg21[%dma_wait3A_450, %dma_wait3A_451] : memref<256x64xf32, #tpu.memory_space<vmem>> -> memref<128x64xf32, #tpu.memory_space<vmem>>
    %dma_wait3A_453 = arith.constant 0 : i32
    %dma_wait3A_454 = tpu.memref_slice %arg15[%dma_wait3A_449, %dma_wait3A_453] : memref<4x128xi32, #tpu.memory_space<vmem>> -> memref<1x128xi32, #tpu.memory_space<vmem>>
    %dma_wait3A_455 = tpu.memref_squeeze %dma_wait3A_454 : memref<1x128xi32, #tpu.memory_space<vmem>> -> memref<128xi32, #tpu.memory_space<vmem>>
    %dma_wait3A_456 = arith.constant 0 : i32
    %dma_wait3A_457 = arith.constant 0 : i32
    %dma_wait3A_458 = tpu.memref_slice %arg9[%dma_wait3A_456, %dma_wait3A_457] : memref<100000x64xf32, #tpu.memory_space<hbm>> -> memref<100000x64xf32, #tpu.memory_space<hbm>>
    tpu.wait_indirect_dma semaphore(%arg27 : memref<!tpu.dma_semaphore, #tpu.memory_space<semaphore_mem>>) src(%dma_wait3A_458 : memref<100000x64xf32, #tpu.memory_space<hbm>>) dst(%dma_wait3A_452 : memref<128x64xf32, #tpu.memory_space<vmem>>)
    %dma_wait3A_459 = arith.constant 2 : i32
    %dma_wait3A_460 = arith.constant 0 : i32
    %dma_wait3A_461 = arith.constant 0 : i32
    %dma_wait3A_462 = tpu.memref_slice %arg22[%dma_wait3A_460, %dma_wait3A_461] : memref<256x64xf32, #tpu.memory_space<vmem>> -> memref<128x64xf32, #tpu.memory_space<vmem>>
    %dma_wait3A_463 = arith.constant 0 : i32
    %dma_wait3A_464 = tpu.memref_slice %arg16[%dma_wait3A_459, %dma_wait3A_463] : memref<4x128xi32, #tpu.memory_space<vmem>> -> memref<1x128xi32, #tpu.memory_space<vmem>>
    %dma_wait3A_465 = tpu.memref_squeeze %dma_wait3A_464 : memref<1x128xi32, #tpu.memory_space<vmem>> -> memref<128xi32, #tpu.memory_space<vmem>>
    %dma_wait3A_466 = arith.constant 0 : i32
    %dma_wait3A_467 = arith.constant 0 : i32
    %dma_wait3A_468 = tpu.memref_slice %arg8[%dma_wait3A_466, %dma_wait3A_467] : memref<100000x64xf32, #tpu.memory_space<hbm>> -> memref<100000x64xf32, #tpu.memory_space<hbm>>
    tpu.wait_indirect_dma semaphore(%arg27 : memref<!tpu.dma_semaphore, #tpu.memory_space<semaphore_mem>>) src(%dma_wait3A_468 : memref<100000x64xf32, #tpu.memory_space<hbm>>) dst(%dma_wait3A_462 : memref<128x64xf32, #tpu.memory_space<vmem>>)
    %dma_wait3A_469 = arith.constant 3 : i32
    %dma_wait3A_470 = arith.constant 128 : i32
    %dma_wait3A_471 = arith.constant 0 : i32
    %dma_wait3A_472 = tpu.memref_slice %arg20[%dma_wait3A_470, %dma_wait3A_471] : memref<256x64xf32, #tpu.memory_space<vmem>> -> memref<128x64xf32, #tpu.memory_space<vmem>>
    %dma_wait3A_473 = arith.constant 0 : i32
    %dma_wait3A_474 = tpu.memref_slice %arg14[%dma_wait3A_469, %dma_wait3A_473] : memref<4x128xi32, #tpu.memory_space<vmem>> -> memref<1x128xi32, #tpu.memory_space<vmem>>
    %dma_wait3A_475 = tpu.memref_squeeze %dma_wait3A_474 : memref<1x128xi32, #tpu.memory_space<vmem>> -> memref<128xi32, #tpu.memory_space<vmem>>
    %dma_wait3A_476 = arith.constant 0 : i32
    %dma_wait3A_477 = arith.constant 0 : i32
    %dma_wait3A_478 = tpu.memref_slice %arg8[%dma_wait3A_476, %dma_wait3A_477] : memref<100000x64xf32, #tpu.memory_space<hbm>> -> memref<100000x64xf32, #tpu.memory_space<hbm>>
    tpu.wait_indirect_dma semaphore(%arg27 : memref<!tpu.dma_semaphore, #tpu.memory_space<semaphore_mem>>) src(%dma_wait3A_478 : memref<100000x64xf32, #tpu.memory_space<hbm>>) dst(%dma_wait3A_472 : memref<128x64xf32, #tpu.memory_space<vmem>>)
    %dma_wait3A_479 = arith.constant 3 : i32
    %dma_wait3A_480 = arith.constant 128 : i32
    %dma_wait3A_481 = arith.constant 0 : i32
    %dma_wait3A_482 = tpu.memref_slice %arg21[%dma_wait3A_480, %dma_wait3A_481] : memref<256x64xf32, #tpu.memory_space<vmem>> -> memref<128x64xf32, #tpu.memory_space<vmem>>
    %dma_wait3A_483 = arith.constant 0 : i32
    %dma_wait3A_484 = tpu.memref_slice %arg15[%dma_wait3A_479, %dma_wait3A_483] : memref<4x128xi32, #tpu.memory_space<vmem>> -> memref<1x128xi32, #tpu.memory_space<vmem>>
    %dma_wait3A_485 = tpu.memref_squeeze %dma_wait3A_484 : memref<1x128xi32, #tpu.memory_space<vmem>> -> memref<128xi32, #tpu.memory_space<vmem>>
    %dma_wait3A_486 = arith.constant 0 : i32
    %dma_wait3A_487 = arith.constant 0 : i32
    %dma_wait3A_488 = tpu.memref_slice %arg9[%dma_wait3A_486, %dma_wait3A_487] : memref<100000x64xf32, #tpu.memory_space<hbm>> -> memref<100000x64xf32, #tpu.memory_space<hbm>>
    tpu.wait_indirect_dma semaphore(%arg27 : memref<!tpu.dma_semaphore, #tpu.memory_space<semaphore_mem>>) src(%dma_wait3A_488 : memref<100000x64xf32, #tpu.memory_space<hbm>>) dst(%dma_wait3A_482 : memref<128x64xf32, #tpu.memory_space<vmem>>)
    %dma_wait3A_489 = arith.constant 3 : i32
    %dma_wait3A_490 = arith.constant 128 : i32
    %dma_wait3A_491 = arith.constant 0 : i32
    %dma_wait3A_492 = tpu.memref_slice %arg22[%dma_wait3A_490, %dma_wait3A_491] : memref<256x64xf32, #tpu.memory_space<vmem>> -> memref<128x64xf32, #tpu.memory_space<vmem>>
    %dma_wait3A_493 = arith.constant 0 : i32
    %dma_wait3A_494 = tpu.memref_slice %arg16[%dma_wait3A_489, %dma_wait3A_493] : memref<4x128xi32, #tpu.memory_space<vmem>> -> memref<1x128xi32, #tpu.memory_space<vmem>>
    %dma_wait3A_495 = tpu.memref_squeeze %dma_wait3A_494 : memref<1x128xi32, #tpu.memory_space<vmem>> -> memref<128xi32, #tpu.memory_space<vmem>>
    %dma_wait3A_496 = arith.constant 0 : i32
    %dma_wait3A_497 = arith.constant 0 : i32
    %dma_wait3A_498 = tpu.memref_slice %arg8[%dma_wait3A_496, %dma_wait3A_497] : memref<100000x64xf32, #tpu.memory_space<hbm>> -> memref<100000x64xf32, #tpu.memory_space<hbm>>
    tpu.wait_indirect_dma semaphore(%arg27 : memref<!tpu.dma_semaphore, #tpu.memory_space<semaphore_mem>>) src(%dma_wait3A_498 : memref<100000x64xf32, #tpu.memory_space<hbm>>) dst(%dma_wait3A_492 : memref<128x64xf32, #tpu.memory_space<vmem>>)
    %scan3A_499 = arith.constant 0 : i32
    %scan3A_500 = arith.constant 16 : i32
    %scan3A_501 = arith.addi %scan3A_499, %scan3A_500 : i32
    %scan3A_502 = arith.constant 1 : i32
    %scan3A_503 = scf.for %scan3A_887 = %scan3A_499 to %scan3A_501 step %scan3A_502 iter_args(%scan3A_888 = %iota3A) -> (vector<16xi32>)  : i32 {
      %scan3A_889 = arith.constant 0 : i32
      %scan3A_890 = arith.constant 4 : i32
      %scan3A_891 = arith.addi %scan3A_889, %scan3A_890 : i32
      %scan3A_892 = arith.constant 1 : i32
      %scan3A_893:3 = scf.for %scan3A_975 = %scan3A_889 to %scan3A_891 step %scan3A_892 iter_args(%scan3A_976 = %broadcast_in_dim3A_1, %scan3A_977 = %broadcast_in_dim3A_1, %scan3A_978 = %iota3A) -> (vector<16xf32>, vector<16xf32>, vector<16xi32>)  : i32 {
        %gather3A = tpu.vector_load_idx %arg20[%scan3A_888, %scan3A_978] : memref<256x64xf32, #tpu.memory_space<vmem>>[vector<16xi32>, vector<16xi32>], vector<16xf32>,
        %gather3A_979 = tpu.vector_load_idx %arg22[%scan3A_888, %scan3A_978] : memref<256x64xf32, #tpu.memory_space<vmem>>[vector<16xi32>, vector<16xi32>], vector<16xf32>,
        %mul3A_980 = arith.mulf %gather3A, %gather3A : vector<16xf32>
        %add3A_981 = arith.addf %scan3A_976, %mul3A_980 : vector<16xf32>
        %mul3A_982 = arith.mulf %gather3A_979, %gather3A_979 : vector<16xf32>
        %add3A_983 = arith.addf %scan3A_977, %mul3A_982 : vector<16xf32>
        %add3A_984 = arith.constant 1 : i32
        %add3A_985 = vector.broadcast %add3A_984 : i32 to vector<16xi32>
        %add3A_986 = arith.addi %scan3A_978, %add3A_985 : vector<16xi32>
        %and3A = arith.constant 63 : i32
        %and3A_987 = vector.broadcast %and3A : i32 to vector<16xi32>
        %and3A_988 = arith.andi %add3A_986, %and3A_987 : vector<16xi32>
        %gather3A_989 = tpu.vector_load_idx %arg20[%scan3A_888, %and3A_988] : memref<256x64xf32, #tpu.memory_space<vmem>>[vector<16xi32>, vector<16xi32>], vector<16xf32>,
        %gather3A_990 = tpu.vector_load_idx %arg22[%scan3A_888, %and3A_988] : memref<256x64xf32, #tpu.memory_space<vmem>>[vector<16xi32>, vector<16xi32>], vector<16xf32>,
        %mul3A_991 = arith.mulf %gather3A_989, %gather3A_989 : vector<16xf32>
        %add3A_992 = arith.addf %add3A_981, %mul3A_991 : vector<16xf32>
        %mul3A_993 = arith.mulf %gather3A_990, %gather3A_990 : vector<16xf32>
        %add3A_994 = arith.addf %add3A_983, %mul3A_993 : vector<16xf32>
        %add3A_995 = arith.constant 1 : i32
        %add3A_996 = vector.broadcast %add3A_995 : i32 to vector<16xi32>
        %add3A_997 = arith.addi %and3A_988, %add3A_996 : vector<16xi32>
        %and3A_998 = arith.constant 63 : i32
        %and3A_999 = vector.broadcast %and3A_998 : i32 to vector<16xi32>
        %and3A_1000 = arith.andi %add3A_997, %and3A_999 : vector<16xi32>
        %gather3A_1001 = tpu.vector_load_idx %arg20[%scan3A_888, %and3A_1000] : memref<256x64xf32, #tpu.memory_space<vmem>>[vector<16xi32>, vector<16xi32>], vector<16xf32>,
        %gather3A_1002 = tpu.vector_load_idx %arg22[%scan3A_888, %and3A_1000] : memref<256x64xf32, #tpu.memory_space<vmem>>[vector<16xi32>, vector<16xi32>], vector<16xf32>,
        %mul3A_1003 = arith.mulf %gather3A_1001, %gather3A_1001 : vector<16xf32>
        %add3A_1004 = arith.addf %add3A_992, %mul3A_1003 : vector<16xf32>
        %mul3A_1005 = arith.mulf %gather3A_1002, %gather3A_1002 : vector<16xf32>
        %add3A_1006 = arith.addf %add3A_994, %mul3A_1005 : vector<16xf32>
        %add3A_1007 = arith.constant 1 : i32
        %add3A_1008 = vector.broadcast %add3A_1007 : i32 to vector<16xi32>
        %add3A_1009 = arith.addi %and3A_1000, %add3A_1008 : vector<16xi32>
        %and3A_1010 = arith.constant 63 : i32
        %and3A_1011 = vector.broadcast %and3A_1010 : i32 to vector<16xi32>
        %and3A_1012 = arith.andi %add3A_1009, %and3A_1011 : vector<16xi32>
        %gather3A_1013 = tpu.vector_load_idx %arg20[%scan3A_888, %and3A_1012] : memref<256x64xf32, #tpu.memory_space<vmem>>[vector<16xi32>, vector<16xi32>], vector<16xf32>,
        %gather3A_1014 = tpu.vector_load_idx %arg22[%scan3A_888, %and3A_1012] : memref<256x64xf32, #tpu.memory_space<vmem>>[vector<16xi32>, vector<16xi32>], vector<16xf32>,
        %mul3A_1015 = arith.mulf %gather3A_1013, %gather3A_1013 : vector<16xf32>
        %add3A_1016 = arith.addf %add3A_1004, %mul3A_1015 : vector<16xf32>
        %mul3A_1017 = arith.mulf %gather3A_1014, %gather3A_1014 : vector<16xf32>
        %add3A_1018 = arith.addf %add3A_1006, %mul3A_1017 : vector<16xf32>
        %add3A_1019 = arith.constant 1 : i32
        %add3A_1020 = vector.broadcast %add3A_1019 : i32 to vector<16xi32>
        %add3A_1021 = arith.addi %and3A_1012, %add3A_1020 : vector<16xi32>
        %and3A_1022 = arith.constant 63 : i32
        %and3A_1023 = vector.broadcast %and3A_1022 : i32 to vector<16xi32>
        %and3A_1024 = arith.andi %add3A_1021, %and3A_1023 : vector<16xi32>
        %gather3A_1025 = tpu.vector_load_idx %arg20[%scan3A_888, %and3A_1024] : memref<256x64xf32, #tpu.memory_space<vmem>>[vector<16xi32>, vector<16xi32>], vector<16xf32>,
        %gather3A_1026 = tpu.vector_load_idx %arg22[%scan3A_888, %and3A_1024] : memref<256x64xf32, #tpu.memory_space<vmem>>[vector<16xi32>, vector<16xi32>], vector<16xf32>,
        %mul3A_1027 = arith.mulf %gather3A_1025, %gather3A_1025 : vector<16xf32>
        %add3A_1028 = arith.addf %add3A_1016, %mul3A_1027 : vector<16xf32>
        %mul3A_1029 = arith.mulf %gather3A_1026, %gather3A_1026 : vector<16xf32>
        %add3A_1030 = arith.addf %add3A_1018, %mul3A_1029 : vector<16xf32>
        %add3A_1031 = arith.constant 1 : i32
        %add3A_1032 = vector.broadcast %add3A_1031 : i32 to vector<16xi32>
        %add3A_1033 = arith.addi %and3A_1024, %add3A_1032 : vector<16xi32>
        %and3A_1034 = arith.constant 63 : i32
        %and3A_1035 = vector.broadcast %and3A_1034 : i32 to vector<16xi32>
        %and3A_1036 = arith.andi %add3A_1033, %and3A_1035 : vector<16xi32>
        %gather3A_1037 = tpu.vector_load_idx %arg20[%scan3A_888, %and3A_1036] : memref<256x64xf32, #tpu.memory_space<vmem>>[vector<16xi32>, vector<16xi32>], vector<16xf32>,
        %gather3A_1038 = tpu.vector_load_idx %arg22[%scan3A_888, %and3A_1036] : memref<256x64xf32, #tpu.memory_space<vmem>>[vector<16xi32>, vector<16xi32>], vector<16xf32>,
        %mul3A_1039 = arith.mulf %gather3A_1037, %gather3A_1037 : vector<16xf32>
        %add3A_1040 = arith.addf %add3A_1028, %mul3A_1039 : vector<16xf32>
        %mul3A_1041 = arith.mulf %gather3A_1038, %gather3A_1038 : vector<16xf32>
        %add3A_1042 = arith.addf %add3A_1030, %mul3A_1041 : vector<16xf32>
        %add3A_1043 = arith.constant 1 : i32
        %add3A_1044 = vector.broadcast %add3A_1043 : i32 to vector<16xi32>
        %add3A_1045 = arith.addi %and3A_1036, %add3A_1044 : vector<16xi32>
        %and3A_1046 = arith.constant 63 : i32
        %and3A_1047 = vector.broadcast %and3A_1046 : i32 to vector<16xi32>
        %and3A_1048 = arith.andi %add3A_1045, %and3A_1047 : vector<16xi32>
        %gather3A_1049 = tpu.vector_load_idx %arg20[%scan3A_888, %and3A_1048] : memref<256x64xf32, #tpu.memory_space<vmem>>[vector<16xi32>, vector<16xi32>], vector<16xf32>,
        %gather3A_1050 = tpu.vector_load_idx %arg22[%scan3A_888, %and3A_1048] : memref<256x64xf32, #tpu.memory_space<vmem>>[vector<16xi32>, vector<16xi32>], vector<16xf32>,
        %mul3A_1051 = arith.mulf %gather3A_1049, %gather3A_1049 : vector<16xf32>
        %add3A_1052 = arith.addf %add3A_1040, %mul3A_1051 : vector<16xf32>
        %mul3A_1053 = arith.mulf %gather3A_1050, %gather3A_1050 : vector<16xf32>
        %add3A_1054 = arith.addf %add3A_1042, %mul3A_1053 : vector<16xf32>
        %add3A_1055 = arith.constant 1 : i32
        %add3A_1056 = vector.broadcast %add3A_1055 : i32 to vector<16xi32>
        %add3A_1057 = arith.addi %and3A_1048, %add3A_1056 : vector<16xi32>
        %and3A_1058 = arith.constant 63 : i32
        %and3A_1059 = vector.broadcast %and3A_1058 : i32 to vector<16xi32>
        %and3A_1060 = arith.andi %add3A_1057, %and3A_1059 : vector<16xi32>
        %gather3A_1061 = tpu.vector_load_idx %arg20[%scan3A_888, %and3A_1060] : memref<256x64xf32, #tpu.memory_space<vmem>>[vector<16xi32>, vector<16xi32>], vector<16xf32>,
        %gather3A_1062 = tpu.vector_load_idx %arg22[%scan3A_888, %and3A_1060] : memref<256x64xf32, #tpu.memory_space<vmem>>[vector<16xi32>, vector<16xi32>], vector<16xf32>,
        %mul3A_1063 = arith.mulf %gather3A_1061, %gather3A_1061 : vector<16xf32>
        %add3A_1064 = arith.addf %add3A_1052, %mul3A_1063 : vector<16xf32>
        %mul3A_1065 = arith.mulf %gather3A_1062, %gather3A_1062 : vector<16xf32>
        %add3A_1066 = arith.addf %add3A_1054, %mul3A_1065 : vector<16xf32>
        %add3A_1067 = arith.constant 1 : i32
        %add3A_1068 = vector.broadcast %add3A_1067 : i32 to vector<16xi32>
        %add3A_1069 = arith.addi %and3A_1060, %add3A_1068 : vector<16xi32>
        %and3A_1070 = arith.constant 63 : i32
        %and3A_1071 = vector.broadcast %and3A_1070 : i32 to vector<16xi32>
        %and3A_1072 = arith.andi %add3A_1069, %and3A_1071 : vector<16xi32>
        %gather3A_1073 = tpu.vector_load_idx %arg20[%scan3A_888, %and3A_1072] : memref<256x64xf32, #tpu.memory_space<vmem>>[vector<16xi32>, vector<16xi32>], vector<16xf32>,
        %gather3A_1074 = tpu.vector_load_idx %arg22[%scan3A_888, %and3A_1072] : memref<256x64xf32, #tpu.memory_space<vmem>>[vector<16xi32>, vector<16xi32>], vector<16xf32>,
        %mul3A_1075 = arith.mulf %gather3A_1073, %gather3A_1073 : vector<16xf32>
        %add3A_1076 = arith.addf %add3A_1064, %mul3A_1075 : vector<16xf32>
        %mul3A_1077 = arith.mulf %gather3A_1074, %gather3A_1074 : vector<16xf32>
        %add3A_1078 = arith.addf %add3A_1066, %mul3A_1077 : vector<16xf32>
        %add3A_1079 = arith.constant 1 : i32
        %add3A_1080 = vector.broadcast %add3A_1079 : i32 to vector<16xi32>
        %add3A_1081 = arith.addi %and3A_1072, %add3A_1080 : vector<16xi32>
        %and3A_1082 = arith.constant 63 : i32
        %and3A_1083 = vector.broadcast %and3A_1082 : i32 to vector<16xi32>
        %and3A_1084 = arith.andi %add3A_1081, %and3A_1083 : vector<16xi32>
        %gather3A_1085 = tpu.vector_load_idx %arg20[%scan3A_888, %and3A_1084] : memref<256x64xf32, #tpu.memory_space<vmem>>[vector<16xi32>, vector<16xi32>], vector<16xf32>,
        %gather3A_1086 = tpu.vector_load_idx %arg22[%scan3A_888, %and3A_1084] : memref<256x64xf32, #tpu.memory_space<vmem>>[vector<16xi32>, vector<16xi32>], vector<16xf32>,
        %mul3A_1087 = arith.mulf %gather3A_1085, %gather3A_1085 : vector<16xf32>
        %add3A_1088 = arith.addf %add3A_1076, %mul3A_1087 : vector<16xf32>
        %mul3A_1089 = arith.mulf %gather3A_1086, %gather3A_1086 : vector<16xf32>
        %add3A_1090 = arith.addf %add3A_1078, %mul3A_1089 : vector<16xf32>
        %add3A_1091 = arith.constant 1 : i32
        %add3A_1092 = vector.broadcast %add3A_1091 : i32 to vector<16xi32>
        %add3A_1093 = arith.addi %and3A_1084, %add3A_1092 : vector<16xi32>
        %and3A_1094 = arith.constant 63 : i32
        %and3A_1095 = vector.broadcast %and3A_1094 : i32 to vector<16xi32>
        %and3A_1096 = arith.andi %add3A_1093, %and3A_1095 : vector<16xi32>
        %gather3A_1097 = tpu.vector_load_idx %arg20[%scan3A_888, %and3A_1096] : memref<256x64xf32, #tpu.memory_space<vmem>>[vector<16xi32>, vector<16xi32>], vector<16xf32>,
        %gather3A_1098 = tpu.vector_load_idx %arg22[%scan3A_888, %and3A_1096] : memref<256x64xf32, #tpu.memory_space<vmem>>[vector<16xi32>, vector<16xi32>], vector<16xf32>,
        %mul3A_1099 = arith.mulf %gather3A_1097, %gather3A_1097 : vector<16xf32>
        %add3A_1100 = arith.addf %add3A_1088, %mul3A_1099 : vector<16xf32>
        %mul3A_1101 = arith.mulf %gather3A_1098, %gather3A_1098 : vector<16xf32>
        %add3A_1102 = arith.addf %add3A_1090, %mul3A_1101 : vector<16xf32>
        %add3A_1103 = arith.constant 1 : i32
        %add3A_1104 = vector.broadcast %add3A_1103 : i32 to vector<16xi32>
        %add3A_1105 = arith.addi %and3A_1096, %add3A_1104 : vector<16xi32>
        %and3A_1106 = arith.constant 63 : i32
        %and3A_1107 = vector.broadcast %and3A_1106 : i32 to vector<16xi32>
        %and3A_1108 = arith.andi %add3A_1105, %and3A_1107 : vector<16xi32>
        %gather3A_1109 = tpu.vector_load_idx %arg20[%scan3A_888, %and3A_1108] : memref<256x64xf32, #tpu.memory_space<vmem>>[vector<16xi32>, vector<16xi32>], vector<16xf32>,
        %gather3A_1110 = tpu.vector_load_idx %arg22[%scan3A_888, %and3A_1108] : memref<256x64xf32, #tpu.memory_space<vmem>>[vector<16xi32>, vector<16xi32>], vector<16xf32>,
        %mul3A_1111 = arith.mulf %gather3A_1109, %gather3A_1109 : vector<16xf32>
        %add3A_1112 = arith.addf %add3A_1100, %mul3A_1111 : vector<16xf32>
        %mul3A_1113 = arith.mulf %gather3A_1110, %gather3A_1110 : vector<16xf32>
        %add3A_1114 = arith.addf %add3A_1102, %mul3A_1113 : vector<16xf32>
        %add3A_1115 = arith.constant 1 : i32
        %add3A_1116 = vector.broadcast %add3A_1115 : i32 to vector<16xi32>
        %add3A_1117 = arith.addi %and3A_1108, %add3A_1116 : vector<16xi32>
        %and3A_1118 = arith.constant 63 : i32
        %and3A_1119 = vector.broadcast %and3A_1118 : i32 to vector<16xi32>
        %and3A_1120 = arith.andi %add3A_1117, %and3A_1119 : vector<16xi32>
        %gather3A_1121 = tpu.vector_load_idx %arg20[%scan3A_888, %and3A_1120] : memref<256x64xf32, #tpu.memory_space<vmem>>[vector<16xi32>, vector<16xi32>], vector<16xf32>,
        %gather3A_1122 = tpu.vector_load_idx %arg22[%scan3A_888, %and3A_1120] : memref<256x64xf32, #tpu.memory_space<vmem>>[vector<16xi32>, vector<16xi32>], vector<16xf32>,
        %mul3A_1123 = arith.mulf %gather3A_1121, %gather3A_1121 : vector<16xf32>
        %add3A_1124 = arith.addf %add3A_1112, %mul3A_1123 : vector<16xf32>
        %mul3A_1125 = arith.mulf %gather3A_1122, %gather3A_1122 : vector<16xf32>
        %add3A_1126 = arith.addf %add3A_1114, %mul3A_1125 : vector<16xf32>
        %add3A_1127 = arith.constant 1 : i32
        %add3A_1128 = vector.broadcast %add3A_1127 : i32 to vector<16xi32>
        %add3A_1129 = arith.addi %and3A_1120, %add3A_1128 : vector<16xi32>
        %and3A_1130 = arith.constant 63 : i32
        %and3A_1131 = vector.broadcast %and3A_1130 : i32 to vector<16xi32>
        %and3A_1132 = arith.andi %add3A_1129, %and3A_1131 : vector<16xi32>
        %gather3A_1133 = tpu.vector_load_idx %arg20[%scan3A_888, %and3A_1132] : memref<256x64xf32, #tpu.memory_space<vmem>>[vector<16xi32>, vector<16xi32>], vector<16xf32>,
        %gather3A_1134 = tpu.vector_load_idx %arg22[%scan3A_888, %and3A_1132] : memref<256x64xf32, #tpu.memory_space<vmem>>[vector<16xi32>, vector<16xi32>], vector<16xf32>,
        %mul3A_1135 = arith.mulf %gather3A_1133, %gather3A_1133 : vector<16xf32>
        %add3A_1136 = arith.addf %add3A_1124, %mul3A_1135 : vector<16xf32>
        %mul3A_1137 = arith.mulf %gather3A_1134, %gather3A_1134 : vector<16xf32>
        %add3A_1138 = arith.addf %add3A_1126, %mul3A_1137 : vector<16xf32>
        %add3A_1139 = arith.constant 1 : i32
        %add3A_1140 = vector.broadcast %add3A_1139 : i32 to vector<16xi32>
        %add3A_1141 = arith.addi %and3A_1132, %add3A_1140 : vector<16xi32>
        %and3A_1142 = arith.constant 63 : i32
        %and3A_1143 = vector.broadcast %and3A_1142 : i32 to vector<16xi32>
        %and3A_1144 = arith.andi %add3A_1141, %and3A_1143 : vector<16xi32>
        %gather3A_1145 = tpu.vector_load_idx %arg20[%scan3A_888, %and3A_1144] : memref<256x64xf32, #tpu.memory_space<vmem>>[vector<16xi32>, vector<16xi32>], vector<16xf32>,
        %gather3A_1146 = tpu.vector_load_idx %arg22[%scan3A_888, %and3A_1144] : memref<256x64xf32, #tpu.memory_space<vmem>>[vector<16xi32>, vector<16xi32>], vector<16xf32>,
        %mul3A_1147 = arith.mulf %gather3A_1145, %gather3A_1145 : vector<16xf32>
        %add3A_1148 = arith.addf %add3A_1136, %mul3A_1147 : vector<16xf32>
        %mul3A_1149 = arith.mulf %gather3A_1146, %gather3A_1146 : vector<16xf32>
        %add3A_1150 = arith.addf %add3A_1138, %mul3A_1149 : vector<16xf32>
        %add3A_1151 = arith.constant 1 : i32
        %add3A_1152 = vector.broadcast %add3A_1151 : i32 to vector<16xi32>
        %add3A_1153 = arith.addi %and3A_1144, %add3A_1152 : vector<16xi32>
        %and3A_1154 = arith.constant 63 : i32
        %and3A_1155 = vector.broadcast %and3A_1154 : i32 to vector<16xi32>
        %and3A_1156 = arith.andi %add3A_1153, %and3A_1155 : vector<16xi32>
        %gather3A_1157 = tpu.vector_load_idx %arg20[%scan3A_888, %and3A_1156] : memref<256x64xf32, #tpu.memory_space<vmem>>[vector<16xi32>, vector<16xi32>], vector<16xf32>,
        %gather3A_1158 = tpu.vector_load_idx %arg22[%scan3A_888, %and3A_1156] : memref<256x64xf32, #tpu.memory_space<vmem>>[vector<16xi32>, vector<16xi32>], vector<16xf32>,
        %mul3A_1159 = arith.mulf %gather3A_1157, %gather3A_1157 : vector<16xf32>
        %add3A_1160 = arith.addf %add3A_1148, %mul3A_1159 : vector<16xf32>
        %mul3A_1161 = arith.mulf %gather3A_1158, %gather3A_1158 : vector<16xf32>
        %add3A_1162 = arith.addf %add3A_1150, %mul3A_1161 : vector<16xf32>
        %add3A_1163 = arith.constant 1 : i32
        %add3A_1164 = vector.broadcast %add3A_1163 : i32 to vector<16xi32>
        %add3A_1165 = arith.addi %and3A_1156, %add3A_1164 : vector<16xi32>
        %and3A_1166 = arith.constant 63 : i32
        %and3A_1167 = vector.broadcast %and3A_1166 : i32 to vector<16xi32>
        %and3A_1168 = arith.andi %add3A_1165, %and3A_1167 : vector<16xi32>
        scf.yield %add3A_1160, %add3A_1162, %and3A_1168 : vector<16xf32>, vector<16xf32>, vector<16xi32>
      }
      %scan3A_894 = arith.constant 4 : i32
      %bitcast_convert_type3A = tpu.bitcast %scan3A_893#0 : vector<16xf32> -> vector<16xi32>
      %shift_right_arithmetic3A = arith.constant 1 : i32
      %shift_right_arithmetic3A_895 = vector.broadcast %shift_right_arithmetic3A : i32 to vector<16xi32>
      %shift_right_arithmetic3A_896 = arith.shrsi %bitcast_convert_type3A, %shift_right_arithmetic3A_895 : vector<16xi32>
      %sub3A_897 = arith.constant 1597463007 : i32
      %sub3A_898 = vector.broadcast %sub3A_897 : i32 to vector<16xi32>
      %sub3A_899 = arith.subi %sub3A_898, %shift_right_arithmetic3A_896 : vector<16xi32>
      %bitcast_convert_type3A_900 = tpu.bitcast %sub3A_899 : vector<16xi32> -> vector<16xf32>
      %mul3A_901 = arith.constant 5.000000e-01 : f32
      %mul3A_902 = vector.broadcast %mul3A_901 : f32 to vector<16xf32>
      %mul3A_903 = arith.mulf %mul3A_902, %scan3A_893#0 : vector<16xf32>
      %mul3A_904 = arith.mulf %mul3A_903, %bitcast_convert_type3A_900 : vector<16xf32>
      %mul3A_905 = arith.mulf %mul3A_904, %bitcast_convert_type3A_900 : vector<16xf32>
      %sub3A_906 = arith.constant 1.500000e+00 : f32
      %sub3A_907 = vector.broadcast %sub3A_906 : f32 to vector<16xf32>
      %sub3A_908 = arith.subf %sub3A_907, %mul3A_905 : vector<16xf32>
      %mul3A_909 = arith.mulf %bitcast_convert_type3A_900, %sub3A_908 : vector<16xf32>
      %mul3A_910 = arith.constant 5.000000e-01 : f32
      %mul3A_911 = vector.broadcast %mul3A_910 : f32 to vector<16xf32>
      %mul3A_912 = arith.mulf %mul3A_911, %scan3A_893#0 : vector<16xf32>
      %mul3A_913 = arith.mulf %mul3A_912, %mul3A_909 : vector<16xf32>
      %mul3A_914 = arith.mulf %mul3A_913, %mul3A_909 : vector<16xf32>
      %sub3A_915 = arith.constant 1.500000e+00 : f32
      %sub3A_916 = vector.broadcast %sub3A_915 : f32 to vector<16xf32>
      %sub3A_917 = arith.subf %sub3A_916, %mul3A_914 : vector<16xf32>
      %mul3A_918 = arith.mulf %mul3A_909, %sub3A_917 : vector<16xf32>
      %mul3A_919 = arith.constant 5.000000e-01 : f32
      %mul3A_920 = vector.broadcast %mul3A_919 : f32 to vector<16xf32>
      %mul3A_921 = arith.mulf %mul3A_920, %scan3A_893#0 : vector<16xf32>
      %mul3A_922 = arith.mulf %mul3A_921, %mul3A_918 : vector<16xf32>
      %mul3A_923 = arith.mulf %mul3A_922, %mul3A_918 : vector<16xf32>
      %sub3A_924 = arith.constant 1.500000e+00 : f32
      %sub3A_925 = vector.broadcast %sub3A_924 : f32 to vector<16xf32>
      %sub3A_926 = arith.subf %sub3A_925, %mul3A_923 : vector<16xf32>
      %mul3A_927 = arith.mulf %mul3A_918, %sub3A_926 : vector<16xf32>
      %bitcast_convert_type3A_928 = tpu.bitcast %scan3A_893#1 : vector<16xf32> -> vector<16xi32>
      %shift_right_arithmetic3A_929 = arith.constant 1 : i32
      %shift_right_arithmetic3A_930 = vector.broadcast %shift_right_arithmetic3A_929 : i32 to vector<16xi32>
      %shift_right_arithmetic3A_931 = arith.shrsi %bitcast_convert_type3A_928, %shift_right_arithmetic3A_930 : vector<16xi32>
      %sub3A_932 = arith.constant 1597463007 : i32
      %sub3A_933 = vector.broadcast %sub3A_932 : i32 to vector<16xi32>
      %sub3A_934 = arith.subi %sub3A_933, %shift_right_arithmetic3A_931 : vector<16xi32>
      %bitcast_convert_type3A_935 = tpu.bitcast %sub3A_934 : vector<16xi32> -> vector<16xf32>
      %mul3A_936 = arith.constant 5.000000e-01 : f32
      %mul3A_937 = vector.broadcast %mul3A_936 : f32 to vector<16xf32>
      %mul3A_938 = arith.mulf %mul3A_937, %scan3A_893#1 : vector<16xf32>
      %mul3A_939 = arith.mulf %mul3A_938, %bitcast_convert_type3A_935 : vector<16xf32>
      %mul3A_940 = arith.mulf %mul3A_939, %bitcast_convert_type3A_935 : vector<16xf32>
      %sub3A_941 = arith.constant 1.500000e+00 : f32
      %sub3A_942 = vector.broadcast %sub3A_941 : f32 to vector<16xf32>
      %sub3A_943 = arith.subf %sub3A_942, %mul3A_940 : vector<16xf32>
      %mul3A_944 = arith.mulf %bitcast_convert_type3A_935, %sub3A_943 : vector<16xf32>
      %mul3A_945 = arith.constant 5.000000e-01 : f32
      %mul3A_946 = vector.broadcast %mul3A_945 : f32 to vector<16xf32>
      %mul3A_947 = arith.mulf %mul3A_946, %scan3A_893#1 : vector<16xf32>
      %mul3A_948 = arith.mulf %mul3A_947, %mul3A_944 : vector<16xf32>
      %mul3A_949 = arith.mulf %mul3A_948, %mul3A_944 : vector<16xf32>
      %sub3A_950 = arith.constant 1.500000e+00 : f32
      %sub3A_951 = vector.broadcast %sub3A_950 : f32 to vector<16xf32>
      %sub3A_952 = arith.subf %sub3A_951, %mul3A_949 : vector<16xf32>
      %mul3A_953 = arith.mulf %mul3A_944, %sub3A_952 : vector<16xf32>
      %mul3A_954 = arith.constant 5.000000e-01 : f32
      %mul3A_955 = vector.broadcast %mul3A_954 : f32 to vector<16xf32>
      %mul3A_956 = arith.mulf %mul3A_955, %scan3A_893#1 : vector<16xf32>
      %mul3A_957 = arith.mulf %mul3A_956, %mul3A_953 : vector<16xf32>
      %mul3A_958 = arith.mulf %mul3A_957, %mul3A_953 : vector<16xf32>
      %sub3A_959 = arith.constant 1.500000e+00 : f32
      %sub3A_960 = vector.broadcast %sub3A_959 : f32 to vector<16xf32>
      %sub3A_961 = arith.subf %sub3A_960, %mul3A_958 : vector<16xf32>
      %mul3A_962 = arith.mulf %mul3A_953, %sub3A_961 : vector<16xf32>
      %scan3A_963 = arith.constant 0 : i32
      %scan3A_964 = arith.constant 4 : i32
      %scan3A_965 = arith.addi %scan3A_963, %scan3A_964 : i32
      %scan3A_966 = arith.constant 1 : i32
      %scan3A_967:2 = scf.for %scan3A_975 = %scan3A_963 to %scan3A_965 step %scan3A_966 iter_args(%scan3A_976 = %broadcast_in_dim3A_1, %scan3A_977 = %iota3A) -> (vector<16xf32>, vector<16xi32>)  : i32 {
        %gather3A = tpu.vector_load_idx %arg20[%scan3A_888, %scan3A_977] : memref<256x64xf32, #tpu.memory_space<vmem>>[vector<16xi32>, vector<16xi32>], vector<16xf32>,
        %gather3A_978 = tpu.vector_load_idx %arg21[%scan3A_888, %scan3A_977] : memref<256x64xf32, #tpu.memory_space<vmem>>[vector<16xi32>, vector<16xi32>], vector<16xf32>,
        %gather3A_979 = tpu.vector_load_idx %arg22[%scan3A_888, %scan3A_977] : memref<256x64xf32, #tpu.memory_space<vmem>>[vector<16xi32>, vector<16xi32>], vector<16xf32>,
        %mul3A_980 = arith.mulf %gather3A, %mul3A_927 : vector<16xf32>
        %add3A_981 = arith.addf %mul3A_980, %gather3A_978 : vector<16xf32>
        %mul3A_982 = arith.mulf %gather3A_979, %mul3A_962 : vector<16xf32>
        %sub3A_983 = arith.subf %add3A_981, %mul3A_982 : vector<16xf32>
        %abs3A = math.absf %sub3A_983 : vector<16xf32>
        %add3A_984 = arith.addf %scan3A_976, %abs3A : vector<16xf32>
        %add3A_985 = arith.constant 1 : i32
        %add3A_986 = vector.broadcast %add3A_985 : i32 to vector<16xi32>
        %add3A_987 = arith.addi %scan3A_977, %add3A_986 : vector<16xi32>
        %and3A = arith.constant 63 : i32
        %and3A_988 = vector.broadcast %and3A : i32 to vector<16xi32>
        %and3A_989 = arith.andi %add3A_987, %and3A_988 : vector<16xi32>
        %gather3A_990 = tpu.vector_load_idx %arg20[%scan3A_888, %and3A_989] : memref<256x64xf32, #tpu.memory_space<vmem>>[vector<16xi32>, vector<16xi32>], vector<16xf32>,
        %gather3A_991 = tpu.vector_load_idx %arg21[%scan3A_888, %and3A_989] : memref<256x64xf32, #tpu.memory_space<vmem>>[vector<16xi32>, vector<16xi32>], vector<16xf32>,
        %gather3A_992 = tpu.vector_load_idx %arg22[%scan3A_888, %and3A_989] : memref<256x64xf32, #tpu.memory_space<vmem>>[vector<16xi32>, vector<16xi32>], vector<16xf32>,
        %mul3A_993 = arith.mulf %gather3A_990, %mul3A_927 : vector<16xf32>
        %add3A_994 = arith.addf %mul3A_993, %gather3A_991 : vector<16xf32>
        %mul3A_995 = arith.mulf %gather3A_992, %mul3A_962 : vector<16xf32>
        %sub3A_996 = arith.subf %add3A_994, %mul3A_995 : vector<16xf32>
        %abs3A_997 = math.absf %sub3A_996 : vector<16xf32>
        %add3A_998 = arith.addf %add3A_984, %abs3A_997 : vector<16xf32>
        %add3A_999 = arith.constant 1 : i32
        %add3A_1000 = vector.broadcast %add3A_999 : i32 to vector<16xi32>
        %add3A_1001 = arith.addi %and3A_989, %add3A_1000 : vector<16xi32>
        %and3A_1002 = arith.constant 63 : i32
        %and3A_1003 = vector.broadcast %and3A_1002 : i32 to vector<16xi32>
        %and3A_1004 = arith.andi %add3A_1001, %and3A_1003 : vector<16xi32>
        %gather3A_1005 = tpu.vector_load_idx %arg20[%scan3A_888, %and3A_1004] : memref<256x64xf32, #tpu.memory_space<vmem>>[vector<16xi32>, vector<16xi32>], vector<16xf32>,
        %gather3A_1006 = tpu.vector_load_idx %arg21[%scan3A_888, %and3A_1004] : memref<256x64xf32, #tpu.memory_space<vmem>>[vector<16xi32>, vector<16xi32>], vector<16xf32>,
        %gather3A_1007 = tpu.vector_load_idx %arg22[%scan3A_888, %and3A_1004] : memref<256x64xf32, #tpu.memory_space<vmem>>[vector<16xi32>, vector<16xi32>], vector<16xf32>,
        %mul3A_1008 = arith.mulf %gather3A_1005, %mul3A_927 : vector<16xf32>
        %add3A_1009 = arith.addf %mul3A_1008, %gather3A_1006 : vector<16xf32>
        %mul3A_1010 = arith.mulf %gather3A_1007, %mul3A_962 : vector<16xf32>
        %sub3A_1011 = arith.subf %add3A_1009, %mul3A_1010 : vector<16xf32>
        %abs3A_1012 = math.absf %sub3A_1011 : vector<16xf32>
        %add3A_1013 = arith.addf %add3A_998, %abs3A_1012 : vector<16xf32>
        %add3A_1014 = arith.constant 1 : i32
        %add3A_1015 = vector.broadcast %add3A_1014 : i32 to vector<16xi32>
        %add3A_1016 = arith.addi %and3A_1004, %add3A_1015 : vector<16xi32>
        %and3A_1017 = arith.constant 63 : i32
        %and3A_1018 = vector.broadcast %and3A_1017 : i32 to vector<16xi32>
        %and3A_1019 = arith.andi %add3A_1016, %and3A_1018 : vector<16xi32>
        %gather3A_1020 = tpu.vector_load_idx %arg20[%scan3A_888, %and3A_1019] : memref<256x64xf32, #tpu.memory_space<vmem>>[vector<16xi32>, vector<16xi32>], vector<16xf32>,
        %gather3A_1021 = tpu.vector_load_idx %arg21[%scan3A_888, %and3A_1019] : memref<256x64xf32, #tpu.memory_space<vmem>>[vector<16xi32>, vector<16xi32>], vector<16xf32>,
        %gather3A_1022 = tpu.vector_load_idx %arg22[%scan3A_888, %and3A_1019] : memref<256x64xf32, #tpu.memory_space<vmem>>[vector<16xi32>, vector<16xi32>], vector<16xf32>,
        %mul3A_1023 = arith.mulf %gather3A_1020, %mul3A_927 : vector<16xf32>
        %add3A_1024 = arith.addf %mul3A_1023, %gather3A_1021 : vector<16xf32>
        %mul3A_1025 = arith.mulf %gather3A_1022, %mul3A_962 : vector<16xf32>
        %sub3A_1026 = arith.subf %add3A_1024, %mul3A_1025 : vector<16xf32>
        %abs3A_1027 = math.absf %sub3A_1026 : vector<16xf32>
        %add3A_1028 = arith.addf %add3A_1013, %abs3A_1027 : vector<16xf32>
        %add3A_1029 = arith.constant 1 : i32
        %add3A_1030 = vector.broadcast %add3A_1029 : i32 to vector<16xi32>
        %add3A_1031 = arith.addi %and3A_1019, %add3A_1030 : vector<16xi32>
        %and3A_1032 = arith.constant 63 : i32
        %and3A_1033 = vector.broadcast %and3A_1032 : i32 to vector<16xi32>
        %and3A_1034 = arith.andi %add3A_1031, %and3A_1033 : vector<16xi32>
        %gather3A_1035 = tpu.vector_load_idx %arg20[%scan3A_888, %and3A_1034] : memref<256x64xf32, #tpu.memory_space<vmem>>[vector<16xi32>, vector<16xi32>], vector<16xf32>,
        %gather3A_1036 = tpu.vector_load_idx %arg21[%scan3A_888, %and3A_1034] : memref<256x64xf32, #tpu.memory_space<vmem>>[vector<16xi32>, vector<16xi32>], vector<16xf32>,
        %gather3A_1037 = tpu.vector_load_idx %arg22[%scan3A_888, %and3A_1034] : memref<256x64xf32, #tpu.memory_space<vmem>>[vector<16xi32>, vector<16xi32>], vector<16xf32>,
        %mul3A_1038 = arith.mulf %gather3A_1035, %mul3A_927 : vector<16xf32>
        %add3A_1039 = arith.addf %mul3A_1038, %gather3A_1036 : vector<16xf32>
        %mul3A_1040 = arith.mulf %gather3A_1037, %mul3A_962 : vector<16xf32>
        %sub3A_1041 = arith.subf %add3A_1039, %mul3A_1040 : vector<16xf32>
        %abs3A_1042 = math.absf %sub3A_1041 : vector<16xf32>
        %add3A_1043 = arith.addf %add3A_1028, %abs3A_1042 : vector<16xf32>
        %add3A_1044 = arith.constant 1 : i32
        %add3A_1045 = vector.broadcast %add3A_1044 : i32 to vector<16xi32>
        %add3A_1046 = arith.addi %and3A_1034, %add3A_1045 : vector<16xi32>
        %and3A_1047 = arith.constant 63 : i32
        %and3A_1048 = vector.broadcast %and3A_1047 : i32 to vector<16xi32>
        %and3A_1049 = arith.andi %add3A_1046, %and3A_1048 : vector<16xi32>
        %gather3A_1050 = tpu.vector_load_idx %arg20[%scan3A_888, %and3A_1049] : memref<256x64xf32, #tpu.memory_space<vmem>>[vector<16xi32>, vector<16xi32>], vector<16xf32>,
        %gather3A_1051 = tpu.vector_load_idx %arg21[%scan3A_888, %and3A_1049] : memref<256x64xf32, #tpu.memory_space<vmem>>[vector<16xi32>, vector<16xi32>], vector<16xf32>,
        %gather3A_1052 = tpu.vector_load_idx %arg22[%scan3A_888, %and3A_1049] : memref<256x64xf32, #tpu.memory_space<vmem>>[vector<16xi32>, vector<16xi32>], vector<16xf32>,
        %mul3A_1053 = arith.mulf %gather3A_1050, %mul3A_927 : vector<16xf32>
        %add3A_1054 = arith.addf %mul3A_1053, %gather3A_1051 : vector<16xf32>
        %mul3A_1055 = arith.mulf %gather3A_1052, %mul3A_962 : vector<16xf32>
        %sub3A_1056 = arith.subf %add3A_1054, %mul3A_1055 : vector<16xf32>
        %abs3A_1057 = math.absf %sub3A_1056 : vector<16xf32>
        %add3A_1058 = arith.addf %add3A_1043, %abs3A_1057 : vector<16xf32>
        %add3A_1059 = arith.constant 1 : i32
        %add3A_1060 = vector.broadcast %add3A_1059 : i32 to vector<16xi32>
        %add3A_1061 = arith.addi %and3A_1049, %add3A_1060 : vector<16xi32>
        %and3A_1062 = arith.constant 63 : i32
        %and3A_1063 = vector.broadcast %and3A_1062 : i32 to vector<16xi32>
        %and3A_1064 = arith.andi %add3A_1061, %and3A_1063 : vector<16xi32>
        %gather3A_1065 = tpu.vector_load_idx %arg20[%scan3A_888, %and3A_1064] : memref<256x64xf32, #tpu.memory_space<vmem>>[vector<16xi32>, vector<16xi32>], vector<16xf32>,
        %gather3A_1066 = tpu.vector_load_idx %arg21[%scan3A_888, %and3A_1064] : memref<256x64xf32, #tpu.memory_space<vmem>>[vector<16xi32>, vector<16xi32>], vector<16xf32>,
        %gather3A_1067 = tpu.vector_load_idx %arg22[%scan3A_888, %and3A_1064] : memref<256x64xf32, #tpu.memory_space<vmem>>[vector<16xi32>, vector<16xi32>], vector<16xf32>,
        %mul3A_1068 = arith.mulf %gather3A_1065, %mul3A_927 : vector<16xf32>
        %add3A_1069 = arith.addf %mul3A_1068, %gather3A_1066 : vector<16xf32>
        %mul3A_1070 = arith.mulf %gather3A_1067, %mul3A_962 : vector<16xf32>
        %sub3A_1071 = arith.subf %add3A_1069, %mul3A_1070 : vector<16xf32>
        %abs3A_1072 = math.absf %sub3A_1071 : vector<16xf32>
        %add3A_1073 = arith.addf %add3A_1058, %abs3A_1072 : vector<16xf32>
        %add3A_1074 = arith.constant 1 : i32
        %add3A_1075 = vector.broadcast %add3A_1074 : i32 to vector<16xi32>
        %add3A_1076 = arith.addi %and3A_1064, %add3A_1075 : vector<16xi32>
        %and3A_1077 = arith.constant 63 : i32
        %and3A_1078 = vector.broadcast %and3A_1077 : i32 to vector<16xi32>
        %and3A_1079 = arith.andi %add3A_1076, %and3A_1078 : vector<16xi32>
        %gather3A_1080 = tpu.vector_load_idx %arg20[%scan3A_888, %and3A_1079] : memref<256x64xf32, #tpu.memory_space<vmem>>[vector<16xi32>, vector<16xi32>], vector<16xf32>,
        %gather3A_1081 = tpu.vector_load_idx %arg21[%scan3A_888, %and3A_1079] : memref<256x64xf32, #tpu.memory_space<vmem>>[vector<16xi32>, vector<16xi32>], vector<16xf32>,
        %gather3A_1082 = tpu.vector_load_idx %arg22[%scan3A_888, %and3A_1079] : memref<256x64xf32, #tpu.memory_space<vmem>>[vector<16xi32>, vector<16xi32>], vector<16xf32>,
        %mul3A_1083 = arith.mulf %gather3A_1080, %mul3A_927 : vector<16xf32>
        %add3A_1084 = arith.addf %mul3A_1083, %gather3A_1081 : vector<16xf32>
        %mul3A_1085 = arith.mulf %gather3A_1082, %mul3A_962 : vector<16xf32>
        %sub3A_1086 = arith.subf %add3A_1084, %mul3A_1085 : vector<16xf32>
        %abs3A_1087 = math.absf %sub3A_1086 : vector<16xf32>
        %add3A_1088 = arith.addf %add3A_1073, %abs3A_1087 : vector<16xf32>
        %add3A_1089 = arith.constant 1 : i32
        %add3A_1090 = vector.broadcast %add3A_1089 : i32 to vector<16xi32>
        %add3A_1091 = arith.addi %and3A_1079, %add3A_1090 : vector<16xi32>
        %and3A_1092 = arith.constant 63 : i32
        %and3A_1093 = vector.broadcast %and3A_1092 : i32 to vector<16xi32>
        %and3A_1094 = arith.andi %add3A_1091, %and3A_1093 : vector<16xi32>
        %gather3A_1095 = tpu.vector_load_idx %arg20[%scan3A_888, %and3A_1094] : memref<256x64xf32, #tpu.memory_space<vmem>>[vector<16xi32>, vector<16xi32>], vector<16xf32>,
        %gather3A_1096 = tpu.vector_load_idx %arg21[%scan3A_888, %and3A_1094] : memref<256x64xf32, #tpu.memory_space<vmem>>[vector<16xi32>, vector<16xi32>], vector<16xf32>,
        %gather3A_1097 = tpu.vector_load_idx %arg22[%scan3A_888, %and3A_1094] : memref<256x64xf32, #tpu.memory_space<vmem>>[vector<16xi32>, vector<16xi32>], vector<16xf32>,
        %mul3A_1098 = arith.mulf %gather3A_1095, %mul3A_927 : vector<16xf32>
        %add3A_1099 = arith.addf %mul3A_1098, %gather3A_1096 : vector<16xf32>
        %mul3A_1100 = arith.mulf %gather3A_1097, %mul3A_962 : vector<16xf32>
        %sub3A_1101 = arith.subf %add3A_1099, %mul3A_1100 : vector<16xf32>
        %abs3A_1102 = math.absf %sub3A_1101 : vector<16xf32>
        %add3A_1103 = arith.addf %add3A_1088, %abs3A_1102 : vector<16xf32>
        %add3A_1104 = arith.constant 1 : i32
        %add3A_1105 = vector.broadcast %add3A_1104 : i32 to vector<16xi32>
        %add3A_1106 = arith.addi %and3A_1094, %add3A_1105 : vector<16xi32>
        %and3A_1107 = arith.constant 63 : i32
        %and3A_1108 = vector.broadcast %and3A_1107 : i32 to vector<16xi32>
        %and3A_1109 = arith.andi %add3A_1106, %and3A_1108 : vector<16xi32>
        %gather3A_1110 = tpu.vector_load_idx %arg20[%scan3A_888, %and3A_1109] : memref<256x64xf32, #tpu.memory_space<vmem>>[vector<16xi32>, vector<16xi32>], vector<16xf32>,
        %gather3A_1111 = tpu.vector_load_idx %arg21[%scan3A_888, %and3A_1109] : memref<256x64xf32, #tpu.memory_space<vmem>>[vector<16xi32>, vector<16xi32>], vector<16xf32>,
        %gather3A_1112 = tpu.vector_load_idx %arg22[%scan3A_888, %and3A_1109] : memref<256x64xf32, #tpu.memory_space<vmem>>[vector<16xi32>, vector<16xi32>], vector<16xf32>,
        %mul3A_1113 = arith.mulf %gather3A_1110, %mul3A_927 : vector<16xf32>
        %add3A_1114 = arith.addf %mul3A_1113, %gather3A_1111 : vector<16xf32>
        %mul3A_1115 = arith.mulf %gather3A_1112, %mul3A_962 : vector<16xf32>
        %sub3A_1116 = arith.subf %add3A_1114, %mul3A_1115 : vector<16xf32>
        %abs3A_1117 = math.absf %sub3A_1116 : vector<16xf32>
        %add3A_1118 = arith.addf %add3A_1103, %abs3A_1117 : vector<16xf32>
        %add3A_1119 = arith.constant 1 : i32
        %add3A_1120 = vector.broadcast %add3A_1119 : i32 to vector<16xi32>
        %add3A_1121 = arith.addi %and3A_1109, %add3A_1120 : vector<16xi32>
        %and3A_1122 = arith.constant 63 : i32
        %and3A_1123 = vector.broadcast %and3A_1122 : i32 to vector<16xi32>
        %and3A_1124 = arith.andi %add3A_1121, %and3A_1123 : vector<16xi32>
        %gather3A_1125 = tpu.vector_load_idx %arg20[%scan3A_888, %and3A_1124] : memref<256x64xf32, #tpu.memory_space<vmem>>[vector<16xi32>, vector<16xi32>], vector<16xf32>,
        %gather3A_1126 = tpu.vector_load_idx %arg21[%scan3A_888, %and3A_1124] : memref<256x64xf32, #tpu.memory_space<vmem>>[vector<16xi32>, vector<16xi32>], vector<16xf32>,
        %gather3A_1127 = tpu.vector_load_idx %arg22[%scan3A_888, %and3A_1124] : memref<256x64xf32, #tpu.memory_space<vmem>>[vector<16xi32>, vector<16xi32>], vector<16xf32>,
        %mul3A_1128 = arith.mulf %gather3A_1125, %mul3A_927 : vector<16xf32>
        %add3A_1129 = arith.addf %mul3A_1128, %gather3A_1126 : vector<16xf32>
        %mul3A_1130 = arith.mulf %gather3A_1127, %mul3A_962 : vector<16xf32>
        %sub3A_1131 = arith.subf %add3A_1129, %mul3A_1130 : vector<16xf32>
        %abs3A_1132 = math.absf %sub3A_1131 : vector<16xf32>
        %add3A_1133 = arith.addf %add3A_1118, %abs3A_1132 : vector<16xf32>
        %add3A_1134 = arith.constant 1 : i32
        %add3A_1135 = vector.broadcast %add3A_1134 : i32 to vector<16xi32>
        %add3A_1136 = arith.addi %and3A_1124, %add3A_1135 : vector<16xi32>
        %and3A_1137 = arith.constant 63 : i32
        %and3A_1138 = vector.broadcast %and3A_1137 : i32 to vector<16xi32>
        %and3A_1139 = arith.andi %add3A_1136, %and3A_1138 : vector<16xi32>
        %gather3A_1140 = tpu.vector_load_idx %arg20[%scan3A_888, %and3A_1139] : memref<256x64xf32, #tpu.memory_space<vmem>>[vector<16xi32>, vector<16xi32>], vector<16xf32>,
        %gather3A_1141 = tpu.vector_load_idx %arg21[%scan3A_888, %and3A_1139] : memref<256x64xf32, #tpu.memory_space<vmem>>[vector<16xi32>, vector<16xi32>], vector<16xf32>,
        %gather3A_1142 = tpu.vector_load_idx %arg22[%scan3A_888, %and3A_1139] : memref<256x64xf32, #tpu.memory_space<vmem>>[vector<16xi32>, vector<16xi32>], vector<16xf32>,
        %mul3A_1143 = arith.mulf %gather3A_1140, %mul3A_927 : vector<16xf32>
        %add3A_1144 = arith.addf %mul3A_1143, %gather3A_1141 : vector<16xf32>
        %mul3A_1145 = arith.mulf %gather3A_1142, %mul3A_962 : vector<16xf32>
        %sub3A_1146 = arith.subf %add3A_1144, %mul3A_1145 : vector<16xf32>
        %abs3A_1147 = math.absf %sub3A_1146 : vector<16xf32>
        %add3A_1148 = arith.addf %add3A_1133, %abs3A_1147 : vector<16xf32>
        %add3A_1149 = arith.constant 1 : i32
        %add3A_1150 = vector.broadcast %add3A_1149 : i32 to vector<16xi32>
        %add3A_1151 = arith.addi %and3A_1139, %add3A_1150 : vector<16xi32>
        %and3A_1152 = arith.constant 63 : i32
        %and3A_1153 = vector.broadcast %and3A_1152 : i32 to vector<16xi32>
        %and3A_1154 = arith.andi %add3A_1151, %and3A_1153 : vector<16xi32>
        %gather3A_1155 = tpu.vector_load_idx %arg20[%scan3A_888, %and3A_1154] : memref<256x64xf32, #tpu.memory_space<vmem>>[vector<16xi32>, vector<16xi32>], vector<16xf32>,
        %gather3A_1156 = tpu.vector_load_idx %arg21[%scan3A_888, %and3A_1154] : memref<256x64xf32, #tpu.memory_space<vmem>>[vector<16xi32>, vector<16xi32>], vector<16xf32>,
        %gather3A_1157 = tpu.vector_load_idx %arg22[%scan3A_888, %and3A_1154] : memref<256x64xf32, #tpu.memory_space<vmem>>[vector<16xi32>, vector<16xi32>], vector<16xf32>,
        %mul3A_1158 = arith.mulf %gather3A_1155, %mul3A_927 : vector<16xf32>
        %add3A_1159 = arith.addf %mul3A_1158, %gather3A_1156 : vector<16xf32>
        %mul3A_1160 = arith.mulf %gather3A_1157, %mul3A_962 : vector<16xf32>
        %sub3A_1161 = arith.subf %add3A_1159, %mul3A_1160 : vector<16xf32>
        %abs3A_1162 = math.absf %sub3A_1161 : vector<16xf32>
        %add3A_1163 = arith.addf %add3A_1148, %abs3A_1162 : vector<16xf32>
        %add3A_1164 = arith.constant 1 : i32
        %add3A_1165 = vector.broadcast %add3A_1164 : i32 to vector<16xi32>
        %add3A_1166 = arith.addi %and3A_1154, %add3A_1165 : vector<16xi32>
        %and3A_1167 = arith.constant 63 : i32
        %and3A_1168 = vector.broadcast %and3A_1167 : i32 to vector<16xi32>
        %and3A_1169 = arith.andi %add3A_1166, %and3A_1168 : vector<16xi32>
        %gather3A_1170 = tpu.vector_load_idx %arg20[%scan3A_888, %and3A_1169] : memref<256x64xf32, #tpu.memory_space<vmem>>[vector<16xi32>, vector<16xi32>], vector<16xf32>,
        %gather3A_1171 = tpu.vector_load_idx %arg21[%scan3A_888, %and3A_1169] : memref<256x64xf32, #tpu.memory_space<vmem>>[vector<16xi32>, vector<16xi32>], vector<16xf32>,
        %gather3A_1172 = tpu.vector_load_idx %arg22[%scan3A_888, %and3A_1169] : memref<256x64xf32, #tpu.memory_space<vmem>>[vector<16xi32>, vector<16xi32>], vector<16xf32>,
        %mul3A_1173 = arith.mulf %gather3A_1170, %mul3A_927 : vector<16xf32>
        %add3A_1174 = arith.addf %mul3A_1173, %gather3A_1171 : vector<16xf32>
        %mul3A_1175 = arith.mulf %gather3A_1172, %mul3A_962 : vector<16xf32>
        %sub3A_1176 = arith.subf %add3A_1174, %mul3A_1175 : vector<16xf32>
        %abs3A_1177 = math.absf %sub3A_1176 : vector<16xf32>
        %add3A_1178 = arith.addf %add3A_1163, %abs3A_1177 : vector<16xf32>
        %add3A_1179 = arith.constant 1 : i32
        %add3A_1180 = vector.broadcast %add3A_1179 : i32 to vector<16xi32>
        %add3A_1181 = arith.addi %and3A_1169, %add3A_1180 : vector<16xi32>
        %and3A_1182 = arith.constant 63 : i32
        %and3A_1183 = vector.broadcast %and3A_1182 : i32 to vector<16xi32>
        %and3A_1184 = arith.andi %add3A_1181, %and3A_1183 : vector<16xi32>
        %gather3A_1185 = tpu.vector_load_idx %arg20[%scan3A_888, %and3A_1184] : memref<256x64xf32, #tpu.memory_space<vmem>>[vector<16xi32>, vector<16xi32>], vector<16xf32>,
        %gather3A_1186 = tpu.vector_load_idx %arg21[%scan3A_888, %and3A_1184] : memref<256x64xf32, #tpu.memory_space<vmem>>[vector<16xi32>, vector<16xi32>], vector<16xf32>,
        %gather3A_1187 = tpu.vector_load_idx %arg22[%scan3A_888, %and3A_1184] : memref<256x64xf32, #tpu.memory_space<vmem>>[vector<16xi32>, vector<16xi32>], vector<16xf32>,
        %mul3A_1188 = arith.mulf %gather3A_1185, %mul3A_927 : vector<16xf32>
        %add3A_1189 = arith.addf %mul3A_1188, %gather3A_1186 : vector<16xf32>
        %mul3A_1190 = arith.mulf %gather3A_1187, %mul3A_962 : vector<16xf32>
        %sub3A_1191 = arith.subf %add3A_1189, %mul3A_1190 : vector<16xf32>
        %abs3A_1192 = math.absf %sub3A_1191 : vector<16xf32>
        %add3A_1193 = arith.addf %add3A_1178, %abs3A_1192 : vector<16xf32>
        %add3A_1194 = arith.constant 1 : i32
        %add3A_1195 = vector.broadcast %add3A_1194 : i32 to vector<16xi32>
        %add3A_1196 = arith.addi %and3A_1184, %add3A_1195 : vector<16xi32>
        %and3A_1197 = arith.constant 63 : i32
        %and3A_1198 = vector.broadcast %and3A_1197 : i32 to vector<16xi32>
        %and3A_1199 = arith.andi %add3A_1196, %and3A_1198 : vector<16xi32>
        %gather3A_1200 = tpu.vector_load_idx %arg20[%scan3A_888, %and3A_1199] : memref<256x64xf32, #tpu.memory_space<vmem>>[vector<16xi32>, vector<16xi32>], vector<16xf32>,
        %gather3A_1201 = tpu.vector_load_idx %arg21[%scan3A_888, %and3A_1199] : memref<256x64xf32, #tpu.memory_space<vmem>>[vector<16xi32>, vector<16xi32>], vector<16xf32>,
        %gather3A_1202 = tpu.vector_load_idx %arg22[%scan3A_888, %and3A_1199] : memref<256x64xf32, #tpu.memory_space<vmem>>[vector<16xi32>, vector<16xi32>], vector<16xf32>,
        %mul3A_1203 = arith.mulf %gather3A_1200, %mul3A_927 : vector<16xf32>
        %add3A_1204 = arith.addf %mul3A_1203, %gather3A_1201 : vector<16xf32>
        %mul3A_1205 = arith.mulf %gather3A_1202, %mul3A_962 : vector<16xf32>
        %sub3A_1206 = arith.subf %add3A_1204, %mul3A_1205 : vector<16xf32>
        %abs3A_1207 = math.absf %sub3A_1206 : vector<16xf32>
        %add3A_1208 = arith.addf %add3A_1193, %abs3A_1207 : vector<16xf32>
        %add3A_1209 = arith.constant 1 : i32
        %add3A_1210 = vector.broadcast %add3A_1209 : i32 to vector<16xi32>
        %add3A_1211 = arith.addi %and3A_1199, %add3A_1210 : vector<16xi32>
        %and3A_1212 = arith.constant 63 : i32
        %and3A_1213 = vector.broadcast %and3A_1212 : i32 to vector<16xi32>
        %and3A_1214 = arith.andi %add3A_1211, %and3A_1213 : vector<16xi32>
        scf.yield %add3A_1208, %and3A_1214 : vector<16xf32>, vector<16xi32>
      }
      %scan3A_968 = arith.constant 4 : i32
      %add3A_969 = arith.constant 256 : i32
      %add3A_970 = vector.broadcast %add3A_969 : i32 to vector<16xi32>
      %add3A_971 = arith.addi %scan3A_888, %add3A_970 : vector<16xi32>
      tpu.vector_store_idx %arg24[%add3A_971], %scan3A_967#0 : memref<512xf32, #tpu.memory_space<vmem>>[vector<16xi32>], vector<16xf32>,
      %add3A_972 = arith.constant 16 : i32
      %add3A_973 = vector.broadcast %add3A_972 : i32 to vector<16xi32>
      %add3A_974 = arith.addi %scan3A_888, %add3A_973 : vector<16xi32>
      scf.yield %add3A_974 : vector<16xi32>
    }
    %scan3A_504 = arith.constant 16 : i32
    %get3A = arith.constant 0 : index
    %get3A_505 = tpu.vector_load %arg23[%get3A] {strides = array<i32>} : memref<512xf32, #tpu.memory_space<vmem>>, vector<16xf32>,
    %get3A_506 = arith.constant 0 : index
    %get3A_507 = tpu.vector_load %arg24[%get3A_506] {strides = array<i32>} : memref<512xf32, #tpu.memory_space<vmem>>, vector<16xf32>,
    %sub3A = arith.subf %get3A_505, %get3A_507 : vector<16xf32>
    %add3A_508 = arith.constant 1.000000e+00 : f32
    %add3A_509 = vector.broadcast %add3A_508 : f32 to vector<16xf32>
    %add3A_510 = arith.addf %sub3A, %add3A_509 : vector<16xf32>
    %max3A = arith.constant 0.000000e+00 : f32
    %max3A_511 = vector.broadcast %max3A : f32 to vector<16xf32>
    %max3A_512 = arith.maximumf %add3A_510, %max3A_511 : vector<16xf32>
    %add3A_513 = arith.addf %broadcast_in_dim3A_1, %max3A_512 : vector<16xf32>
    %get3A_514 = arith.constant 16 : index
    %get3A_515 = tpu.vector_load %arg23[%get3A_514] {strides = array<i32>} : memref<512xf32, #tpu.memory_space<vmem>>, vector<16xf32>,
    %get3A_516 = arith.constant 16 : index
    %get3A_517 = tpu.vector_load %arg24[%get3A_516] {strides = array<i32>} : memref<512xf32, #tpu.memory_space<vmem>>, vector<16xf32>,
    %sub3A_518 = arith.subf %get3A_515, %get3A_517 : vector<16xf32>
    %add3A_519 = arith.constant 1.000000e+00 : f32
    %add3A_520 = vector.broadcast %add3A_519 : f32 to vector<16xf32>
    %add3A_521 = arith.addf %sub3A_518, %add3A_520 : vector<16xf32>
    %max3A_522 = arith.constant 0.000000e+00 : f32
    %max3A_523 = vector.broadcast %max3A_522 : f32 to vector<16xf32>
    %max3A_524 = arith.maximumf %add3A_521, %max3A_523 : vector<16xf32>
    %add3A_525 = arith.addf %add3A_513, %max3A_524 : vector<16xf32>
    %get3A_526 = arith.constant 32 : index
    %get3A_527 = tpu.vector_load %arg23[%get3A_526] {strides = array<i32>} : memref<512xf32, #tpu.memory_space<vmem>>, vector<16xf32>,
    %get3A_528 = arith.constant 32 : index
    %get3A_529 = tpu.vector_load %arg24[%get3A_528] {strides = array<i32>} : memref<512xf32, #tpu.memory_space<vmem>>, vector<16xf32>,
    %sub3A_530 = arith.subf %get3A_527, %get3A_529 : vector<16xf32>
    %add3A_531 = arith.constant 1.000000e+00 : f32
    %add3A_532 = vector.broadcast %add3A_531 : f32 to vector<16xf32>
    %add3A_533 = arith.addf %sub3A_530, %add3A_532 : vector<16xf32>
    %max3A_534 = arith.constant 0.000000e+00 : f32
    %max3A_535 = vector.broadcast %max3A_534 : f32 to vector<16xf32>
    %max3A_536 = arith.maximumf %add3A_533, %max3A_535 : vector<16xf32>
    %add3A_537 = arith.addf %add3A_525, %max3A_536 : vector<16xf32>
    %get3A_538 = arith.constant 48 : index
    %get3A_539 = tpu.vector_load %arg23[%get3A_538] {strides = array<i32>} : memref<512xf32, #tpu.memory_space<vmem>>, vector<16xf32>,
    %get3A_540 = arith.constant 48 : index
    %get3A_541 = tpu.vector_load %arg24[%get3A_540] {strides = array<i32>} : memref<512xf32, #tpu.memory_space<vmem>>, vector<16xf32>,
    %sub3A_542 = arith.subf %get3A_539, %get3A_541 : vector<16xf32>
    %add3A_543 = arith.constant 1.000000e+00 : f32
    %add3A_544 = vector.broadcast %add3A_543 : f32 to vector<16xf32>
    %add3A_545 = arith.addf %sub3A_542, %add3A_544 : vector<16xf32>
    %max3A_546 = arith.constant 0.000000e+00 : f32
    %max3A_547 = vector.broadcast %max3A_546 : f32 to vector<16xf32>
    %max3A_548 = arith.maximumf %add3A_545, %max3A_547 : vector<16xf32>
    %add3A_549 = arith.addf %add3A_537, %max3A_548 : vector<16xf32>
    %get3A_550 = arith.constant 64 : index
    %get3A_551 = tpu.vector_load %arg23[%get3A_550] {strides = array<i32>} : memref<512xf32, #tpu.memory_space<vmem>>, vector<16xf32>,
    %get3A_552 = arith.constant 64 : index
    %get3A_553 = tpu.vector_load %arg24[%get3A_552] {strides = array<i32>} : memref<512xf32, #tpu.memory_space<vmem>>, vector<16xf32>,
    %sub3A_554 = arith.subf %get3A_551, %get3A_553 : vector<16xf32>
    %add3A_555 = arith.constant 1.000000e+00 : f32
    %add3A_556 = vector.broadcast %add3A_555 : f32 to vector<16xf32>
    %add3A_557 = arith.addf %sub3A_554, %add3A_556 : vector<16xf32>
    %max3A_558 = arith.constant 0.000000e+00 : f32
    %max3A_559 = vector.broadcast %max3A_558 : f32 to vector<16xf32>
    %max3A_560 = arith.maximumf %add3A_557, %max3A_559 : vector<16xf32>
    %add3A_561 = arith.addf %add3A_549, %max3A_560 : vector<16xf32>
    %get3A_562 = arith.constant 80 : index
    %get3A_563 = tpu.vector_load %arg23[%get3A_562] {strides = array<i32>} : memref<512xf32, #tpu.memory_space<vmem>>, vector<16xf32>,
    %get3A_564 = arith.constant 80 : index
    %get3A_565 = tpu.vector_load %arg24[%get3A_564] {strides = array<i32>} : memref<512xf32, #tpu.memory_space<vmem>>, vector<16xf32>,
    %sub3A_566 = arith.subf %get3A_563, %get3A_565 : vector<16xf32>
    %add3A_567 = arith.constant 1.000000e+00 : f32
    %add3A_568 = vector.broadcast %add3A_567 : f32 to vector<16xf32>
    %add3A_569 = arith.addf %sub3A_566, %add3A_568 : vector<16xf32>
    %max3A_570 = arith.constant 0.000000e+00 : f32
    %max3A_571 = vector.broadcast %max3A_570 : f32 to vector<16xf32>
    %max3A_572 = arith.maximumf %add3A_569, %max3A_571 : vector<16xf32>
    %add3A_573 = arith.addf %add3A_561, %max3A_572 : vector<16xf32>
    %get3A_574 = arith.constant 96 : index
    %get3A_575 = tpu.vector_load %arg23[%get3A_574] {strides = array<i32>} : memref<512xf32, #tpu.memory_space<vmem>>, vector<16xf32>,
    %get3A_576 = arith.constant 96 : index
    %get3A_577 = tpu.vector_load %arg24[%get3A_576] {strides = array<i32>} : memref<512xf32, #tpu.memory_space<vmem>>, vector<16xf32>,
    %sub3A_578 = arith.subf %get3A_575, %get3A_577 : vector<16xf32>
    %add3A_579 = arith.constant 1.000000e+00 : f32
    %add3A_580 = vector.broadcast %add3A_579 : f32 to vector<16xf32>
    %add3A_581 = arith.addf %sub3A_578, %add3A_580 : vector<16xf32>
    %max3A_582 = arith.constant 0.000000e+00 : f32
    %max3A_583 = vector.broadcast %max3A_582 : f32 to vector<16xf32>
    %max3A_584 = arith.maximumf %add3A_581, %max3A_583 : vector<16xf32>
    %add3A_585 = arith.addf %add3A_573, %max3A_584 : vector<16xf32>
    %get3A_586 = arith.constant 112 : index
    %get3A_587 = tpu.vector_load %arg23[%get3A_586] {strides = array<i32>} : memref<512xf32, #tpu.memory_space<vmem>>, vector<16xf32>,
    %get3A_588 = arith.constant 112 : index
    %get3A_589 = tpu.vector_load %arg24[%get3A_588] {strides = array<i32>} : memref<512xf32, #tpu.memory_space<vmem>>, vector<16xf32>,
    %sub3A_590 = arith.subf %get3A_587, %get3A_589 : vector<16xf32>
    %add3A_591 = arith.constant 1.000000e+00 : f32
    %add3A_592 = vector.broadcast %add3A_591 : f32 to vector<16xf32>
    %add3A_593 = arith.addf %sub3A_590, %add3A_592 : vector<16xf32>
    %max3A_594 = arith.constant 0.000000e+00 : f32
    %max3A_595 = vector.broadcast %max3A_594 : f32 to vector<16xf32>
    %max3A_596 = arith.maximumf %add3A_593, %max3A_595 : vector<16xf32>
    %add3A_597 = arith.addf %add3A_585, %max3A_596 : vector<16xf32>
    %get3A_598 = arith.constant 128 : index
    %get3A_599 = tpu.vector_load %arg23[%get3A_598] {strides = array<i32>} : memref<512xf32, #tpu.memory_space<vmem>>, vector<16xf32>,
    %get3A_600 = arith.constant 128 : index
    %get3A_601 = tpu.vector_load %arg24[%get3A_600] {strides = array<i32>} : memref<512xf32, #tpu.memory_space<vmem>>, vector<16xf32>,
    %sub3A_602 = arith.subf %get3A_599, %get3A_601 : vector<16xf32>
    %add3A_603 = arith.constant 1.000000e+00 : f32
    %add3A_604 = vector.broadcast %add3A_603 : f32 to vector<16xf32>
    %add3A_605 = arith.addf %sub3A_602, %add3A_604 : vector<16xf32>
    %max3A_606 = arith.constant 0.000000e+00 : f32
    %max3A_607 = vector.broadcast %max3A_606 : f32 to vector<16xf32>
    %max3A_608 = arith.maximumf %add3A_605, %max3A_607 : vector<16xf32>
    %add3A_609 = arith.addf %add3A_597, %max3A_608 : vector<16xf32>
    %get3A_610 = arith.constant 144 : index
    %get3A_611 = tpu.vector_load %arg23[%get3A_610] {strides = array<i32>} : memref<512xf32, #tpu.memory_space<vmem>>, vector<16xf32>,
    %get3A_612 = arith.constant 144 : index
    %get3A_613 = tpu.vector_load %arg24[%get3A_612] {strides = array<i32>} : memref<512xf32, #tpu.memory_space<vmem>>, vector<16xf32>,
    %sub3A_614 = arith.subf %get3A_611, %get3A_613 : vector<16xf32>
    %add3A_615 = arith.constant 1.000000e+00 : f32
    %add3A_616 = vector.broadcast %add3A_615 : f32 to vector<16xf32>
    %add3A_617 = arith.addf %sub3A_614, %add3A_616 : vector<16xf32>
    %max3A_618 = arith.constant 0.000000e+00 : f32
    %max3A_619 = vector.broadcast %max3A_618 : f32 to vector<16xf32>
    %max3A_620 = arith.maximumf %add3A_617, %max3A_619 : vector<16xf32>
    %add3A_621 = arith.addf %add3A_609, %max3A_620 : vector<16xf32>
    %get3A_622 = arith.constant 160 : index
    %get3A_623 = tpu.vector_load %arg23[%get3A_622] {strides = array<i32>} : memref<512xf32, #tpu.memory_space<vmem>>, vector<16xf32>,
    %get3A_624 = arith.constant 160 : index
    %get3A_625 = tpu.vector_load %arg24[%get3A_624] {strides = array<i32>} : memref<512xf32, #tpu.memory_space<vmem>>, vector<16xf32>,
    %sub3A_626 = arith.subf %get3A_623, %get3A_625 : vector<16xf32>
    %add3A_627 = arith.constant 1.000000e+00 : f32
    %add3A_628 = vector.broadcast %add3A_627 : f32 to vector<16xf32>
    %add3A_629 = arith.addf %sub3A_626, %add3A_628 : vector<16xf32>
    %max3A_630 = arith.constant 0.000000e+00 : f32
    %max3A_631 = vector.broadcast %max3A_630 : f32 to vector<16xf32>
    %max3A_632 = arith.maximumf %add3A_629, %max3A_631 : vector<16xf32>
    %add3A_633 = arith.addf %add3A_621, %max3A_632 : vector<16xf32>
    %get3A_634 = arith.constant 176 : index
    %get3A_635 = tpu.vector_load %arg23[%get3A_634] {strides = array<i32>} : memref<512xf32, #tpu.memory_space<vmem>>, vector<16xf32>,
    %get3A_636 = arith.constant 176 : index
    %get3A_637 = tpu.vector_load %arg24[%get3A_636] {strides = array<i32>} : memref<512xf32, #tpu.memory_space<vmem>>, vector<16xf32>,
    %sub3A_638 = arith.subf %get3A_635, %get3A_637 : vector<16xf32>
    %add3A_639 = arith.constant 1.000000e+00 : f32
    %add3A_640 = vector.broadcast %add3A_639 : f32 to vector<16xf32>
    %add3A_641 = arith.addf %sub3A_638, %add3A_640 : vector<16xf32>
    %max3A_642 = arith.constant 0.000000e+00 : f32
    %max3A_643 = vector.broadcast %max3A_642 : f32 to vector<16xf32>
    %max3A_644 = arith.maximumf %add3A_641, %max3A_643 : vector<16xf32>
    %add3A_645 = arith.addf %add3A_633, %max3A_644 : vector<16xf32>
    %get3A_646 = arith.constant 192 : index
    %get3A_647 = tpu.vector_load %arg23[%get3A_646] {strides = array<i32>} : memref<512xf32, #tpu.memory_space<vmem>>, vector<16xf32>,
    %get3A_648 = arith.constant 192 : index
    %get3A_649 = tpu.vector_load %arg24[%get3A_648] {strides = array<i32>} : memref<512xf32, #tpu.memory_space<vmem>>, vector<16xf32>,
    %sub3A_650 = arith.subf %get3A_647, %get3A_649 : vector<16xf32>
    %add3A_651 = arith.constant 1.000000e+00 : f32
    %add3A_652 = vector.broadcast %add3A_651 : f32 to vector<16xf32>
    %add3A_653 = arith.addf %sub3A_650, %add3A_652 : vector<16xf32>
    %max3A_654 = arith.constant 0.000000e+00 : f32
    %max3A_655 = vector.broadcast %max3A_654 : f32 to vector<16xf32>
    %max3A_656 = arith.maximumf %add3A_653, %max3A_655 : vector<16xf32>
    %add3A_657 = arith.addf %add3A_645, %max3A_656 : vector<16xf32>
    %get3A_658 = arith.constant 208 : index
    %get3A_659 = tpu.vector_load %arg23[%get3A_658] {strides = array<i32>} : memref<512xf32, #tpu.memory_space<vmem>>, vector<16xf32>,
    %get3A_660 = arith.constant 208 : index
    %get3A_661 = tpu.vector_load %arg24[%get3A_660] {strides = array<i32>} : memref<512xf32, #tpu.memory_space<vmem>>, vector<16xf32>,
    %sub3A_662 = arith.subf %get3A_659, %get3A_661 : vector<16xf32>
    %add3A_663 = arith.constant 1.000000e+00 : f32
    %add3A_664 = vector.broadcast %add3A_663 : f32 to vector<16xf32>
    %add3A_665 = arith.addf %sub3A_662, %add3A_664 : vector<16xf32>
    %max3A_666 = arith.constant 0.000000e+00 : f32
    %max3A_667 = vector.broadcast %max3A_666 : f32 to vector<16xf32>
    %max3A_668 = arith.maximumf %add3A_665, %max3A_667 : vector<16xf32>
    %add3A_669 = arith.addf %add3A_657, %max3A_668 : vector<16xf32>
    %get3A_670 = arith.constant 224 : index
    %get3A_671 = tpu.vector_load %arg23[%get3A_670] {strides = array<i32>} : memref<512xf32, #tpu.memory_space<vmem>>, vector<16xf32>,
    %get3A_672 = arith.constant 224 : index
    %get3A_673 = tpu.vector_load %arg24[%get3A_672] {strides = array<i32>} : memref<512xf32, #tpu.memory_space<vmem>>, vector<16xf32>,
    %sub3A_674 = arith.subf %get3A_671, %get3A_673 : vector<16xf32>
    %add3A_675 = arith.constant 1.000000e+00 : f32
    %add3A_676 = vector.broadcast %add3A_675 : f32 to vector<16xf32>
    %add3A_677 = arith.addf %sub3A_674, %add3A_676 : vector<16xf32>
    %max3A_678 = arith.constant 0.000000e+00 : f32
    %max3A_679 = vector.broadcast %max3A_678 : f32 to vector<16xf32>
    %max3A_680 = arith.maximumf %add3A_677, %max3A_679 : vector<16xf32>
    %add3A_681 = arith.addf %add3A_669, %max3A_680 : vector<16xf32>
    %get3A_682 = arith.constant 240 : index
    %get3A_683 = tpu.vector_load %arg23[%get3A_682] {strides = array<i32>} : memref<512xf32, #tpu.memory_space<vmem>>, vector<16xf32>,
    %get3A_684 = arith.constant 240 : index
    %get3A_685 = tpu.vector_load %arg24[%get3A_684] {strides = array<i32>} : memref<512xf32, #tpu.memory_space<vmem>>, vector<16xf32>,
    %sub3A_686 = arith.subf %get3A_683, %get3A_685 : vector<16xf32>
    %add3A_687 = arith.constant 1.000000e+00 : f32
    %add3A_688 = vector.broadcast %add3A_687 : f32 to vector<16xf32>
    %add3A_689 = arith.addf %sub3A_686, %add3A_688 : vector<16xf32>
    %max3A_690 = arith.constant 0.000000e+00 : f32
    %max3A_691 = vector.broadcast %max3A_690 : f32 to vector<16xf32>
    %max3A_692 = arith.maximumf %add3A_689, %max3A_691 : vector<16xf32>
    %add3A_693 = arith.addf %add3A_681, %max3A_692 : vector<16xf32>
    %get3A_694 = arith.constant 256 : index
    %get3A_695 = tpu.vector_load %arg23[%get3A_694] {strides = array<i32>} : memref<512xf32, #tpu.memory_space<vmem>>, vector<16xf32>,
    %get3A_696 = arith.constant 256 : index
    %get3A_697 = tpu.vector_load %arg24[%get3A_696] {strides = array<i32>} : memref<512xf32, #tpu.memory_space<vmem>>, vector<16xf32>,
    %sub3A_698 = arith.subf %get3A_695, %get3A_697 : vector<16xf32>
    %add3A_699 = arith.constant 1.000000e+00 : f32
    %add3A_700 = vector.broadcast %add3A_699 : f32 to vector<16xf32>
    %add3A_701 = arith.addf %sub3A_698, %add3A_700 : vector<16xf32>
    %max3A_702 = arith.constant 0.000000e+00 : f32
    %max3A_703 = vector.broadcast %max3A_702 : f32 to vector<16xf32>
    %max3A_704 = arith.maximumf %add3A_701, %max3A_703 : vector<16xf32>
    %add3A_705 = arith.addf %add3A_693, %max3A_704 : vector<16xf32>
    %get3A_706 = arith.constant 272 : index
    %get3A_707 = tpu.vector_load %arg23[%get3A_706] {strides = array<i32>} : memref<512xf32, #tpu.memory_space<vmem>>, vector<16xf32>,
    %get3A_708 = arith.constant 272 : index
    %get3A_709 = tpu.vector_load %arg24[%get3A_708] {strides = array<i32>} : memref<512xf32, #tpu.memory_space<vmem>>, vector<16xf32>,
    %sub3A_710 = arith.subf %get3A_707, %get3A_709 : vector<16xf32>
    %add3A_711 = arith.constant 1.000000e+00 : f32
    %add3A_712 = vector.broadcast %add3A_711 : f32 to vector<16xf32>
    %add3A_713 = arith.addf %sub3A_710, %add3A_712 : vector<16xf32>
    %max3A_714 = arith.constant 0.000000e+00 : f32
    %max3A_715 = vector.broadcast %max3A_714 : f32 to vector<16xf32>
    %max3A_716 = arith.maximumf %add3A_713, %max3A_715 : vector<16xf32>
    %add3A_717 = arith.addf %add3A_705, %max3A_716 : vector<16xf32>
    %get3A_718 = arith.constant 288 : index
    %get3A_719 = tpu.vector_load %arg23[%get3A_718] {strides = array<i32>} : memref<512xf32, #tpu.memory_space<vmem>>, vector<16xf32>,
    %get3A_720 = arith.constant 288 : index
    %get3A_721 = tpu.vector_load %arg24[%get3A_720] {strides = array<i32>} : memref<512xf32, #tpu.memory_space<vmem>>, vector<16xf32>,
    %sub3A_722 = arith.subf %get3A_719, %get3A_721 : vector<16xf32>
    %add3A_723 = arith.constant 1.000000e+00 : f32
    %add3A_724 = vector.broadcast %add3A_723 : f32 to vector<16xf32>
    %add3A_725 = arith.addf %sub3A_722, %add3A_724 : vector<16xf32>
    %max3A_726 = arith.constant 0.000000e+00 : f32
    %max3A_727 = vector.broadcast %max3A_726 : f32 to vector<16xf32>
    %max3A_728 = arith.maximumf %add3A_725, %max3A_727 : vector<16xf32>
    %add3A_729 = arith.addf %add3A_717, %max3A_728 : vector<16xf32>
    %get3A_730 = arith.constant 304 : index
    %get3A_731 = tpu.vector_load %arg23[%get3A_730] {strides = array<i32>} : memref<512xf32, #tpu.memory_space<vmem>>, vector<16xf32>,
    %get3A_732 = arith.constant 304 : index
    %get3A_733 = tpu.vector_load %arg24[%get3A_732] {strides = array<i32>} : memref<512xf32, #tpu.memory_space<vmem>>, vector<16xf32>,
    %sub3A_734 = arith.subf %get3A_731, %get3A_733 : vector<16xf32>
    %add3A_735 = arith.constant 1.000000e+00 : f32
    %add3A_736 = vector.broadcast %add3A_735 : f32 to vector<16xf32>
    %add3A_737 = arith.addf %sub3A_734, %add3A_736 : vector<16xf32>
    %max3A_738 = arith.constant 0.000000e+00 : f32
    %max3A_739 = vector.broadcast %max3A_738 : f32 to vector<16xf32>
    %max3A_740 = arith.maximumf %add3A_737, %max3A_739 : vector<16xf32>
    %add3A_741 = arith.addf %add3A_729, %max3A_740 : vector<16xf32>
    %get3A_742 = arith.constant 320 : index
    %get3A_743 = tpu.vector_load %arg23[%get3A_742] {strides = array<i32>} : memref<512xf32, #tpu.memory_space<vmem>>, vector<16xf32>,
    %get3A_744 = arith.constant 320 : index
    %get3A_745 = tpu.vector_load %arg24[%get3A_744] {strides = array<i32>} : memref<512xf32, #tpu.memory_space<vmem>>, vector<16xf32>,
    %sub3A_746 = arith.subf %get3A_743, %get3A_745 : vector<16xf32>
    %add3A_747 = arith.constant 1.000000e+00 : f32
    %add3A_748 = vector.broadcast %add3A_747 : f32 to vector<16xf32>
    %add3A_749 = arith.addf %sub3A_746, %add3A_748 : vector<16xf32>
    %max3A_750 = arith.constant 0.000000e+00 : f32
    %max3A_751 = vector.broadcast %max3A_750 : f32 to vector<16xf32>
    %max3A_752 = arith.maximumf %add3A_749, %max3A_751 : vector<16xf32>
    %add3A_753 = arith.addf %add3A_741, %max3A_752 : vector<16xf32>
    %get3A_754 = arith.constant 336 : index
    %get3A_755 = tpu.vector_load %arg23[%get3A_754] {strides = array<i32>} : memref<512xf32, #tpu.memory_space<vmem>>, vector<16xf32>,
    %get3A_756 = arith.constant 336 : index
    %get3A_757 = tpu.vector_load %arg24[%get3A_756] {strides = array<i32>} : memref<512xf32, #tpu.memory_space<vmem>>, vector<16xf32>,
    %sub3A_758 = arith.subf %get3A_755, %get3A_757 : vector<16xf32>
    %add3A_759 = arith.constant 1.000000e+00 : f32
    %add3A_760 = vector.broadcast %add3A_759 : f32 to vector<16xf32>
    %add3A_761 = arith.addf %sub3A_758, %add3A_760 : vector<16xf32>
    %max3A_762 = arith.constant 0.000000e+00 : f32
    %max3A_763 = vector.broadcast %max3A_762 : f32 to vector<16xf32>
    %max3A_764 = arith.maximumf %add3A_761, %max3A_763 : vector<16xf32>
    %add3A_765 = arith.addf %add3A_753, %max3A_764 : vector<16xf32>
    %get3A_766 = arith.constant 352 : index
    %get3A_767 = tpu.vector_load %arg23[%get3A_766] {strides = array<i32>} : memref<512xf32, #tpu.memory_space<vmem>>, vector<16xf32>,
    %get3A_768 = arith.constant 352 : index
    %get3A_769 = tpu.vector_load %arg24[%get3A_768] {strides = array<i32>} : memref<512xf32, #tpu.memory_space<vmem>>, vector<16xf32>,
    %sub3A_770 = arith.subf %get3A_767, %get3A_769 : vector<16xf32>
    %add3A_771 = arith.constant 1.000000e+00 : f32
    %add3A_772 = vector.broadcast %add3A_771 : f32 to vector<16xf32>
    %add3A_773 = arith.addf %sub3A_770, %add3A_772 : vector<16xf32>
    %max3A_774 = arith.constant 0.000000e+00 : f32
    %max3A_775 = vector.broadcast %max3A_774 : f32 to vector<16xf32>
    %max3A_776 = arith.maximumf %add3A_773, %max3A_775 : vector<16xf32>
    %add3A_777 = arith.addf %add3A_765, %max3A_776 : vector<16xf32>
    %get3A_778 = arith.constant 368 : index
    %get3A_779 = tpu.vector_load %arg23[%get3A_778] {strides = array<i32>} : memref<512xf32, #tpu.memory_space<vmem>>, vector<16xf32>,
    %get3A_780 = arith.constant 368 : index
    %get3A_781 = tpu.vector_load %arg24[%get3A_780] {strides = array<i32>} : memref<512xf32, #tpu.memory_space<vmem>>, vector<16xf32>,
    %sub3A_782 = arith.subf %get3A_779, %get3A_781 : vector<16xf32>
    %add3A_783 = arith.constant 1.000000e+00 : f32
    %add3A_784 = vector.broadcast %add3A_783 : f32 to vector<16xf32>
    %add3A_785 = arith.addf %sub3A_782, %add3A_784 : vector<16xf32>
    %max3A_786 = arith.constant 0.000000e+00 : f32
    %max3A_787 = vector.broadcast %max3A_786 : f32 to vector<16xf32>
    %max3A_788 = arith.maximumf %add3A_785, %max3A_787 : vector<16xf32>
    %add3A_789 = arith.addf %add3A_777, %max3A_788 : vector<16xf32>
    %get3A_790 = arith.constant 384 : index
    %get3A_791 = tpu.vector_load %arg23[%get3A_790] {strides = array<i32>} : memref<512xf32, #tpu.memory_space<vmem>>, vector<16xf32>,
    %get3A_792 = arith.constant 384 : index
    %get3A_793 = tpu.vector_load %arg24[%get3A_792] {strides = array<i32>} : memref<512xf32, #tpu.memory_space<vmem>>, vector<16xf32>,
    %sub3A_794 = arith.subf %get3A_791, %get3A_793 : vector<16xf32>
    %add3A_795 = arith.constant 1.000000e+00 : f32
    %add3A_796 = vector.broadcast %add3A_795 : f32 to vector<16xf32>
    %add3A_797 = arith.addf %sub3A_794, %add3A_796 : vector<16xf32>
    %max3A_798 = arith.constant 0.000000e+00 : f32
    %max3A_799 = vector.broadcast %max3A_798 : f32 to vector<16xf32>
    %max3A_800 = arith.maximumf %add3A_797, %max3A_799 : vector<16xf32>
    %add3A_801 = arith.addf %add3A_789, %max3A_800 : vector<16xf32>
    %get3A_802 = arith.constant 400 : index
    %get3A_803 = tpu.vector_load %arg23[%get3A_802] {strides = array<i32>} : memref<512xf32, #tpu.memory_space<vmem>>, vector<16xf32>,
    %get3A_804 = arith.constant 400 : index
    %get3A_805 = tpu.vector_load %arg24[%get3A_804] {strides = array<i32>} : memref<512xf32, #tpu.memory_space<vmem>>, vector<16xf32>,
    %sub3A_806 = arith.subf %get3A_803, %get3A_805 : vector<16xf32>
    %add3A_807 = arith.constant 1.000000e+00 : f32
    %add3A_808 = vector.broadcast %add3A_807 : f32 to vector<16xf32>
    %add3A_809 = arith.addf %sub3A_806, %add3A_808 : vector<16xf32>
    %max3A_810 = arith.constant 0.000000e+00 : f32
    %max3A_811 = vector.broadcast %max3A_810 : f32 to vector<16xf32>
    %max3A_812 = arith.maximumf %add3A_809, %max3A_811 : vector<16xf32>
    %add3A_813 = arith.addf %add3A_801, %max3A_812 : vector<16xf32>
    %get3A_814 = arith.constant 416 : index
    %get3A_815 = tpu.vector_load %arg23[%get3A_814] {strides = array<i32>} : memref<512xf32, #tpu.memory_space<vmem>>, vector<16xf32>,
    %get3A_816 = arith.constant 416 : index
    %get3A_817 = tpu.vector_load %arg24[%get3A_816] {strides = array<i32>} : memref<512xf32, #tpu.memory_space<vmem>>, vector<16xf32>,
    %sub3A_818 = arith.subf %get3A_815, %get3A_817 : vector<16xf32>
    %add3A_819 = arith.constant 1.000000e+00 : f32
    %add3A_820 = vector.broadcast %add3A_819 : f32 to vector<16xf32>
    %add3A_821 = arith.addf %sub3A_818, %add3A_820 : vector<16xf32>
    %max3A_822 = arith.constant 0.000000e+00 : f32
    %max3A_823 = vector.broadcast %max3A_822 : f32 to vector<16xf32>
    %max3A_824 = arith.maximumf %add3A_821, %max3A_823 : vector<16xf32>
    %add3A_825 = arith.addf %add3A_813, %max3A_824 : vector<16xf32>
    %get3A_826 = arith.constant 432 : index
    %get3A_827 = tpu.vector_load %arg23[%get3A_826] {strides = array<i32>} : memref<512xf32, #tpu.memory_space<vmem>>, vector<16xf32>,
    %get3A_828 = arith.constant 432 : index
    %get3A_829 = tpu.vector_load %arg24[%get3A_828] {strides = array<i32>} : memref<512xf32, #tpu.memory_space<vmem>>, vector<16xf32>,
    %sub3A_830 = arith.subf %get3A_827, %get3A_829 : vector<16xf32>
    %add3A_831 = arith.constant 1.000000e+00 : f32
    %add3A_832 = vector.broadcast %add3A_831 : f32 to vector<16xf32>
    %add3A_833 = arith.addf %sub3A_830, %add3A_832 : vector<16xf32>
    %max3A_834 = arith.constant 0.000000e+00 : f32
    %max3A_835 = vector.broadcast %max3A_834 : f32 to vector<16xf32>
    %max3A_836 = arith.maximumf %add3A_833, %max3A_835 : vector<16xf32>
    %add3A_837 = arith.addf %add3A_825, %max3A_836 : vector<16xf32>
    %get3A_838 = arith.constant 448 : index
    %get3A_839 = tpu.vector_load %arg23[%get3A_838] {strides = array<i32>} : memref<512xf32, #tpu.memory_space<vmem>>, vector<16xf32>,
    %get3A_840 = arith.constant 448 : index
    %get3A_841 = tpu.vector_load %arg24[%get3A_840] {strides = array<i32>} : memref<512xf32, #tpu.memory_space<vmem>>, vector<16xf32>,
    %sub3A_842 = arith.subf %get3A_839, %get3A_841 : vector<16xf32>
    %add3A_843 = arith.constant 1.000000e+00 : f32
    %add3A_844 = vector.broadcast %add3A_843 : f32 to vector<16xf32>
    %add3A_845 = arith.addf %sub3A_842, %add3A_844 : vector<16xf32>
    %max3A_846 = arith.constant 0.000000e+00 : f32
    %max3A_847 = vector.broadcast %max3A_846 : f32 to vector<16xf32>
    %max3A_848 = arith.maximumf %add3A_845, %max3A_847 : vector<16xf32>
    %add3A_849 = arith.addf %add3A_837, %max3A_848 : vector<16xf32>
    %get3A_850 = arith.constant 464 : index
    %get3A_851 = tpu.vector_load %arg23[%get3A_850] {strides = array<i32>} : memref<512xf32, #tpu.memory_space<vmem>>, vector<16xf32>,
    %get3A_852 = arith.constant 464 : index
    %get3A_853 = tpu.vector_load %arg24[%get3A_852] {strides = array<i32>} : memref<512xf32, #tpu.memory_space<vmem>>, vector<16xf32>,
    %sub3A_854 = arith.subf %get3A_851, %get3A_853 : vector<16xf32>
    %add3A_855 = arith.constant 1.000000e+00 : f32
    %add3A_856 = vector.broadcast %add3A_855 : f32 to vector<16xf32>
    %add3A_857 = arith.addf %sub3A_854, %add3A_856 : vector<16xf32>
    %max3A_858 = arith.constant 0.000000e+00 : f32
    %max3A_859 = vector.broadcast %max3A_858 : f32 to vector<16xf32>
    %max3A_860 = arith.maximumf %add3A_857, %max3A_859 : vector<16xf32>
    %add3A_861 = arith.addf %add3A_849, %max3A_860 : vector<16xf32>
    %get3A_862 = arith.constant 480 : index
    %get3A_863 = tpu.vector_load %arg23[%get3A_862] {strides = array<i32>} : memref<512xf32, #tpu.memory_space<vmem>>, vector<16xf32>,
    %get3A_864 = arith.constant 480 : index
    %get3A_865 = tpu.vector_load %arg24[%get3A_864] {strides = array<i32>} : memref<512xf32, #tpu.memory_space<vmem>>, vector<16xf32>,
    %sub3A_866 = arith.subf %get3A_863, %get3A_865 : vector<16xf32>
    %add3A_867 = arith.constant 1.000000e+00 : f32
    %add3A_868 = vector.broadcast %add3A_867 : f32 to vector<16xf32>
    %add3A_869 = arith.addf %sub3A_866, %add3A_868 : vector<16xf32>
    %max3A_870 = arith.constant 0.000000e+00 : f32
    %max3A_871 = vector.broadcast %max3A_870 : f32 to vector<16xf32>
    %max3A_872 = arith.maximumf %add3A_869, %max3A_871 : vector<16xf32>
    %add3A_873 = arith.addf %add3A_861, %max3A_872 : vector<16xf32>
    %get3A_874 = arith.constant 496 : index
    %get3A_875 = tpu.vector_load %arg23[%get3A_874] {strides = array<i32>} : memref<512xf32, #tpu.memory_space<vmem>>, vector<16xf32>,
    %get3A_876 = arith.constant 496 : index
    %get3A_877 = tpu.vector_load %arg24[%get3A_876] {strides = array<i32>} : memref<512xf32, #tpu.memory_space<vmem>>, vector<16xf32>,
    %sub3A_878 = arith.subf %get3A_875, %get3A_877 : vector<16xf32>
    %add3A_879 = arith.constant 1.000000e+00 : f32
    %add3A_880 = vector.broadcast %add3A_879 : f32 to vector<16xf32>
    %add3A_881 = arith.addf %sub3A_878, %add3A_880 : vector<16xf32>
    %max3A_882 = arith.constant 0.000000e+00 : f32
    %max3A_883 = vector.broadcast %max3A_882 : f32 to vector<16xf32>
    %max3A_884 = arith.maximumf %add3A_881, %max3A_883 : vector<16xf32>
    %add3A_885 = arith.addf %add3A_873, %max3A_884 : vector<16xf32>
    %swap3A = arith.constant 0 : index
    %swap3A_886 = tpu.vector_load %arg25[%swap3A] {strides = array<i32>} : memref<16xf32, #tpu.memory_space<vmem>>, vector<16xf32>,
    tpu.vector_store %arg25[%swap3A], %add3A_885 {strides = array<i32>} : memref<16xf32, #tpu.memory_space<vmem>>, vector<16xf32>,
    "tpu.region"() ({
      %run_scoped3A = tpu.sem_alloc : memref<!tpu.dma_semaphore, #tpu.memory_space<semaphore_mem>>
      %dma_start3A_887 = arith.constant 0 : i32
      %dma_start3A_888 = tpu.memref_slice %arg10[%add3A, %dma_start3A_887] : memref<32x16xf32, #tpu.memory_space<hbm>> -> memref<1x16xf32, #tpu.memory_space<hbm>>
      %dma_start3A_889 = tpu.memref_squeeze %dma_start3A_888 : memref<1x16xf32, #tpu.memory_space<hbm>> -> memref<16xf32, #tpu.memory_space<hbm>>
      %dma_start3A_890 = arith.constant 0 : i32
      %dma_start3A_891 = tpu.memref_slice %arg10[%add3A, %dma_start3A_890] : memref<32x16xf32, #tpu.memory_space<hbm>> -> memref<1x16xf32, #tpu.memory_space<hbm>>
      %dma_start3A_892 = tpu.memref_squeeze %dma_start3A_891 : memref<1x16xf32, #tpu.memory_space<hbm>> -> memref<16xf32, #tpu.memory_space<hbm>>
      tpu.enqueue_dma source(%arg25 : memref<16xf32, #tpu.memory_space<vmem>>) target(%dma_start3A_892 : memref<16xf32, #tpu.memory_space<hbm>>) target_semaphore(%run_scoped3A : memref<!tpu.dma_semaphore, #tpu.memory_space<semaphore_mem>>)
      %dma_wait3A_893 = arith.constant 0 : i32
      %dma_wait3A_894 = tpu.memref_slice %arg10[%add3A, %dma_wait3A_893] : memref<32x16xf32, #tpu.memory_space<hbm>> -> memref<1x16xf32, #tpu.memory_space<hbm>>
      %dma_wait3A_895 = tpu.memref_squeeze %dma_wait3A_894 : memref<1x16xf32, #tpu.memory_space<hbm>> -> memref<16xf32, #tpu.memory_space<hbm>>
      %dma_wait3A_896 = arith.constant 0 : i32
      %dma_wait3A_897 = tpu.memref_slice %arg10[%add3A, %dma_wait3A_896] : memref<32x16xf32, #tpu.memory_space<hbm>> -> memref<1x16xf32, #tpu.memory_space<hbm>>
      %dma_wait3A_898 = tpu.memref_squeeze %dma_wait3A_897 : memref<1x16xf32, #tpu.memory_space<hbm>> -> memref<16xf32, #tpu.memory_space<hbm>>
      tpu.wait_dma2 semaphore(%run_scoped3A : memref<!tpu.dma_semaphore, #tpu.memory_space<semaphore_mem>>) src(%arg25 : memref<16xf32, #tpu.memory_space<vmem>>) dst(%dma_wait3A_898 : memref<16xf32, #tpu.memory_space<hbm>>)
      tpu.yield
    }) : () -> ()
    return
  }
}

</mosaic_0001>

<sc_bundles>
// kernel: kernel.3.cloned.1.call-start
scs
__scs_entry_jumppad:
0x0: {  	(pc) =	sbr.rel $0x88, $3  }
0x1: {  	(tag) =	ssettag $0x0;
	lr =	simm.s32 $0x1  }
0x2: {  	[smem:$0x3F9D] =	sst lr;
	_ =	strace $0xD0000000  }
0x3: {  	_ = 	snop  }
0x4: {  	_ = 	snop  }
0x5: {  	_ = 	snop  }
0x6: {  	_ = 	snop  }
0x7: {  	_ = 	snop  }
__scs_overlays_trampoline_lowered:
0x8: {  	[smem:$0x3FAC] =	sst s0  }
0x9: {  	[smem:$0x3FAD] =	sst s1  }
0xa: {  	[smem:$0x3FAE] =	sst s2  }
0xb: {  	[smem:$0x3FAF] =	sst s3  }
0xc: {  	[smem:$0x3FB0] =	sst s4  }
0xd: {  	[smem:$0x3FB1] =	sst s5  }
0xe: {  	[smem:$0x3FB2] =	sst s6  }
0xf: {  	[smem:$0x3FB3] =	sst s7  }
0x10: {  	[smem:$0x3FB4] =	sst s8  }
0x11: {  	[smem:$0x3FB5] =	sst s9;
	s0 =	simm.s32 @!p0 $0x0  }
0x12: {  	s1 =	sld [smem:$0x3F9B];
	s0 =	simm.s32 @p0 $0x1  }
0x13: {  	[smem:$0x3FB6] =	sst s0;
	s0 =	simm.s32 @!p1 $0x0  }
0x14: {  	s2 =	sld [smem:$0x3F9A];
	s0 =	simm.s32 @p1 $0x1  }
0x15: {  	[smem:$0x3FB7] =	sst s0;
	s0 =	simm.s32 @!p2 $0x0  }
0x16: {  	s3 =	sld [smem:$0x3FDB];
	s0 =	simm.s32 @p2 $0x1  }
0x17: {  	s4 =	simm.s32 $0x1BF5;
	[smem:$0x3FB9] =	sst s0  }
0x18: {  	s0 =	sld [smem:$0x3F9C];
	_ =	swait.ge [sflag:s4], $0x0  }
0x19: {  	s7 =	sld [smem:$0x3F9D]  }
0x1a: {  	s8 =	sadd.s32 $0xFFFFE003, lr  }
0x1b: {  	s9 =	sadd.s32 $0xFFFFFEF7, lr;
	s5 =	simm.s32 $0xFFFFFFFF;
	p2 =	slt.u32 s8, $0xFFFFF086  }
0x1c: {  	p1 =	slt.u32 s9, $0xF7A;
	s5 =	simm.s32 @!p2 $0x0  }
0x1d: {  	s5 =	simm.s32 @p1 $0x1;
	p0 =	seq.s32 s7, s2  }
0x1e: {  	s7 =	smul.u32 @!p0 $0xF7A, s2;
	p2 =	seq.s32 @!p0 s5, $0x0  }
0x1f: {  	s9 =	smul.u32 $0xF7A, s1;
	s8 =	simm.s32 @!p0 $0x1BF5;
	p2 =	por !p2, p0  }
0x20: {  	[sflag:s8] =	ssyncset.s32 @!p0 $0xFFFFF086;
	s6 =	sadd.s32 @!p0 s3, s7;
	s7 =	simm.s32 @!p0 $0x108  }
0x21: {  	s3 =	sadd.s32 s3, s9;
	s6 =	sadd.s32 @!p0 $0x88, s6;
	s7 =	simm.s32 @p2 $0x1082  }
0x22: {  	[simem:s7], [sflag:s8] =	dma.local @!p0 [hbm:s6], $0xF7A  }
0x23: {  	s9 =	sor.u32 $0xD0000000, s2;
	s6 =	simm.s32 $0x108;
	_ =	swait.ge @!p0 [sflag:s8], $0x0  }
0x24: {  	s3 =	sadd.s32 $0x88, s3;
	s6 =	simm.s32 @!p1 $0x1082;
	[sflag:s4] =	ssyncset.s32 $0xFFFFF086  }
0x25: {  	[simem:s6], [sflag:s4] =	dma.local [hbm:s3], $0xF7A  }
0x26: {  	[smem:$0x3F9D] =	sst s1;
	(tag) =	ssettag s2;
	_ =	strace s9  }
0x27: {  	s1 =	sld [smem:$0x3FAD]  }
0x28: {  	s2 =	sld [smem:$0x3FAE]  }
0x29: {  	s4 =	sld [smem:$0x3FB0]  }
0x2a: {  	p0 =	seq.s32 s5, $0x0;
	s5 =	sld [smem:$0x3FB1]  }
0x2b: {  	s6 =	sld [smem:$0x3FB2]  }
0x2c: {  	s7 =	sld [smem:$0x3FB3]  }
0x2d: {  	s3 =	simm.s32 $0x108;
	s8 =	sld [smem:$0x3FB4]  }
0x2e: {  	s3 =	simm.s32 @!p0 $0x1082;
	s9 =	sld [smem:$0x3FB5]  }
0x2f: {  	lr =	sadd.s32 s0, s3;
	s0 =	sld [smem:$0x3FAC]  }
0x30: {  	s3 =	sld [smem:$0x3FAF]  }
0x31: {  	[smem:$0x3FB8] =	sst s10  }
0x32: {  	s10 =	sld [smem:$0x3FB6];
	_ =	sdelay $0x3  }
0x33: {  	p0 =	seq.s32 s10, $0x1;
	s10 =	sld [smem:$0x3FB8];
	_ =	sdelay $0x3  }
0x34: {  	[smem:$0x3FB8] =	sst s10  }
0x35: {  	s10 =	sld [smem:$0x3FB7];
	_ =	sdelay $0x3  }
0x36: {  	p1 =	seq.s32 s10, $0x1;
	s10 =	sld [smem:$0x3FB8];
	_ =	sdelay $0x3  }
0x37: {  	[smem:$0x3FB8] =	sst s10  }
0x38: {  	s10 =	sld [smem:$0x3FB9]  }
0x39: {  	_ = 	snop;
	(pc) =	sbr.ind lr, $3  }
0x3a: {  	_ = 	snop  }
0x3b: {  	_ = 	snop  }
0x3c: {  	p2 =	seq.s32 s10, $0x1;
	s10 =	sld [smem:$0x3FB8]  }
0x3d: {  	_ =	shalt  }
0x3e: {  	_ =	shalt  }
0x3f: {  	_ =	shalt  }
0x40: {  	_ =	shalt  }
0x41: {  	_ =	shalt  }
0x42: {  	_ =	shalt  }
0x43: {  	_ =	shalt  }
0x44: {  	_ =	shalt  }
0x45: {  	_ =	shalt  }
0x46: {  	_ =	shalt  }
0x47: {  	_ =	shalt  }
0x48: {  	_ =	shalt  }
0x49: {  	_ =	shalt  }
0x4a: {  	_ =	shalt  }
0x4b: {  	_ =	shalt  }
0x4c: {  	_ =	shalt  }
0x4d: {  	_ =	shalt  }
0x4e: {  	_ =	shalt  }
0x4f: {  	_ =	shalt  }
0x50: {  	_ =	shalt  }
0x51: {  	_ =	shalt  }
0x52: {  	_ =	shalt  }
0x53: {  	_ =	shalt  }
0x54: {  	_ =	shalt  }
0x55: {  	_ =	shalt  }
0x56: {  	_ =	shalt  }
0x57: {  	_ =	shalt  }
0x58: {  	_ =	shalt  }
0x59: {  	_ =	shalt  }
0x5a: {  	_ =	shalt  }
0x5b: {  	_ =	shalt  }
0x5c: {  	_ =	shalt  }
0x5d: {  	_ =	shalt  }
0x5e: {  	_ =	shalt  }
0x5f: {  	_ =	shalt  }
0x60: {  	_ =	shalt  }
0x61: {  	_ =	shalt  }
0x62: {  	_ =	shalt  }
0x63: {  	_ =	shalt  }
0x64: {  	_ =	shalt  }
0x65: {  	_ =	shalt  }
0x66: {  	_ =	shalt  }
0x67: {  	_ =	shalt  }
0x68: {  	_ =	shalt  }
0x69: {  	_ =	shalt  }
0x6a: {  	_ =	shalt  }
0x6b: {  	_ =	shalt  }
0x6c: {  	_ =	shalt  }
0x6d: {  	_ =	shalt  }
0x6e: {  	_ =	shalt  }
0x6f: {  	_ =	shalt  }
0x70: {  	_ =	shalt  }
0x71: {  	_ =	shalt  }
0x72: {  	_ =	shalt  }
0x73: {  	_ =	shalt  }
0x74: {  	_ =	shalt  }
0x75: {  	_ =	shalt  }
0x76: {  	_ =	shalt  }
0x77: {  	_ =	shalt  }
0x78: {  	_ =	shalt  }
0x79: {  	_ =	shalt  }
0x7a: {  	_ =	shalt  }
0x7b: {  	_ =	shalt  }
0x7c: {  	_ =	shalt  }
0x7d: {  	_ =	shalt  }
0x7e: {  	_ =	shalt  }
0x7f: {  	_ =	shalt  }
0x80: {  	_ =	shalt  }
0x81: {  	_ =	shalt  }
0x82: {  	_ =	shalt  }
0x83: {  	_ =	shalt  }
0x84: {  	_ =	shalt  }
0x85: {  	_ =	shalt  }
0x86: {  	_ =	shalt  }
0x87: {  	_ =	shalt  }
.Lfunc_end0:
.L_simem_size_0:
called_computation_lowered:
.L_overlay_start_0:
0x88: {  	s2 =	sld [smem:$0x3FD9]  }
0x89: {  	s3 =	sld [smem:$0x3FFE];
	_ =	sdelay $0x1  }
0x8a: {  	s1 =	srdreg.scid  }
0x8b: {  	s0 =	sand.u32 $0x1, s1  }
0x8c: {  	s16 =	sshll.u32 s0, $0xA;
	s2 =	sadd.s32 s3, s2  }
0x8d: {  	s2 =	sadd.s32 s2, s16  }
0x8e: {  	[smem:$0x3FC4] =	sst s2  }
0x8f: {  	_ = 	snop  }
0x90: {  	(tm) =	ssettm $0x1  }
0x91: {  	s17 =	sld [smem:$0x3FFB];
	_ =	sdelay $0x3  }
0x92: {  	_ =	strace s17  }
0x93: {  	s2 =	sld [smem:$0x3FFC];
	_ =	sdelay $0x3  }
0x94: {  	_ =	strace s2  }
0x95: {  	s2 =	sld [smem:$0x3FFD];
	_ =	sdelay $0x3  }
0x96: {  	_ =	strace s2  }
0x97: {  	_ =	strace $0x8FFFFFFF  }
0x98: {  	s18 =	sld [smem:$0x3FDB];
	_ =	sdelay $0x1  }
0x99: {  	s19 =	simm.s32 $_scs_section_size  }
0x9a: {  	s4 =	simm.s32 $_size__tile_overlayer_lowered;
	s5 =	simm.s32 $_tile_overlayer_lowered  }
0x9b: {  	s22 =	simm.s32 $0x1BFF;
	s21 =	sshll.u32 s5, $0x1;
	s2 =	sadd.s32 s19, s18  }
0x9c: {  	s6 =	simm.s32 $0x0;
	s20 =	sshll.u32 s4, $0x1;
	s4 =	sadd.s32 s21, s2  }
0x9d: {  	[timem:s6], [sflag:s22] =	dma.local [hbm:s4], s20  }
0x9e: {  	_ =	swait.ge [sflag:s22], s20  }
0x9f: {  	s3 =	ssub.s32 $0x0, s20;
	[sflag:s22] =	ssyncset.done $0x0  }
0xa0: {  	[sflag:s22] =	ssyncadd.s32 s3;
	_ =	sdelay $0x1  }
0xa1: {  	s23 =	simm.s32 $0x1B8B  }
0xa2: {  	_ =	swait.ge [sflag:s23], $0x1  }
0xa3: {  	[sflag:s23] =	ssyncset.done $0x0  }
0xa4: {  	s25 =	simm.s32 $0x1B8E;
	s24 =	sld [smem:$0x3FFE];
	[sflag:s23] =	ssyncadd.s32 $0xFFFFFFFF  }
0xa5: {  	s26 =	simm.s32 $execute0_lowered;
	[smem:$0x3FD2] =	sst s25  }
0xa6: {  	s4 =	sshll.u32 s26, $0x1;
	_ =	strace $0x80000046;
	[dreg:$0x1] =	wrdreg $0xFFFFFFFF  }
0xa7: {  	s28 =	simm.s32 $_size_execute0_lowered;
	s2 =	sadd.s32 s2, s4;
	[dreg:$0x0] =	wrdreg $0x0  }
0xa8: {  	s4 =	sshll.u32 s28, $0x1;
	[dreg:$0x2] =	wrdreg s2  }
0xa9: {  	[dreg:$0x3] =	wrdreg s4  }
0xaa: {  	[dreg:$0x4] =	wrdreg $0xC0  }
0xab: {  	_ =	task [dreg:s6], $0x5FFFF  }
0xac: {  	[dreg:$0x1] =	wrdreg $0xFFFFFFFF  }
0xad: {  	[dreg:$0x0] =	wrdreg $0x60  }
0xae: {  	[dreg:$0x2] =	wrdreg s24  }
0xaf: {  	[dreg:$0x3] =	wrdreg $0x9  }
0xb0: {  	_ =	task.clear_ibuf [dreg:s6], $0x4FFFF;
	_ =	strace $0x90000046  }
0xb1: {  	s29 =	simm.s32 $0x9;
	_ =	strace $0x80000048  }
0xb2: {  	_ =	swait.ge [sflag:s29], $0x1  }
0xb3: {  	[sflag:s29] =	ssyncadd.s32 $0xFFFFFFFF  }
0xb4: {  	_ =	strace $0x90000048  }
0xb5: {  	_ =	sfence  }
0xb6: {  	s30 =	sld [smem:$0x0];
	_ =	sdelay $0x2  }
0xb7: {  	s31 =	sshll.u32 s1, $0xD;
	s1 =	sshrl.u32 s1, $0x2  }
0xb8: {  	s3 =	sand.u32 $0x4000, s31;
	s1 =	sadd.s32 s1, s30  }
0xb9: {  	s0 =	sor.u32 s3, s0;
	s1 =	sshll.u32 s1, $0x11  }
0xba: {  	s0 =	sor.u32 s1, s0  }
0xbb: {  	s0 =	sadd.s32 $0x8F2B, s0  }
0xbc: {  	[sflag:s0] =	ssyncadd.remote.s32 $0x1  }
0xbd: {  	_ =	sfence.sel $0xFFFF  }
0xbe: {  	[dreg:$0x0] =	wrdreg $0xFFFFFFFF;
	(pc) =	sbr.abs _section_cstart, $3  }
0xbf: {  	[dreg:$0x1] =	wrdreg $0xFFFFFFFF  }
0xc0: {  	_ =	task.clear_ibuf [dreg:s6], $0x2FFFF;
	_ =	strace $0x9FFFFFFF  }
0xc1: {  	(tm) =	ssettm $0x7FFFFFFF  }
tec
execute0_lowered:
.L_overlay_start_1:
0x0: {  	(tag) =	ssettag $0x1  }
0x1: {  	s0 =	srdreg.scid  }
0x2: {  	s2 =	stileid.u32;
	s1 =	rddreg [dreg:$0x0]  }
0x3: {  	s13 =	simm.s32 $0x3;
	s19 =	simm.s32 $0x80;
	s20 =	simm.s32 $0xC00  }
0x4: {  	s21 =	simm.s32 $0x4C00;
	s22 =	simm.s32 $0x8C00;
	s30 =	simm.s32 $0xCC00  }
0x5: {  	s24 =	simm.s32 $0x14C00;
	s29 =	simm.s32 $0xEC00;
	s31 =	simm.s32 $0x16C00  }
0x6: {  	s26 =	simm.s32 $0x1;
	s14 =	simm.s32 $0x18C00;
	s15 =	simm.s32 $0x2  }
0x7: {  	s16 =	simm.s32 $0x18E00;
	s0 =	sand.u32 $0x1, s0;
	s3 =	sshll.u32 s2, $0x1  }
0x8: {  	s17 =	simm.s32 $0x0;
	s2 =	simm.s32 $0x0;
	s4 =	sor.u32 s0, s3  }
0x9: {  	[smem:$0x7FF] =	sst s2;
	s0 =	ssub.s32 $0x2, s0;
	s3 =	sshll.u32 s4, $0x6  }
0xa: {  	_ =	strace $0x80000047;
	s5 =	sshll.u32 s4, $0x1;
	s4 =	sadd.s32 $0x24F000, s1  }
0xb: {  	s28 =	sshrl.u32 s0, $0x1;
	s10 =	sadd.s32 s3, s1;
	s3 =	sadd.s32 $0x18BA00, s1  }
0xc: {  	s1 =	sadd.s32 s5, s1;
	s0 =	ssub.s32 s0, s28;
	s5 =	sadd.s32 $0x3000, s10  }
0xd: {  	s6 =	sadd.s32 $0x2800, s10;
	s7 =	sadd.s32 $0x2000, s10;
	s8 =	sadd.s32 $0x4800, s10  }
0xe: {  	s9 =	sadd.s32 $0x4000, s10;
	s10 =	sadd.s32 $0x3800, s10;
	s11 =	sadd.s32 $0x5000, s1  }
0xf: {  	s12 =	smax.u32 s0, $0x1;
	s1 =	simm.s32 $0x10C00;
	s0 =	simm.s32 $0x12C00  }
.LBB2_1:
0x10: {  	[tilespmem:s2], [sflag:$0x3] =	stream.linear.gather [hbm4b:s5+s2], $0x200, $0x38;
	[tilespmem:$0x19010] =	vst v63  }
0x11: {  	_ =	swait.ge [sflag:s13], $0x200  }
0x12: {  	[sflag:s13] =	ssyncset.done $0x0  }
0x13: {  	s18 =	simm.s32 $0x200;
	[sflag:s13] =	ssyncadd.s32 $0xFFFFFE00  }
0x14: {  	[tilespmem:s18], [sflag:$0x3] =	stream.linear.gather [hbm4b:s6+s2], $0x200, $0x38;
	[tilespmem:$0x19010] =	vst v63  }
0x15: {  	_ =	swait.ge [sflag:s13], $0x200  }
0x16: {  	[sflag:s13] =	ssyncset.done $0x0  }
0x17: {  	s23 =	simm.s32 $0x400;
	[sflag:s13] =	ssyncadd.s32 $0xFFFFFE00  }
0x18: {  	[tilespmem:s23], [sflag:$0x3] =	stream.linear.gather [hbm4b:s7+s2], $0x200, $0x38;
	[tilespmem:$0x19010] =	vst v63  }
0x19: {  	_ =	swait.ge [sflag:s13], $0x200  }
0x1a: {  	[sflag:s13] =	ssyncset.done $0x0  }
0x1b: {  	s25 =	simm.s32 $0x600;
	[sflag:s13] =	ssyncadd.s32 $0xFFFFFE00  }
0x1c: {  	[tilespmem:s25], [sflag:$0x3] =	stream.linear.gather [hbm4b:s8+s2], $0x200, $0x38;
	[tilespmem:$0x19010] =	vst v63  }
0x1d: {  	_ =	swait.ge [sflag:s13], $0x200  }
0x1e: {  	[sflag:s13] =	ssyncset.done $0x0  }
0x1f: {  	s25 =	simm.s32 $0x800;
	[sflag:s13] =	ssyncadd.s32 $0xFFFFFE00  }
0x20: {  	[tilespmem:s25], [sflag:$0x3] =	stream.linear.gather [hbm4b:s9+s2], $0x200, $0x38;
	[tilespmem:$0x19010] =	vst v63  }
0x21: {  	_ =	swait.ge [sflag:s13], $0x200  }
0x22: {  	[sflag:s13] =	ssyncset.done $0x0  }
0x23: {  	s28 =	simm.s32 $0xA00;
	[sflag:s13] =	ssyncadd.s32 $0xFFFFFE00  }
0x24: {  	[tilespmem:s28], [sflag:$0x3] =	stream.linear.gather [hbm4b:s10+s2], $0x200, $0x38;
	[tilespmem:$0x19010] =	vst v63  }
0x25: {  	_ =	swait.ge [sflag:s13], $0x200  }
0x26: {  	[sflag:s13] =	ssyncset.done $0x0  }
0x27: {  	[sflag:s13] =	ssyncadd.s32 $0xFFFFFE00  }
0x28: {  	[tilespmem:s20], [sflag:$0x1] =	stream.indirect.gather [hbm4b:s3+s19], $0x40, s2, s19, $0xb8;
	[tilespmem:$0x19010] =	vst v63  }
0x29: {  	_ = 	snop  }
0x2a: {  	[tilespmem:s21], [sflag:$0x1] =	stream.indirect.gather [hbm4b:s4+s19], $0x40, s18, s19, $0xb8;
	[tilespmem:$0x19010] =	vst v63  }
0x2b: {  	_ = 	snop  }
0x2c: {  	[tilespmem:s22], [sflag:$0x1] =	stream.indirect.gather [hbm4b:s3+s19], $0x40, s23, s19, $0xb8;
	[tilespmem:$0x19010] =	vst v63  }
0x2d: {  	s28 =	simm.s32 $0x2C00  }
0x2e: {  	[tilespmem:s28], [sflag:$0x1] =	stream.indirect.gather [hbm4b:s3+s19], $0x40, s19, s19, $0xb8;
	[tilespmem:$0x19010] =	vst v63  }
0x2f: {  	s18 =	simm.s32 $0x280;
	s23 =	simm.s32 $0x6C00  }
0x30: {  	[tilespmem:s23], [sflag:$0x1] =	stream.indirect.gather [hbm4b:s4+s19], $0x40, s18, s19, $0xb8;
	[tilespmem:$0x19010] =	vst v63  }
0x31: {  	s18 =	simm.s32 $0x480;
	s23 =	simm.s32 $0xAC00  }
0x32: {  	[tilespmem:s23], [sflag:$0x1] =	stream.indirect.gather [hbm4b:s3+s19], $0x40, s18, s19, $0xb8;
	[tilespmem:$0x19010] =	vst v63  }
0x33: {  	s23 =	simm.s32 $0x100  }
0x34: {  	[tilespmem:s30], [sflag:$0x2] =	stream.indirect.gather [hbm4b:s3+s19], $0x40, s23, s19, $0xb8;
	[tilespmem:$0x19010] =	vst v63  }
0x35: {  	s23 =	simm.s32 $0x300  }
0x36: {  	[tilespmem:s1], [sflag:$0x2] =	stream.indirect.gather [hbm4b:s4+s19], $0x40, s23, s19, $0xb8;
	[tilespmem:$0x19010] =	vst v63  }
0x37: {  	s23 =	simm.s32 $0x500  }
0x38: {  	[tilespmem:s24], [sflag:$0x2] =	stream.indirect.gather [hbm4b:s3+s19], $0x40, s23, s19, $0xb8;
	[tilespmem:$0x19010] =	vst v63  }
0x39: {  	s23 =	simm.s32 $0x180  }
0x3a: {  	[tilespmem:s29], [sflag:$0x2] =	stream.indirect.gather [hbm4b:s3+s19], $0x40, s23, s19, $0xb8;
	[tilespmem:$0x19010] =	vst v63  }
0x3b: {  	s23 =	simm.s32 $0x380  }
0x3c: {  	[tilespmem:s0], [sflag:$0x2] =	stream.indirect.gather [hbm4b:s4+s19], $0x40, s23, s19, $0xb8;
	[tilespmem:$0x19010] =	vst v63  }
0x3d: {  	s23 =	simm.s32 $0x580  }
0x3e: {  	[tilespmem:s31], [sflag:$0x2] =	stream.indirect.gather [hbm4b:s3+s19], $0x40, s23, s19, $0xb8;
	[tilespmem:$0x19010] =	vst v63  }
0x3f: {  	_ =	swait.ge [sflag:s26], $0x2000  }
0x40: {  	[sflag:s26] =	ssyncset.done $0x0  }
0x41: {  	[sflag:s26] =	ssyncadd.s32 $0xFFFFE000  }
0x42: {  	_ =	swait.ge [sflag:s26], $0x2000  }
0x43: {  	[sflag:s26] =	ssyncset.done $0x0  }
0x44: {  	[sflag:s26] =	ssyncadd.s32 $0xFFFFE000  }
0x45: {  	_ =	swait.ge [sflag:s26], $0x2000  }
0x46: {  	[sflag:s26] =	ssyncset.done $0x0  }
0x47: {  	[sflag:s26] =	ssyncadd.s32 $0xFFFFE000  }
0x48: {  	_ =	swait.ge [sflag:s26], $0x2000  }
0x49: {  	[sflag:s26] =	ssyncset.done $0x0  }
0x4a: {  	[sflag:s26] =	ssyncadd.s32 $0xFFFFE000  }
0x4b: {  	_ =	swait.ge [sflag:s26], $0x2000  }
0x4c: {  	[sflag:s26] =	ssyncset.done $0x0  }
0x4d: {  	[sflag:s26] =	ssyncadd.s32 $0xFFFFE000  }
0x4e: {  	_ =	swait.ge [sflag:s26], $0x2000  }
0x4f: {  	[sflag:s26] =	ssyncset.done $0x0  }
0x50: {  	v0 =	vlaneseq.u32;
	v1 =	vlaneseq.u32;
	s18 =	simm.s32 $0x0;
	[sflag:s26] =	ssyncadd.s32 $0xFFFFE000  }
.LBB2_2:
0x51: {  	v2 =	vshll.u32 v1, $0x6  }
0x52: {  	v4 =	vadd.s32 $0x1, v0;
	v3 =	vor.u32 v2, v0  }
0x53: {  	v4 =	vand.u32 $0x3F, v4  }
0x54: {  	v5 =	vimm.f32 $0.0e+00;
	v6 =	vadd.s32 $0x2, v0;
	v4 =	vor.u32 v2, v4  }
0x55: {  	v7 =	vadd.s32 $0xC, v0;
	v8 =	vadd.s32 $0x9, v0;
	v6 =	vand.u32 $0x3F, v6  }
0x56: {  	v9 =	vadd.s32 $0xF, v0;
	v10 =	vadd.s32 $0x3, v0;
	v6 =	vor.u32 v2, v6  }
0x57: {  	v11 =	vadd.s32 $0xA, v0;
	v12 =	vadd.s32 $0x7, v0;
	v10 =	vand.u32 $0x3F, v10;
	v13 =	vld.idx.msk [tilespmem:v3+s20+$0x0], $0xffff  }
0x58: {  	v14 =	vadd.s32 $0xE, v0;
	v15 =	vadd.s32 $0x4, v0;
	v10 =	vor.u32 v2, v10;
	v3 =	vld.idx.msk [tilespmem:v3+s22+$0x0], $0xffff  }
0x59: {  	v16 =	vadd.s32 $0xD, v0;
	v18 =	vadd.s32 $0x5, v0;
	v15 =	vand.u32 $0x3F, v15;
	v17 =	vld.idx.msk [tilespmem:v4+s20+$0x0], $0xffff  }
0x5a: {  	v19 =	vadd.s32 $0xB, v0;
	v21 =	vand.u32 $0x7, v0;
	v15 =	vor.u32 v2, v15;
	v4 =	vld.idx.msk [tilespmem:v4+s22+$0x0], $0xffff  }
0x5b: {  	v22 =	vadd.s32 $0x6, v0;
	v23 =	vadd.s32 $0x8, v0;
	v18 =	vand.u32 $0x3F, v18;
	v20 =	vld.idx.msk [tilespmem:v6+s20+$0x0], $0xffff  }
0x5c: {  	v22 =	vand.u32 $0x3F, v22;
	v18 =	vor.u32 v2, v18;
	v6 =	vld.idx.msk [tilespmem:v6+s22+$0x0], $0xffff;
	v13 =	vmul.f32 v13, v13  }
0x5d: {  	v23 =	vand.u32 $0x38, v23;
	v12 =	vand.u32 $0x3F, v12;
	v24 =	vld.idx.msk [tilespmem:v10+s20+$0x0], $0xffff;
	v3 =	vmul.f32 v3, v3  }
0x5e: {  	v22 =	vor.u32 v2, v22;
	v10 =	vld.idx.msk [tilespmem:v10+s22+$0x0], $0xffff;
	v17 =	vmul.f32 v17, v17;
	v13 =	vadd.f32 v13, v5  }
0x5f: {  	v8 =	vand.u32 $0x3F, v8;
	v25 =	vld.idx.msk [tilespmem:v15+s20+$0x0], $0xffff;
	v4 =	vmul.f32 v4, v4;
	v3 =	vadd.f32 v3, v5  }
0x60: {  	v5 =	vor.u32 v2, v12;
	v12 =	vld.idx.msk [tilespmem:v15+s22+$0x0], $0xffff;
	v15 =	vmul.f32 v20, v20;
	v13 =	vadd.f32 v17, v13  }
0x61: {  	v20 =	vld.idx.msk [tilespmem:v18+s20+$0x0], $0xffff;
	v17 =	vor.u32 v23, v21;
	v3 =	vadd.f32 v4, v3;
	v4 =	vmul.f32 v6, v6  }
0x62: {  	v6 =	vor.u32 v2, v17;
	v17 =	vld.idx.msk [tilespmem:v18+s22+$0x0], $0xffff;
	v13 =	vadd.f32 v15, v13;
	v15 =	vmul.f32 v24, v24  }
0x63: {  	v11 =	vand.u32 $0x3F, v11;
	v18 =	vld.idx.msk [tilespmem:v22+s20+$0x0], $0xffff;
	v3 =	vadd.f32 v4, v3;
	v4 =	vmul.f32 v10, v10  }
0x64: {  	v8 =	vor.u32 v2, v8;
	v10 =	vld.idx.msk [tilespmem:v22+s22+$0x0], $0xffff;
	v13 =	vadd.f32 v15, v13;
	v15 =	vmul.f32 v25, v25  }
0x65: {  	v7 =	vand.u32 $0x3F, v7;
	v62 =	vld.idx.msk [tilespmem:v5+s20+$0x0], $0xffff;
	v3 =	vadd.f32 v4, v3;
	v4 =	vmul.f32 v12, v12  }
0x66: {  	v11 =	vor.u32 v2, v11;
	v5 =	vld.idx.msk [tilespmem:v5+s22+$0x0], $0xffff;
	v12 =	vadd.f32 v15, v13;
	v13 =	vmul.f32 v20, v20  }
0x67: {  	v15 =	vand.u32 $0x3F, v19;
	v19 =	vld.idx.msk [tilespmem:v6+s20+$0x0], $0xffff;
	v3 =	vadd.f32 v4, v3;
	v4 =	vmul.f32 v17, v17  }
0x68: {  	v6 =	vld.idx.msk [tilespmem:v6+s22+$0x0], $0xffff;
	v15 =	vor.u32 v2, v15;
	v12 =	vadd.f32 v13, v12;
	v13 =	vmul.f32 v18, v18  }
0x69: {  	v7 =	vor.u32 v2, v7;
	v17 =	vld.idx.msk [tilespmem:v8+s20+$0x0], $0xffff;
	v3 =	vadd.f32 v4, v3;
	v4 =	vmul.f32 v10, v10  }
0x6a: {  	v9 =	vand.u32 $0x3F, v9;
	v8 =	vld.idx.msk [tilespmem:v8+s22+$0x0], $0xffff;
	v10 =	vadd.f32 v13, v12;
	v12 =	vmul.f32 v62, v62  }
0x6b: {  	v13 =	vand.u32 $0x3F, v16;
	v16 =	vld.idx.msk [tilespmem:v11+s20+$0x0], $0xffff;
	v3 =	vadd.f32 v4, v3;
	v4 =	vmul.f32 v5, v5  }
0x6c: {  	v5 =	vld.idx.msk [tilespmem:v11+s22+$0x0], $0xffff;
	v18 =	vor.u32 v2, v13;
	v11 =	vmul.f32 v19, v19;
	v10 =	vadd.f32 v12, v10  }
0x6d: {  	v19 =	vor.u32 v2, v9;
	v13 =	vld.idx.msk [tilespmem:v15+s20+$0x0], $0xffff;
	v3 =	vadd.f32 v4, v3;
	v4 =	vmul.f32 v6, v6  }
0x6e: {  	v9 =	vld.idx.msk [tilespmem:v7+s22+$0x0], $0xffff;
	v12 =	vand.u32 $0x3F, v14;
	v10 =	vadd.f32 v11, v10;
	v11 =	vmul.f32 v17, v17  }
0x6f: {  	v14 =	vld.idx.msk [tilespmem:v7+s20+$0x0], $0xffff;
	v6 =	vor.u32 v2, v12;
	v3 =	vadd.f32 v4, v3  }
0x70: {  	v12 =	vld.idx.msk [tilespmem:v15+s22+$0x0], $0xffff;
	v4 =	vmul.f32 v8, v8;
	v8 =	vmul.f32 v16, v16;
	v7 =	vadd.f32 v11, v10  }
0x71: {  	v15 =	vmul.f32 v5, v5;
	v10 =	vadd.s32 $0x10, v0;
	v11 =	vld.idx.msk [tilespmem:v18+s20+$0x0], $0xffff  }
0x72: {  	v5 =	vand.u32 $0x3F, v10;
	v10 =	vmul.f32 v13, v13;
	v8 =	vadd.f32 v8, v7  }
0x73: {  	v3 =	vadd.f32 v4, v3;
	v17 =	vmul.f32 v9, v9  }
0x74: {  	v16 =	vld.idx.msk [tilespmem:v19+s20+$0x0], $0xffff;
	v14 =	vmul.f32 v14, v14;
	v4 =	vadd.s32 $0xC, v5;
	v10 =	vadd.f32 v10, v8  }
0x75: {  	v13 =	vld.idx.msk [tilespmem:v6+s20+$0x0], $0xffff;
	v7 =	vadd.s32 $0x9, v5;
	v15 =	vadd.f32 v15, v3;
	v12 =	vmul.f32 v12, v12  }
0x76: {  	v6 =	vld.idx.msk [tilespmem:v6+s22+$0x0], $0xffff;
	v3 =	vadd.s32 $0xF, v5;
	v11 =	vmul.f32 v11, v11;
	v10 =	vadd.f32 v14, v10  }
0x77: {  	v9 =	vadd.s32 $0x7, v5;
	v8 =	vadd.s32 $0xA, v5;
	v12 =	vadd.f32 v12, v15  }
0x78: {  	v15 =	vor.u32 v2, v5;
	v14 =	vadd.s32 $0x1, v5;
	v20 =	vadd.f32 v11, v10;
	v11 =	vld.idx.msk [tilespmem:v18+s22+$0x0], $0xffff  }
0x79: {  	v12 =	vadd.f32 v17, v12;
	v17 =	vmul.f32 v16, v16;
	v14 =	vand.u32 $0x3F, v14  }
0x7a: {  	v63 =	vmul.f32 v13, v13;
	v13 =	vor.u32 v2, v14;
	v14 =	vadd.s32 $0x2, v5  }
0x7b: {  	v16 =	vld.idx.msk [tilespmem:v19+s22+$0x0], $0xffff;
	v19 =	vadd.s32 $0x3, v5;
	v10 =	vmul.f32 v6, v6;
	v14 =	vand.u32 $0x3F, v14  }
0x7c: {  	s23 =	simm.s32 $0x2;
	v6 =	vadd.s32 $0xE, v5;
	v14 =	vor.u32 v2, v14;
	v18 =	vadd.f32 v63, v20  }
.LBB2_3:
0x7d: {  	p0 =	sne.s32 s23, $0x1;
	s23 =	sadd.s32 $0xFFFFFFFF, s23;
	v20 =	vld.idx.msk [tilespmem:v15+s20+$0x0], $0xffff;
	v19 =	vand.u32 $0x3F, v19;
	v21 =	vadd.s32 $0xD, v5;
	v11 =	vmul.f32 v11, v11  }
0x7e: {  	v22 =	vadd.s32 $0x4, v5;
	v15 =	vld.idx.msk [tilespmem:v15+s22+$0x0], $0xffff;
	v19 =	vor.u32 v2, v19;
	v17 =	vadd.f32 v17, v18  }
0x7f: {  	v23 =	vadd.s32 $0xB, v5;
	v22 =	vand.u32 $0x3F, v22;
	v18 =	vld.idx.msk [tilespmem:v13+s20+$0x0], $0xffff;
	v11 =	vadd.f32 v11, v12  }
0x80: {  	v16 =	vmul.f32 v16, v16;
	v12 =	vld.idx.msk [tilespmem:v13+s22+$0x0], $0xffff;
	v13 =	vor.u32 v2, v22;
	v22 =	vadd.s32 $0x5, v5  }
0x81: {  	v25 =	vand.u32 $0x7, v5;
	v24 =	vld.idx.msk [tilespmem:v14+s20+$0x0], $0xffff;
	v22 =	vand.u32 $0x3F, v22;
	v10 =	vadd.f32 v10, v11  }
0x82: {  	v26 =	vadd.s32 $0x8, v5;
	v11 =	vld.idx.msk [tilespmem:v14+s22+$0x0], $0xffff;
	v14 =	vor.u32 v2, v22;
	v22 =	vadd.s32 $0x6, v5  }
0x83: {  	v20 =	vmul.f32 v20, v20;
	v27 =	vld.idx.msk [tilespmem:v19+s20+$0x0], $0xffff;
	v22 =	vand.u32 $0x3F, v22;
	v10 =	vadd.f32 v16, v10  }
0x84: {  	v15 =	vmul.f32 v15, v15;
	v16 =	vld.idx.msk [tilespmem:v19+s22+$0x0], $0xffff;
	v19 =	vor.u32 v2, v22;
	v22 =	vand.u32 $0x38, v26  }
0x85: {  	v9 =	vand.u32 $0x3F, v9;
	v17 =	vadd.f32 v20, v17;
	v18 =	vmul.f32 v18, v18;
	v20 =	vld.idx.msk [tilespmem:v13+s20+$0x0], $0xffff  }
0x86: {  	v9 =	vor.u32 v2, v9;
	v10 =	vadd.f32 v15, v10;
	v12 =	vmul.f32 v12, v12;
	v13 =	vld.idx.msk [tilespmem:v13+s22+$0x0], $0xffff  }
0x87: {  	v22 =	vor.u32 v22, v25;
	v15 =	vadd.f32 v18, v17;
	v17 =	vmul.f32 v24, v24;
	v18 =	vld.idx.msk [tilespmem:v14+s20+$0x0], $0xffff  }
0x88: {  	v10 =	vadd.f32 v12, v10;
	v11 =	vmul.f32 v11, v11;
	v12 =	vld.idx.msk [tilespmem:v14+s22+$0x0], $0xffff;
	v14 =	vor.u32 v2, v22  }
0x89: {  	v7 =	vand.u32 $0x3F, v7;
	v15 =	vadd.f32 v17, v15;
	v17 =	vmul.f32 v27, v27;
	v22 =	vld.idx.msk [tilespmem:v19+s20+$0x0], $0xffff  }
0x8a: {  	v7 =	vor.u32 v2, v7;
	v10 =	vadd.f32 v11, v10;
	v11 =	vmul.f32 v16, v16;
	v16 =	vld.idx.msk [tilespmem:v19+s22+$0x0], $0xffff  }
0x8b: {  	v8 =	vand.u32 $0x3F, v8;
	v15 =	vadd.f32 v17, v15;
	v17 =	vmul.f32 v20, v20;
	v19 =	vld.idx.msk [tilespmem:v9+s20+$0x0], $0xffff  }
0x8c: {  	v8 =	vor.u32 v2, v8;
	v10 =	vadd.f32 v11, v10;
	v11 =	vmul.f32 v13, v13;
	v9 =	vld.idx.msk [tilespmem:v9+s22+$0x0], $0xffff  }
0x8d: {  	v13 =	vadd.f32 v17, v15;
	v15 =	vmul.f32 v18, v18;
	v18 =	vand.u32 $0x3F, v23;
	v17 =	vld.idx.msk [tilespmem:v14+s20+$0x0], $0xffff  }
0x8e: {  	v10 =	vadd.f32 v11, v10;
	v11 =	vmul.f32 v12, v12;
	v12 =	vld.idx.msk [tilespmem:v14+s22+$0x0], $0xffff;
	v14 =	vor.u32 v2, v18  }
0x8f: {  	v4 =	vand.u32 $0x3F, v4;
	v13 =	vadd.f32 v15, v13;
	v15 =	vmul.f32 v22, v22;
	v18 =	vld.idx.msk [tilespmem:v7+s20+$0x0], $0xffff  }
0x90: {  	v4 =	vor.u32 v2, v4;
	v10 =	vadd.f32 v11, v10;
	v11 =	vmul.f32 v16, v16;
	v7 =	vld.idx.msk [tilespmem:v7+s22+$0x0], $0xffff  }
0x91: {  	v13 =	vadd.f32 v15, v13;
	v15 =	vmul.f32 v19, v19;
	v19 =	vand.u32 $0x3F, v21;
	v16 =	vld.idx.msk [tilespmem:v8+s20+$0x0], $0xffff  }
0x92: {  	v10 =	vadd.f32 v11, v10;
	v9 =	vmul.f32 v9, v9;
	v11 =	vor.u32 v2, v19;
	v8 =	vld.idx.msk [tilespmem:v8+s22+$0x0], $0xffff  }
0x93: {  	v6 =	vand.u32 $0x3F, v6;
	v13 =	vadd.f32 v15, v13;
	v15 =	vmul.f32 v17, v17;
	v17 =	vld.idx.msk [tilespmem:v14+s20+$0x0], $0xffff  }
0x94: {  	v6 =	vor.u32 v2, v6;
	v9 =	vadd.f32 v9, v10;
	v10 =	vmul.f32 v12, v12;
	v12 =	vld.idx.msk [tilespmem:v14+s22+$0x0], $0xffff  }
0x95: {  	v3 =	vand.u32 $0x3F, v3;
	v13 =	vadd.f32 v15, v13;
	v14 =	vmul.f32 v18, v18;
	v15 =	vld.idx.msk [tilespmem:v4+s20+$0x0], $0xffff  }
0x96: {  	v18 =	vor.u32 v2, v3;
	v9 =	vadd.f32 v10, v9;
	v7 =	vmul.f32 v7, v7;
	v10 =	vld.idx.msk [tilespmem:v4+s22+$0x0], $0xffff  }
0x97: {  	v3 =	vadd.f32 v14, v13;
	v13 =	vmul.f32 v16, v16;
	v4 =	vadd.s32 $0x10, v5;
	v14 =	vld.idx.msk [tilespmem:v11+s20+$0x0], $0xffff  }
0x98: {  	v9 =	vadd.f32 v7, v9;
	v8 =	vmul.f32 v8, v8;
	v5 =	vand.u32 $0x3F, v4;
	v11 =	vld.idx.msk [tilespmem:v11+s22+$0x0], $0xffff  }
0x99: {  	v4 =	vadd.s32 $0xC, v5;
	v13 =	vadd.f32 v13, v3;
	v16 =	vmul.f32 v17, v17;
	v17 =	vld.idx.msk [tilespmem:v6+s20+$0x0], $0xffff  }
0x9a: {  	v7 =	vadd.s32 $0x9, v5;
	v9 =	vadd.f32 v8, v9;
	v12 =	vmul.f32 v12, v12;
	v6 =	vld.idx.msk [tilespmem:v6+s22+$0x0], $0xffff  }
0x9b: {  	v3 =	vadd.s32 $0xF, v5;
	v13 =	vadd.f32 v16, v13;
	v15 =	vmul.f32 v15, v15;
	v19 =	vld.idx.msk [tilespmem:v18+s20+$0x0], $0xffff  }
0x9c: {  	v8 =	vadd.s32 $0xA, v5;
	v12 =	vadd.f32 v12, v9;
	v10 =	vmul.f32 v10, v10  }
0x9d: {  	v9 =	vadd.s32 $0x7, v5;
	v13 =	vadd.f32 v15, v13;
	v14 =	vmul.f32 v14, v14  }
.Ltmp0:
0x9e: {  	v16 =	vadd.s32 $0x1, v5;
	v15 =	vor.u32 v2, v5;
	v12 =	vadd.f32 v10, v12;
	(pc) =	sbr.rel @p0 .LBB2_3-.Ltmp0, $4  }
0x9f: {  	v10 =	vand.u32 $0x3F, v16;
	v20 =	vadd.f32 v14, v13;
	v21 =	vmul.f32 v17, v17  }
0xa0: {  	v13 =	vor.u32 v2, v10;
	v14 =	vadd.s32 $0x2, v5;
	v10 =	vmul.f32 v6, v6;
	v16 =	vld.idx.msk [tilespmem:v18+s22+$0x0], $0xffff  }
0xa1: {  	v14 =	vand.u32 $0x3F, v14;
	v6 =	vadd.s32 $0xE, v5;
	v17 =	vmul.f32 v19, v19  }
0xa2: {  	v14 =	vor.u32 v2, v14;
	v19 =	vadd.s32 $0x3, v5;
	v18 =	vadd.f32 v21, v20  }
0xa3: {  	_ =	sdelay $0x2  }
0xa4: {  	v19 =	vand.u32 $0x3F, v19;
	v20 =	vadd.s32 $0xD, v5  }
0xa5: {  	v21 =	vld.idx.msk [tilespmem:v15+s20+$0x0], $0xffff;
	v11 =	vmul.f32 v11, v11;
	v22 =	vadd.s32 $0x4, v5;
	v24 =	vand.u32 $0x7, v5  }
0xa6: {  	v15 =	vld.idx.msk [tilespmem:v15+s22+$0x0], $0xffff;
	v9 =	vand.u32 $0x3F, v9;
	v19 =	vor.u32 v2, v19;
	v17 =	vadd.f32 v17, v18  }
0xa7: {  	v23 =	vld.idx.msk [tilespmem:v13+s20+$0x0], $0xffff;
	v18 =	vand.u32 $0x3F, v22;
	v22 =	vadd.s32 $0xB, v5;
	v11 =	vadd.f32 v11, v12  }
0xa8: {  	v13 =	vld.idx.msk [tilespmem:v13+s22+$0x0], $0xffff;
	v9 =	vor.u32 v2, v9;
	v12 =	vor.u32 v2, v18;
	v18 =	vadd.s32 $0x5, v5  }
0xa9: {  	v25 =	vld.idx.msk [tilespmem:v14+s20+$0x0], $0xffff;
	v16 =	vmul.f32 v16, v16;
	v18 =	vand.u32 $0x3F, v18;
	v10 =	vadd.f32 v10, v11  }
0xaa: {  	v14 =	vld.idx.msk [tilespmem:v14+s22+$0x0], $0xffff;
	v11 =	vor.u32 v2, v18;
	v18 =	vadd.s32 $0x6, v5;
	v21 =	vmul.f32 v21, v21  }
0xab: {  	v18 =	vand.u32 $0x3F, v18;
	v15 =	vmul.f32 v15, v15;
	v26 =	vld.idx.msk [tilespmem:v19+s20+$0x0], $0xffff;
	v10 =	vadd.f32 v16, v10  }
0xac: {  	v16 =	vor.u32 v2, v18;
	v18 =	vld.idx.msk [tilespmem:v19+s22+$0x0], $0xffff;
	v19 =	vmul.f32 v23, v23;
	v17 =	vadd.f32 v21, v17  }
0xad: {  	v5 =	vadd.s32 $0x8, v5;
	v13 =	vmul.f32 v13, v13;
	v21 =	vld.idx.msk [tilespmem:v12+s20+$0x0], $0xffff;
	v10 =	vadd.f32 v15, v10  }
0xae: {  	v5 =	vand.u32 $0x38, v5;
	v12 =	vld.idx.msk [tilespmem:v12+s22+$0x0], $0xffff;
	v15 =	vadd.f32 v19, v17;
	v17 =	vmul.f32 v25, v25  }
0xaf: {  	v5 =	vor.u32 v5, v24;
	v19 =	vld.idx.msk [tilespmem:v11+s20+$0x0], $0xffff;
	v10 =	vadd.f32 v13, v10;
	v13 =	vmul.f32 v14, v14  }
0xb0: {  	v5 =	vor.u32 v2, v5;
	v11 =	vld.idx.msk [tilespmem:v11+s22+$0x0], $0xffff;
	v14 =	vadd.f32 v17, v15;
	v15 =	vmul.f32 v26, v26  }
0xb1: {  	v7 =	vand.u32 $0x3F, v7;
	v17 =	vld.idx.msk [tilespmem:v16+s20+$0x0], $0xffff;
	v10 =	vadd.f32 v13, v10;
	v13 =	vmul.f32 v18, v18  }
0xb2: {  	v7 =	vor.u32 v2, v7;
	v16 =	vld.idx.msk [tilespmem:v16+s22+$0x0], $0xffff;
	v14 =	vadd.f32 v15, v14;
	v15 =	vmul.f32 v21, v21  }
0xb3: {  	v8 =	vand.u32 $0x3F, v8;
	v18 =	vld.idx.msk [tilespmem:v9+s20+$0x0], $0xffff;
	v12 =	vmul.f32 v12, v12;
	v10 =	vadd.f32 v13, v10  }
0xb4: {  	v8 =	vor.u32 v2, v8;
	v9 =	vld.idx.msk [tilespmem:v9+s22+$0x0], $0xffff;
	v13 =	vadd.f32 v15, v14;
	v14 =	vmul.f32 v19, v19  }
0xb5: {  	v11 =	vmul.f32 v11, v11;
	v15 =	vld.idx.msk [tilespmem:v5+s20+$0x0], $0xffff;
	v19 =	vand.u32 $0x3F, v22;
	v10 =	vadd.f32 v12, v10  }
0xb6: {  	v5 =	vld.idx.msk [tilespmem:v5+s22+$0x0], $0xffff;
	v12 =	vor.u32 v2, v19;
	v13 =	vadd.f32 v14, v13;
	v14 =	vmul.f32 v17, v17  }
0xb7: {  	v4 =	vand.u32 $0x3F, v4;
	v17 =	vld.idx.msk [tilespmem:v7+s20+$0x0], $0xffff;
	v10 =	vadd.f32 v11, v10;
	v11 =	vmul.f32 v16, v16  }
0xb8: {  	v4 =	vor.u32 v2, v4;
	v7 =	vld.idx.msk [tilespmem:v7+s22+$0x0], $0xffff;
	v13 =	vadd.f32 v14, v13;
	v14 =	vmul.f32 v18, v18  }
0xb9: {  	v9 =	vmul.f32 v9, v9;
	v16 =	vld.idx.msk [tilespmem:v8+s20+$0x0], $0xffff;
	v18 =	vand.u32 $0x3F, v20;
	v10 =	vadd.f32 v11, v10  }
0xba: {  	v8 =	vld.idx.msk [tilespmem:v8+s22+$0x0], $0xffff;
	v11 =	vor.u32 v2, v18;
	v13 =	vadd.f32 v14, v13;
	v14 =	vmul.f32 v15, v15  }
0xbb: {  	v6 =	vand.u32 $0x3F, v6;
	v5 =	vmul.f32 v5, v5;
	v15 =	vld.idx.msk [tilespmem:v12+s20+$0x0], $0xffff;
	v9 =	vadd.f32 v9, v10  }
0xbc: {  	v6 =	vor.u32 v2, v6;
	v10 =	vld.idx.msk [tilespmem:v12+s22+$0x0], $0xffff;
	v12 =	vadd.f32 v14, v13;
	v13 =	vmul.f32 v17, v17  }
0xbd: {  	v3 =	vand.u32 $0x3F, v3;
	v7 =	vmul.f32 v7, v7;
	v14 =	vld.idx.msk [tilespmem:v4+s20+$0x0], $0xffff;
	v5 =	vadd.f32 v5, v9  }
0xbe: {  	v3 =	vor.u32 v2, v3;
	v4 =	vld.idx.msk [tilespmem:v4+s22+$0x0], $0xffff;
	v9 =	vadd.f32 v13, v12;
	v12 =	vmul.f32 v16, v16  }
0xbf: {  	v13 =	vld.idx.msk [tilespmem:v11+s20+$0x0], $0xffff;
	v5 =	vadd.f32 v7, v5;
	v7 =	vmul.f32 v8, v8  }
0xc0: {  	v8 =	vld.idx.msk [tilespmem:v11+s22+$0x0], $0xffff;
	v11 =	vmul.f32 v15, v15;
	v9 =	vadd.f32 v12, v9  }
0xc1: {  	v12 =	vld.idx.msk [tilespmem:v6+s20+$0x0], $0xffff;
	v5 =	vadd.f32 v7, v5;
	v7 =	vmul.f32 v10, v10  }
0xc2: {  	v6 =	vld.idx.msk [tilespmem:v6+s22+$0x0], $0xffff;
	v10 =	vmul.f32 v14, v14;
	v9 =	vadd.f32 v11, v9  }
0xc3: {  	v4 =	vmul.f32 v4, v4;
	v11 =	vld.idx.msk [tilespmem:v3+s20+$0x0], $0xffff;
	v5 =	vadd.f32 v7, v5  }
0xc4: {  	v3 =	vld.idx.msk [tilespmem:v3+s22+$0x0], $0xffff;
	v7 =	vadd.f32 v10, v9;
	v9 =	vmul.f32 v13, v13  }
0xc5: {  	v4 =	vadd.f32 v4, v5;
	v5 =	vmul.f32 v8, v8  }
0xc6: {  	v8 =	vmul.f32 v12, v12;
	v7 =	vadd.f32 v9, v7  }
0xc7: {  	v6 =	vmul.f32 v6, v6;
	v4 =	vadd.f32 v5, v4  }
0xc8: {  	v5 =	vmul.f32 v11, v11;
	v7 =	vadd.f32 v8, v7  }
0xc9: {  	v3 =	vmul.f32 v3, v3;
	v4 =	vadd.f32 v6, v4  }
0xca: {  	v5 =	vadd.f32 v5, v7  }
0xcb: {  	v3 =	vadd.f32 v3, v4  }
0xcc: {  	v4 =	vshra.s32 v5, $0x1  }
0xcd: {  	v6 =	vmul.f32 $5.000000000e-01, v5;
	v5 =	vshra.s32 v3, $0x1;
	v3 =	vmul.f32 $5.000000000e-01, v3  }
0xce: {  	v8 =	vsub.s32 $0x5F3759DF, v5  }
0xcf: {  	v4 =	vsub.s32 $0x5F3759DF, v4;
	v5 =	vmul.f32 v8, v3  }
0xd0: {  	v7 =	vmul.f32 v4, v6  }
0xd1: {  	v9 =	vmul.f32 v8, v5;
	v5 =	vlaneseq.u32  }
0xd2: {  	v7 =	vmul.f32 v4, v7;
	v10 =	vor.u32 v2, v5  }
0xd3: {  	v15 =	vadd.s32 $0x3, v5  }
0xd4: {  	v7 =	vsub.f32 $1.500000000e+00, v7;
	v15 =	vand.u32 $0x3F, v15  }
0xd5: {  	v11 =	vadd.s32 $0x1, v5;
	v19 =	vadd.s32 $0x5, v5;
	v15 =	vor.u32 v2, v15  }
0xd6: {  	v22 =	vadd.s32 $0x6, v5;
	v9 =	vsub.f32 $1.500000000e+00, v9;
	v4 =	vmul.f32 v4, v7  }
0xd7: {  	v19 =	vand.u32 $0x3F, v19;
	v22 =	vand.u32 $0x3F, v22;
	v7 =	vand.u32 $0x3F, v11;
	v13 =	vld.idx.msk [tilespmem:v10+s20+$0x0], $0xffff  }
0xd8: {  	v19 =	vor.u32 v2, v19;
	v8 =	vmul.f32 v8, v9;
	v11 =	vmul.f32 v4, v6;
	v14 =	vld.idx.msk [tilespmem:v10+s21+$0x0], $0xffff  }
0xd9: {  	v25 =	vadd.s32 $0x7, v5;
	v28 =	vadd.s32 $0x8, v5;
	v22 =	vor.u32 v2, v22;
	v10 =	vld.idx.msk [tilespmem:v10+s22+$0x0], $0xffff  }
0xda: {  	v25 =	vand.u32 $0x3F, v25;
	v12 =	vmul.f32 v8, v3;
	v11 =	vmul.f32 v11, v4;
	v20 =	vld.idx.msk [tilespmem:v15+s22+$0x0], $0xffff  }
0xdb: {  	v27 =	vand.u32 $0x7, v5;
	v28 =	vand.u32 $0x38, v28;
	v25 =	vor.u32 v2, v25;
	v21 =	vld.idx.msk [tilespmem:v15+s20+$0x0], $0xffff  }
0xdc: {  	v7 =	vor.u32 v2, v7;
	v12 =	vmul.f32 v12, v8;
	v15 =	vld.idx.msk [tilespmem:v15+s21+$0x0], $0xffff;
	v11 =	vsub.f32 $1.500000000e+00, v11  }
0xdd: {  	v27 =	vor.u32 v28, v27;
	v9 =	vadd.s32 $0x2, v5;
	v29 =	vld.idx.msk [tilespmem:v19+s20+$0x0], $0xffff  }
0xde: {  	v9 =	vand.u32 $0x3F, v9;
	v28 =	vld.idx.msk [tilespmem:v22+s21+$0x0], $0xffff;
	v12 =	vsub.f32 $1.500000000e+00, v12;
	v4 =	vmul.f32 v11, v4  }
0xdf: {  	v9 =	vor.u32 v2, v9;
	v30 =	vld.idx.msk [tilespmem:v22+s20+$0x0], $0xffff  }
0xe0: {  	v18 =	vadd.s32 $0x4, v5;
	v32 =	vld.idx.msk [tilespmem:v25+s20+$0x0], $0xffff;
	v8 =	vmul.f32 v12, v8;
	v6 =	vmul.f32 v4, v6  }
0xe1: {  	v18 =	vand.u32 $0x3F, v18;
	v16 =	vld.idx.msk [tilespmem:v7+s22+$0x0], $0xffff  }
0xe2: {  	v17 =	vld.idx.msk [tilespmem:v7+s21+$0x0], $0xffff;
	v12 =	vor.u32 v2, v18;
	v3 =	vmul.f32 v8, v3;
	v6 =	vmul.f32 v6, v4  }
0xe3: {  	v7 =	vld.idx.msk [tilespmem:v7+s20+$0x0], $0xffff  }
0xe4: {  	v26 =	vadd.s32 $0xF, v5;
	v11 =	vld.idx.msk [tilespmem:v9+s22+$0x0], $0xffff;
	v3 =	vmul.f32 v3, v8;
	v6 =	vsub.f32 $1.500000000e+00, v6  }
0xe5: {  	v26 =	vand.u32 $0x3F, v26;
	v18 =	vld.idx.msk [tilespmem:v9+s20+$0x0], $0xffff  }
0xe6: {  	v26 =	vor.u32 v2, v26;
	v9 =	vld.idx.msk [tilespmem:v9+s21+$0x0], $0xffff;
	v24 =	vsub.f32 $1.500000000e+00, v3;
	v3 =	vmul.f32 v6, v4  }
0xe7: {  	v31 =	vadd.s32 $0xA, v5;
	v23 =	vld.idx.msk [tilespmem:v12+s22+$0x0], $0xffff  }
0xe8: {  	v31 =	vand.u32 $0x3F, v31;
	v6 =	vld.idx.msk [tilespmem:v12+s21+$0x0], $0xffff;
	v4 =	vmul.f32 v24, v8;
	v13 =	vmul.f32 v13, v3  }
0xe9: {  	v31 =	vor.u32 v2, v31;
	v12 =	vld.idx.msk [tilespmem:v12+s20+$0x0], $0xffff;
	v21 =	vmul.f32 v21, v3;
	v7 =	vmul.f32 v7, v3  }
0xea: {  	v27 =	vor.u32 v2, v27;
	v24 =	vld.idx.msk [tilespmem:v19+s22+$0x0], $0xffff;
	v18 =	vmul.f32 v18, v3;
	v16 =	vmul.f32 v16, v4  }
0xeb: {  	v33 =	vld.idx.msk [tilespmem:v26+s22+$0x0], $0xffff;
	v10 =	vmul.f32 v10, v4;
	v20 =	vmul.f32 v20, v4;
	v13 =	vadd.f32 v14, v13  }
0xec: {  	v14 =	vadd.s32 $0x9, v5;
	v15 =	vadd.f32 v15, v21;
	v21 =	vld.idx.msk [tilespmem:v25+s21+$0x0], $0xffff;
	v7 =	vadd.f32 v17, v7  }
0xed: {  	v25 =	vld.idx.msk [tilespmem:v25+s22+$0x0], $0xffff;
	v9 =	vadd.f32 v9, v18;
	v14 =	vand.u32 $0x3F, v14;
	v13 =	vsub.f32 v13, v10  }
0xee: {  	v19 =	vld.idx.msk [tilespmem:v19+s21+$0x0], $0xffff;
	v10 =	vmul.f32 v12, v3;
	v12 =	vmul.f32 v11, v4;
	v11 =	vsub.f32 v15, v20  }
0xef: {  	v18 =	vld.idx.msk [tilespmem:v27+s22+$0x0], $0xffff;
	v15 =	vmul.f32 v23, v4;
	v23 =	vmul.f32 v24, v4;
	v7 =	vsub.f32 v7, v16  }
0xf0: {  	v20 =	vld.idx.msk [tilespmem:v22+s22+$0x0], $0xffff;
	v16 =	vmul.f32 v30, v3;
	v6 =	vadd.f32 v6, v10;
	v10 =	vand.u32 $0x7FFFFFFF, v11  }
0xf1: {  	v11 =	vld.idx.msk [tilespmem:v27+s21+$0x0], $0xffff;
	v17 =	vsub.f32 v9, v12;
	v22 =	vand.u32 $0x7FFFFFFF, v13;
	v13 =	vmul.f32 v32, v3  }
0xf2: {  	v9 =	vld.idx.msk [tilespmem:v26+s21+$0x0], $0xffff;
	v24 =	vmul.f32 v25, v4;
	v12 =	vsub.f32 v6, v15;
	v15 =	vadd.s32 $0xB, v5  }
0xf3: {  	v25 =	vld.idx.msk [tilespmem:v26+s20+$0x0], $0xffff;
	v13 =	vadd.f32 v21, v13;
	v21 =	vadd.f32 v28, v16;
	v28 =	vor.u32 v2, v14  }
0xf4: {  	v8 =	vimm.f32 $0.0e+00;
	v26 =	vld.idx.msk [tilespmem:v27+s20+$0x0], $0xffff;
	v15 =	vand.u32 $0x3F, v15  }
0xf5: {  	v27 =	vadd.s32 $0xD, v5;
	v8 =	vadd.f32 v22, v8;
	v6 =	vld.idx.msk [tilespmem:v31+s21+$0x0], $0xffff;
	v63 =	vor.u32 v2, v15  }
0xf6: {  	v18 =	vmul.f32 v18, v4;
	v16 =	vld.idx.msk [tilespmem:v31+s22+$0x0], $0xffff;
	v13 =	vsub.f32 v13, v24;
	v24 =	vmul.f32 v29, v3  }
0xf7: {  	v17 =	vand.u32 $0x7FFFFFFF, v17;
	v14 =	vadd.s32 $0xC, v5;
	v27 =	vand.u32 $0x3F, v27;
	v15 =	vld.idx.msk [tilespmem:v31+s20+$0x0], $0xffff  }
0xf8: {  	v30 =	vmul.f32 v20, v4;
	v14 =	vand.u32 $0x3F, v14;
	v31 =	vadd.f32 v19, v24;
	v19 =	vld.idx.msk [tilespmem:v28+s22+$0x0], $0xffff  }
0xf9: {  	v12 =	vand.u32 $0x7FFFFFFF, v12;
	v20 =	vor.u32 v2, v14;
	v29 =	vadd.s32 $0xE, v5;
	v22 =	vld.idx.msk [tilespmem:v28+s21+$0x0], $0xffff  }
0xfa: {  	v5 =	vadd.s32 $0x10, v5;
	v34 =	vsub.f32 v21, v30;
	v21 =	vor.u32 v2, v27;
	v24 =	vld.idx.msk [tilespmem:v63+s22+$0x0], $0xffff  }
0xfb: {  	v27 =	vand.u32 $0x3F, v29;
	v29 =	vand.u32 $0x7FFFFFFF, v7;
	v14 =	vand.u32 $0x7FFFFFFF, v13;
	v28 =	vld.idx.msk [tilespmem:v28+s20+$0x0], $0xffff  }
0xfc: {  	v7 =	vor.u32 v2, v27;
	v30 =	vadd.f32 v29, v8;
	v29 =	vsub.f32 v31, v23;
	v13 =	vld.idx.msk [tilespmem:v63+s21+$0x0], $0xffff  }
0xfd: {  	s23 =	simm.s32 $0x3;
	v8 =	vmul.f32 v33, v4;
	v27 =	vand.u32 $0x7FFFFFFF, v34;
	v23 =	vmul.f32 v25, v3;
	v25 =	vld.idx.msk [tilespmem:v63+s20+$0x0], $0xffff  }
.LBB2_5:
0xfe: {  	p0 =	sne.s32 s23, $0x1;
	s23 =	sadd.s32 $0xFFFFFFFF, s23;
	v17 =	vadd.f32 v17, v30;
	v29 =	vand.u32 $0x7FFFFFFF, v29;
	v26 =	vmul.f32 v26, v3;
	v30 =	vld.idx.msk [tilespmem:v20+s21+$0x0], $0xffff  }
0xff: {  	v24 =	vmul.f32 v24, v4;
	v23 =	vadd.f32 v9, v23;
	v5 =	vand.u32 $0x3F, v5;
	v31 =	vld.idx.msk [tilespmem:v20+s22+$0x0], $0xffff  }
0x100: {  	v32 =	vor.u32 v2, v5;
	v33 =	vadd.s32 $0x1, v5;
	v10 =	vadd.f32 v10, v17;
	v9 =	vld.idx.msk [tilespmem:v21+s21+$0x0], $0xffff  }
0x101: {  	v17 =	vand.u32 $0x3F, v33;
	v33 =	vadd.s32 $0x2, v5;
	v11 =	vadd.f32 v11, v26;
	v26 =	vld.idx.msk [tilespmem:v21+s22+$0x0], $0xffff  }
0x102: {  	v34 =	vadd.s32 $0xF, v5;
	v33 =	vand.u32 $0x3F, v33;
	v10 =	vadd.f32 v12, v10;
	v12 =	vld.idx.msk [tilespmem:v20+s20+$0x0], $0xffff  }
0x103: {  	v8 =	vsub.f32 v23, v8;
	v17 =	vor.u32 v2, v17;
	v20 =	vor.u32 v2, v33;
	v33 =	vld.idx.msk [tilespmem:v7+s22+$0x0], $0xffff  }
0x104: {  	v15 =	vmul.f32 v15, v3;
	v16 =	vmul.f32 v16, v4;
	v10 =	vadd.f32 v29, v10;
	v21 =	vld.idx.msk [tilespmem:v21+s20+$0x0], $0xffff  }
0x105: {  	v28 =	vmul.f32 v28, v3;
	v29 =	vand.u32 $0x3F, v34;
	v31 =	vmul.f32 v31, v4;
	v23 =	vld.idx.msk [tilespmem:v32+s20+$0x0], $0xffff  }
0x106: {  	v35 =	vand.u32 $0x7, v5;
	v25 =	vmul.f32 v25, v3;
	v34 =	vld.idx.msk [tilespmem:v32+s21+$0x0], $0xffff;
	v10 =	vadd.f32 v27, v10  }
0x107: {  	v19 =	vmul.f32 v19, v4;
	v22 =	vadd.f32 v22, v28;
	v27 =	vld.idx.msk [tilespmem:v32+s22+$0x0], $0xffff;
	v32 =	vadd.s32 $0x3, v5  }
0x108: {  	v13 =	vadd.f32 v13, v25;
	v28 =	vld.idx.msk [tilespmem:v17+s22+$0x0], $0xffff;
	v32 =	vand.u32 $0x3F, v32;
	v10 =	vadd.f32 v14, v10  }
0x109: {  	v26 =	vmul.f32 v26, v4;
	v14 =	vld.idx.msk [tilespmem:v17+s21+$0x0], $0xffff;
	v25 =	vor.u32 v2, v32;
	v32 =	vadd.s32 $0x4, v5  }
0x10a: {  	v11 =	vsub.f32 v11, v18;
	v18 =	vmul.f32 v33, v4;
	v36 =	vld.idx.msk [tilespmem:v20+s22+$0x0], $0xffff;
	v32 =	vand.u32 $0x3F, v32  }
0x10b: {  	v13 =	vsub.f32 v13, v24;
	v23 =	vmul.f32 v23, v3;
	v17 =	vld.idx.msk [tilespmem:v17+s20+$0x0], $0xffff;
	v32 =	vor.u32 v2, v32  }
0x10c: {  	v37 =	vadd.s32 $0x8, v5;
	v11 =	vand.u32 $0x7FFFFFFF, v11;
	v33 =	vadd.s32 $0x5, v5;
	v24 =	vld.idx.msk [tilespmem:v20+s20+$0x0], $0xffff  }
0x10d: {  	v6 =	vadd.f32 v6, v15;
	v33 =	vand.u32 $0x3F, v33;
	v23 =	vadd.f32 v34, v23;
	v20 =	vld.idx.msk [tilespmem:v20+s21+$0x0], $0xffff  }
0x10e: {  	v13 =	vand.u32 $0x7FFFFFFF, v13;
	v33 =	vor.u32 v2, v33;
	v34 =	vadd.s32 $0x6, v5;
	v15 =	vld.idx.msk [tilespmem:v25+s22+$0x0], $0xffff  }
0x10f: {  	v39 =	vadd.s32 $0x9, v5;
	v6 =	vsub.f32 v6, v16;
	v19 =	vsub.f32 v22, v19;
	v38 =	vld.idx.msk [tilespmem:v25+s20+$0x0], $0xffff  }
0x110: {  	v10 =	vadd.f32 v11, v10;
	v11 =	vmul.f32 v12, v3;
	v16 =	vmul.f32 v28, v4;
	v22 =	vld.idx.msk [tilespmem:v32+s22+$0x0], $0xffff  }
0x111: {  	v19 =	vand.u32 $0x7FFFFFFF, v19;
	v12 =	vmul.f32 v17, v3;
	v17 =	vmul.f32 v36, v4;
	v25 =	vld.idx.msk [tilespmem:v25+s21+$0x0], $0xffff  }
0x112: {  	v27 =	vmul.f32 v27, v4;
	v11 =	vadd.f32 v30, v11;
	v24 =	vmul.f32 v24, v3;
	v28 =	vld.idx.msk [tilespmem:v32+s21+$0x0], $0xffff  }
0x113: {  	v19 =	vadd.f32 v19, v10;
	v34 =	vand.u32 $0x3F, v34;
	v36 =	vadd.s32 $0x7, v5;
	v30 =	vld.idx.msk [tilespmem:v33+s22+$0x0], $0xffff  }
0x114: {  	v11 =	vsub.f32 v11, v31;
	v10 =	vld.idx.msk [tilespmem:v32+s20+$0x0], $0xffff;
	v32 =	vor.u32 v2, v34;
	v34 =	vand.u32 $0x3F, v36  }
0x115: {  	v23 =	vsub.f32 v23, v27;
	v12 =	vadd.f32 v14, v12;
	v14 =	vmul.f32 v38, v3;
	v27 =	vld.idx.msk [tilespmem:v33+s20+$0x0], $0xffff  }
0x116: {  	v36 =	vand.u32 $0x7FFFFFFF, v11;
	v31 =	vld.idx.msk [tilespmem:v33+s21+$0x0], $0xffff;
	v33 =	vor.u32 v2, v34;
	v34 =	vand.u32 $0x38, v37  }
0x117: {  	v11 =	vadd.f32 v25, v14;
	v14 =	vmul.f32 v15, v4;
	v15 =	vmul.f32 v21, v3;
	v21 =	vld.idx.msk [tilespmem:v7+s20+$0x0], $0xffff  }
0x118: {  	v6 =	vand.u32 $0x7FFFFFFF, v6;
	v25 =	vor.u32 v34, v35;
	v34 =	vand.u32 $0x3F, v39;
	v7 =	vld.idx.msk [tilespmem:v7+s21+$0x0], $0xffff  }
0x119: {  	v20 =	vadd.f32 v20, v24;
	v11 =	vsub.f32 v11, v14;
	v24 =	vor.u32 v2, v25;
	v14 =	vld.idx.msk [tilespmem:v32+s21+$0x0], $0xffff  }
0x11a: {  	v22 =	vmul.f32 v22, v4;
	v9 =	vadd.f32 v9, v15;
	v25 =	vmul.f32 v10, v3;
	v35 =	vld.idx.msk [tilespmem:v32+s20+$0x0], $0xffff  }
0x11b: {  	v6 =	vadd.f32 v6, v19;
	v37 =	vmul.f32 v30, v4;
	v10 =	vand.u32 $0x7FFFFFFF, v11;
	v15 =	vld.idx.msk [tilespmem:v33+s21+$0x0], $0xffff  }
0x11c: {  	v9 =	vsub.f32 v9, v26;
	v11 =	vadd.f32 v28, v25;
	v25 =	vadd.s32 $0xA, v5;
	v19 =	vld.idx.msk [tilespmem:v33+s20+$0x0], $0xffff  }
0x11d: {  	v28 =	vor.u32 v2, v29;
	v25 =	vand.u32 $0x3F, v25;
	v21 =	vmul.f32 v21, v3;
	v26 =	vld.idx.msk [tilespmem:v33+s22+$0x0], $0xffff  }
0x11e: {  	v17 =	vsub.f32 v20, v17;
	v11 =	vsub.f32 v11, v22;
	v22 =	vor.u32 v2, v25;
	v20 =	vld.idx.msk [tilespmem:v32+s22+$0x0], $0xffff  }
0x11f: {  	v23 =	vand.u32 $0x7FFFFFFF, v23;
	v25 =	vsub.f32 v12, v16;
	v16 =	vand.u32 $0x7FFFFFFF, v9;
	v29 =	vld.idx.msk [tilespmem:v24+s22+$0x0], $0xffff  }
0x120: {  	v7 =	vadd.f32 v7, v21;
	v12 =	vand.u32 $0x7FFFFFFF, v11;
	v9 =	vmul.f32 v35, v3  }
0x121: {  	v13 =	vadd.f32 v13, v6;
	v17 =	vand.u32 $0x7FFFFFFF, v17;
	v21 =	vadd.s32 $0xB, v5;
	v11 =	vld.idx.msk [tilespmem:v24+s21+$0x0], $0xffff  }
0x122: {  	v7 =	vsub.f32 v7, v18;
	v30 =	vadd.f32 v14, v9;
	v14 =	vmul.f32 v19, v3;
	v9 =	vld.idx.msk [tilespmem:v28+s21+$0x0], $0xffff  }
0x123: {  	v13 =	vadd.f32 v36, v13;
	v19 =	vand.u32 $0x3F, v21;
	v18 =	vmul.f32 v26, v4;
	v6 =	vld.idx.msk [tilespmem:v22+s21+$0x0], $0xffff  }
0x124: {  	v32 =	vor.u32 v2, v34;
	v33 =	vor.u32 v2, v19;
	v14 =	vadd.f32 v15, v14;
	v34 =	vld.idx.msk [tilespmem:v28+s22+$0x0], $0xffff  }
0x125: {  	v13 =	vadd.f32 v16, v13;
	v19 =	vmul.f32 v20, v4;
	v20 =	vadd.s32 $0xC, v5;
	v35 =	vld.idx.msk [tilespmem:v28+s20+$0x0], $0xffff  }
0x126: {  	v7 =	vand.u32 $0x7FFFFFFF, v7;
	v14 =	vsub.f32 v14, v18;
	v18 =	vand.u32 $0x3F, v20;
	v15 =	vld.idx.msk [tilespmem:v22+s20+$0x0], $0xffff  }
0x127: {  	v21 =	vmul.f32 v27, v3;
	v7 =	vadd.f32 v7, v13;
	v20 =	vor.u32 v2, v18;
	v16 =	vld.idx.msk [tilespmem:v22+s22+$0x0], $0xffff  }
0x128: {  	v8 =	vand.u32 $0x7FFFFFFF, v8;
	v18 =	vadd.s32 $0xD, v5;
	v14 =	vand.u32 $0x7FFFFFFF, v14;
	v26 =	vld.idx.msk [tilespmem:v24+s20+$0x0], $0xffff  }
0x129: {  	v7 =	vadd.f32 v8, v7;
	v18 =	vand.u32 $0x3F, v18;
	v22 =	vadd.s32 $0xE, v5;
	v13 =	vld.idx.msk [tilespmem:v33+s21+$0x0], $0xffff  }
.Ltmp1:
0x12a: {  	v8 =	vadd.f32 v31, v21;
	v27 =	vsub.f32 v30, v19;
	v21 =	vor.u32 v2, v18;
	v24 =	vld.idx.msk [tilespmem:v33+s22+$0x0], $0xffff;
	(pc) =	sbr.rel @p0 .LBB2_5-.Ltmp1, $4  }
0x12b: {  	v23 =	vadd.f32 v23, v7;
	v7 =	vand.u32 $0x3F, v22;
	v19 =	vld.idx.msk [tilespmem:v32+s22+$0x0], $0xffff  }
0x12c: {  	v25 =	vand.u32 $0x7FFFFFFF, v25;
	v18 =	vmul.f32 v29, v4;
	v7 =	vor.u32 v2, v7;
	v22 =	vld.idx.msk [tilespmem:v32+s21+$0x0], $0xffff  }
0x12d: {  	v29 =	vsub.f32 v8, v37;
	v30 =	vadd.f32 v25, v23;
	v23 =	vmul.f32 v35, v3;
	v28 =	vld.idx.msk [tilespmem:v32+s20+$0x0], $0xffff  }
0x12e: {  	v27 =	vand.u32 $0x7FFFFFFF, v27;
	v5 =	vadd.s32 $0x10, v5;
	v8 =	vmul.f32 v34, v4;
	v25 =	vld.idx.msk [tilespmem:v33+s20+$0x0], $0xffff  }
0x12f: {  	v2 =	vadd.f32 v17, v30;
	_ =	sdelay $0x1  }
0x130: {  	v2 =	vadd.f32 v10, v2;
	_ =	sdelay $0x1  }
0x131: {  	v2 =	vadd.f32 v12, v2  }
0x132: {  	v5 =	vand.u32 $0x7FFFFFFF, v29;
	v44 =	vmul.f32 v26, v3  }
0x133: {  	v45 =	vld.idx.msk [tilespmem:v20+s21+$0x0], $0xffff;
	v2 =	vadd.f32 v5, v2  }
0x134: {  	v46 =	vld.idx.msk [tilespmem:v20+s22+$0x0], $0xffff;
	v10 =	vadd.f32 v11, v44;
	v47 =	vmul.f32 v28, v3  }
0x135: {  	v48 =	vld.idx.msk [tilespmem:v20+s20+$0x0], $0xffff;
	v15 =	vmul.f32 v15, v3;
	v2 =	vadd.f32 v27, v2  }
0x136: {  	v50 =	vld.idx.msk [tilespmem:v21+s20+$0x0], $0xffff;
	v19 =	vmul.f32 v19, v4;
	v10 =	vsub.f32 v10, v18;
	v11 =	vadd.f32 v22, v47  }
0x137: {  	v49 =	vld.idx.msk [tilespmem:v21+s21+$0x0], $0xffff;
	v16 =	vmul.f32 v16, v4;
	v6 =	vadd.f32 v6, v15;
	v2 =	vadd.f32 v14, v2  }
0x138: {  	v54 =	vld.idx.msk [tilespmem:v7+s20+$0x0], $0xffff;
	v51 =	vmul.f32 v25, v3;
	v10 =	vand.u32 $0x7FFFFFFF, v10;
	v11 =	vsub.f32 v11, v19  }
0x139: {  	v52 =	vld.idx.msk [tilespmem:v21+s22+$0x0], $0xffff;
	v53 =	vmul.f32 v24, v4;
	v6 =	vsub.f32 v6, v16;
	v2 =	vadd.f32 v10, v2  }
0x13a: {  	v55 =	vld.idx.msk [tilespmem:v7+s22+$0x0], $0xffff;
	v56 =	vmul.f32 v48, v3;
	v13 =	vadd.f32 v13, v51;
	v11 =	vand.u32 $0x7FFFFFFF, v11  }
0x13b: {  	v57 =	vld.idx.msk [tilespmem:v7+s21+$0x0], $0xffff;
	v59 =	vmul.f32 v50, v3;
	v5 =	vmul.f32 v46, v4;
	v2 =	vadd.f32 v11, v2  }
0x13c: {  	v6 =	vand.u32 $0x7FFFFFFF, v6;
	v58 =	vadd.f32 v45, v56;
	v13 =	vsub.f32 v13, v53  }
0x13d: {  	v3 =	vmul.f32 v54, v3;
	v60 =	vadd.f32 v49, v59;
	v2 =	vadd.f32 v6, v2  }
0x13e: {  	v5 =	vsub.f32 v58, v5;
	v14 =	vmul.f32 v52, v4;
	v13 =	vand.u32 $0x7FFFFFFF, v13  }
0x13f: {  	v61 =	vmul.f32 v55, v4;
	v2 =	vadd.f32 v13, v2  }
0x140: {  	v3 =	vadd.f32 v57, v3;
	v5 =	vand.u32 $0x7FFFFFFF, v5;
	v6 =	vsub.f32 v60, v14  }
0x141: {  	v2 =	vadd.f32 v5, v2  }
0x142: {  	v62 =	vadd.f32 v9, v23;
	v3 =	vsub.f32 v3, v61;
	v6 =	vand.u32 $0x7FFFFFFF, v6  }
0x143: {  	s18 =	sadd.s32 $0x1, s18;
	v2 =	vadd.f32 v6, v2  }
0x144: {  	p0 =	sne.s32 s18, $0x10;
	v63 =	vsub.f32 v62, v8;
	v3 =	vand.u32 $0x7FFFFFFF, v3  }
.Ltmp2:
0x145: {  	v2 =	vadd.f32 v3, v2;
	(pc) =	sbr.rel @p0 .LBB2_2-.Ltmp2, $3  }
0x146: {  	v3 =	vand.u32 $0x7FFFFFFF, v63  }
0x147: {  	v2 =	vadd.f32 v3, v2;
	_ =	sdelay $0x1  }
0x148: {  	[tilespmem:v1+s14+$0x0] =	vst.idx.msk $0xffff, v2;
	v1 =	vadd.s32 $0x10, v1  }
0x149: {  	s18 =	simm.s32 $0x600  }
0x14a: {  	[tilespmem:s20], [sflag:$0x1] =	stream.indirect.gather [hbm4b:s3+s19], $0x40, s18, s19, $0xb8;
	[tilespmem:$0x19010] =	vst v63  }
0x14b: {  	_ = 	snop  }
0x14c: {  	[tilespmem:s21], [sflag:$0x1] =	stream.indirect.gather [hbm4b:s4+s19], $0x40, s25, s19, $0xb8;
	[tilespmem:$0x19010] =	vst v63  }
0x14d: {  	s23 =	simm.s32 $0xA00  }
0x14e: {  	[tilespmem:s22], [sflag:$0x1] =	stream.indirect.gather [hbm4b:s3+s19], $0x40, s23, s19, $0xb8;
	[tilespmem:$0x19010] =	vst v63  }
0x14f: {  	s25 =	simm.s32 $0x680  }
0x150: {  	[tilespmem:s28], [sflag:$0x1] =	stream.indirect.gather [hbm4b:s3+s19], $0x40, s25, s19, $0xb8;
	[tilespmem:$0x19010] =	vst v63  }
0x151: {  	s23 =	simm.s32 $0x880;
	s28 =	simm.s32 $0x6C00  }
0x152: {  	[tilespmem:s28], [sflag:$0x1] =	stream.indirect.gather [hbm4b:s4+s19], $0x40, s23, s19, $0xb8;
	[tilespmem:$0x19010] =	vst v63  }
0x153: {  	s25 =	simm.s32 $0xAC00;
	s28 =	simm.s32 $0xA80  }
0x154: {  	[tilespmem:s25], [sflag:$0x1] =	stream.indirect.gather [hbm4b:s3+s19], $0x40, s28, s19, $0xb8;
	[tilespmem:$0x19010] =	vst v63  }
0x155: {  	_ =	swait.ge [sflag:s15], $0x2000  }
0x156: {  	[sflag:s15] =	ssyncset.done $0x0  }
0x157: {  	[sflag:s15] =	ssyncadd.s32 $0xFFFFE000  }
0x158: {  	_ =	swait.ge [sflag:s15], $0x2000  }
0x159: {  	[sflag:s15] =	ssyncset.done $0x0  }
0x15a: {  	[sflag:s15] =	ssyncadd.s32 $0xFFFFE000  }
0x15b: {  	_ =	swait.ge [sflag:s15], $0x2000  }
0x15c: {  	[sflag:s15] =	ssyncset.done $0x0  }
0x15d: {  	[sflag:s15] =	ssyncadd.s32 $0xFFFFE000  }
0x15e: {  	_ =	swait.ge [sflag:s15], $0x2000  }
0x15f: {  	[sflag:s15] =	ssyncset.done $0x0  }
0x160: {  	[sflag:s15] =	ssyncadd.s32 $0xFFFFE000  }
0x161: {  	_ =	swait.ge [sflag:s15], $0x2000  }
0x162: {  	[sflag:s15] =	ssyncset.done $0x0  }
0x163: {  	[sflag:s15] =	ssyncadd.s32 $0xFFFFE000  }
0x164: {  	_ =	swait.ge [sflag:s15], $0x2000  }
0x165: {  	[sflag:s15] =	ssyncset.done $0x0  }
0x166: {  	v0 =	vlaneseq.u32;
	v1 =	vlaneseq.u32;
	s18 =	simm.s32 $0x0;
	[sflag:s15] =	ssyncadd.s32 $0xFFFFE000  }
.LBB2_8:
0x167: {  	v2 =	vshll.u32 v1, $0x6  }
0x168: {  	v4 =	vadd.s32 $0x1, v0;
	v3 =	vor.u32 v2, v0  }
0x169: {  	v4 =	vand.u32 $0x3F, v4  }
0x16a: {  	v5 =	vimm.f32 $0.0e+00;
	v6 =	vadd.s32 $0x2, v0;
	v4 =	vor.u32 v2, v4  }
0x16b: {  	v7 =	vadd.s32 $0xC, v0;
	v8 =	vadd.s32 $0x9, v0;
	v6 =	vand.u32 $0x3F, v6  }
0x16c: {  	v9 =	vadd.s32 $0xF, v0;
	v10 =	vadd.s32 $0x3, v0;
	v6 =	vor.u32 v2, v6  }
0x16d: {  	v11 =	vadd.s32 $0xA, v0;
	v12 =	vadd.s32 $0x7, v0;
	v10 =	vand.u32 $0x3F, v10;
	v13 =	vld.idx.msk [tilespmem:v3+s30+$0x0], $0xffff  }
0x16e: {  	v14 =	vadd.s32 $0xE, v0;
	v15 =	vadd.s32 $0x4, v0;
	v10 =	vor.u32 v2, v10;
	v3 =	vld.idx.msk [tilespmem:v3+s24+$0x0], $0xffff  }
0x16f: {  	v16 =	vadd.s32 $0xD, v0;
	v18 =	vadd.s32 $0x5, v0;
	v15 =	vand.u32 $0x3F, v15;
	v17 =	vld.idx.msk [tilespmem:v4+s30+$0x0], $0xffff  }
0x170: {  	v19 =	vadd.s32 $0xB, v0;
	v21 =	vand.u32 $0x7, v0;
	v15 =	vor.u32 v2, v15;
	v4 =	vld.idx.msk [tilespmem:v4+s24+$0x0], $0xffff  }
0x171: {  	v22 =	vadd.s32 $0x6, v0;
	v23 =	vadd.s32 $0x8, v0;
	v18 =	vand.u32 $0x3F, v18;
	v20 =	vld.idx.msk [tilespmem:v6+s30+$0x0], $0xffff  }
0x172: {  	v22 =	vand.u32 $0x3F, v22;
	v18 =	vor.u32 v2, v18;
	v6 =	vld.idx.msk [tilespmem:v6+s24+$0x0], $0xffff;
	v13 =	vmul.f32 v13, v13  }
0x173: {  	v23 =	vand.u32 $0x38, v23;
	v12 =	vand.u32 $0x3F, v12;
	v24 =	vld.idx.msk [tilespmem:v10+s30+$0x0], $0xffff;
	v3 =	vmul.f32 v3, v3  }
0x174: {  	v22 =	vor.u32 v2, v22;
	v10 =	vld.idx.msk [tilespmem:v10+s24+$0x0], $0xffff;
	v17 =	vmul.f32 v17, v17;
	v13 =	vadd.f32 v13, v5  }
0x175: {  	v8 =	vand.u32 $0x3F, v8;
	v25 =	vld.idx.msk [tilespmem:v15+s30+$0x0], $0xffff;
	v4 =	vmul.f32 v4, v4;
	v3 =	vadd.f32 v3, v5  }
0x176: {  	v5 =	vor.u32 v2, v12;
	v12 =	vld.idx.msk [tilespmem:v15+s24+$0x0], $0xffff;
	v15 =	vmul.f32 v20, v20;
	v13 =	vadd.f32 v17, v13  }
0x177: {  	v20 =	vld.idx.msk [tilespmem:v18+s30+$0x0], $0xffff;
	v17 =	vor.u32 v23, v21;
	v3 =	vadd.f32 v4, v3;
	v4 =	vmul.f32 v6, v6  }
0x178: {  	v6 =	vor.u32 v2, v17;
	v17 =	vld.idx.msk [tilespmem:v18+s24+$0x0], $0xffff;
	v13 =	vadd.f32 v15, v13;
	v15 =	vmul.f32 v24, v24  }
0x179: {  	v11 =	vand.u32 $0x3F, v11;
	v18 =	vld.idx.msk [tilespmem:v22+s30+$0x0], $0xffff;
	v3 =	vadd.f32 v4, v3;
	v4 =	vmul.f32 v10, v10  }
0x17a: {  	v8 =	vor.u32 v2, v8;
	v10 =	vld.idx.msk [tilespmem:v22+s24+$0x0], $0xffff;
	v13 =	vadd.f32 v15, v13;
	v15 =	vmul.f32 v25, v25  }
0x17b: {  	v7 =	vand.u32 $0x3F, v7;
	v62 =	vld.idx.msk [tilespmem:v5+s30+$0x0], $0xffff;
	v3 =	vadd.f32 v4, v3;
	v4 =	vmul.f32 v12, v12  }
0x17c: {  	v11 =	vor.u32 v2, v11;
	v5 =	vld.idx.msk [tilespmem:v5+s24+$0x0], $0xffff;
	v12 =	vadd.f32 v15, v13;
	v13 =	vmul.f32 v20, v20  }
0x17d: {  	v15 =	vand.u32 $0x3F, v19;
	v19 =	vld.idx.msk [tilespmem:v6+s30+$0x0], $0xffff;
	v3 =	vadd.f32 v4, v3;
	v4 =	vmul.f32 v17, v17  }
0x17e: {  	v6 =	vld.idx.msk [tilespmem:v6+s24+$0x0], $0xffff;
	v15 =	vor.u32 v2, v15;
	v12 =	vadd.f32 v13, v12;
	v13 =	vmul.f32 v18, v18  }
0x17f: {  	v7 =	vor.u32 v2, v7;
	v17 =	vld.idx.msk [tilespmem:v8+s30+$0x0], $0xffff;
	v3 =	vadd.f32 v4, v3;
	v4 =	vmul.f32 v10, v10  }
0x180: {  	v9 =	vand.u32 $0x3F, v9;
	v8 =	vld.idx.msk [tilespmem:v8+s24+$0x0], $0xffff;
	v10 =	vadd.f32 v13, v12;
	v12 =	vmul.f32 v62, v62  }
0x181: {  	v13 =	vand.u32 $0x3F, v16;
	v16 =	vld.idx.msk [tilespmem:v11+s30+$0x0], $0xffff;
	v3 =	vadd.f32 v4, v3;
	v4 =	vmul.f32 v5, v5  }
0x182: {  	v5 =	vld.idx.msk [tilespmem:v11+s24+$0x0], $0xffff;
	v18 =	vor.u32 v2, v13;
	v11 =	vmul.f32 v19, v19;
	v10 =	vadd.f32 v12, v10  }
0x183: {  	v19 =	vor.u32 v2, v9;
	v13 =	vld.idx.msk [tilespmem:v15+s30+$0x0], $0xffff;
	v3 =	vadd.f32 v4, v3;
	v4 =	vmul.f32 v6, v6  }
0x184: {  	v9 =	vld.idx.msk [tilespmem:v7+s24+$0x0], $0xffff;
	v12 =	vand.u32 $0x3F, v14;
	v10 =	vadd.f32 v11, v10;
	v11 =	vmul.f32 v17, v17  }
0x185: {  	v14 =	vld.idx.msk [tilespmem:v7+s30+$0x0], $0xffff;
	v6 =	vor.u32 v2, v12;
	v3 =	vadd.f32 v4, v3  }
0x186: {  	v12 =	vld.idx.msk [tilespmem:v15+s24+$0x0], $0xffff;
	v4 =	vmul.f32 v8, v8;
	v8 =	vmul.f32 v16, v16;
	v7 =	vadd.f32 v11, v10  }
0x187: {  	v15 =	vmul.f32 v5, v5;
	v10 =	vadd.s32 $0x10, v0;
	v11 =	vld.idx.msk [tilespmem:v18+s30+$0x0], $0xffff  }
0x188: {  	v5 =	vand.u32 $0x3F, v10;
	v10 =	vmul.f32 v13, v13;
	v8 =	vadd.f32 v8, v7  }
0x189: {  	v3 =	vadd.f32 v4, v3;
	v17 =	vmul.f32 v9, v9  }
0x18a: {  	v16 =	vld.idx.msk [tilespmem:v19+s30+$0x0], $0xffff;
	v14 =	vmul.f32 v14, v14;
	v4 =	vadd.s32 $0xC, v5;
	v10 =	vadd.f32 v10, v8  }
0x18b: {  	v13 =	vld.idx.msk [tilespmem:v6+s30+$0x0], $0xffff;
	v7 =	vadd.s32 $0x9, v5;
	v15 =	vadd.f32 v15, v3;
	v12 =	vmul.f32 v12, v12  }
0x18c: {  	v6 =	vld.idx.msk [tilespmem:v6+s24+$0x0], $0xffff;
	v3 =	vadd.s32 $0xF, v5;
	v11 =	vmul.f32 v11, v11;
	v10 =	vadd.f32 v14, v10  }
0x18d: {  	v9 =	vadd.s32 $0x7, v5;
	v8 =	vadd.s32 $0xA, v5;
	v12 =	vadd.f32 v12, v15  }
0x18e: {  	v15 =	vor.u32 v2, v5;
	v14 =	vadd.s32 $0x1, v5;
	v20 =	vadd.f32 v11, v10;
	v11 =	vld.idx.msk [tilespmem:v18+s24+$0x0], $0xffff  }
0x18f: {  	v12 =	vadd.f32 v17, v12;
	v17 =	vmul.f32 v16, v16;
	v14 =	vand.u32 $0x3F, v14  }
0x190: {  	v63 =	vmul.f32 v13, v13;
	v13 =	vor.u32 v2, v14;
	v14 =	vadd.s32 $0x2, v5  }
0x191: {  	v16 =	vld.idx.msk [tilespmem:v19+s24+$0x0], $0xffff;
	v19 =	vadd.s32 $0x3, v5;
	v10 =	vmul.f32 v6, v6;
	v14 =	vand.u32 $0x3F, v14  }
0x192: {  	s23 =	simm.s32 $0x2;
	v6 =	vadd.s32 $0xE, v5;
	v14 =	vor.u32 v2, v14;
	v18 =	vadd.f32 v63, v20  }
.LBB2_9:
0x193: {  	p0 =	sne.s32 s23, $0x1;
	s23 =	sadd.s32 $0xFFFFFFFF, s23;
	v20 =	vld.idx.msk [tilespmem:v15+s30+$0x0], $0xffff;
	v19 =	vand.u32 $0x3F, v19;
	v21 =	vadd.s32 $0xD, v5;
	v11 =	vmul.f32 v11, v11  }
0x194: {  	v22 =	vadd.s32 $0x4, v5;
	v15 =	vld.idx.msk [tilespmem:v15+s24+$0x0], $0xffff;
	v19 =	vor.u32 v2, v19;
	v17 =	vadd.f32 v17, v18  }
0x195: {  	v23 =	vadd.s32 $0xB, v5;
	v22 =	vand.u32 $0x3F, v22;
	v18 =	vld.idx.msk [tilespmem:v13+s30+$0x0], $0xffff;
	v11 =	vadd.f32 v11, v12  }
0x196: {  	v16 =	vmul.f32 v16, v16;
	v12 =	vld.idx.msk [tilespmem:v13+s24+$0x0], $0xffff;
	v13 =	vor.u32 v2, v22;
	v22 =	vadd.s32 $0x5, v5  }
0x197: {  	v25 =	vand.u32 $0x7, v5;
	v24 =	vld.idx.msk [tilespmem:v14+s30+$0x0], $0xffff;
	v22 =	vand.u32 $0x3F, v22;
	v10 =	vadd.f32 v10, v11  }
0x198: {  	v26 =	vadd.s32 $0x8, v5;
	v11 =	vld.idx.msk [tilespmem:v14+s24+$0x0], $0xffff;
	v14 =	vor.u32 v2, v22;
	v22 =	vadd.s32 $0x6, v5  }
0x199: {  	v20 =	vmul.f32 v20, v20;
	v27 =	vld.idx.msk [tilespmem:v19+s30+$0x0], $0xffff;
	v22 =	vand.u32 $0x3F, v22;
	v10 =	vadd.f32 v16, v10  }
0x19a: {  	v15 =	vmul.f32 v15, v15;
	v16 =	vld.idx.msk [tilespmem:v19+s24+$0x0], $0xffff;
	v19 =	vor.u32 v2, v22;
	v22 =	vand.u32 $0x38, v26  }
0x19b: {  	v9 =	vand.u32 $0x3F, v9;
	v17 =	vadd.f32 v20, v17;
	v18 =	vmul.f32 v18, v18;
	v20 =	vld.idx.msk [tilespmem:v13+s30+$0x0], $0xffff  }
0x19c: {  	v9 =	vor.u32 v2, v9;
	v10 =	vadd.f32 v15, v10;
	v12 =	vmul.f32 v12, v12;
	v13 =	vld.idx.msk [tilespmem:v13+s24+$0x0], $0xffff  }
0x19d: {  	v22 =	vor.u32 v22, v25;
	v15 =	vadd.f32 v18, v17;
	v17 =	vmul.f32 v24, v24;
	v18 =	vld.idx.msk [tilespmem:v14+s30+$0x0], $0xffff  }
0x19e: {  	v10 =	vadd.f32 v12, v10;
	v11 =	vmul.f32 v11, v11;
	v12 =	vld.idx.msk [tilespmem:v14+s24+$0x0], $0xffff;
	v14 =	vor.u32 v2, v22  }
0x19f: {  	v7 =	vand.u32 $0x3F, v7;
	v15 =	vadd.f32 v17, v15;
	v17 =	vmul.f32 v27, v27;
	v22 =	vld.idx.msk [tilespmem:v19+s30+$0x0], $0xffff  }
0x1a0: {  	v7 =	vor.u32 v2, v7;
	v10 =	vadd.f32 v11, v10;
	v11 =	vmul.f32 v16, v16;
	v16 =	vld.idx.msk [tilespmem:v19+s24+$0x0], $0xffff  }
0x1a1: {  	v8 =	vand.u32 $0x3F, v8;
	v15 =	vadd.f32 v17, v15;
	v17 =	vmul.f32 v20, v20;
	v19 =	vld.idx.msk [tilespmem:v9+s30+$0x0], $0xffff  }
0x1a2: {  	v8 =	vor.u32 v2, v8;
	v10 =	vadd.f32 v11, v10;
	v11 =	vmul.f32 v13, v13;
	v9 =	vld.idx.msk [tilespmem:v9+s24+$0x0], $0xffff  }
0x1a3: {  	v13 =	vadd.f32 v17, v15;
	v15 =	vmul.f32 v18, v18;
	v18 =	vand.u32 $0x3F, v23;
	v17 =	vld.idx.msk [tilespmem:v14+s30+$0x0], $0xffff  }
0x1a4: {  	v10 =	vadd.f32 v11, v10;
	v11 =	vmul.f32 v12, v12;
	v12 =	vld.idx.msk [tilespmem:v14+s24+$0x0], $0xffff;
	v14 =	vor.u32 v2, v18  }
0x1a5: {  	v4 =	vand.u32 $0x3F, v4;
	v13 =	vadd.f32 v15, v13;
	v15 =	vmul.f32 v22, v22;
	v18 =	vld.idx.msk [tilespmem:v7+s30+$0x0], $0xffff  }
0x1a6: {  	v4 =	vor.u32 v2, v4;
	v10 =	vadd.f32 v11, v10;
	v11 =	vmul.f32 v16, v16;
	v7 =	vld.idx.msk [tilespmem:v7+s24+$0x0], $0xffff  }
0x1a7: {  	v13 =	vadd.f32 v15, v13;
	v15 =	vmul.f32 v19, v19;
	v19 =	vand.u32 $0x3F, v21;
	v16 =	vld.idx.msk [tilespmem:v8+s30+$0x0], $0xffff  }
0x1a8: {  	v10 =	vadd.f32 v11, v10;
	v9 =	vmul.f32 v9, v9;
	v11 =	vor.u32 v2, v19;
	v8 =	vld.idx.msk [tilespmem:v8+s24+$0x0], $0xffff  }
0x1a9: {  	v6 =	vand.u32 $0x3F, v6;
	v13 =	vadd.f32 v15, v13;
	v15 =	vmul.f32 v17, v17;
	v17 =	vld.idx.msk [tilespmem:v14+s30+$0x0], $0xffff  }
0x1aa: {  	v6 =	vor.u32 v2, v6;
	v9 =	vadd.f32 v9, v10;
	v10 =	vmul.f32 v12, v12;
	v12 =	vld.idx.msk [tilespmem:v14+s24+$0x0], $0xffff  }
0x1ab: {  	v3 =	vand.u32 $0x3F, v3;
	v13 =	vadd.f32 v15, v13;
	v14 =	vmul.f32 v18, v18;
	v15 =	vld.idx.msk [tilespmem:v4+s30+$0x0], $0xffff  }
0x1ac: {  	v18 =	vor.u32 v2, v3;
	v9 =	vadd.f32 v10, v9;
	v7 =	vmul.f32 v7, v7;
	v10 =	vld.idx.msk [tilespmem:v4+s24+$0x0], $0xffff  }
0x1ad: {  	v3 =	vadd.f32 v14, v13;
	v13 =	vmul.f32 v16, v16;
	v4 =	vadd.s32 $0x10, v5;
	v14 =	vld.idx.msk [tilespmem:v11+s30+$0x0], $0xffff  }
0x1ae: {  	v9 =	vadd.f32 v7, v9;
	v8 =	vmul.f32 v8, v8;
	v5 =	vand.u32 $0x3F, v4;
	v11 =	vld.idx.msk [tilespmem:v11+s24+$0x0], $0xffff  }
0x1af: {  	v4 =	vadd.s32 $0xC, v5;
	v13 =	vadd.f32 v13, v3;
	v16 =	vmul.f32 v17, v17;
	v17 =	vld.idx.msk [tilespmem:v6+s30+$0x0], $0xffff  }
0x1b0: {  	v7 =	vadd.s32 $0x9, v5;
	v9 =	vadd.f32 v8, v9;
	v12 =	vmul.f32 v12, v12;
	v6 =	vld.idx.msk [tilespmem:v6+s24+$0x0], $0xffff  }
0x1b1: {  	v3 =	vadd.s32 $0xF, v5;
	v13 =	vadd.f32 v16, v13;
	v15 =	vmul.f32 v15, v15;
	v19 =	vld.idx.msk [tilespmem:v18+s30+$0x0], $0xffff  }
0x1b2: {  	v8 =	vadd.s32 $0xA, v5;
	v12 =	vadd.f32 v12, v9;
	v10 =	vmul.f32 v10, v10  }
0x1b3: {  	v9 =	vadd.s32 $0x7, v5;
	v13 =	vadd.f32 v15, v13;
	v14 =	vmul.f32 v14, v14  }
.Ltmp3:
0x1b4: {  	v16 =	vadd.s32 $0x1, v5;
	v15 =	vor.u32 v2, v5;
	v12 =	vadd.f32 v10, v12;
	(pc) =	sbr.rel @p0 .LBB2_9-.Ltmp3, $4  }
0x1b5: {  	v10 =	vand.u32 $0x3F, v16;
	v20 =	vadd.f32 v14, v13;
	v21 =	vmul.f32 v17, v17  }
0x1b6: {  	v13 =	vor.u32 v2, v10;
	v14 =	vadd.s32 $0x2, v5;
	v10 =	vmul.f32 v6, v6;
	v16 =	vld.idx.msk [tilespmem:v18+s24+$0x0], $0xffff  }
0x1b7: {  	v14 =	vand.u32 $0x3F, v14;
	v6 =	vadd.s32 $0xE, v5;
	v17 =	vmul.f32 v19, v19  }
0x1b8: {  	v14 =	vor.u32 v2, v14;
	v19 =	vadd.s32 $0x3, v5;
	v18 =	vadd.f32 v21, v20  }
0x1b9: {  	_ =	sdelay $0x2  }
0x1ba: {  	v19 =	vand.u32 $0x3F, v19;
	v20 =	vadd.s32 $0xD, v5  }
0x1bb: {  	v21 =	vld.idx.msk [tilespmem:v15+s30+$0x0], $0xffff;
	v11 =	vmul.f32 v11, v11;
	v22 =	vadd.s32 $0x4, v5;
	v24 =	vand.u32 $0x7, v5  }
0x1bc: {  	v15 =	vld.idx.msk [tilespmem:v15+s24+$0x0], $0xffff;
	v9 =	vand.u32 $0x3F, v9;
	v19 =	vor.u32 v2, v19;
	v17 =	vadd.f32 v17, v18  }
0x1bd: {  	v23 =	vld.idx.msk [tilespmem:v13+s30+$0x0], $0xffff;
	v18 =	vand.u32 $0x3F, v22;
	v22 =	vadd.s32 $0xB, v5;
	v11 =	vadd.f32 v11, v12  }
0x1be: {  	v13 =	vld.idx.msk [tilespmem:v13+s24+$0x0], $0xffff;
	v9 =	vor.u32 v2, v9;
	v12 =	vor.u32 v2, v18;
	v18 =	vadd.s32 $0x5, v5  }
0x1bf: {  	v25 =	vld.idx.msk [tilespmem:v14+s30+$0x0], $0xffff;
	v16 =	vmul.f32 v16, v16;
	v18 =	vand.u32 $0x3F, v18;
	v10 =	vadd.f32 v10, v11  }
0x1c0: {  	v14 =	vld.idx.msk [tilespmem:v14+s24+$0x0], $0xffff;
	v11 =	vor.u32 v2, v18;
	v18 =	vadd.s32 $0x6, v5;
	v21 =	vmul.f32 v21, v21  }
0x1c1: {  	v18 =	vand.u32 $0x3F, v18;
	v15 =	vmul.f32 v15, v15;
	v26 =	vld.idx.msk [tilespmem:v19+s30+$0x0], $0xffff;
	v10 =	vadd.f32 v16, v10  }
0x1c2: {  	v16 =	vor.u32 v2, v18;
	v18 =	vld.idx.msk [tilespmem:v19+s24+$0x0], $0xffff;
	v19 =	vmul.f32 v23, v23;
	v17 =	vadd.f32 v21, v17  }
0x1c3: {  	v5 =	vadd.s32 $0x8, v5;
	v13 =	vmul.f32 v13, v13;
	v21 =	vld.idx.msk [tilespmem:v12+s30+$0x0], $0xffff;
	v10 =	vadd.f32 v15, v10  }
0x1c4: {  	v5 =	vand.u32 $0x38, v5;
	v12 =	vld.idx.msk [tilespmem:v12+s24+$0x0], $0xffff;
	v15 =	vadd.f32 v19, v17;
	v17 =	vmul.f32 v25, v25  }
0x1c5: {  	v5 =	vor.u32 v5, v24;
	v19 =	vld.idx.msk [tilespmem:v11+s30+$0x0], $0xffff;
	v10 =	vadd.f32 v13, v10;
	v13 =	vmul.f32 v14, v14  }
0x1c6: {  	v5 =	vor.u32 v2, v5;
	v11 =	vld.idx.msk [tilespmem:v11+s24+$0x0], $0xffff;
	v14 =	vadd.f32 v17, v15;
	v15 =	vmul.f32 v26, v26  }
0x1c7: {  	v7 =	vand.u32 $0x3F, v7;
	v17 =	vld.idx.msk [tilespmem:v16+s30+$0x0], $0xffff;
	v10 =	vadd.f32 v13, v10;
	v13 =	vmul.f32 v18, v18  }
0x1c8: {  	v7 =	vor.u32 v2, v7;
	v16 =	vld.idx.msk [tilespmem:v16+s24+$0x0], $0xffff;
	v14 =	vadd.f32 v15, v14;
	v15 =	vmul.f32 v21, v21  }
0x1c9: {  	v8 =	vand.u32 $0x3F, v8;
	v18 =	vld.idx.msk [tilespmem:v9+s30+$0x0], $0xffff;
	v12 =	vmul.f32 v12, v12;
	v10 =	vadd.f32 v13, v10  }
0x1ca: {  	v8 =	vor.u32 v2, v8;
	v9 =	vld.idx.msk [tilespmem:v9+s24+$0x0], $0xffff;
	v13 =	vadd.f32 v15, v14;
	v14 =	vmul.f32 v19, v19  }
0x1cb: {  	v11 =	vmul.f32 v11, v11;
	v15 =	vld.idx.msk [tilespmem:v5+s30+$0x0], $0xffff;
	v19 =	vand.u32 $0x3F, v22;
	v10 =	vadd.f32 v12, v10  }
0x1cc: {  	v5 =	vld.idx.msk [tilespmem:v5+s24+$0x0], $0xffff;
	v12 =	vor.u32 v2, v19;
	v13 =	vadd.f32 v14, v13;
	v14 =	vmul.f32 v17, v17  }
0x1cd: {  	v4 =	vand.u32 $0x3F, v4;
	v17 =	vld.idx.msk [tilespmem:v7+s30+$0x0], $0xffff;
	v10 =	vadd.f32 v11, v10;
	v11 =	vmul.f32 v16, v16  }
0x1ce: {  	v4 =	vor.u32 v2, v4;
	v7 =	vld.idx.msk [tilespmem:v7+s24+$0x0], $0xffff;
	v13 =	vadd.f32 v14, v13;
	v14 =	vmul.f32 v18, v18  }
0x1cf: {  	v9 =	vmul.f32 v9, v9;
	v16 =	vld.idx.msk [tilespmem:v8+s30+$0x0], $0xffff;
	v18 =	vand.u32 $0x3F, v20;
	v10 =	vadd.f32 v11, v10  }
0x1d0: {  	v8 =	vld.idx.msk [tilespmem:v8+s24+$0x0], $0xffff;
	v11 =	vor.u32 v2, v18;
	v13 =	vadd.f32 v14, v13;
	v14 =	vmul.f32 v15, v15  }
0x1d1: {  	v6 =	vand.u32 $0x3F, v6;
	v5 =	vmul.f32 v5, v5;
	v15 =	vld.idx.msk [tilespmem:v12+s30+$0x0], $0xffff;
	v9 =	vadd.f32 v9, v10  }
0x1d2: {  	v6 =	vor.u32 v2, v6;
	v10 =	vld.idx.msk [tilespmem:v12+s24+$0x0], $0xffff;
	v12 =	vadd.f32 v14, v13;
	v13 =	vmul.f32 v17, v17  }
0x1d3: {  	v3 =	vand.u32 $0x3F, v3;
	v7 =	vmul.f32 v7, v7;
	v14 =	vld.idx.msk [tilespmem:v4+s30+$0x0], $0xffff;
	v5 =	vadd.f32 v5, v9  }
0x1d4: {  	v3 =	vor.u32 v2, v3;
	v4 =	vld.idx.msk [tilespmem:v4+s24+$0x0], $0xffff;
	v9 =	vadd.f32 v13, v12;
	v12 =	vmul.f32 v16, v16  }
0x1d5: {  	v13 =	vld.idx.msk [tilespmem:v11+s30+$0x0], $0xffff;
	v5 =	vadd.f32 v7, v5;
	v7 =	vmul.f32 v8, v8  }
0x1d6: {  	v8 =	vld.idx.msk [tilespmem:v11+s24+$0x0], $0xffff;
	v11 =	vmul.f32 v15, v15;
	v9 =	vadd.f32 v12, v9  }
0x1d7: {  	v12 =	vld.idx.msk [tilespmem:v6+s30+$0x0], $0xffff;
	v5 =	vadd.f32 v7, v5;
	v7 =	vmul.f32 v10, v10  }
0x1d8: {  	v6 =	vld.idx.msk [tilespmem:v6+s24+$0x0], $0xffff;
	v10 =	vmul.f32 v14, v14;
	v9 =	vadd.f32 v11, v9  }
0x1d9: {  	v4 =	vmul.f32 v4, v4;
	v11 =	vld.idx.msk [tilespmem:v3+s30+$0x0], $0xffff;
	v5 =	vadd.f32 v7, v5  }
0x1da: {  	v3 =	vld.idx.msk [tilespmem:v3+s24+$0x0], $0xffff;
	v7 =	vadd.f32 v10, v9;
	v9 =	vmul.f32 v13, v13  }
0x1db: {  	v4 =	vadd.f32 v4, v5;
	v5 =	vmul.f32 v8, v8  }
0x1dc: {  	v8 =	vmul.f32 v12, v12;
	v7 =	vadd.f32 v9, v7  }
0x1dd: {  	v6 =	vmul.f32 v6, v6;
	v4 =	vadd.f32 v5, v4  }
0x1de: {  	v5 =	vmul.f32 v11, v11;
	v7 =	vadd.f32 v8, v7  }
0x1df: {  	v3 =	vmul.f32 v3, v3;
	v4 =	vadd.f32 v6, v4  }
0x1e0: {  	v5 =	vadd.f32 v5, v7  }
0x1e1: {  	v3 =	vadd.f32 v3, v4  }
0x1e2: {  	v4 =	vshra.s32 v5, $0x1  }
0x1e3: {  	v6 =	vmul.f32 $5.000000000e-01, v5;
	v5 =	vshra.s32 v3, $0x1;
	v3 =	vmul.f32 $5.000000000e-01, v3  }
0x1e4: {  	v8 =	vsub.s32 $0x5F3759DF, v5  }
0x1e5: {  	v4 =	vsub.s32 $0x5F3759DF, v4;
	v5 =	vmul.f32 v8, v3  }
0x1e6: {  	v7 =	vmul.f32 v4, v6  }
0x1e7: {  	v9 =	vmul.f32 v8, v5;
	v5 =	vlaneseq.u32  }
0x1e8: {  	v7 =	vmul.f32 v4, v7;
	v10 =	vor.u32 v2, v5  }
0x1e9: {  	v15 =	vadd.s32 $0x3, v5  }
0x1ea: {  	v7 =	vsub.f32 $1.500000000e+00, v7;
	v15 =	vand.u32 $0x3F, v15  }
0x1eb: {  	v11 =	vadd.s32 $0x1, v5;
	v19 =	vadd.s32 $0x5, v5;
	v15 =	vor.u32 v2, v15  }
0x1ec: {  	v22 =	vadd.s32 $0x6, v5;
	v9 =	vsub.f32 $1.500000000e+00, v9;
	v4 =	vmul.f32 v4, v7  }
0x1ed: {  	v19 =	vand.u32 $0x3F, v19;
	v22 =	vand.u32 $0x3F, v22;
	v7 =	vand.u32 $0x3F, v11;
	v13 =	vld.idx.msk [tilespmem:v10+s30+$0x0], $0xffff  }
0x1ee: {  	v19 =	vor.u32 v2, v19;
	v8 =	vmul.f32 v8, v9;
	v11 =	vmul.f32 v4, v6;
	v14 =	vld.idx.msk [tilespmem:v10+s1+$0x0], $0xffff  }
0x1ef: {  	v25 =	vadd.s32 $0x7, v5;
	v28 =	vadd.s32 $0x8, v5;
	v22 =	vor.u32 v2, v22;
	v10 =	vld.idx.msk [tilespmem:v10+s24+$0x0], $0xffff  }
0x1f0: {  	v25 =	vand.u32 $0x3F, v25;
	v12 =	vmul.f32 v8, v3;
	v11 =	vmul.f32 v11, v4;
	v20 =	vld.idx.msk [tilespmem:v15+s24+$0x0], $0xffff  }
0x1f1: {  	v27 =	vand.u32 $0x7, v5;
	v28 =	vand.u32 $0x38, v28;
	v25 =	vor.u32 v2, v25;
	v21 =	vld.idx.msk [tilespmem:v15+s30+$0x0], $0xffff  }
0x1f2: {  	v7 =	vor.u32 v2, v7;
	v12 =	vmul.f32 v12, v8;
	v15 =	vld.idx.msk [tilespmem:v15+s1+$0x0], $0xffff;
	v11 =	vsub.f32 $1.500000000e+00, v11  }
0x1f3: {  	v27 =	vor.u32 v28, v27;
	v9 =	vadd.s32 $0x2, v5;
	v29 =	vld.idx.msk [tilespmem:v19+s30+$0x0], $0xffff  }
0x1f4: {  	v9 =	vand.u32 $0x3F, v9;
	v28 =	vld.idx.msk [tilespmem:v22+s1+$0x0], $0xffff;
	v12 =	vsub.f32 $1.500000000e+00, v12;
	v4 =	vmul.f32 v11, v4  }
0x1f5: {  	v9 =	vor.u32 v2, v9;
	v30 =	vld.idx.msk [tilespmem:v22+s30+$0x0], $0xffff  }
0x1f6: {  	v18 =	vadd.s32 $0x4, v5;
	v32 =	vld.idx.msk [tilespmem:v25+s30+$0x0], $0xffff;
	v8 =	vmul.f32 v12, v8;
	v6 =	vmul.f32 v4, v6  }
0x1f7: {  	v18 =	vand.u32 $0x3F, v18;
	v16 =	vld.idx.msk [tilespmem:v7+s24+$0x0], $0xffff  }
0x1f8: {  	v17 =	vld.idx.msk [tilespmem:v7+s1+$0x0], $0xffff;
	v12 =	vor.u32 v2, v18;
	v3 =	vmul.f32 v8, v3;
	v6 =	vmul.f32 v6, v4  }
0x1f9: {  	v7 =	vld.idx.msk [tilespmem:v7+s30+$0x0], $0xffff  }
0x1fa: {  	v26 =	vadd.s32 $0xF, v5;
	v11 =	vld.idx.msk [tilespmem:v9+s24+$0x0], $0xffff;
	v3 =	vmul.f32 v3, v8;
	v6 =	vsub.f32 $1.500000000e+00, v6  }
0x1fb: {  	v26 =	vand.u32 $0x3F, v26;
	v18 =	vld.idx.msk [tilespmem:v9+s30+$0x0], $0xffff  }
0x1fc: {  	v26 =	vor.u32 v2, v26;
	v9 =	vld.idx.msk [tilespmem:v9+s1+$0x0], $0xffff;
	v24 =	vsub.f32 $1.500000000e+00, v3;
	v3 =	vmul.f32 v6, v4  }
0x1fd: {  	v31 =	vadd.s32 $0xA, v5;
	v23 =	vld.idx.msk [tilespmem:v12+s24+$0x0], $0xffff  }
0x1fe: {  	v31 =	vand.u32 $0x3F, v31;
	v6 =	vld.idx.msk [tilespmem:v12+s1+$0x0], $0xffff;
	v4 =	vmul.f32 v24, v8;
	v13 =	vmul.f32 v13, v3  }
0x1ff: {  	v31 =	vor.u32 v2, v31;
	v12 =	vld.idx.msk [tilespmem:v12+s30+$0x0], $0xffff;
	v21 =	vmul.f32 v21, v3;
	v7 =	vmul.f32 v7, v3  }
0x200: {  	v27 =	vor.u32 v2, v27;
	v24 =	vld.idx.msk [tilespmem:v19+s24+$0x0], $0xffff;
	v18 =	vmul.f32 v18, v3;
	v16 =	vmul.f32 v16, v4  }
0x201: {  	v33 =	vld.idx.msk [tilespmem:v26+s24+$0x0], $0xffff;
	v10 =	vmul.f32 v10, v4;
	v20 =	vmul.f32 v20, v4;
	v13 =	vadd.f32 v14, v13  }
0x202: {  	v14 =	vadd.s32 $0x9, v5;
	v15 =	vadd.f32 v15, v21;
	v21 =	vld.idx.msk [tilespmem:v25+s1+$0x0], $0xffff;
	v7 =	vadd.f32 v17, v7  }
0x203: {  	v25 =	vld.idx.msk [tilespmem:v25+s24+$0x0], $0xffff;
	v9 =	vadd.f32 v9, v18;
	v14 =	vand.u32 $0x3F, v14;
	v13 =	vsub.f32 v13, v10  }
0x204: {  	v19 =	vld.idx.msk [tilespmem:v19+s1+$0x0], $0xffff;
	v10 =	vmul.f32 v12, v3;
	v12 =	vmul.f32 v11, v4;
	v11 =	vsub.f32 v15, v20  }
0x205: {  	v18 =	vld.idx.msk [tilespmem:v27+s24+$0x0], $0xffff;
	v15 =	vmul.f32 v23, v4;
	v23 =	vmul.f32 v24, v4;
	v7 =	vsub.f32 v7, v16  }
0x206: {  	v20 =	vld.idx.msk [tilespmem:v22+s24+$0x0], $0xffff;
	v16 =	vmul.f32 v30, v3;
	v6 =	vadd.f32 v6, v10;
	v10 =	vand.u32 $0x7FFFFFFF, v11  }
0x207: {  	v11 =	vld.idx.msk [tilespmem:v27+s1+$0x0], $0xffff;
	v17 =	vsub.f32 v9, v12;
	v22 =	vand.u32 $0x7FFFFFFF, v13;
	v13 =	vmul.f32 v32, v3  }
0x208: {  	v9 =	vld.idx.msk [tilespmem:v26+s1+$0x0], $0xffff;
	v24 =	vmul.f32 v25, v4;
	v12 =	vsub.f32 v6, v15;
	v15 =	vadd.s32 $0xB, v5  }
0x209: {  	v25 =	vld.idx.msk [tilespmem:v26+s30+$0x0], $0xffff;
	v13 =	vadd.f32 v21, v13;
	v21 =	vadd.f32 v28, v16;
	v28 =	vor.u32 v2, v14  }
0x20a: {  	v8 =	vimm.f32 $0.0e+00;
	v26 =	vld.idx.msk [tilespmem:v27+s30+$0x0], $0xffff;
	v15 =	vand.u32 $0x3F, v15  }
0x20b: {  	v27 =	vadd.s32 $0xD, v5;
	v8 =	vadd.f32 v22, v8;
	v6 =	vld.idx.msk [tilespmem:v31+s1+$0x0], $0xffff;
	v63 =	vor.u32 v2, v15  }
0x20c: {  	v18 =	vmul.f32 v18, v4;
	v16 =	vld.idx.msk [tilespmem:v31+s24+$0x0], $0xffff;
	v13 =	vsub.f32 v13, v24;
	v24 =	vmul.f32 v29, v3  }
0x20d: {  	v17 =	vand.u32 $0x7FFFFFFF, v17;
	v14 =	vadd.s32 $0xC, v5;
	v27 =	vand.u32 $0x3F, v27;
	v15 =	vld.idx.msk [tilespmem:v31+s30+$0x0], $0xffff  }
0x20e: {  	v30 =	vmul.f32 v20, v4;
	v14 =	vand.u32 $0x3F, v14;
	v31 =	vadd.f32 v19, v24;
	v19 =	vld.idx.msk [tilespmem:v28+s24+$0x0], $0xffff  }
0x20f: {  	v12 =	vand.u32 $0x7FFFFFFF, v12;
	v20 =	vor.u32 v2, v14;
	v29 =	vadd.s32 $0xE, v5;
	v22 =	vld.idx.msk [tilespmem:v28+s1+$0x0], $0xffff  }
0x210: {  	v5 =	vadd.s32 $0x10, v5;
	v34 =	vsub.f32 v21, v30;
	v21 =	vor.u32 v2, v27;
	v24 =	vld.idx.msk [tilespmem:v63+s24+$0x0], $0xffff  }
0x211: {  	v27 =	vand.u32 $0x3F, v29;
	v29 =	vand.u32 $0x7FFFFFFF, v7;
	v14 =	vand.u32 $0x7FFFFFFF, v13;
	v28 =	vld.idx.msk [tilespmem:v28+s30+$0x0], $0xffff  }
0x212: {  	v7 =	vor.u32 v2, v27;
	v30 =	vadd.f32 v29, v8;
	v29 =	vsub.f32 v31, v23;
	v13 =	vld.idx.msk [tilespmem:v63+s1+$0x0], $0xffff  }
0x213: {  	s23 =	simm.s32 $0x3;
	v8 =	vmul.f32 v33, v4;
	v27 =	vand.u32 $0x7FFFFFFF, v34;
	v23 =	vmul.f32 v25, v3;
	v25 =	vld.idx.msk [tilespmem:v63+s30+$0x0], $0xffff  }
.LBB2_11:
0x214: {  	p0 =	sne.s32 s23, $0x1;
	s23 =	sadd.s32 $0xFFFFFFFF, s23;
	v17 =	vadd.f32 v17, v30;
	v29 =	vand.u32 $0x7FFFFFFF, v29;
	v26 =	vmul.f32 v26, v3;
	v30 =	vld.idx.msk [tilespmem:v20+s1+$0x0], $0xffff  }
0x215: {  	v24 =	vmul.f32 v24, v4;
	v23 =	vadd.f32 v9, v23;
	v5 =	vand.u32 $0x3F, v5;
	v31 =	vld.idx.msk [tilespmem:v20+s24+$0x0], $0xffff  }
0x216: {  	v32 =	vor.u32 v2, v5;
	v33 =	vadd.s32 $0x1, v5;
	v10 =	vadd.f32 v10, v17;
	v9 =	vld.idx.msk [tilespmem:v21+s1+$0x0], $0xffff  }
0x217: {  	v17 =	vand.u32 $0x3F, v33;
	v33 =	vadd.s32 $0x2, v5;
	v11 =	vadd.f32 v11, v26;
	v26 =	vld.idx.msk [tilespmem:v21+s24+$0x0], $0xffff  }
0x218: {  	v34 =	vadd.s32 $0xF, v5;
	v33 =	vand.u32 $0x3F, v33;
	v10 =	vadd.f32 v12, v10;
	v12 =	vld.idx.msk [tilespmem:v20+s30+$0x0], $0xffff  }
0x219: {  	v8 =	vsub.f32 v23, v8;
	v17 =	vor.u32 v2, v17;
	v20 =	vor.u32 v2, v33;
	v33 =	vld.idx.msk [tilespmem:v7+s24+$0x0], $0xffff  }
0x21a: {  	v15 =	vmul.f32 v15, v3;
	v16 =	vmul.f32 v16, v4;
	v10 =	vadd.f32 v29, v10;
	v21 =	vld.idx.msk [tilespmem:v21+s30+$0x0], $0xffff  }
0x21b: {  	v28 =	vmul.f32 v28, v3;
	v29 =	vand.u32 $0x3F, v34;
	v31 =	vmul.f32 v31, v4;
	v23 =	vld.idx.msk [tilespmem:v32+s30+$0x0], $0xffff  }
0x21c: {  	v35 =	vand.u32 $0x7, v5;
	v25 =	vmul.f32 v25, v3;
	v34 =	vld.idx.msk [tilespmem:v32+s1+$0x0], $0xffff;
	v10 =	vadd.f32 v27, v10  }
0x21d: {  	v19 =	vmul.f32 v19, v4;
	v22 =	vadd.f32 v22, v28;
	v27 =	vld.idx.msk [tilespmem:v32+s24+$0x0], $0xffff;
	v32 =	vadd.s32 $0x3, v5  }
0x21e: {  	v13 =	vadd.f32 v13, v25;
	v28 =	vld.idx.msk [tilespmem:v17+s24+$0x0], $0xffff;
	v32 =	vand.u32 $0x3F, v32;
	v10 =	vadd.f32 v14, v10  }
0x21f: {  	v26 =	vmul.f32 v26, v4;
	v14 =	vld.idx.msk [tilespmem:v17+s1+$0x0], $0xffff;
	v25 =	vor.u32 v2, v32;
	v32 =	vadd.s32 $0x4, v5  }
0x220: {  	v11 =	vsub.f32 v11, v18;
	v18 =	vmul.f32 v33, v4;
	v36 =	vld.idx.msk [tilespmem:v20+s24+$0x0], $0xffff;
	v32 =	vand.u32 $0x3F, v32  }
0x221: {  	v13 =	vsub.f32 v13, v24;
	v23 =	vmul.f32 v23, v3;
	v17 =	vld.idx.msk [tilespmem:v17+s30+$0x0], $0xffff;
	v32 =	vor.u32 v2, v32  }
0x222: {  	v37 =	vadd.s32 $0x8, v5;
	v11 =	vand.u32 $0x7FFFFFFF, v11;
	v33 =	vadd.s32 $0x5, v5;
	v24 =	vld.idx.msk [tilespmem:v20+s30+$0x0], $0xffff  }
0x223: {  	v6 =	vadd.f32 v6, v15;
	v33 =	vand.u32 $0x3F, v33;
	v23 =	vadd.f32 v34, v23;
	v20 =	vld.idx.msk [tilespmem:v20+s1+$0x0], $0xffff  }
0x224: {  	v13 =	vand.u32 $0x7FFFFFFF, v13;
	v33 =	vor.u32 v2, v33;
	v34 =	vadd.s32 $0x6, v5;
	v15 =	vld.idx.msk [tilespmem:v25+s24+$0x0], $0xffff  }
0x225: {  	v39 =	vadd.s32 $0x9, v5;
	v6 =	vsub.f32 v6, v16;
	v19 =	vsub.f32 v22, v19;
	v38 =	vld.idx.msk [tilespmem:v25+s30+$0x0], $0xffff  }
0x226: {  	v10 =	vadd.f32 v11, v10;
	v11 =	vmul.f32 v12, v3;
	v16 =	vmul.f32 v28, v4;
	v22 =	vld.idx.msk [tilespmem:v32+s24+$0x0], $0xffff  }
0x227: {  	v19 =	vand.u32 $0x7FFFFFFF, v19;
	v12 =	vmul.f32 v17, v3;
	v17 =	vmul.f32 v36, v4;
	v25 =	vld.idx.msk [tilespmem:v25+s1+$0x0], $0xffff  }
0x228: {  	v27 =	vmul.f32 v27, v4;
	v11 =	vadd.f32 v30, v11;
	v24 =	vmul.f32 v24, v3;
	v28 =	vld.idx.msk [tilespmem:v32+s1+$0x0], $0xffff  }
0x229: {  	v19 =	vadd.f32 v19, v10;
	v34 =	vand.u32 $0x3F, v34;
	v36 =	vadd.s32 $0x7, v5;
	v30 =	vld.idx.msk [tilespmem:v33+s24+$0x0], $0xffff  }
0x22a: {  	v11 =	vsub.f32 v11, v31;
	v10 =	vld.idx.msk [tilespmem:v32+s30+$0x0], $0xffff;
	v32 =	vor.u32 v2, v34;
	v34 =	vand.u32 $0x3F, v36  }
0x22b: {  	v23 =	vsub.f32 v23, v27;
	v12 =	vadd.f32 v14, v12;
	v14 =	vmul.f32 v38, v3;
	v27 =	vld.idx.msk [tilespmem:v33+s30+$0x0], $0xffff  }
0x22c: {  	v36 =	vand.u32 $0x7FFFFFFF, v11;
	v31 =	vld.idx.msk [tilespmem:v33+s1+$0x0], $0xffff;
	v33 =	vor.u32 v2, v34;
	v34 =	vand.u32 $0x38, v37  }
0x22d: {  	v11 =	vadd.f32 v25, v14;
	v14 =	vmul.f32 v15, v4;
	v15 =	vmul.f32 v21, v3;
	v21 =	vld.idx.msk [tilespmem:v7+s30+$0x0], $0xffff  }
0x22e: {  	v6 =	vand.u32 $0x7FFFFFFF, v6;
	v25 =	vor.u32 v34, v35;
	v34 =	vand.u32 $0x3F, v39;
	v7 =	vld.idx.msk [tilespmem:v7+s1+$0x0], $0xffff  }
0x22f: {  	v20 =	vadd.f32 v20, v24;
	v11 =	vsub.f32 v11, v14;
	v24 =	vor.u32 v2, v25;
	v14 =	vld.idx.msk [tilespmem:v32+s1+$0x0], $0xffff  }
0x230: {  	v22 =	vmul.f32 v22, v4;
	v9 =	vadd.f32 v9, v15;
	v25 =	vmul.f32 v10, v3;
	v35 =	vld.idx.msk [tilespmem:v32+s30+$0x0], $0xffff  }
0x231: {  	v6 =	vadd.f32 v6, v19;
	v37 =	vmul.f32 v30, v4;
	v10 =	vand.u32 $0x7FFFFFFF, v11;
	v15 =	vld.idx.msk [tilespmem:v33+s1+$0x0], $0xffff  }
0x232: {  	v9 =	vsub.f32 v9, v26;
	v11 =	vadd.f32 v28, v25;
	v25 =	vadd.s32 $0xA, v5;
	v19 =	vld.idx.msk [tilespmem:v33+s30+$0x0], $0xffff  }
0x233: {  	v28 =	vor.u32 v2, v29;
	v25 =	vand.u32 $0x3F, v25;
	v21 =	vmul.f32 v21, v3;
	v26 =	vld.idx.msk [tilespmem:v33+s24+$0x0], $0xffff  }
0x234: {  	v17 =	vsub.f32 v20, v17;
	v11 =	vsub.f32 v11, v22;
	v22 =	vor.u32 v2, v25;
	v20 =	vld.idx.msk [tilespmem:v32+s24+$0x0], $0xffff  }
0x235: {  	v23 =	vand.u32 $0x7FFFFFFF, v23;
	v25 =	vsub.f32 v12, v16;
	v16 =	vand.u32 $0x7FFFFFFF, v9;
	v29 =	vld.idx.msk [tilespmem:v24+s24+$0x0], $0xffff  }
0x236: {  	v7 =	vadd.f32 v7, v21;
	v12 =	vand.u32 $0x7FFFFFFF, v11;
	v9 =	vmul.f32 v35, v3  }
0x237: {  	v13 =	vadd.f32 v13, v6;
	v17 =	vand.u32 $0x7FFFFFFF, v17;
	v21 =	vadd.s32 $0xB, v5;
	v11 =	vld.idx.msk [tilespmem:v24+s1+$0x0], $0xffff  }
0x238: {  	v7 =	vsub.f32 v7, v18;
	v30 =	vadd.f32 v14, v9;
	v14 =	vmul.f32 v19, v3;
	v9 =	vld.idx.msk [tilespmem:v28+s1+$0x0], $0xffff  }
0x239: {  	v13 =	vadd.f32 v36, v13;
	v19 =	vand.u32 $0x3F, v21;
	v18 =	vmul.f32 v26, v4;
	v6 =	vld.idx.msk [tilespmem:v22+s1+$0x0], $0xffff  }
0x23a: {  	v32 =	vor.u32 v2, v34;
	v33 =	vor.u32 v2, v19;
	v14 =	vadd.f32 v15, v14;
	v34 =	vld.idx.msk [tilespmem:v28+s24+$0x0], $0xffff  }
0x23b: {  	v13 =	vadd.f32 v16, v13;
	v19 =	vmul.f32 v20, v4;
	v20 =	vadd.s32 $0xC, v5;
	v35 =	vld.idx.msk [tilespmem:v28+s30+$0x0], $0xffff  }
0x23c: {  	v7 =	vand.u32 $0x7FFFFFFF, v7;
	v14 =	vsub.f32 v14, v18;
	v18 =	vand.u32 $0x3F, v20;
	v15 =	vld.idx.msk [tilespmem:v22+s30+$0x0], $0xffff  }
0x23d: {  	v21 =	vmul.f32 v27, v3;
	v7 =	vadd.f32 v7, v13;
	v20 =	vor.u32 v2, v18;
	v16 =	vld.idx.msk [tilespmem:v22+s24+$0x0], $0xffff  }
0x23e: {  	v8 =	vand.u32 $0x7FFFFFFF, v8;
	v18 =	vadd.s32 $0xD, v5;
	v14 =	vand.u32 $0x7FFFFFFF, v14;
	v26 =	vld.idx.msk [tilespmem:v24+s30+$0x0], $0xffff  }
0x23f: {  	v7 =	vadd.f32 v8, v7;
	v18 =	vand.u32 $0x3F, v18;
	v22 =	vadd.s32 $0xE, v5;
	v13 =	vld.idx.msk [tilespmem:v33+s1+$0x0], $0xffff  }
.Ltmp4:
0x240: {  	v8 =	vadd.f32 v31, v21;
	v27 =	vsub.f32 v30, v19;
	v21 =	vor.u32 v2, v18;
	v24 =	vld.idx.msk [tilespmem:v33+s24+$0x0], $0xffff;
	(pc) =	sbr.rel @p0 .LBB2_11-.Ltmp4, $4  }
0x241: {  	v23 =	vadd.f32 v23, v7;
	v7 =	vand.u32 $0x3F, v22;
	v19 =	vld.idx.msk [tilespmem:v32+s24+$0x0], $0xffff  }
0x242: {  	v25 =	vand.u32 $0x7FFFFFFF, v25;
	v18 =	vmul.f32 v29, v4;
	v7 =	vor.u32 v2, v7;
	v22 =	vld.idx.msk [tilespmem:v32+s1+$0x0], $0xffff  }
0x243: {  	v29 =	vsub.f32 v8, v37;
	v30 =	vadd.f32 v25, v23;
	v23 =	vmul.f32 v35, v3;
	v28 =	vld.idx.msk [tilespmem:v32+s30+$0x0], $0xffff  }
0x244: {  	v27 =	vand.u32 $0x7FFFFFFF, v27;
	v5 =	vadd.s32 $0x10, v5;
	v8 =	vmul.f32 v34, v4;
	v25 =	vld.idx.msk [tilespmem:v33+s30+$0x0], $0xffff  }
0x245: {  	v2 =	vadd.f32 v17, v30;
	_ =	sdelay $0x1  }
0x246: {  	v2 =	vadd.f32 v10, v2;
	_ =	sdelay $0x1  }
0x247: {  	v2 =	vadd.f32 v12, v2  }
0x248: {  	v5 =	vand.u32 $0x7FFFFFFF, v29;
	v43 =	vmul.f32 v26, v3  }
0x249: {  	v44 =	vld.idx.msk [tilespmem:v20+s1+$0x0], $0xffff;
	v2 =	vadd.f32 v5, v2  }
0x24a: {  	v45 =	vld.idx.msk [tilespmem:v20+s24+$0x0], $0xffff;
	v10 =	vadd.f32 v11, v43;
	v46 =	vmul.f32 v28, v3  }
0x24b: {  	v47 =	vld.idx.msk [tilespmem:v20+s30+$0x0], $0xffff;
	v15 =	vmul.f32 v15, v3;
	v2 =	vadd.f32 v27, v2  }
0x24c: {  	v49 =	vld.idx.msk [tilespmem:v21+s30+$0x0], $0xffff;
	v19 =	vmul.f32 v19, v4;
	v10 =	vsub.f32 v10, v18;
	v11 =	vadd.f32 v22, v46  }
0x24d: {  	v48 =	vld.idx.msk [tilespmem:v21+s1+$0x0], $0xffff;
	v16 =	vmul.f32 v16, v4;
	v6 =	vadd.f32 v6, v15;
	v2 =	vadd.f32 v14, v2  }
0x24e: {  	v53 =	vld.idx.msk [tilespmem:v7+s30+$0x0], $0xffff;
	v50 =	vmul.f32 v25, v3;
	v10 =	vand.u32 $0x7FFFFFFF, v10;
	v11 =	vsub.f32 v11, v19  }
0x24f: {  	v51 =	vld.idx.msk [tilespmem:v21+s24+$0x0], $0xffff;
	v52 =	vmul.f32 v24, v4;
	v6 =	vsub.f32 v6, v16;
	v2 =	vadd.f32 v10, v2  }
0x250: {  	v54 =	vld.idx.msk [tilespmem:v7+s24+$0x0], $0xffff;
	v55 =	vmul.f32 v47, v3;
	v13 =	vadd.f32 v13, v50;
	v11 =	vand.u32 $0x7FFFFFFF, v11  }
0x251: {  	v56 =	vld.idx.msk [tilespmem:v7+s1+$0x0], $0xffff;
	v58 =	vmul.f32 v49, v3;
	v5 =	vmul.f32 v45, v4;
	v2 =	vadd.f32 v11, v2  }
0x252: {  	v6 =	vand.u32 $0x7FFFFFFF, v6;
	v57 =	vadd.f32 v44, v55;
	v13 =	vsub.f32 v13, v52  }
0x253: {  	v3 =	vmul.f32 v53, v3;
	v59 =	vadd.f32 v48, v58;
	v2 =	vadd.f32 v6, v2  }
0x254: {  	v5 =	vsub.f32 v57, v5;
	v14 =	vmul.f32 v51, v4;
	v13 =	vand.u32 $0x7FFFFFFF, v13  }
0x255: {  	v60 =	vmul.f32 v54, v4;
	v2 =	vadd.f32 v13, v2  }
0x256: {  	v3 =	vadd.f32 v56, v3;
	v5 =	vand.u32 $0x7FFFFFFF, v5;
	v6 =	vsub.f32 v59, v14  }
0x257: {  	v2 =	vadd.f32 v5, v2  }
0x258: {  	v61 =	vadd.f32 v9, v23;
	v3 =	vsub.f32 v3, v60;
	v6 =	vand.u32 $0x7FFFFFFF, v6  }
0x259: {  	s18 =	sadd.s32 $0x1, s18;
	v2 =	vadd.f32 v6, v2  }
0x25a: {  	v63 =	vadd.s32 $0x100, v1;
	p0 =	sne.s32 s18, $0x10;
	v62 =	vsub.f32 v61, v8;
	v3 =	vand.u32 $0x7FFFFFFF, v3  }
.Ltmp5:
0x25b: {  	v2 =	vadd.f32 v3, v2;
	(pc) =	sbr.rel @p0 .LBB2_8-.Ltmp5, $3  }
0x25c: {  	v3 =	vand.u32 $0x7FFFFFFF, v62  }
0x25d: {  	v2 =	vadd.f32 v3, v2;
	_ =	sdelay $0x1  }
0x25e: {  	v1 =	vadd.s32 $0x10, v1;
	[tilespmem:v63+s14+$0x0] =	vst.idx.msk $0xffff, v2  }
0x25f: {  	s18 =	simm.s32 $0x700  }
0x260: {  	[tilespmem:s30], [sflag:$0x2] =	stream.indirect.gather [hbm4b:s3+s19], $0x40, s18, s19, $0xb8;
	[tilespmem:$0x19010] =	vst v63  }
0x261: {  	s25 =	simm.s32 $0x900  }
0x262: {  	[tilespmem:s1], [sflag:$0x2] =	stream.indirect.gather [hbm4b:s4+s19], $0x40, s25, s19, $0xb8;
	[tilespmem:$0x19010] =	vst v63  }
0x263: {  	s28 =	simm.s32 $0xB00  }
0x264: {  	[tilespmem:s24], [sflag:$0x2] =	stream.indirect.gather [hbm4b:s3+s19], $0x40, s28, s19, $0xb8;
	[tilespmem:$0x19010] =	vst v63  }
0x265: {  	s23 =	simm.s32 $0x780  }
0x266: {  	[tilespmem:s29], [sflag:$0x2] =	stream.indirect.gather [hbm4b:s3+s19], $0x40, s23, s19, $0xb8;
	[tilespmem:$0x19010] =	vst v63  }
0x267: {  	s25 =	simm.s32 $0x980  }
0x268: {  	[tilespmem:s0], [sflag:$0x2] =	stream.indirect.gather [hbm4b:s4+s19], $0x40, s25, s19, $0xb8;
	[tilespmem:$0x19010] =	vst v63  }
0x269: {  	s28 =	simm.s32 $0xB80  }
0x26a: {  	[tilespmem:s31], [sflag:$0x2] =	stream.indirect.gather [hbm4b:s3+s19], $0x40, s28, s19, $0xb8;
	[tilespmem:$0x19010] =	vst v63  }
0x26b: {  	_ =	swait.ge [sflag:s26], $0x2000  }
0x26c: {  	[sflag:s26] =	ssyncset.done $0x0  }
0x26d: {  	[sflag:s26] =	ssyncadd.s32 $0xFFFFE000  }
0x26e: {  	_ =	swait.ge [sflag:s26], $0x2000  }
0x26f: {  	[sflag:s26] =	ssyncset.done $0x0  }
0x270: {  	[sflag:s26] =	ssyncadd.s32 $0xFFFFE000  }
0x271: {  	_ =	swait.ge [sflag:s26], $0x2000  }
0x272: {  	[sflag:s26] =	ssyncset.done $0x0  }
0x273: {  	[sflag:s26] =	ssyncadd.s32 $0xFFFFE000  }
0x274: {  	_ =	swait.ge [sflag:s26], $0x2000  }
0x275: {  	[sflag:s26] =	ssyncset.done $0x0  }
0x276: {  	[sflag:s26] =	ssyncadd.s32 $0xFFFFE000  }
0x277: {  	_ =	swait.ge [sflag:s26], $0x2000  }
0x278: {  	[sflag:s26] =	ssyncset.done $0x0  }
0x279: {  	[sflag:s26] =	ssyncadd.s32 $0xFFFFE000  }
0x27a: {  	_ =	swait.ge [sflag:s26], $0x2000  }
0x27b: {  	[sflag:s26] =	ssyncset.done $0x0  }
0x27c: {  	v0 =	vlaneseq.u32;
	v1 =	vlaneseq.u32;
	s18 =	simm.s32 $0x0;
	[sflag:s26] =	ssyncadd.s32 $0xFFFFE000  }
.LBB2_14:
0x27d: {  	v2 =	vshll.u32 v1, $0x6  }
0x27e: {  	v4 =	vadd.s32 $0x1, v0;
	v3 =	vor.u32 v2, v0  }
0x27f: {  	v4 =	vand.u32 $0x3F, v4  }
0x280: {  	v5 =	vimm.f32 $0.0e+00;
	v6 =	vadd.s32 $0x2, v0;
	v4 =	vor.u32 v2, v4  }
0x281: {  	v7 =	vadd.s32 $0xC, v0;
	v8 =	vadd.s32 $0x9, v0;
	v6 =	vand.u32 $0x3F, v6  }
0x282: {  	v9 =	vadd.s32 $0xF, v0;
	v10 =	vadd.s32 $0x3, v0;
	v6 =	vor.u32 v2, v6  }
0x283: {  	v11 =	vadd.s32 $0xA, v0;
	v12 =	vadd.s32 $0x7, v0;
	v10 =	vand.u32 $0x3F, v10;
	v13 =	vld.idx.msk [tilespmem:v3+s20+$0x0], $0xffff  }
0x284: {  	v14 =	vadd.s32 $0xE, v0;
	v15 =	vadd.s32 $0x4, v0;
	v10 =	vor.u32 v2, v10;
	v3 =	vld.idx.msk [tilespmem:v3+s22+$0x0], $0xffff  }
0x285: {  	v16 =	vadd.s32 $0xD, v0;
	v18 =	vadd.s32 $0x5, v0;
	v15 =	vand.u32 $0x3F, v15;
	v17 =	vld.idx.msk [tilespmem:v4+s20+$0x0], $0xffff  }
0x286: {  	v19 =	vadd.s32 $0xB, v0;
	v21 =	vand.u32 $0x7, v0;
	v15 =	vor.u32 v2, v15;
	v4 =	vld.idx.msk [tilespmem:v4+s22+$0x0], $0xffff  }
0x287: {  	v22 =	vadd.s32 $0x6, v0;
	v23 =	vadd.s32 $0x8, v0;
	v18 =	vand.u32 $0x3F, v18;
	v20 =	vld.idx.msk [tilespmem:v6+s20+$0x0], $0xffff  }
0x288: {  	v22 =	vand.u32 $0x3F, v22;
	v18 =	vor.u32 v2, v18;
	v6 =	vld.idx.msk [tilespmem:v6+s22+$0x0], $0xffff;
	v13 =	vmul.f32 v13, v13  }
0x289: {  	v23 =	vand.u32 $0x38, v23;
	v12 =	vand.u32 $0x3F, v12;
	v24 =	vld.idx.msk [tilespmem:v10+s20+$0x0], $0xffff;
	v3 =	vmul.f32 v3, v3  }
0x28a: {  	v22 =	vor.u32 v2, v22;
	v10 =	vld.idx.msk [tilespmem:v10+s22+$0x0], $0xffff;
	v17 =	vmul.f32 v17, v17;
	v13 =	vadd.f32 v13, v5  }
0x28b: {  	v8 =	vand.u32 $0x3F, v8;
	v25 =	vld.idx.msk [tilespmem:v15+s20+$0x0], $0xffff;
	v4 =	vmul.f32 v4, v4;
	v3 =	vadd.f32 v3, v5  }
0x28c: {  	v5 =	vor.u32 v2, v12;
	v12 =	vld.idx.msk [tilespmem:v15+s22+$0x0], $0xffff;
	v15 =	vmul.f32 v20, v20;
	v13 =	vadd.f32 v17, v13  }
0x28d: {  	v20 =	vld.idx.msk [tilespmem:v18+s20+$0x0], $0xffff;
	v17 =	vor.u32 v23, v21;
	v3 =	vadd.f32 v4, v3;
	v4 =	vmul.f32 v6, v6  }
0x28e: {  	v6 =	vor.u32 v2, v17;
	v17 =	vld.idx.msk [tilespmem:v18+s22+$0x0], $0xffff;
	v13 =	vadd.f32 v15, v13;
	v15 =	vmul.f32 v24, v24  }
0x28f: {  	v11 =	vand.u32 $0x3F, v11;
	v18 =	vld.idx.msk [tilespmem:v22+s20+$0x0], $0xffff;
	v3 =	vadd.f32 v4, v3;
	v4 =	vmul.f32 v10, v10  }
0x290: {  	v8 =	vor.u32 v2, v8;
	v10 =	vld.idx.msk [tilespmem:v22+s22+$0x0], $0xffff;
	v13 =	vadd.f32 v15, v13;
	v15 =	vmul.f32 v25, v25  }
0x291: {  	v7 =	vand.u32 $0x3F, v7;
	v62 =	vld.idx.msk [tilespmem:v5+s20+$0x0], $0xffff;
	v3 =	vadd.f32 v4, v3;
	v4 =	vmul.f32 v12, v12  }
0x292: {  	v11 =	vor.u32 v2, v11;
	v5 =	vld.idx.msk [tilespmem:v5+s22+$0x0], $0xffff;
	v12 =	vadd.f32 v15, v13;
	v13 =	vmul.f32 v20, v20  }
0x293: {  	v15 =	vand.u32 $0x3F, v19;
	v19 =	vld.idx.msk [tilespmem:v6+s20+$0x0], $0xffff;
	v3 =	vadd.f32 v4, v3;
	v4 =	vmul.f32 v17, v17  }
0x294: {  	v6 =	vld.idx.msk [tilespmem:v6+s22+$0x0], $0xffff;
	v15 =	vor.u32 v2, v15;
	v12 =	vadd.f32 v13, v12;
	v13 =	vmul.f32 v18, v18  }
0x295: {  	v7 =	vor.u32 v2, v7;
	v17 =	vld.idx.msk [tilespmem:v8+s20+$0x0], $0xffff;
	v3 =	vadd.f32 v4, v3;
	v4 =	vmul.f32 v10, v10  }
0x296: {  	v9 =	vand.u32 $0x3F, v9;
	v8 =	vld.idx.msk [tilespmem:v8+s22+$0x0], $0xffff;
	v10 =	vadd.f32 v13, v12;
	v12 =	vmul.f32 v62, v62  }
0x297: {  	v13 =	vand.u32 $0x3F, v16;
	v16 =	vld.idx.msk [tilespmem:v11+s20+$0x0], $0xffff;
	v3 =	vadd.f32 v4, v3;
	v4 =	vmul.f32 v5, v5  }
0x298: {  	v5 =	vld.idx.msk [tilespmem:v11+s22+$0x0], $0xffff;
	v18 =	vor.u32 v2, v13;
	v11 =	vmul.f32 v19, v19;
	v10 =	vadd.f32 v12, v10  }
0x299: {  	v19 =	vor.u32 v2, v9;
	v13 =	vld.idx.msk [tilespmem:v15+s20+$0x0], $0xffff;
	v3 =	vadd.f32 v4, v3;
	v4 =	vmul.f32 v6, v6  }
0x29a: {  	v9 =	vld.idx.msk [tilespmem:v7+s22+$0x0], $0xffff;
	v12 =	vand.u32 $0x3F, v14;
	v10 =	vadd.f32 v11, v10;
	v11 =	vmul.f32 v17, v17  }
0x29b: {  	v14 =	vld.idx.msk [tilespmem:v7+s20+$0x0], $0xffff;
	v6 =	vor.u32 v2, v12;
	v3 =	vadd.f32 v4, v3  }
0x29c: {  	v12 =	vld.idx.msk [tilespmem:v15+s22+$0x0], $0xffff;
	v4 =	vmul.f32 v8, v8;
	v8 =	vmul.f32 v16, v16;
	v7 =	vadd.f32 v11, v10  }
0x29d: {  	v15 =	vmul.f32 v5, v5;
	v10 =	vadd.s32 $0x10, v0;
	v11 =	vld.idx.msk [tilespmem:v18+s20+$0x0], $0xffff  }
0x29e: {  	v5 =	vand.u32 $0x3F, v10;
	v10 =	vmul.f32 v13, v13;
	v8 =	vadd.f32 v8, v7  }
0x29f: {  	v3 =	vadd.f32 v4, v3;
	v17 =	vmul.f32 v9, v9  }
0x2a0: {  	v16 =	vld.idx.msk [tilespmem:v19+s20+$0x0], $0xffff;
	v14 =	vmul.f32 v14, v14;
	v4 =	vadd.s32 $0xC, v5;
	v10 =	vadd.f32 v10, v8  }
0x2a1: {  	v13 =	vld.idx.msk [tilespmem:v6+s20+$0x0], $0xffff;
	v7 =	vadd.s32 $0x9, v5;
	v15 =	vadd.f32 v15, v3;
	v12 =	vmul.f32 v12, v12  }
0x2a2: {  	v6 =	vld.idx.msk [tilespmem:v6+s22+$0x0], $0xffff;
	v3 =	vadd.s32 $0xF, v5;
	v11 =	vmul.f32 v11, v11;
	v10 =	vadd.f32 v14, v10  }
0x2a3: {  	v9 =	vadd.s32 $0x7, v5;
	v8 =	vadd.s32 $0xA, v5;
	v12 =	vadd.f32 v12, v15  }
0x2a4: {  	v15 =	vor.u32 v2, v5;
	v14 =	vadd.s32 $0x1, v5;
	v20 =	vadd.f32 v11, v10;
	v11 =	vld.idx.msk [tilespmem:v18+s22+$0x0], $0xffff  }
0x2a5: {  	v12 =	vadd.f32 v17, v12;
	v17 =	vmul.f32 v16, v16;
	v14 =	vand.u32 $0x3F, v14  }
0x2a6: {  	v63 =	vmul.f32 v13, v13;
	v13 =	vor.u32 v2, v14;
	v14 =	vadd.s32 $0x2, v5  }
0x2a7: {  	v16 =	vld.idx.msk [tilespmem:v19+s22+$0x0], $0xffff;
	v19 =	vadd.s32 $0x3, v5;
	v10 =	vmul.f32 v6, v6;
	v14 =	vand.u32 $0x3F, v14  }
0x2a8: {  	s23 =	simm.s32 $0x2;
	v6 =	vadd.s32 $0xE, v5;
	v14 =	vor.u32 v2, v14;
	v18 =	vadd.f32 v63, v20  }
.LBB2_15:
0x2a9: {  	p0 =	sne.s32 s23, $0x1;
	s23 =	sadd.s32 $0xFFFFFFFF, s23;
	v20 =	vld.idx.msk [tilespmem:v15+s20+$0x0], $0xffff;
	v19 =	vand.u32 $0x3F, v19;
	v21 =	vadd.s32 $0xD, v5;
	v11 =	vmul.f32 v11, v11  }
0x2aa: {  	v22 =	vadd.s32 $0x4, v5;
	v15 =	vld.idx.msk [tilespmem:v15+s22+$0x0], $0xffff;
	v19 =	vor.u32 v2, v19;
	v17 =	vadd.f32 v17, v18  }
0x2ab: {  	v23 =	vadd.s32 $0xB, v5;
	v22 =	vand.u32 $0x3F, v22;
	v18 =	vld.idx.msk [tilespmem:v13+s20+$0x0], $0xffff;
	v11 =	vadd.f32 v11, v12  }
0x2ac: {  	v16 =	vmul.f32 v16, v16;
	v12 =	vld.idx.msk [tilespmem:v13+s22+$0x0], $0xffff;
	v13 =	vor.u32 v2, v22;
	v22 =	vadd.s32 $0x5, v5  }
0x2ad: {  	v25 =	vand.u32 $0x7, v5;
	v24 =	vld.idx.msk [tilespmem:v14+s20+$0x0], $0xffff;
	v22 =	vand.u32 $0x3F, v22;
	v10 =	vadd.f32 v10, v11  }
0x2ae: {  	v26 =	vadd.s32 $0x8, v5;
	v11 =	vld.idx.msk [tilespmem:v14+s22+$0x0], $0xffff;
	v14 =	vor.u32 v2, v22;
	v22 =	vadd.s32 $0x6, v5  }
0x2af: {  	v20 =	vmul.f32 v20, v20;
	v27 =	vld.idx.msk [tilespmem:v19+s20+$0x0], $0xffff;
	v22 =	vand.u32 $0x3F, v22;
	v10 =	vadd.f32 v16, v10  }
0x2b0: {  	v15 =	vmul.f32 v15, v15;
	v16 =	vld.idx.msk [tilespmem:v19+s22+$0x0], $0xffff;
	v19 =	vor.u32 v2, v22;
	v22 =	vand.u32 $0x38, v26  }
0x2b1: {  	v9 =	vand.u32 $0x3F, v9;
	v17 =	vadd.f32 v20, v17;
	v18 =	vmul.f32 v18, v18;
	v20 =	vld.idx.msk [tilespmem:v13+s20+$0x0], $0xffff  }
0x2b2: {  	v9 =	vor.u32 v2, v9;
	v10 =	vadd.f32 v15, v10;
	v12 =	vmul.f32 v12, v12;
	v13 =	vld.idx.msk [tilespmem:v13+s22+$0x0], $0xffff  }
0x2b3: {  	v22 =	vor.u32 v22, v25;
	v15 =	vadd.f32 v18, v17;
	v17 =	vmul.f32 v24, v24;
	v18 =	vld.idx.msk [tilespmem:v14+s20+$0x0], $0xffff  }
0x2b4: {  	v10 =	vadd.f32 v12, v10;
	v11 =	vmul.f32 v11, v11;
	v12 =	vld.idx.msk [tilespmem:v14+s22+$0x0], $0xffff;
	v14 =	vor.u32 v2, v22  }
0x2b5: {  	v7 =	vand.u32 $0x3F, v7;
	v15 =	vadd.f32 v17, v15;
	v17 =	vmul.f32 v27, v27;
	v22 =	vld.idx.msk [tilespmem:v19+s20+$0x0], $0xffff  }
0x2b6: {  	v7 =	vor.u32 v2, v7;
	v10 =	vadd.f32 v11, v10;
	v11 =	vmul.f32 v16, v16;
	v16 =	vld.idx.msk [tilespmem:v19+s22+$0x0], $0xffff  }
0x2b7: {  	v8 =	vand.u32 $0x3F, v8;
	v15 =	vadd.f32 v17, v15;
	v17 =	vmul.f32 v20, v20;
	v19 =	vld.idx.msk [tilespmem:v9+s20+$0x0], $0xffff  }
0x2b8: {  	v8 =	vor.u32 v2, v8;
	v10 =	vadd.f32 v11, v10;
	v11 =	vmul.f32 v13, v13;
	v9 =	vld.idx.msk [tilespmem:v9+s22+$0x0], $0xffff  }
0x2b9: {  	v13 =	vadd.f32 v17, v15;
	v15 =	vmul.f32 v18, v18;
	v18 =	vand.u32 $0x3F, v23;
	v17 =	vld.idx.msk [tilespmem:v14+s20+$0x0], $0xffff  }
0x2ba: {  	v10 =	vadd.f32 v11, v10;
	v11 =	vmul.f32 v12, v12;
	v12 =	vld.idx.msk [tilespmem:v14+s22+$0x0], $0xffff;
	v14 =	vor.u32 v2, v18  }
0x2bb: {  	v4 =	vand.u32 $0x3F, v4;
	v13 =	vadd.f32 v15, v13;
	v15 =	vmul.f32 v22, v22;
	v18 =	vld.idx.msk [tilespmem:v7+s20+$0x0], $0xffff  }
0x2bc: {  	v4 =	vor.u32 v2, v4;
	v10 =	vadd.f32 v11, v10;
	v11 =	vmul.f32 v16, v16;
	v7 =	vld.idx.msk [tilespmem:v7+s22+$0x0], $0xffff  }
0x2bd: {  	v13 =	vadd.f32 v15, v13;
	v15 =	vmul.f32 v19, v19;
	v19 =	vand.u32 $0x3F, v21;
	v16 =	vld.idx.msk [tilespmem:v8+s20+$0x0], $0xffff  }
0x2be: {  	v10 =	vadd.f32 v11, v10;
	v9 =	vmul.f32 v9, v9;
	v11 =	vor.u32 v2, v19;
	v8 =	vld.idx.msk [tilespmem:v8+s22+$0x0], $0xffff  }
0x2bf: {  	v6 =	vand.u32 $0x3F, v6;
	v13 =	vadd.f32 v15, v13;
	v15 =	vmul.f32 v17, v17;
	v17 =	vld.idx.msk [tilespmem:v14+s20+$0x0], $0xffff  }
0x2c0: {  	v6 =	vor.u32 v2, v6;
	v9 =	vadd.f32 v9, v10;
	v10 =	vmul.f32 v12, v12;
	v12 =	vld.idx.msk [tilespmem:v14+s22+$0x0], $0xffff  }
0x2c1: {  	v3 =	vand.u32 $0x3F, v3;
	v13 =	vadd.f32 v15, v13;
	v14 =	vmul.f32 v18, v18;
	v15 =	vld.idx.msk [tilespmem:v4+s20+$0x0], $0xffff  }
0x2c2: {  	v18 =	vor.u32 v2, v3;
	v9 =	vadd.f32 v10, v9;
	v7 =	vmul.f32 v7, v7;
	v10 =	vld.idx.msk [tilespmem:v4+s22+$0x0], $0xffff  }
0x2c3: {  	v3 =	vadd.f32 v14, v13;
	v13 =	vmul.f32 v16, v16;
	v4 =	vadd.s32 $0x10, v5;
	v14 =	vld.idx.msk [tilespmem:v11+s20+$0x0], $0xffff  }
0x2c4: {  	v9 =	vadd.f32 v7, v9;
	v8 =	vmul.f32 v8, v8;
	v5 =	vand.u32 $0x3F, v4;
	v11 =	vld.idx.msk [tilespmem:v11+s22+$0x0], $0xffff  }
0x2c5: {  	v4 =	vadd.s32 $0xC, v5;
	v13 =	vadd.f32 v13, v3;
	v16 =	vmul.f32 v17, v17;
	v17 =	vld.idx.msk [tilespmem:v6+s20+$0x0], $0xffff  }
0x2c6: {  	v7 =	vadd.s32 $0x9, v5;
	v9 =	vadd.f32 v8, v9;
	v12 =	vmul.f32 v12, v12;
	v6 =	vld.idx.msk [tilespmem:v6+s22+$0x0], $0xffff  }
0x2c7: {  	v3 =	vadd.s32 $0xF, v5;
	v13 =	vadd.f32 v16, v13;
	v15 =	vmul.f32 v15, v15;
	v19 =	vld.idx.msk [tilespmem:v18+s20+$0x0], $0xffff  }
0x2c8: {  	v8 =	vadd.s32 $0xA, v5;
	v12 =	vadd.f32 v12, v9;
	v10 =	vmul.f32 v10, v10  }
0x2c9: {  	v9 =	vadd.s32 $0x7, v5;
	v13 =	vadd.f32 v15, v13;
	v14 =	vmul.f32 v14, v14  }
.Ltmp6:
0x2ca: {  	v16 =	vadd.s32 $0x1, v5;
	v15 =	vor.u32 v2, v5;
	v12 =	vadd.f32 v10, v12;
	(pc) =	sbr.rel @p0 .LBB2_15-.Ltmp6, $4  }
0x2cb: {  	v10 =	vand.u32 $0x3F, v16;
	v20 =	vadd.f32 v14, v13;
	v21 =	vmul.f32 v17, v17  }
0x2cc: {  	v13 =	vor.u32 v2, v10;
	v14 =	vadd.s32 $0x2, v5;
	v10 =	vmul.f32 v6, v6;
	v16 =	vld.idx.msk [tilespmem:v18+s22+$0x0], $0xffff  }
0x2cd: {  	v14 =	vand.u32 $0x3F, v14;
	v6 =	vadd.s32 $0xE, v5;
	v17 =	vmul.f32 v19, v19  }
0x2ce: {  	v14 =	vor.u32 v2, v14;
	v19 =	vadd.s32 $0x3, v5;
	v18 =	vadd.f32 v21, v20  }
0x2cf: {  	_ =	sdelay $0x2  }
0x2d0: {  	v19 =	vand.u32 $0x3F, v19;
	v20 =	vadd.s32 $0xD, v5  }
0x2d1: {  	v21 =	vld.idx.msk [tilespmem:v15+s20+$0x0], $0xffff;
	v11 =	vmul.f32 v11, v11;
	v22 =	vadd.s32 $0x4, v5;
	v24 =	vand.u32 $0x7, v5  }
0x2d2: {  	v15 =	vld.idx.msk [tilespmem:v15+s22+$0x0], $0xffff;
	v9 =	vand.u32 $0x3F, v9;
	v19 =	vor.u32 v2, v19;
	v17 =	vadd.f32 v17, v18  }
0x2d3: {  	v23 =	vld.idx.msk [tilespmem:v13+s20+$0x0], $0xffff;
	v18 =	vand.u32 $0x3F, v22;
	v22 =	vadd.s32 $0xB, v5;
	v11 =	vadd.f32 v11, v12  }
0x2d4: {  	v13 =	vld.idx.msk [tilespmem:v13+s22+$0x0], $0xffff;
	v9 =	vor.u32 v2, v9;
	v12 =	vor.u32 v2, v18;
	v18 =	vadd.s32 $0x5, v5  }
0x2d5: {  	v25 =	vld.idx.msk [tilespmem:v14+s20+$0x0], $0xffff;
	v16 =	vmul.f32 v16, v16;
	v18 =	vand.u32 $0x3F, v18;
	v10 =	vadd.f32 v10, v11  }
0x2d6: {  	v14 =	vld.idx.msk [tilespmem:v14+s22+$0x0], $0xffff;
	v11 =	vor.u32 v2, v18;
	v18 =	vadd.s32 $0x6, v5;
	v21 =	vmul.f32 v21, v21  }
0x2d7: {  	v18 =	vand.u32 $0x3F, v18;
	v15 =	vmul.f32 v15, v15;
	v26 =	vld.idx.msk [tilespmem:v19+s20+$0x0], $0xffff;
	v10 =	vadd.f32 v16, v10  }
0x2d8: {  	v16 =	vor.u32 v2, v18;
	v18 =	vld.idx.msk [tilespmem:v19+s22+$0x0], $0xffff;
	v19 =	vmul.f32 v23, v23;
	v17 =	vadd.f32 v21, v17  }
0x2d9: {  	v5 =	vadd.s32 $0x8, v5;
	v13 =	vmul.f32 v13, v13;
	v21 =	vld.idx.msk [tilespmem:v12+s20+$0x0], $0xffff;
	v10 =	vadd.f32 v15, v10  }
0x2da: {  	v5 =	vand.u32 $0x38, v5;
	v12 =	vld.idx.msk [tilespmem:v12+s22+$0x0], $0xffff;
	v15 =	vadd.f32 v19, v17;
	v17 =	vmul.f32 v25, v25  }
0x2db: {  	v5 =	vor.u32 v5, v24;
	v19 =	vld.idx.msk [tilespmem:v11+s20+$0x0], $0xffff;
	v10 =	vadd.f32 v13, v10;
	v13 =	vmul.f32 v14, v14  }
0x2dc: {  	v5 =	vor.u32 v2, v5;
	v11 =	vld.idx.msk [tilespmem:v11+s22+$0x0], $0xffff;
	v14 =	vadd.f32 v17, v15;
	v15 =	vmul.f32 v26, v26  }
0x2dd: {  	v7 =	vand.u32 $0x3F, v7;
	v17 =	vld.idx.msk [tilespmem:v16+s20+$0x0], $0xffff;
	v10 =	vadd.f32 v13, v10;
	v13 =	vmul.f32 v18, v18  }
0x2de: {  	v7 =	vor.u32 v2, v7;
	v16 =	vld.idx.msk [tilespmem:v16+s22+$0x0], $0xffff;
	v14 =	vadd.f32 v15, v14;
	v15 =	vmul.f32 v21, v21  }
0x2df: {  	v8 =	vand.u32 $0x3F, v8;
	v18 =	vld.idx.msk [tilespmem:v9+s20+$0x0], $0xffff;
	v12 =	vmul.f32 v12, v12;
	v10 =	vadd.f32 v13, v10  }
0x2e0: {  	v8 =	vor.u32 v2, v8;
	v9 =	vld.idx.msk [tilespmem:v9+s22+$0x0], $0xffff;
	v13 =	vadd.f32 v15, v14;
	v14 =	vmul.f32 v19, v19  }
0x2e1: {  	v11 =	vmul.f32 v11, v11;
	v15 =	vld.idx.msk [tilespmem:v5+s20+$0x0], $0xffff;
	v19 =	vand.u32 $0x3F, v22;
	v10 =	vadd.f32 v12, v10  }
0x2e2: {  	v5 =	vld.idx.msk [tilespmem:v5+s22+$0x0], $0xffff;
	v12 =	vor.u32 v2, v19;
	v13 =	vadd.f32 v14, v13;
	v14 =	vmul.f32 v17, v17  }
0x2e3: {  	v4 =	vand.u32 $0x3F, v4;
	v17 =	vld.idx.msk [tilespmem:v7+s20+$0x0], $0xffff;
	v10 =	vadd.f32 v11, v10;
	v11 =	vmul.f32 v16, v16  }
0x2e4: {  	v4 =	vor.u32 v2, v4;
	v7 =	vld.idx.msk [tilespmem:v7+s22+$0x0], $0xffff;
	v13 =	vadd.f32 v14, v13;
	v14 =	vmul.f32 v18, v18  }
0x2e5: {  	v9 =	vmul.f32 v9, v9;
	v16 =	vld.idx.msk [tilespmem:v8+s20+$0x0], $0xffff;
	v18 =	vand.u32 $0x3F, v20;
	v10 =	vadd.f32 v11, v10  }
0x2e6: {  	v8 =	vld.idx.msk [tilespmem:v8+s22+$0x0], $0xffff;
	v11 =	vor.u32 v2, v18;
	v13 =	vadd.f32 v14, v13;
	v14 =	vmul.f32 v15, v15  }
0x2e7: {  	v6 =	vand.u32 $0x3F, v6;
	v5 =	vmul.f32 v5, v5;
	v15 =	vld.idx.msk [tilespmem:v12+s20+$0x0], $0xffff;
	v9 =	vadd.f32 v9, v10  }
0x2e8: {  	v6 =	vor.u32 v2, v6;
	v10 =	vld.idx.msk [tilespmem:v12+s22+$0x0], $0xffff;
	v12 =	vadd.f32 v14, v13;
	v13 =	vmul.f32 v17, v17  }
0x2e9: {  	v3 =	vand.u32 $0x3F, v3;
	v7 =	vmul.f32 v7, v7;
	v14 =	vld.idx.msk [tilespmem:v4+s20+$0x0], $0xffff;
	v5 =	vadd.f32 v5, v9  }
0x2ea: {  	v3 =	vor.u32 v2, v3;
	v4 =	vld.idx.msk [tilespmem:v4+s22+$0x0], $0xffff;
	v9 =	vadd.f32 v13, v12;
	v12 =	vmul.f32 v16, v16  }
0x2eb: {  	v13 =	vld.idx.msk [tilespmem:v11+s20+$0x0], $0xffff;
	v5 =	vadd.f32 v7, v5;
	v7 =	vmul.f32 v8, v8  }
0x2ec: {  	v8 =	vld.idx.msk [tilespmem:v11+s22+$0x0], $0xffff;
	v11 =	vmul.f32 v15, v15;
	v9 =	vadd.f32 v12, v9  }
0x2ed: {  	v12 =	vld.idx.msk [tilespmem:v6+s20+$0x0], $0xffff;
	v5 =	vadd.f32 v7, v5;
	v7 =	vmul.f32 v10, v10  }
0x2ee: {  	v6 =	vld.idx.msk [tilespmem:v6+s22+$0x0], $0xffff;
	v10 =	vmul.f32 v14, v14;
	v9 =	vadd.f32 v11, v9  }
0x2ef: {  	v4 =	vmul.f32 v4, v4;
	v11 =	vld.idx.msk [tilespmem:v3+s20+$0x0], $0xffff;
	v5 =	vadd.f32 v7, v5  }
0x2f0: {  	v3 =	vld.idx.msk [tilespmem:v3+s22+$0x0], $0xffff;
	v7 =	vadd.f32 v10, v9;
	v9 =	vmul.f32 v13, v13  }
0x2f1: {  	v4 =	vadd.f32 v4, v5;
	v5 =	vmul.f32 v8, v8  }
0x2f2: {  	v8 =	vmul.f32 v12, v12;
	v7 =	vadd.f32 v9, v7  }
0x2f3: {  	v6 =	vmul.f32 v6, v6;
	v4 =	vadd.f32 v5, v4  }
0x2f4: {  	v5 =	vmul.f32 v11, v11;
	v7 =	vadd.f32 v8, v7  }
0x2f5: {  	v3 =	vmul.f32 v3, v3;
	v4 =	vadd.f32 v6, v4  }
0x2f6: {  	v5 =	vadd.f32 v5, v7  }
0x2f7: {  	v3 =	vadd.f32 v3, v4  }
0x2f8: {  	v4 =	vshra.s32 v5, $0x1  }
0x2f9: {  	v6 =	vmul.f32 $5.000000000e-01, v5;
	v5 =	vshra.s32 v3, $0x1;
	v3 =	vmul.f32 $5.000000000e-01, v3  }
0x2fa: {  	v8 =	vsub.s32 $0x5F3759DF, v5  }
0x2fb: {  	v4 =	vsub.s32 $0x5F3759DF, v4;
	v5 =	vmul.f32 v8, v3  }
0x2fc: {  	v7 =	vmul.f32 v4, v6  }
0x2fd: {  	v9 =	vmul.f32 v8, v5;
	v5 =	vlaneseq.u32  }
0x2fe: {  	v7 =	vmul.f32 v4, v7;
	v10 =	vor.u32 v2, v5  }
0x2ff: {  	v15 =	vadd.s32 $0x3, v5  }
0x300: {  	v7 =	vsub.f32 $1.500000000e+00, v7;
	v15 =	vand.u32 $0x3F, v15  }
0x301: {  	v11 =	vadd.s32 $0x1, v5;
	v19 =	vadd.s32 $0x5, v5;
	v15 =	vor.u32 v2, v15  }
0x302: {  	v22 =	vadd.s32 $0x6, v5;
	v9 =	vsub.f32 $1.500000000e+00, v9;
	v4 =	vmul.f32 v4, v7  }
0x303: {  	v19 =	vand.u32 $0x3F, v19;
	v22 =	vand.u32 $0x3F, v22;
	v7 =	vand.u32 $0x3F, v11;
	v13 =	vld.idx.msk [tilespmem:v10+s20+$0x0], $0xffff  }
0x304: {  	v19 =	vor.u32 v2, v19;
	v8 =	vmul.f32 v8, v9;
	v11 =	vmul.f32 v4, v6;
	v14 =	vld.idx.msk [tilespmem:v10+s21+$0x0], $0xffff  }
0x305: {  	v25 =	vadd.s32 $0x7, v5;
	v28 =	vadd.s32 $0x8, v5;
	v22 =	vor.u32 v2, v22;
	v10 =	vld.idx.msk [tilespmem:v10+s22+$0x0], $0xffff  }
0x306: {  	v25 =	vand.u32 $0x3F, v25;
	v12 =	vmul.f32 v8, v3;
	v11 =	vmul.f32 v11, v4;
	v20 =	vld.idx.msk [tilespmem:v15+s22+$0x0], $0xffff  }
0x307: {  	v27 =	vand.u32 $0x7, v5;
	v28 =	vand.u32 $0x38, v28;
	v25 =	vor.u32 v2, v25;
	v21 =	vld.idx.msk [tilespmem:v15+s20+$0x0], $0xffff  }
0x308: {  	v7 =	vor.u32 v2, v7;
	v12 =	vmul.f32 v12, v8;
	v15 =	vld.idx.msk [tilespmem:v15+s21+$0x0], $0xffff;
	v11 =	vsub.f32 $1.500000000e+00, v11  }
0x309: {  	v27 =	vor.u32 v28, v27;
	v9 =	vadd.s32 $0x2, v5;
	v29 =	vld.idx.msk [tilespmem:v19+s20+$0x0], $0xffff  }
0x30a: {  	v9 =	vand.u32 $0x3F, v9;
	v28 =	vld.idx.msk [tilespmem:v22+s21+$0x0], $0xffff;
	v12 =	vsub.f32 $1.500000000e+00, v12;
	v4 =	vmul.f32 v11, v4  }
0x30b: {  	v9 =	vor.u32 v2, v9;
	v30 =	vld.idx.msk [tilespmem:v22+s20+$0x0], $0xffff  }
0x30c: {  	v18 =	vadd.s32 $0x4, v5;
	v32 =	vld.idx.msk [tilespmem:v25+s20+$0x0], $0xffff;
	v8 =	vmul.f32 v12, v8;
	v6 =	vmul.f32 v4, v6  }
0x30d: {  	v18 =	vand.u32 $0x3F, v18;
	v16 =	vld.idx.msk [tilespmem:v7+s22+$0x0], $0xffff  }
0x30e: {  	v17 =	vld.idx.msk [tilespmem:v7+s21+$0x0], $0xffff;
	v12 =	vor.u32 v2, v18;
	v3 =	vmul.f32 v8, v3;
	v6 =	vmul.f32 v6, v4  }
0x30f: {  	v7 =	vld.idx.msk [tilespmem:v7+s20+$0x0], $0xffff  }
0x310: {  	v26 =	vadd.s32 $0xF, v5;
	v11 =	vld.idx.msk [tilespmem:v9+s22+$0x0], $0xffff;
	v3 =	vmul.f32 v3, v8;
	v6 =	vsub.f32 $1.500000000e+00, v6  }
0x311: {  	v26 =	vand.u32 $0x3F, v26;
	v18 =	vld.idx.msk [tilespmem:v9+s20+$0x0], $0xffff  }
0x312: {  	v26 =	vor.u32 v2, v26;
	v9 =	vld.idx.msk [tilespmem:v9+s21+$0x0], $0xffff;
	v24 =	vsub.f32 $1.500000000e+00, v3;
	v3 =	vmul.f32 v6, v4  }
0x313: {  	v31 =	vadd.s32 $0xA, v5;
	v23 =	vld.idx.msk [tilespmem:v12+s22+$0x0], $0xffff  }
0x314: {  	v31 =	vand.u32 $0x3F, v31;
	v6 =	vld.idx.msk [tilespmem:v12+s21+$0x0], $0xffff;
	v4 =	vmul.f32 v24, v8;
	v13 =	vmul.f32 v13, v3  }
0x315: {  	v31 =	vor.u32 v2, v31;
	v12 =	vld.idx.msk [tilespmem:v12+s20+$0x0], $0xffff;
	v21 =	vmul.f32 v21, v3;
	v7 =	vmul.f32 v7, v3  }
0x316: {  	v27 =	vor.u32 v2, v27;
	v24 =	vld.idx.msk [tilespmem:v19+s22+$0x0], $0xffff;
	v18 =	vmul.f32 v18, v3;
	v16 =	vmul.f32 v16, v4  }
0x317: {  	v33 =	vld.idx.msk [tilespmem:v26+s22+$0x0], $0xffff;
	v10 =	vmul.f32 v10, v4;
	v20 =	vmul.f32 v20, v4;
	v13 =	vadd.f32 v14, v13  }
0x318: {  	v14 =	vadd.s32 $0x9, v5;
	v15 =	vadd.f32 v15, v21;
	v21 =	vld.idx.msk [tilespmem:v25+s21+$0x0], $0xffff;
	v7 =	vadd.f32 v17, v7  }
0x319: {  	v25 =	vld.idx.msk [tilespmem:v25+s22+$0x0], $0xffff;
	v9 =	vadd.f32 v9, v18;
	v14 =	vand.u32 $0x3F, v14;
	v13 =	vsub.f32 v13, v10  }
0x31a: {  	v19 =	vld.idx.msk [tilespmem:v19+s21+$0x0], $0xffff;
	v10 =	vmul.f32 v12, v3;
	v12 =	vmul.f32 v11, v4;
	v11 =	vsub.f32 v15, v20  }
0x31b: {  	v18 =	vld.idx.msk [tilespmem:v27+s22+$0x0], $0xffff;
	v15 =	vmul.f32 v23, v4;
	v23 =	vmul.f32 v24, v4;
	v7 =	vsub.f32 v7, v16  }
0x31c: {  	v20 =	vld.idx.msk [tilespmem:v22+s22+$0x0], $0xffff;
	v16 =	vmul.f32 v30, v3;
	v6 =	vadd.f32 v6, v10;
	v10 =	vand.u32 $0x7FFFFFFF, v11  }
0x31d: {  	v11 =	vld.idx.msk [tilespmem:v27+s21+$0x0], $0xffff;
	v17 =	vsub.f32 v9, v12;
	v22 =	vand.u32 $0x7FFFFFFF, v13;
	v13 =	vmul.f32 v32, v3  }
0x31e: {  	v9 =	vld.idx.msk [tilespmem:v26+s21+$0x0], $0xffff;
	v24 =	vmul.f32 v25, v4;
	v12 =	vsub.f32 v6, v15;
	v15 =	vadd.s32 $0xB, v5  }
0x31f: {  	v25 =	vld.idx.msk [tilespmem:v26+s20+$0x0], $0xffff;
	v13 =	vadd.f32 v21, v13;
	v21 =	vadd.f32 v28, v16;
	v28 =	vor.u32 v2, v14  }
0x320: {  	v8 =	vimm.f32 $0.0e+00;
	v26 =	vld.idx.msk [tilespmem:v27+s20+$0x0], $0xffff;
	v15 =	vand.u32 $0x3F, v15  }
0x321: {  	v27 =	vadd.s32 $0xD, v5;
	v8 =	vadd.f32 v22, v8;
	v6 =	vld.idx.msk [tilespmem:v31+s21+$0x0], $0xffff;
	v63 =	vor.u32 v2, v15  }
0x322: {  	v18 =	vmul.f32 v18, v4;
	v16 =	vld.idx.msk [tilespmem:v31+s22+$0x0], $0xffff;
	v13 =	vsub.f32 v13, v24;
	v24 =	vmul.f32 v29, v3  }
0x323: {  	v17 =	vand.u32 $0x7FFFFFFF, v17;
	v14 =	vadd.s32 $0xC, v5;
	v27 =	vand.u32 $0x3F, v27;
	v15 =	vld.idx.msk [tilespmem:v31+s20+$0x0], $0xffff  }
0x324: {  	v30 =	vmul.f32 v20, v4;
	v14 =	vand.u32 $0x3F, v14;
	v31 =	vadd.f32 v19, v24;
	v19 =	vld.idx.msk [tilespmem:v28+s22+$0x0], $0xffff  }
0x325: {  	v12 =	vand.u32 $0x7FFFFFFF, v12;
	v20 =	vor.u32 v2, v14;
	v29 =	vadd.s32 $0xE, v5;
	v22 =	vld.idx.msk [tilespmem:v28+s21+$0x0], $0xffff  }
0x326: {  	v5 =	vadd.s32 $0x10, v5;
	v34 =	vsub.f32 v21, v30;
	v21 =	vor.u32 v2, v27;
	v24 =	vld.idx.msk [tilespmem:v63+s22+$0x0], $0xffff  }
0x327: {  	v27 =	vand.u32 $0x3F, v29;
	v29 =	vand.u32 $0x7FFFFFFF, v7;
	v14 =	vand.u32 $0x7FFFFFFF, v13;
	v28 =	vld.idx.msk [tilespmem:v28+s20+$0x0], $0xffff  }
0x328: {  	v7 =	vor.u32 v2, v27;
	v30 =	vadd.f32 v29, v8;
	v29 =	vsub.f32 v31, v23;
	v13 =	vld.idx.msk [tilespmem:v63+s21+$0x0], $0xffff  }
0x329: {  	s23 =	simm.s32 $0x3;
	v8 =	vmul.f32 v33, v4;
	v27 =	vand.u32 $0x7FFFFFFF, v34;
	v23 =	vmul.f32 v25, v3;
	v25 =	vld.idx.msk [tilespmem:v63+s20+$0x0], $0xffff  }
.LBB2_17:
0x32a: {  	p0 =	sne.s32 s23, $0x1;
	s23 =	sadd.s32 $0xFFFFFFFF, s23;
	v17 =	vadd.f32 v17, v30;
	v29 =	vand.u32 $0x7FFFFFFF, v29;
	v26 =	vmul.f32 v26, v3;
	v30 =	vld.idx.msk [tilespmem:v20+s21+$0x0], $0xffff  }
0x32b: {  	v24 =	vmul.f32 v24, v4;
	v23 =	vadd.f32 v9, v23;
	v5 =	vand.u32 $0x3F, v5;
	v31 =	vld.idx.msk [tilespmem:v20+s22+$0x0], $0xffff  }
0x32c: {  	v32 =	vor.u32 v2, v5;
	v33 =	vadd.s32 $0x1, v5;
	v10 =	vadd.f32 v10, v17;
	v9 =	vld.idx.msk [tilespmem:v21+s21+$0x0], $0xffff  }
0x32d: {  	v17 =	vand.u32 $0x3F, v33;
	v33 =	vadd.s32 $0x2, v5;
	v11 =	vadd.f32 v11, v26;
	v26 =	vld.idx.msk [tilespmem:v21+s22+$0x0], $0xffff  }
0x32e: {  	v34 =	vadd.s32 $0xF, v5;
	v33 =	vand.u32 $0x3F, v33;
	v10 =	vadd.f32 v12, v10;
	v12 =	vld.idx.msk [tilespmem:v20+s20+$0x0], $0xffff  }
0x32f: {  	v8 =	vsub.f32 v23, v8;
	v17 =	vor.u32 v2, v17;
	v20 =	vor.u32 v2, v33;
	v33 =	vld.idx.msk [tilespmem:v7+s22+$0x0], $0xffff  }
0x330: {  	v15 =	vmul.f32 v15, v3;
	v16 =	vmul.f32 v16, v4;
	v10 =	vadd.f32 v29, v10;
	v21 =	vld.idx.msk [tilespmem:v21+s20+$0x0], $0xffff  }
0x331: {  	v28 =	vmul.f32 v28, v3;
	v29 =	vand.u32 $0x3F, v34;
	v31 =	vmul.f32 v31, v4;
	v23 =	vld.idx.msk [tilespmem:v32+s20+$0x0], $0xffff  }
0x332: {  	v35 =	vand.u32 $0x7, v5;
	v25 =	vmul.f32 v25, v3;
	v34 =	vld.idx.msk [tilespmem:v32+s21+$0x0], $0xffff;
	v10 =	vadd.f32 v27, v10  }
0x333: {  	v19 =	vmul.f32 v19, v4;
	v22 =	vadd.f32 v22, v28;
	v27 =	vld.idx.msk [tilespmem:v32+s22+$0x0], $0xffff;
	v32 =	vadd.s32 $0x3, v5  }
0x334: {  	v13 =	vadd.f32 v13, v25;
	v28 =	vld.idx.msk [tilespmem:v17+s22+$0x0], $0xffff;
	v32 =	vand.u32 $0x3F, v32;
	v10 =	vadd.f32 v14, v10  }
0x335: {  	v26 =	vmul.f32 v26, v4;
	v14 =	vld.idx.msk [tilespmem:v17+s21+$0x0], $0xffff;
	v25 =	vor.u32 v2, v32;
	v32 =	vadd.s32 $0x4, v5  }
0x336: {  	v11 =	vsub.f32 v11, v18;
	v18 =	vmul.f32 v33, v4;
	v36 =	vld.idx.msk [tilespmem:v20+s22+$0x0], $0xffff;
	v32 =	vand.u32 $0x3F, v32  }
0x337: {  	v13 =	vsub.f32 v13, v24;
	v23 =	vmul.f32 v23, v3;
	v17 =	vld.idx.msk [tilespmem:v17+s20+$0x0], $0xffff;
	v32 =	vor.u32 v2, v32  }
0x338: {  	v37 =	vadd.s32 $0x8, v5;
	v11 =	vand.u32 $0x7FFFFFFF, v11;
	v33 =	vadd.s32 $0x5, v5;
	v24 =	vld.idx.msk [tilespmem:v20+s20+$0x0], $0xffff  }
0x339: {  	v6 =	vadd.f32 v6, v15;
	v33 =	vand.u32 $0x3F, v33;
	v23 =	vadd.f32 v34, v23;
	v20 =	vld.idx.msk [tilespmem:v20+s21+$0x0], $0xffff  }
0x33a: {  	v13 =	vand.u32 $0x7FFFFFFF, v13;
	v33 =	vor.u32 v2, v33;
	v34 =	vadd.s32 $0x6, v5;
	v15 =	vld.idx.msk [tilespmem:v25+s22+$0x0], $0xffff  }
0x33b: {  	v39 =	vadd.s32 $0x9, v5;
	v6 =	vsub.f32 v6, v16;
	v19 =	vsub.f32 v22, v19;
	v38 =	vld.idx.msk [tilespmem:v25+s20+$0x0], $0xffff  }
0x33c: {  	v10 =	vadd.f32 v11, v10;
	v11 =	vmul.f32 v12, v3;
	v16 =	vmul.f32 v28, v4;
	v22 =	vld.idx.msk [tilespmem:v32+s22+$0x0], $0xffff  }
0x33d: {  	v19 =	vand.u32 $0x7FFFFFFF, v19;
	v12 =	vmul.f32 v17, v3;
	v17 =	vmul.f32 v36, v4;
	v25 =	vld.idx.msk [tilespmem:v25+s21+$0x0], $0xffff  }
0x33e: {  	v27 =	vmul.f32 v27, v4;
	v11 =	vadd.f32 v30, v11;
	v24 =	vmul.f32 v24, v3;
	v28 =	vld.idx.msk [tilespmem:v32+s21+$0x0], $0xffff  }
0x33f: {  	v19 =	vadd.f32 v19, v10;
	v34 =	vand.u32 $0x3F, v34;
	v36 =	vadd.s32 $0x7, v5;
	v30 =	vld.idx.msk [tilespmem:v33+s22+$0x0], $0xffff  }
0x340: {  	v11 =	vsub.f32 v11, v31;
	v10 =	vld.idx.msk [tilespmem:v32+s20+$0x0], $0xffff;
	v32 =	vor.u32 v2, v34;
	v34 =	vand.u32 $0x3F, v36  }
0x341: {  	v23 =	vsub.f32 v23, v27;
	v12 =	vadd.f32 v14, v12;
	v14 =	vmul.f32 v38, v3;
	v27 =	vld.idx.msk [tilespmem:v33+s20+$0x0], $0xffff  }
0x342: {  	v36 =	vand.u32 $0x7FFFFFFF, v11;
	v31 =	vld.idx.msk [tilespmem:v33+s21+$0x0], $0xffff;
	v33 =	vor.u32 v2, v34;
	v34 =	vand.u32 $0x38, v37  }
0x343: {  	v11 =	vadd.f32 v25, v14;
	v14 =	vmul.f32 v15, v4;
	v15 =	vmul.f32 v21, v3;
	v21 =	vld.idx.msk [tilespmem:v7+s20+$0x0], $0xffff  }
0x344: {  	v6 =	vand.u32 $0x7FFFFFFF, v6;
	v25 =	vor.u32 v34, v35;
	v34 =	vand.u32 $0x3F, v39;
	v7 =	vld.idx.msk [tilespmem:v7+s21+$0x0], $0xffff  }
0x345: {  	v20 =	vadd.f32 v20, v24;
	v11 =	vsub.f32 v11, v14;
	v24 =	vor.u32 v2, v25;
	v14 =	vld.idx.msk [tilespmem:v32+s21+$0x0], $0xffff  }
0x346: {  	v22 =	vmul.f32 v22, v4;
	v9 =	vadd.f32 v9, v15;
	v25 =	vmul.f32 v10, v3;
	v35 =	vld.idx.msk [tilespmem:v32+s20+$0x0], $0xffff  }
0x347: {  	v6 =	vadd.f32 v6, v19;
	v37 =	vmul.f32 v30, v4;
	v10 =	vand.u32 $0x7FFFFFFF, v11;
	v15 =	vld.idx.msk [tilespmem:v33+s21+$0x0], $0xffff  }
0x348: {  	v9 =	vsub.f32 v9, v26;
	v11 =	vadd.f32 v28, v25;
	v25 =	vadd.s32 $0xA, v5;
	v19 =	vld.idx.msk [tilespmem:v33+s20+$0x0], $0xffff  }
0x349: {  	v28 =	vor.u32 v2, v29;
	v25 =	vand.u32 $0x3F, v25;
	v21 =	vmul.f32 v21, v3;
	v26 =	vld.idx.msk [tilespmem:v33+s22+$0x0], $0xffff  }
0x34a: {  	v17 =	vsub.f32 v20, v17;
	v11 =	vsub.f32 v11, v22;
	v22 =	vor.u32 v2, v25;
	v20 =	vld.idx.msk [tilespmem:v32+s22+$0x0], $0xffff  }
0x34b: {  	v23 =	vand.u32 $0x7FFFFFFF, v23;
	v25 =	vsub.f32 v12, v16;
	v16 =	vand.u32 $0x7FFFFFFF, v9;
	v29 =	vld.idx.msk [tilespmem:v24+s22+$0x0], $0xffff  }
0x34c: {  	v7 =	vadd.f32 v7, v21;
	v12 =	vand.u32 $0x7FFFFFFF, v11;
	v9 =	vmul.f32 v35, v3  }
0x34d: {  	v13 =	vadd.f32 v13, v6;
	v17 =	vand.u32 $0x7FFFFFFF, v17;
	v21 =	vadd.s32 $0xB, v5;
	v11 =	vld.idx.msk [tilespmem:v24+s21+$0x0], $0xffff  }
0x34e: {  	v7 =	vsub.f32 v7, v18;
	v30 =	vadd.f32 v14, v9;
	v14 =	vmul.f32 v19, v3;
	v9 =	vld.idx.msk [tilespmem:v28+s21+$0x0], $0xffff  }
0x34f: {  	v13 =	vadd.f32 v36, v13;
	v19 =	vand.u32 $0x3F, v21;
	v18 =	vmul.f32 v26, v4;
	v6 =	vld.idx.msk [tilespmem:v22+s21+$0x0], $0xffff  }
0x350: {  	v32 =	vor.u32 v2, v34;
	v33 =	vor.u32 v2, v19;
	v14 =	vadd.f32 v15, v14;
	v34 =	vld.idx.msk [tilespmem:v28+s22+$0x0], $0xffff  }
0x351: {  	v13 =	vadd.f32 v16, v13;
	v19 =	vmul.f32 v20, v4;
	v20 =	vadd.s32 $0xC, v5;
	v35 =	vld.idx.msk [tilespmem:v28+s20+$0x0], $0xffff  }
0x352: {  	v7 =	vand.u32 $0x7FFFFFFF, v7;
	v14 =	vsub.f32 v14, v18;
	v18 =	vand.u32 $0x3F, v20;
	v15 =	vld.idx.msk [tilespmem:v22+s20+$0x0], $0xffff  }
0x353: {  	v21 =	vmul.f32 v27, v3;
	v7 =	vadd.f32 v7, v13;
	v20 =	vor.u32 v2, v18;
	v16 =	vld.idx.msk [tilespmem:v22+s22+$0x0], $0xffff  }
0x354: {  	v8 =	vand.u32 $0x7FFFFFFF, v8;
	v18 =	vadd.s32 $0xD, v5;
	v14 =	vand.u32 $0x7FFFFFFF, v14;
	v26 =	vld.idx.msk [tilespmem:v24+s20+$0x0], $0xffff  }
0x355: {  	v7 =	vadd.f32 v8, v7;
	v18 =	vand.u32 $0x3F, v18;
	v22 =	vadd.s32 $0xE, v5;
	v13 =	vld.idx.msk [tilespmem:v33+s21+$0x0], $0xffff  }
.Ltmp7:
0x356: {  	v8 =	vadd.f32 v31, v21;
	v27 =	vsub.f32 v30, v19;
	v21 =	vor.u32 v2, v18;
	v24 =	vld.idx.msk [tilespmem:v33+s22+$0x0], $0xffff;
	(pc) =	sbr.rel @p0 .LBB2_17-.Ltmp7, $4  }
0x357: {  	v23 =	vadd.f32 v23, v7;
	v7 =	vand.u32 $0x3F, v22;
	v19 =	vld.idx.msk [tilespmem:v32+s22+$0x0], $0xffff  }
0x358: {  	v25 =	vand.u32 $0x7FFFFFFF, v25;
	v18 =	vmul.f32 v29, v4;
	v7 =	vor.u32 v2, v7;
	v22 =	vld.idx.msk [tilespmem:v32+s21+$0x0], $0xffff  }
0x359: {  	v29 =	vsub.f32 v8, v37;
	v30 =	vadd.f32 v25, v23;
	v23 =	vmul.f32 v35, v3;
	v28 =	vld.idx.msk [tilespmem:v32+s20+$0x0], $0xffff  }
0x35a: {  	v27 =	vand.u32 $0x7FFFFFFF, v27;
	v5 =	vadd.s32 $0x10, v5;
	v8 =	vmul.f32 v34, v4;
	v25 =	vld.idx.msk [tilespmem:v33+s20+$0x0], $0xffff  }
0x35b: {  	v2 =	vadd.f32 v17, v30;
	_ =	sdelay $0x1  }
0x35c: {  	v2 =	vadd.f32 v10, v2;
	_ =	sdelay $0x1  }
0x35d: {  	v2 =	vadd.f32 v12, v2  }
0x35e: {  	v5 =	vand.u32 $0x7FFFFFFF, v29;
	v44 =	vmul.f32 v26, v3  }
0x35f: {  	v45 =	vld.idx.msk [tilespmem:v20+s21+$0x0], $0xffff;
	v2 =	vadd.f32 v5, v2  }
0x360: {  	v46 =	vld.idx.msk [tilespmem:v20+s22+$0x0], $0xffff;
	v10 =	vadd.f32 v11, v44;
	v47 =	vmul.f32 v28, v3  }
0x361: {  	v48 =	vld.idx.msk [tilespmem:v20+s20+$0x0], $0xffff;
	v15 =	vmul.f32 v15, v3;
	v2 =	vadd.f32 v27, v2  }
0x362: {  	v50 =	vld.idx.msk [tilespmem:v21+s20+$0x0], $0xffff;
	v19 =	vmul.f32 v19, v4;
	v10 =	vsub.f32 v10, v18;
	v11 =	vadd.f32 v22, v47  }
0x363: {  	v49 =	vld.idx.msk [tilespmem:v21+s21+$0x0], $0xffff;
	v16 =	vmul.f32 v16, v4;
	v6 =	vadd.f32 v6, v15;
	v2 =	vadd.f32 v14, v2  }
0x364: {  	v54 =	vld.idx.msk [tilespmem:v7+s20+$0x0], $0xffff;
	v51 =	vmul.f32 v25, v3;
	v10 =	vand.u32 $0x7FFFFFFF, v10;
	v11 =	vsub.f32 v11, v19  }
0x365: {  	v52 =	vld.idx.msk [tilespmem:v21+s22+$0x0], $0xffff;
	v53 =	vmul.f32 v24, v4;
	v6 =	vsub.f32 v6, v16;
	v2 =	vadd.f32 v10, v2  }
0x366: {  	v55 =	vld.idx.msk [tilespmem:v7+s22+$0x0], $0xffff;
	v56 =	vmul.f32 v48, v3;
	v13 =	vadd.f32 v13, v51;
	v11 =	vand.u32 $0x7FFFFFFF, v11  }
0x367: {  	v57 =	vld.idx.msk [tilespmem:v7+s21+$0x0], $0xffff;
	v59 =	vmul.f32 v50, v3;
	v5 =	vmul.f32 v46, v4;
	v2 =	vadd.f32 v11, v2  }
0x368: {  	v6 =	vand.u32 $0x7FFFFFFF, v6;
	v58 =	vadd.f32 v45, v56;
	v13 =	vsub.f32 v13, v53  }
0x369: {  	v3 =	vmul.f32 v54, v3;
	v60 =	vadd.f32 v49, v59;
	v2 =	vadd.f32 v6, v2  }
0x36a: {  	v5 =	vsub.f32 v58, v5;
	v14 =	vmul.f32 v52, v4;
	v13 =	vand.u32 $0x7FFFFFFF, v13  }
0x36b: {  	v61 =	vmul.f32 v55, v4;
	v2 =	vadd.f32 v13, v2  }
0x36c: {  	v3 =	vadd.f32 v57, v3;
	v5 =	vand.u32 $0x7FFFFFFF, v5;
	v6 =	vsub.f32 v60, v14  }
0x36d: {  	v2 =	vadd.f32 v5, v2  }
0x36e: {  	v62 =	vadd.f32 v9, v23;
	v3 =	vsub.f32 v3, v61;
	v6 =	vand.u32 $0x7FFFFFFF, v6  }
0x36f: {  	s18 =	sadd.s32 $0x1, s18;
	v2 =	vadd.f32 v6, v2  }
0x370: {  	p0 =	sne.s32 s18, $0x10;
	v63 =	vsub.f32 v62, v8;
	v3 =	vand.u32 $0x7FFFFFFF, v3  }
.Ltmp8:
0x371: {  	v2 =	vadd.f32 v3, v2;
	(pc) =	sbr.rel @p0 .LBB2_14-.Ltmp8, $3  }
0x372: {  	v3 =	vand.u32 $0x7FFFFFFF, v63  }
0x373: {  	v2 =	vadd.f32 v3, v2;
	_ =	sdelay $0x1  }
0x374: {  	[tilespmem:v1+s16+$0x0] =	vst.idx.msk $0xffff, v2;
	v1 =	vadd.s32 $0x10, v1  }
0x375: {  	_ =	swait.ge [sflag:s15], $0x2000  }
0x376: {  	[sflag:s15] =	ssyncset.done $0x0  }
0x377: {  	[sflag:s15] =	ssyncadd.s32 $0xFFFFE000  }
0x378: {  	_ =	swait.ge [sflag:s15], $0x2000  }
0x379: {  	[sflag:s15] =	ssyncset.done $0x0  }
0x37a: {  	[sflag:s15] =	ssyncadd.s32 $0xFFFFE000  }
0x37b: {  	_ =	swait.ge [sflag:s15], $0x2000  }
0x37c: {  	[sflag:s15] =	ssyncset.done $0x0  }
0x37d: {  	[sflag:s15] =	ssyncadd.s32 $0xFFFFE000  }
0x37e: {  	_ =	swait.ge [sflag:s15], $0x2000  }
0x37f: {  	[sflag:s15] =	ssyncset.done $0x0  }
0x380: {  	[sflag:s15] =	ssyncadd.s32 $0xFFFFE000  }
0x381: {  	_ =	swait.ge [sflag:s15], $0x2000  }
0x382: {  	[sflag:s15] =	ssyncset.done $0x0  }
0x383: {  	[sflag:s15] =	ssyncadd.s32 $0xFFFFE000  }
0x384: {  	_ =	swait.ge [sflag:s15], $0x2000  }
0x385: {  	[sflag:s15] =	ssyncset.done $0x0  }
0x386: {  	s18 =	simm.s32 $0x0;
	v0 =	vlaneseq.u32;
	v1 =	vlaneseq.u32;
	[sflag:s15] =	ssyncadd.s32 $0xFFFFE000  }
.LBB2_20:
0x387: {  	v2 =	vshll.u32 v1, $0x6  }
0x388: {  	v4 =	vadd.s32 $0x1, v0;
	v3 =	vor.u32 v2, v0  }
0x389: {  	v4 =	vand.u32 $0x3F, v4  }
0x38a: {  	v5 =	vimm.f32 $0.0e+00;
	v6 =	vadd.s32 $0x2, v0;
	v4 =	vor.u32 v2, v4  }
0x38b: {  	v7 =	vadd.s32 $0xC, v0;
	v8 =	vadd.s32 $0x9, v0;
	v6 =	vand.u32 $0x3F, v6  }
0x38c: {  	v9 =	vadd.s32 $0xF, v0;
	v10 =	vadd.s32 $0x3, v0;
	v6 =	vor.u32 v2, v6  }
0x38d: {  	v11 =	vadd.s32 $0xA, v0;
	v12 =	vadd.s32 $0x7, v0;
	v10 =	vand.u32 $0x3F, v10;
	v13 =	vld.idx.msk [tilespmem:v3+s30+$0x0], $0xffff  }
0x38e: {  	v14 =	vadd.s32 $0xE, v0;
	v15 =	vadd.s32 $0x4, v0;
	v10 =	vor.u32 v2, v10;
	v3 =	vld.idx.msk [tilespmem:v3+s24+$0x0], $0xffff  }
0x38f: {  	v16 =	vadd.s32 $0xD, v0;
	v18 =	vadd.s32 $0x5, v0;
	v15 =	vand.u32 $0x3F, v15;
	v17 =	vld.idx.msk [tilespmem:v4+s30+$0x0], $0xffff  }
0x390: {  	v19 =	vadd.s32 $0xB, v0;
	v21 =	vand.u32 $0x7, v0;
	v15 =	vor.u32 v2, v15;
	v4 =	vld.idx.msk [tilespmem:v4+s24+$0x0], $0xffff  }
0x391: {  	v22 =	vadd.s32 $0x6, v0;
	v23 =	vadd.s32 $0x8, v0;
	v18 =	vand.u32 $0x3F, v18;
	v20 =	vld.idx.msk [tilespmem:v6+s30+$0x0], $0xffff  }
0x392: {  	v22 =	vand.u32 $0x3F, v22;
	v18 =	vor.u32 v2, v18;
	v6 =	vld.idx.msk [tilespmem:v6+s24+$0x0], $0xffff;
	v13 =	vmul.f32 v13, v13  }
0x393: {  	v23 =	vand.u32 $0x38, v23;
	v12 =	vand.u32 $0x3F, v12;
	v24 =	vld.idx.msk [tilespmem:v10+s30+$0x0], $0xffff;
	v3 =	vmul.f32 v3, v3  }
0x394: {  	v22 =	vor.u32 v2, v22;
	v10 =	vld.idx.msk [tilespmem:v10+s24+$0x0], $0xffff;
	v17 =	vmul.f32 v17, v17;
	v13 =	vadd.f32 v13, v5  }
0x395: {  	v8 =	vand.u32 $0x3F, v8;
	v25 =	vld.idx.msk [tilespmem:v15+s30+$0x0], $0xffff;
	v4 =	vmul.f32 v4, v4;
	v3 =	vadd.f32 v3, v5  }
0x396: {  	v5 =	vor.u32 v2, v12;
	v12 =	vld.idx.msk [tilespmem:v15+s24+$0x0], $0xffff;
	v15 =	vmul.f32 v20, v20;
	v13 =	vadd.f32 v17, v13  }
0x397: {  	v20 =	vld.idx.msk [tilespmem:v18+s30+$0x0], $0xffff;
	v17 =	vor.u32 v23, v21;
	v3 =	vadd.f32 v4, v3;
	v4 =	vmul.f32 v6, v6  }
0x398: {  	v6 =	vor.u32 v2, v17;
	v17 =	vld.idx.msk [tilespmem:v18+s24+$0x0], $0xffff;
	v13 =	vadd.f32 v15, v13;
	v15 =	vmul.f32 v24, v24  }
0x399: {  	v11 =	vand.u32 $0x3F, v11;
	v18 =	vld.idx.msk [tilespmem:v22+s30+$0x0], $0xffff;
	v3 =	vadd.f32 v4, v3;
	v4 =	vmul.f32 v10, v10  }
0x39a: {  	v8 =	vor.u32 v2, v8;
	v10 =	vld.idx.msk [tilespmem:v22+s24+$0x0], $0xffff;
	v13 =	vadd.f32 v15, v13;
	v15 =	vmul.f32 v25, v25  }
0x39b: {  	v7 =	vand.u32 $0x3F, v7;
	v62 =	vld.idx.msk [tilespmem:v5+s30+$0x0], $0xffff;
	v3 =	vadd.f32 v4, v3;
	v4 =	vmul.f32 v12, v12  }
0x39c: {  	v11 =	vor.u32 v2, v11;
	v5 =	vld.idx.msk [tilespmem:v5+s24+$0x0], $0xffff;
	v12 =	vadd.f32 v15, v13;
	v13 =	vmul.f32 v20, v20  }
0x39d: {  	v15 =	vand.u32 $0x3F, v19;
	v19 =	vld.idx.msk [tilespmem:v6+s30+$0x0], $0xffff;
	v3 =	vadd.f32 v4, v3;
	v4 =	vmul.f32 v17, v17  }
0x39e: {  	v6 =	vld.idx.msk [tilespmem:v6+s24+$0x0], $0xffff;
	v15 =	vor.u32 v2, v15;
	v12 =	vadd.f32 v13, v12;
	v13 =	vmul.f32 v18, v18  }
0x39f: {  	v7 =	vor.u32 v2, v7;
	v17 =	vld.idx.msk [tilespmem:v8+s30+$0x0], $0xffff;
	v3 =	vadd.f32 v4, v3;
	v4 =	vmul.f32 v10, v10  }
0x3a0: {  	v9 =	vand.u32 $0x3F, v9;
	v8 =	vld.idx.msk [tilespmem:v8+s24+$0x0], $0xffff;
	v10 =	vadd.f32 v13, v12;
	v12 =	vmul.f32 v62, v62  }
0x3a1: {  	v13 =	vand.u32 $0x3F, v16;
	v16 =	vld.idx.msk [tilespmem:v11+s30+$0x0], $0xffff;
	v3 =	vadd.f32 v4, v3;
	v4 =	vmul.f32 v5, v5  }
0x3a2: {  	v5 =	vld.idx.msk [tilespmem:v11+s24+$0x0], $0xffff;
	v18 =	vor.u32 v2, v13;
	v11 =	vmul.f32 v19, v19;
	v10 =	vadd.f32 v12, v10  }
0x3a3: {  	v19 =	vor.u32 v2, v9;
	v13 =	vld.idx.msk [tilespmem:v15+s30+$0x0], $0xffff;
	v3 =	vadd.f32 v4, v3;
	v4 =	vmul.f32 v6, v6  }
0x3a4: {  	v9 =	vld.idx.msk [tilespmem:v7+s24+$0x0], $0xffff;
	v12 =	vand.u32 $0x3F, v14;
	v10 =	vadd.f32 v11, v10;
	v11 =	vmul.f32 v17, v17  }
0x3a5: {  	v14 =	vld.idx.msk [tilespmem:v7+s30+$0x0], $0xffff;
	v6 =	vor.u32 v2, v12;
	v3 =	vadd.f32 v4, v3  }
0x3a6: {  	v12 =	vld.idx.msk [tilespmem:v15+s24+$0x0], $0xffff;
	v4 =	vmul.f32 v8, v8;
	v8 =	vmul.f32 v16, v16;
	v7 =	vadd.f32 v11, v10  }
0x3a7: {  	v15 =	vmul.f32 v5, v5;
	v10 =	vadd.s32 $0x10, v0;
	v11 =	vld.idx.msk [tilespmem:v18+s30+$0x0], $0xffff  }
0x3a8: {  	v5 =	vand.u32 $0x3F, v10;
	v10 =	vmul.f32 v13, v13;
	v8 =	vadd.f32 v8, v7  }
0x3a9: {  	v3 =	vadd.f32 v4, v3;
	v17 =	vmul.f32 v9, v9  }
0x3aa: {  	v16 =	vld.idx.msk [tilespmem:v19+s30+$0x0], $0xffff;
	v14 =	vmul.f32 v14, v14;
	v4 =	vadd.s32 $0xC, v5;
	v10 =	vadd.f32 v10, v8  }
0x3ab: {  	v13 =	vld.idx.msk [tilespmem:v6+s30+$0x0], $0xffff;
	v7 =	vadd.s32 $0x9, v5;
	v15 =	vadd.f32 v15, v3;
	v12 =	vmul.f32 v12, v12  }
0x3ac: {  	v6 =	vld.idx.msk [tilespmem:v6+s24+$0x0], $0xffff;
	v3 =	vadd.s32 $0xF, v5;
	v11 =	vmul.f32 v11, v11;
	v10 =	vadd.f32 v14, v10  }
0x3ad: {  	v9 =	vadd.s32 $0x7, v5;
	v8 =	vadd.s32 $0xA, v5;
	v12 =	vadd.f32 v12, v15  }
0x3ae: {  	v15 =	vor.u32 v2, v5;
	v14 =	vadd.s32 $0x1, v5;
	v20 =	vadd.f32 v11, v10;
	v11 =	vld.idx.msk [tilespmem:v18+s24+$0x0], $0xffff  }
0x3af: {  	v12 =	vadd.f32 v17, v12;
	v17 =	vmul.f32 v16, v16;
	v14 =	vand.u32 $0x3F, v14  }
0x3b0: {  	v63 =	vmul.f32 v13, v13;
	v13 =	vor.u32 v2, v14;
	v14 =	vadd.s32 $0x2, v5  }
0x3b1: {  	v16 =	vld.idx.msk [tilespmem:v19+s24+$0x0], $0xffff;
	v19 =	vadd.s32 $0x3, v5;
	v10 =	vmul.f32 v6, v6;
	v14 =	vand.u32 $0x3F, v14  }
0x3b2: {  	s23 =	simm.s32 $0x2;
	v6 =	vadd.s32 $0xE, v5;
	v14 =	vor.u32 v2, v14;
	v18 =	vadd.f32 v63, v20  }
.LBB2_21:
0x3b3: {  	p0 =	sne.s32 s23, $0x1;
	s23 =	sadd.s32 $0xFFFFFFFF, s23;
	v20 =	vld.idx.msk [tilespmem:v15+s30+$0x0], $0xffff;
	v19 =	vand.u32 $0x3F, v19;
	v21 =	vadd.s32 $0xD, v5;
	v11 =	vmul.f32 v11, v11  }
0x3b4: {  	v22 =	vadd.s32 $0x4, v5;
	v15 =	vld.idx.msk [tilespmem:v15+s24+$0x0], $0xffff;
	v19 =	vor.u32 v2, v19;
	v17 =	vadd.f32 v17, v18  }
0x3b5: {  	v23 =	vadd.s32 $0xB, v5;
	v22 =	vand.u32 $0x3F, v22;
	v18 =	vld.idx.msk [tilespmem:v13+s30+$0x0], $0xffff;
	v11 =	vadd.f32 v11, v12  }
0x3b6: {  	v16 =	vmul.f32 v16, v16;
	v12 =	vld.idx.msk [tilespmem:v13+s24+$0x0], $0xffff;
	v13 =	vor.u32 v2, v22;
	v22 =	vadd.s32 $0x5, v5  }
0x3b7: {  	v25 =	vand.u32 $0x7, v5;
	v24 =	vld.idx.msk [tilespmem:v14+s30+$0x0], $0xffff;
	v22 =	vand.u32 $0x3F, v22;
	v10 =	vadd.f32 v10, v11  }
0x3b8: {  	v26 =	vadd.s32 $0x8, v5;
	v11 =	vld.idx.msk [tilespmem:v14+s24+$0x0], $0xffff;
	v14 =	vor.u32 v2, v22;
	v22 =	vadd.s32 $0x6, v5  }
0x3b9: {  	v20 =	vmul.f32 v20, v20;
	v27 =	vld.idx.msk [tilespmem:v19+s30+$0x0], $0xffff;
	v22 =	vand.u32 $0x3F, v22;
	v10 =	vadd.f32 v16, v10  }
0x3ba: {  	v15 =	vmul.f32 v15, v15;
	v16 =	vld.idx.msk [tilespmem:v19+s24+$0x0], $0xffff;
	v19 =	vor.u32 v2, v22;
	v22 =	vand.u32 $0x38, v26  }
0x3bb: {  	v9 =	vand.u32 $0x3F, v9;
	v17 =	vadd.f32 v20, v17;
	v18 =	vmul.f32 v18, v18;
	v20 =	vld.idx.msk [tilespmem:v13+s30+$0x0], $0xffff  }
0x3bc: {  	v9 =	vor.u32 v2, v9;
	v10 =	vadd.f32 v15, v10;
	v12 =	vmul.f32 v12, v12;
	v13 =	vld.idx.msk [tilespmem:v13+s24+$0x0], $0xffff  }
0x3bd: {  	v22 =	vor.u32 v22, v25;
	v15 =	vadd.f32 v18, v17;
	v17 =	vmul.f32 v24, v24;
	v18 =	vld.idx.msk [tilespmem:v14+s30+$0x0], $0xffff  }
0x3be: {  	v10 =	vadd.f32 v12, v10;
	v11 =	vmul.f32 v11, v11;
	v12 =	vld.idx.msk [tilespmem:v14+s24+$0x0], $0xffff;
	v14 =	vor.u32 v2, v22  }
0x3bf: {  	v7 =	vand.u32 $0x3F, v7;
	v15 =	vadd.f32 v17, v15;
	v17 =	vmul.f32 v27, v27;
	v22 =	vld.idx.msk [tilespmem:v19+s30+$0x0], $0xffff  }
0x3c0: {  	v7 =	vor.u32 v2, v7;
	v10 =	vadd.f32 v11, v10;
	v11 =	vmul.f32 v16, v16;
	v16 =	vld.idx.msk [tilespmem:v19+s24+$0x0], $0xffff  }
0x3c1: {  	v8 =	vand.u32 $0x3F, v8;
	v15 =	vadd.f32 v17, v15;
	v17 =	vmul.f32 v20, v20;
	v19 =	vld.idx.msk [tilespmem:v9+s30+$0x0], $0xffff  }
0x3c2: {  	v8 =	vor.u32 v2, v8;
	v10 =	vadd.f32 v11, v10;
	v11 =	vmul.f32 v13, v13;
	v9 =	vld.idx.msk [tilespmem:v9+s24+$0x0], $0xffff  }
0x3c3: {  	v13 =	vadd.f32 v17, v15;
	v15 =	vmul.f32 v18, v18;
	v18 =	vand.u32 $0x3F, v23;
	v17 =	vld.idx.msk [tilespmem:v14+s30+$0x0], $0xffff  }
0x3c4: {  	v10 =	vadd.f32 v11, v10;
	v11 =	vmul.f32 v12, v12;
	v12 =	vld.idx.msk [tilespmem:v14+s24+$0x0], $0xffff;
	v14 =	vor.u32 v2, v18  }
0x3c5: {  	v4 =	vand.u32 $0x3F, v4;
	v13 =	vadd.f32 v15, v13;
	v15 =	vmul.f32 v22, v22;
	v18 =	vld.idx.msk [tilespmem:v7+s30+$0x0], $0xffff  }
0x3c6: {  	v4 =	vor.u32 v2, v4;
	v10 =	vadd.f32 v11, v10;
	v11 =	vmul.f32 v16, v16;
	v7 =	vld.idx.msk [tilespmem:v7+s24+$0x0], $0xffff  }
0x3c7: {  	v13 =	vadd.f32 v15, v13;
	v15 =	vmul.f32 v19, v19;
	v19 =	vand.u32 $0x3F, v21;
	v16 =	vld.idx.msk [tilespmem:v8+s30+$0x0], $0xffff  }
0x3c8: {  	v10 =	vadd.f32 v11, v10;
	v9 =	vmul.f32 v9, v9;
	v11 =	vor.u32 v2, v19;
	v8 =	vld.idx.msk [tilespmem:v8+s24+$0x0], $0xffff  }
0x3c9: {  	v6 =	vand.u32 $0x3F, v6;
	v13 =	vadd.f32 v15, v13;
	v15 =	vmul.f32 v17, v17;
	v17 =	vld.idx.msk [tilespmem:v14+s30+$0x0], $0xffff  }
0x3ca: {  	v6 =	vor.u32 v2, v6;
	v9 =	vadd.f32 v9, v10;
	v10 =	vmul.f32 v12, v12;
	v12 =	vld.idx.msk [tilespmem:v14+s24+$0x0], $0xffff  }
0x3cb: {  	v3 =	vand.u32 $0x3F, v3;
	v13 =	vadd.f32 v15, v13;
	v14 =	vmul.f32 v18, v18;
	v15 =	vld.idx.msk [tilespmem:v4+s30+$0x0], $0xffff  }
0x3cc: {  	v18 =	vor.u32 v2, v3;
	v9 =	vadd.f32 v10, v9;
	v7 =	vmul.f32 v7, v7;
	v10 =	vld.idx.msk [tilespmem:v4+s24+$0x0], $0xffff  }
0x3cd: {  	v3 =	vadd.f32 v14, v13;
	v13 =	vmul.f32 v16, v16;
	v4 =	vadd.s32 $0x10, v5;
	v14 =	vld.idx.msk [tilespmem:v11+s30+$0x0], $0xffff  }
0x3ce: {  	v9 =	vadd.f32 v7, v9;
	v8 =	vmul.f32 v8, v8;
	v5 =	vand.u32 $0x3F, v4;
	v11 =	vld.idx.msk [tilespmem:v11+s24+$0x0], $0xffff  }
0x3cf: {  	v4 =	vadd.s32 $0xC, v5;
	v13 =	vadd.f32 v13, v3;
	v16 =	vmul.f32 v17, v17;
	v17 =	vld.idx.msk [tilespmem:v6+s30+$0x0], $0xffff  }
0x3d0: {  	v7 =	vadd.s32 $0x9, v5;
	v9 =	vadd.f32 v8, v9;
	v12 =	vmul.f32 v12, v12;
	v6 =	vld.idx.msk [tilespmem:v6+s24+$0x0], $0xffff  }
0x3d1: {  	v3 =	vadd.s32 $0xF, v5;
	v13 =	vadd.f32 v16, v13;
	v15 =	vmul.f32 v15, v15;
	v19 =	vld.idx.msk [tilespmem:v18+s30+$0x0], $0xffff  }
0x3d2: {  	v8 =	vadd.s32 $0xA, v5;
	v12 =	vadd.f32 v12, v9;
	v10 =	vmul.f32 v10, v10  }
0x3d3: {  	v9 =	vadd.s32 $0x7, v5;
	v13 =	vadd.f32 v15, v13;
	v14 =	vmul.f32 v14, v14  }
.Ltmp9:
0x3d4: {  	v16 =	vadd.s32 $0x1, v5;
	v15 =	vor.u32 v2, v5;
	v12 =	vadd.f32 v10, v12;
	(pc) =	sbr.rel @p0 .LBB2_21-.Ltmp9, $4  }
0x3d5: {  	v10 =	vand.u32 $0x3F, v16;
	v20 =	vadd.f32 v14, v13;
	v21 =	vmul.f32 v17, v17  }
0x3d6: {  	v13 =	vor.u32 v2, v10;
	v14 =	vadd.s32 $0x2, v5;
	v10 =	vmul.f32 v6, v6;
	v16 =	vld.idx.msk [tilespmem:v18+s24+$0x0], $0xffff  }
0x3d7: {  	v14 =	vand.u32 $0x3F, v14;
	v6 =	vadd.s32 $0xE, v5;
	v17 =	vmul.f32 v19, v19  }
0x3d8: {  	v14 =	vor.u32 v2, v14;
	v19 =	vadd.s32 $0x3, v5;
	v18 =	vadd.f32 v21, v20  }
0x3d9: {  	_ =	sdelay $0x2  }
0x3da: {  	v19 =	vand.u32 $0x3F, v19;
	v20 =	vadd.s32 $0xD, v5  }
0x3db: {  	v21 =	vld.idx.msk [tilespmem:v15+s30+$0x0], $0xffff;
	v11 =	vmul.f32 v11, v11;
	v22 =	vadd.s32 $0x4, v5;
	v24 =	vand.u32 $0x7, v5  }
0x3dc: {  	v15 =	vld.idx.msk [tilespmem:v15+s24+$0x0], $0xffff;
	v9 =	vand.u32 $0x3F, v9;
	v19 =	vor.u32 v2, v19;
	v17 =	vadd.f32 v17, v18  }
0x3dd: {  	v23 =	vld.idx.msk [tilespmem:v13+s30+$0x0], $0xffff;
	v18 =	vand.u32 $0x3F, v22;
	v22 =	vadd.s32 $0xB, v5;
	v11 =	vadd.f32 v11, v12  }
0x3de: {  	v13 =	vld.idx.msk [tilespmem:v13+s24+$0x0], $0xffff;
	v9 =	vor.u32 v2, v9;
	v12 =	vor.u32 v2, v18;
	v18 =	vadd.s32 $0x5, v5  }
0x3df: {  	v25 =	vld.idx.msk [tilespmem:v14+s30+$0x0], $0xffff;
	v16 =	vmul.f32 v16, v16;
	v18 =	vand.u32 $0x3F, v18;
	v10 =	vadd.f32 v10, v11  }
0x3e0: {  	v14 =	vld.idx.msk [tilespmem:v14+s24+$0x0], $0xffff;
	v11 =	vor.u32 v2, v18;
	v18 =	vadd.s32 $0x6, v5;
	v21 =	vmul.f32 v21, v21  }
0x3e1: {  	v18 =	vand.u32 $0x3F, v18;
	v15 =	vmul.f32 v15, v15;
	v26 =	vld.idx.msk [tilespmem:v19+s30+$0x0], $0xffff;
	v10 =	vadd.f32 v16, v10  }
0x3e2: {  	v16 =	vor.u32 v2, v18;
	v18 =	vld.idx.msk [tilespmem:v19+s24+$0x0], $0xffff;
	v19 =	vmul.f32 v23, v23;
	v17 =	vadd.f32 v21, v17  }
0x3e3: {  	v5 =	vadd.s32 $0x8, v5;
	v13 =	vmul.f32 v13, v13;
	v21 =	vld.idx.msk [tilespmem:v12+s30+$0x0], $0xffff;
	v10 =	vadd.f32 v15, v10  }
0x3e4: {  	v5 =	vand.u32 $0x38, v5;
	v12 =	vld.idx.msk [tilespmem:v12+s24+$0x0], $0xffff;
	v15 =	vadd.f32 v19, v17;
	v17 =	vmul.f32 v25, v25  }
0x3e5: {  	v5 =	vor.u32 v5, v24;
	v19 =	vld.idx.msk [tilespmem:v11+s30+$0x0], $0xffff;
	v10 =	vadd.f32 v13, v10;
	v13 =	vmul.f32 v14, v14  }
0x3e6: {  	v5 =	vor.u32 v2, v5;
	v11 =	vld.idx.msk [tilespmem:v11+s24+$0x0], $0xffff;
	v14 =	vadd.f32 v17, v15;
	v15 =	vmul.f32 v26, v26  }
0x3e7: {  	v7 =	vand.u32 $0x3F, v7;
	v17 =	vld.idx.msk [tilespmem:v16+s30+$0x0], $0xffff;
	v10 =	vadd.f32 v13, v10;
	v13 =	vmul.f32 v18, v18  }
0x3e8: {  	v7 =	vor.u32 v2, v7;
	v16 =	vld.idx.msk [tilespmem:v16+s24+$0x0], $0xffff;
	v14 =	vadd.f32 v15, v14;
	v15 =	vmul.f32 v21, v21  }
0x3e9: {  	v8 =	vand.u32 $0x3F, v8;
	v18 =	vld.idx.msk [tilespmem:v9+s30+$0x0], $0xffff;
	v12 =	vmul.f32 v12, v12;
	v10 =	vadd.f32 v13, v10  }
0x3ea: {  	v8 =	vor.u32 v2, v8;
	v9 =	vld.idx.msk [tilespmem:v9+s24+$0x0], $0xffff;
	v13 =	vadd.f32 v15, v14;
	v14 =	vmul.f32 v19, v19  }
0x3eb: {  	v11 =	vmul.f32 v11, v11;
	v15 =	vld.idx.msk [tilespmem:v5+s30+$0x0], $0xffff;
	v19 =	vand.u32 $0x3F, v22;
	v10 =	vadd.f32 v12, v10  }
0x3ec: {  	v5 =	vld.idx.msk [tilespmem:v5+s24+$0x0], $0xffff;
	v12 =	vor.u32 v2, v19;
	v13 =	vadd.f32 v14, v13;
	v14 =	vmul.f32 v17, v17  }
0x3ed: {  	v4 =	vand.u32 $0x3F, v4;
	v17 =	vld.idx.msk [tilespmem:v7+s30+$0x0], $0xffff;
	v10 =	vadd.f32 v11, v10;
	v11 =	vmul.f32 v16, v16  }
0x3ee: {  	v4 =	vor.u32 v2, v4;
	v7 =	vld.idx.msk [tilespmem:v7+s24+$0x0], $0xffff;
	v13 =	vadd.f32 v14, v13;
	v14 =	vmul.f32 v18, v18  }
0x3ef: {  	v9 =	vmul.f32 v9, v9;
	v16 =	vld.idx.msk [tilespmem:v8+s30+$0x0], $0xffff;
	v18 =	vand.u32 $0x3F, v20;
	v10 =	vadd.f32 v11, v10  }
0x3f0: {  	v8 =	vld.idx.msk [tilespmem:v8+s24+$0x0], $0xffff;
	v11 =	vor.u32 v2, v18;
	v13 =	vadd.f32 v14, v13;
	v14 =	vmul.f32 v15, v15  }
0x3f1: {  	v6 =	vand.u32 $0x3F, v6;
	v5 =	vmul.f32 v5, v5;
	v15 =	vld.idx.msk [tilespmem:v12+s30+$0x0], $0xffff;
	v9 =	vadd.f32 v9, v10  }
0x3f2: {  	v6 =	vor.u32 v2, v6;
	v10 =	vld.idx.msk [tilespmem:v12+s24+$0x0], $0xffff;
	v12 =	vadd.f32 v14, v13;
	v13 =	vmul.f32 v17, v17  }
0x3f3: {  	v3 =	vand.u32 $0x3F, v3;
	v7 =	vmul.f32 v7, v7;
	v14 =	vld.idx.msk [tilespmem:v4+s30+$0x0], $0xffff;
	v5 =	vadd.f32 v5, v9  }
0x3f4: {  	v3 =	vor.u32 v2, v3;
	v4 =	vld.idx.msk [tilespmem:v4+s24+$0x0], $0xffff;
	v9 =	vadd.f32 v13, v12;
	v12 =	vmul.f32 v16, v16  }
0x3f5: {  	v13 =	vld.idx.msk [tilespmem:v11+s30+$0x0], $0xffff;
	v5 =	vadd.f32 v7, v5;
	v7 =	vmul.f32 v8, v8  }
0x3f6: {  	v8 =	vld.idx.msk [tilespmem:v11+s24+$0x0], $0xffff;
	v11 =	vmul.f32 v15, v15;
	v9 =	vadd.f32 v12, v9  }
0x3f7: {  	v12 =	vld.idx.msk [tilespmem:v6+s30+$0x0], $0xffff;
	v5 =	vadd.f32 v7, v5;
	v7 =	vmul.f32 v10, v10  }
0x3f8: {  	v6 =	vld.idx.msk [tilespmem:v6+s24+$0x0], $0xffff;
	v10 =	vmul.f32 v14, v14;
	v9 =	vadd.f32 v11, v9  }
0x3f9: {  	v4 =	vmul.f32 v4, v4;
	v11 =	vld.idx.msk [tilespmem:v3+s30+$0x0], $0xffff;
	v5 =	vadd.f32 v7, v5  }
0x3fa: {  	v3 =	vld.idx.msk [tilespmem:v3+s24+$0x0], $0xffff;
	v7 =	vadd.f32 v10, v9;
	v9 =	vmul.f32 v13, v13  }
0x3fb: {  	v4 =	vadd.f32 v4, v5;
	v5 =	vmul.f32 v8, v8  }
0x3fc: {  	v8 =	vmul.f32 v12, v12;
	v7 =	vadd.f32 v9, v7  }
0x3fd: {  	v6 =	vmul.f32 v6, v6;
	v4 =	vadd.f32 v5, v4  }
0x3fe: {  	v5 =	vmul.f32 v11, v11;
	v7 =	vadd.f32 v8, v7  }
0x3ff: {  	v3 =	vmul.f32 v3, v3;
	v4 =	vadd.f32 v6, v4  }
0x400: {  	v5 =	vadd.f32 v5, v7  }
0x401: {  	v3 =	vadd.f32 v3, v4  }
0x402: {  	v4 =	vshra.s32 v5, $0x1  }
0x403: {  	v6 =	vmul.f32 $5.000000000e-01, v5;
	v5 =	vshra.s32 v3, $0x1;
	v3 =	vmul.f32 $5.000000000e-01, v3  }
0x404: {  	v8 =	vsub.s32 $0x5F3759DF, v5  }
0x405: {  	v4 =	vsub.s32 $0x5F3759DF, v4;
	v5 =	vmul.f32 v8, v3  }
0x406: {  	v7 =	vmul.f32 v4, v6  }
0x407: {  	v9 =	vmul.f32 v8, v5;
	v5 =	vlaneseq.u32  }
0x408: {  	v7 =	vmul.f32 v4, v7;
	v10 =	vor.u32 v2, v5  }
0x409: {  	v15 =	vadd.s32 $0x3, v5  }
0x40a: {  	v7 =	vsub.f32 $1.500000000e+00, v7;
	v15 =	vand.u32 $0x3F, v15  }
0x40b: {  	v11 =	vadd.s32 $0x1, v5;
	v19 =	vadd.s32 $0x5, v5;
	v15 =	vor.u32 v2, v15  }
0x40c: {  	v22 =	vadd.s32 $0x6, v5;
	v9 =	vsub.f32 $1.500000000e+00, v9;
	v4 =	vmul.f32 v4, v7  }
0x40d: {  	v19 =	vand.u32 $0x3F, v19;
	v22 =	vand.u32 $0x3F, v22;
	v7 =	vand.u32 $0x3F, v11;
	v13 =	vld.idx.msk [tilespmem:v10+s30+$0x0], $0xffff  }
0x40e: {  	v19 =	vor.u32 v2, v19;
	v8 =	vmul.f32 v8, v9;
	v11 =	vmul.f32 v4, v6;
	v14 =	vld.idx.msk [tilespmem:v10+s1+$0x0], $0xffff  }
0x40f: {  	v25 =	vadd.s32 $0x7, v5;
	v28 =	vadd.s32 $0x8, v5;
	v22 =	vor.u32 v2, v22;
	v10 =	vld.idx.msk [tilespmem:v10+s24+$0x0], $0xffff  }
0x410: {  	v25 =	vand.u32 $0x3F, v25;
	v12 =	vmul.f32 v8, v3;
	v11 =	vmul.f32 v11, v4;
	v20 =	vld.idx.msk [tilespmem:v15+s24+$0x0], $0xffff  }
0x411: {  	v27 =	vand.u32 $0x7, v5;
	v28 =	vand.u32 $0x38, v28;
	v25 =	vor.u32 v2, v25;
	v21 =	vld.idx.msk [tilespmem:v15+s30+$0x0], $0xffff  }
0x412: {  	v7 =	vor.u32 v2, v7;
	v12 =	vmul.f32 v12, v8;
	v15 =	vld.idx.msk [tilespmem:v15+s1+$0x0], $0xffff;
	v11 =	vsub.f32 $1.500000000e+00, v11  }
0x413: {  	v27 =	vor.u32 v28, v27;
	v9 =	vadd.s32 $0x2, v5;
	v29 =	vld.idx.msk [tilespmem:v19+s30+$0x0], $0xffff  }
0x414: {  	v9 =	vand.u32 $0x3F, v9;
	v28 =	vld.idx.msk [tilespmem:v22+s1+$0x0], $0xffff;
	v12 =	vsub.f32 $1.500000000e+00, v12;
	v4 =	vmul.f32 v11, v4  }
0x415: {  	v9 =	vor.u32 v2, v9;
	v30 =	vld.idx.msk [tilespmem:v22+s30+$0x0], $0xffff  }
0x416: {  	v18 =	vadd.s32 $0x4, v5;
	v32 =	vld.idx.msk [tilespmem:v25+s30+$0x0], $0xffff;
	v8 =	vmul.f32 v12, v8;
	v6 =	vmul.f32 v4, v6  }
0x417: {  	v18 =	vand.u32 $0x3F, v18;
	v16 =	vld.idx.msk [tilespmem:v7+s24+$0x0], $0xffff  }
0x418: {  	v17 =	vld.idx.msk [tilespmem:v7+s1+$0x0], $0xffff;
	v12 =	vor.u32 v2, v18;
	v3 =	vmul.f32 v8, v3;
	v6 =	vmul.f32 v6, v4  }
0x419: {  	v7 =	vld.idx.msk [tilespmem:v7+s30+$0x0], $0xffff  }
0x41a: {  	v26 =	vadd.s32 $0xF, v5;
	v11 =	vld.idx.msk [tilespmem:v9+s24+$0x0], $0xffff;
	v3 =	vmul.f32 v3, v8;
	v6 =	vsub.f32 $1.500000000e+00, v6  }
0x41b: {  	v26 =	vand.u32 $0x3F, v26;
	v18 =	vld.idx.msk [tilespmem:v9+s30+$0x0], $0xffff  }
0x41c: {  	v26 =	vor.u32 v2, v26;
	v9 =	vld.idx.msk [tilespmem:v9+s1+$0x0], $0xffff;
	v24 =	vsub.f32 $1.500000000e+00, v3;
	v3 =	vmul.f32 v6, v4  }
0x41d: {  	v31 =	vadd.s32 $0xA, v5;
	v23 =	vld.idx.msk [tilespmem:v12+s24+$0x0], $0xffff  }
0x41e: {  	v31 =	vand.u32 $0x3F, v31;
	v6 =	vld.idx.msk [tilespmem:v12+s1+$0x0], $0xffff;
	v4 =	vmul.f32 v24, v8;
	v13 =	vmul.f32 v13, v3  }
0x41f: {  	v31 =	vor.u32 v2, v31;
	v12 =	vld.idx.msk [tilespmem:v12+s30+$0x0], $0xffff;
	v21 =	vmul.f32 v21, v3;
	v7 =	vmul.f32 v7, v3  }
0x420: {  	v27 =	vor.u32 v2, v27;
	v24 =	vld.idx.msk [tilespmem:v19+s24+$0x0], $0xffff;
	v18 =	vmul.f32 v18, v3;
	v16 =	vmul.f32 v16, v4  }
0x421: {  	v33 =	vld.idx.msk [tilespmem:v26+s24+$0x0], $0xffff;
	v10 =	vmul.f32 v10, v4;
	v20 =	vmul.f32 v20, v4;
	v13 =	vadd.f32 v14, v13  }
0x422: {  	v14 =	vadd.s32 $0x9, v5;
	v15 =	vadd.f32 v15, v21;
	v21 =	vld.idx.msk [tilespmem:v25+s1+$0x0], $0xffff;
	v7 =	vadd.f32 v17, v7  }
0x423: {  	v25 =	vld.idx.msk [tilespmem:v25+s24+$0x0], $0xffff;
	v9 =	vadd.f32 v9, v18;
	v14 =	vand.u32 $0x3F, v14;
	v13 =	vsub.f32 v13, v10  }
0x424: {  	v19 =	vld.idx.msk [tilespmem:v19+s1+$0x0], $0xffff;
	v10 =	vmul.f32 v12, v3;
	v12 =	vmul.f32 v11, v4;
	v11 =	vsub.f32 v15, v20  }
0x425: {  	v18 =	vld.idx.msk [tilespmem:v27+s24+$0x0], $0xffff;
	v15 =	vmul.f32 v23, v4;
	v23 =	vmul.f32 v24, v4;
	v7 =	vsub.f32 v7, v16  }
0x426: {  	v20 =	vld.idx.msk [tilespmem:v22+s24+$0x0], $0xffff;
	v16 =	vmul.f32 v30, v3;
	v6 =	vadd.f32 v6, v10;
	v10 =	vand.u32 $0x7FFFFFFF, v11  }
0x427: {  	v11 =	vld.idx.msk [tilespmem:v27+s1+$0x0], $0xffff;
	v17 =	vsub.f32 v9, v12;
	v22 =	vand.u32 $0x7FFFFFFF, v13;
	v13 =	vmul.f32 v32, v3  }
0x428: {  	v9 =	vld.idx.msk [tilespmem:v26+s1+$0x0], $0xffff;
	v24 =	vmul.f32 v25, v4;
	v12 =	vsub.f32 v6, v15;
	v15 =	vadd.s32 $0xB, v5  }
0x429: {  	v25 =	vld.idx.msk [tilespmem:v26+s30+$0x0], $0xffff;
	v13 =	vadd.f32 v21, v13;
	v21 =	vadd.f32 v28, v16;
	v28 =	vor.u32 v2, v14  }
0x42a: {  	v8 =	vimm.f32 $0.0e+00;
	v26 =	vld.idx.msk [tilespmem:v27+s30+$0x0], $0xffff;
	v15 =	vand.u32 $0x3F, v15  }
0x42b: {  	v27 =	vadd.s32 $0xD, v5;
	v8 =	vadd.f32 v22, v8;
	v6 =	vld.idx.msk [tilespmem:v31+s1+$0x0], $0xffff;
	v63 =	vor.u32 v2, v15  }
0x42c: {  	v18 =	vmul.f32 v18, v4;
	v16 =	vld.idx.msk [tilespmem:v31+s24+$0x0], $0xffff;
	v13 =	vsub.f32 v13, v24;
	v24 =	vmul.f32 v29, v3  }
0x42d: {  	v17 =	vand.u32 $0x7FFFFFFF, v17;
	v14 =	vadd.s32 $0xC, v5;
	v27 =	vand.u32 $0x3F, v27;
	v15 =	vld.idx.msk [tilespmem:v31+s30+$0x0], $0xffff  }
0x42e: {  	v30 =	vmul.f32 v20, v4;
	v14 =	vand.u32 $0x3F, v14;
	v31 =	vadd.f32 v19, v24;
	v19 =	vld.idx.msk [tilespmem:v28+s24+$0x0], $0xffff  }
0x42f: {  	v12 =	vand.u32 $0x7FFFFFFF, v12;
	v20 =	vor.u32 v2, v14;
	v29 =	vadd.s32 $0xE, v5;
	v22 =	vld.idx.msk [tilespmem:v28+s1+$0x0], $0xffff  }
0x430: {  	v5 =	vadd.s32 $0x10, v5;
	v34 =	vsub.f32 v21, v30;
	v21 =	vor.u32 v2, v27;
	v24 =	vld.idx.msk [tilespmem:v63+s24+$0x0], $0xffff  }
0x431: {  	v27 =	vand.u32 $0x3F, v29;
	v29 =	vand.u32 $0x7FFFFFFF, v7;
	v14 =	vand.u32 $0x7FFFFFFF, v13;
	v28 =	vld.idx.msk [tilespmem:v28+s30+$0x0], $0xffff  }
0x432: {  	v7 =	vor.u32 v2, v27;
	v30 =	vadd.f32 v29, v8;
	v29 =	vsub.f32 v31, v23;
	v13 =	vld.idx.msk [tilespmem:v63+s1+$0x0], $0xffff  }
0x433: {  	s23 =	simm.s32 $0x3;
	v8 =	vmul.f32 v33, v4;
	v27 =	vand.u32 $0x7FFFFFFF, v34;
	v23 =	vmul.f32 v25, v3;
	v25 =	vld.idx.msk [tilespmem:v63+s30+$0x0], $0xffff  }
.LBB2_23:
0x434: {  	p0 =	sne.s32 s23, $0x1;
	s23 =	sadd.s32 $0xFFFFFFFF, s23;
	v17 =	vadd.f32 v17, v30;
	v29 =	vand.u32 $0x7FFFFFFF, v29;
	v26 =	vmul.f32 v26, v3;
	v30 =	vld.idx.msk [tilespmem:v20+s1+$0x0], $0xffff  }
0x435: {  	v24 =	vmul.f32 v24, v4;
	v23 =	vadd.f32 v9, v23;
	v5 =	vand.u32 $0x3F, v5;
	v31 =	vld.idx.msk [tilespmem:v20+s24+$0x0], $0xffff  }
0x436: {  	v32 =	vor.u32 v2, v5;
	v33 =	vadd.s32 $0x1, v5;
	v10 =	vadd.f32 v10, v17;
	v9 =	vld.idx.msk [tilespmem:v21+s1+$0x0], $0xffff  }
0x437: {  	v17 =	vand.u32 $0x3F, v33;
	v33 =	vadd.s32 $0x2, v5;
	v11 =	vadd.f32 v11, v26;
	v26 =	vld.idx.msk [tilespmem:v21+s24+$0x0], $0xffff  }
0x438: {  	v34 =	vadd.s32 $0xF, v5;
	v33 =	vand.u32 $0x3F, v33;
	v10 =	vadd.f32 v12, v10;
	v12 =	vld.idx.msk [tilespmem:v20+s30+$0x0], $0xffff  }
0x439: {  	v8 =	vsub.f32 v23, v8;
	v17 =	vor.u32 v2, v17;
	v20 =	vor.u32 v2, v33;
	v33 =	vld.idx.msk [tilespmem:v7+s24+$0x0], $0xffff  }
0x43a: {  	v15 =	vmul.f32 v15, v3;
	v16 =	vmul.f32 v16, v4;
	v10 =	vadd.f32 v29, v10;
	v21 =	vld.idx.msk [tilespmem:v21+s30+$0x0], $0xffff  }
0x43b: {  	v28 =	vmul.f32 v28, v3;
	v29 =	vand.u32 $0x3F, v34;
	v31 =	vmul.f32 v31, v4;
	v23 =	vld.idx.msk [tilespmem:v32+s30+$0x0], $0xffff  }
0x43c: {  	v35 =	vand.u32 $0x7, v5;
	v25 =	vmul.f32 v25, v3;
	v34 =	vld.idx.msk [tilespmem:v32+s1+$0x0], $0xffff;
	v10 =	vadd.f32 v27, v10  }
0x43d: {  	v19 =	vmul.f32 v19, v4;
	v22 =	vadd.f32 v22, v28;
	v27 =	vld.idx.msk [tilespmem:v32+s24+$0x0], $0xffff;
	v32 =	vadd.s32 $0x3, v5  }
0x43e: {  	v13 =	vadd.f32 v13, v25;
	v28 =	vld.idx.msk [tilespmem:v17+s24+$0x0], $0xffff;
	v32 =	vand.u32 $0x3F, v32;
	v10 =	vadd.f32 v14, v10  }
0x43f: {  	v26 =	vmul.f32 v26, v4;
	v14 =	vld.idx.msk [tilespmem:v17+s1+$0x0], $0xffff;
	v25 =	vor.u32 v2, v32;
	v32 =	vadd.s32 $0x4, v5  }
0x440: {  	v11 =	vsub.f32 v11, v18;
	v18 =	vmul.f32 v33, v4;
	v36 =	vld.idx.msk [tilespmem:v20+s24+$0x0], $0xffff;
	v32 =	vand.u32 $0x3F, v32  }
0x441: {  	v13 =	vsub.f32 v13, v24;
	v23 =	vmul.f32 v23, v3;
	v17 =	vld.idx.msk [tilespmem:v17+s30+$0x0], $0xffff;
	v32 =	vor.u32 v2, v32  }
0x442: {  	v37 =	vadd.s32 $0x8, v5;
	v11 =	vand.u32 $0x7FFFFFFF, v11;
	v33 =	vadd.s32 $0x5, v5;
	v24 =	vld.idx.msk [tilespmem:v20+s30+$0x0], $0xffff  }
0x443: {  	v6 =	vadd.f32 v6, v15;
	v33 =	vand.u32 $0x3F, v33;
	v23 =	vadd.f32 v34, v23;
	v20 =	vld.idx.msk [tilespmem:v20+s1+$0x0], $0xffff  }
0x444: {  	v13 =	vand.u32 $0x7FFFFFFF, v13;
	v33 =	vor.u32 v2, v33;
	v34 =	vadd.s32 $0x6, v5;
	v15 =	vld.idx.msk [tilespmem:v25+s24+$0x0], $0xffff  }
0x445: {  	v39 =	vadd.s32 $0x9, v5;
	v6 =	vsub.f32 v6, v16;
	v19 =	vsub.f32 v22, v19;
	v38 =	vld.idx.msk [tilespmem:v25+s30+$0x0], $0xffff  }
0x446: {  	v10 =	vadd.f32 v11, v10;
	v11 =	vmul.f32 v12, v3;
	v16 =	vmul.f32 v28, v4;
	v22 =	vld.idx.msk [tilespmem:v32+s24+$0x0], $0xffff  }
0x447: {  	v19 =	vand.u32 $0x7FFFFFFF, v19;
	v12 =	vmul.f32 v17, v3;
	v17 =	vmul.f32 v36, v4;
	v25 =	vld.idx.msk [tilespmem:v25+s1+$0x0], $0xffff  }
0x448: {  	v27 =	vmul.f32 v27, v4;
	v11 =	vadd.f32 v30, v11;
	v24 =	vmul.f32 v24, v3;
	v28 =	vld.idx.msk [tilespmem:v32+s1+$0x0], $0xffff  }
0x449: {  	v19 =	vadd.f32 v19, v10;
	v34 =	vand.u32 $0x3F, v34;
	v36 =	vadd.s32 $0x7, v5;
	v30 =	vld.idx.msk [tilespmem:v33+s24+$0x0], $0xffff  }
0x44a: {  	v11 =	vsub.f32 v11, v31;
	v10 =	vld.idx.msk [tilespmem:v32+s30+$0x0], $0xffff;
	v32 =	vor.u32 v2, v34;
	v34 =	vand.u32 $0x3F, v36  }
0x44b: {  	v23 =	vsub.f32 v23, v27;
	v12 =	vadd.f32 v14, v12;
	v14 =	vmul.f32 v38, v3;
	v27 =	vld.idx.msk [tilespmem:v33+s30+$0x0], $0xffff  }
0x44c: {  	v36 =	vand.u32 $0x7FFFFFFF, v11;
	v31 =	vld.idx.msk [tilespmem:v33+s1+$0x0], $0xffff;
	v33 =	vor.u32 v2, v34;
	v34 =	vand.u32 $0x38, v37  }
0x44d: {  	v11 =	vadd.f32 v25, v14;
	v14 =	vmul.f32 v15, v4;
	v15 =	vmul.f32 v21, v3;
	v21 =	vld.idx.msk [tilespmem:v7+s30+$0x0], $0xffff  }
0x44e: {  	v6 =	vand.u32 $0x7FFFFFFF, v6;
	v25 =	vor.u32 v34, v35;
	v34 =	vand.u32 $0x3F, v39;
	v7 =	vld.idx.msk [tilespmem:v7+s1+$0x0], $0xffff  }
0x44f: {  	v20 =	vadd.f32 v20, v24;
	v11 =	vsub.f32 v11, v14;
	v24 =	vor.u32 v2, v25;
	v14 =	vld.idx.msk [tilespmem:v32+s1+$0x0], $0xffff  }
0x450: {  	v22 =	vmul.f32 v22, v4;
	v9 =	vadd.f32 v9, v15;
	v25 =	vmul.f32 v10, v3;
	v35 =	vld.idx.msk [tilespmem:v32+s30+$0x0], $0xffff  }
0x451: {  	v6 =	vadd.f32 v6, v19;
	v37 =	vmul.f32 v30, v4;
	v10 =	vand.u32 $0x7FFFFFFF, v11;
	v15 =	vld.idx.msk [tilespmem:v33+s1+$0x0], $0xffff  }
0x452: {  	v9 =	vsub.f32 v9, v26;
	v11 =	vadd.f32 v28, v25;
	v25 =	vadd.s32 $0xA, v5;
	v19 =	vld.idx.msk [tilespmem:v33+s30+$0x0], $0xffff  }
0x453: {  	v28 =	vor.u32 v2, v29;
	v25 =	vand.u32 $0x3F, v25;
	v21 =	vmul.f32 v21, v3;
	v26 =	vld.idx.msk [tilespmem:v33+s24+$0x0], $0xffff  }
0x454: {  	v17 =	vsub.f32 v20, v17;
	v11 =	vsub.f32 v11, v22;
	v22 =	vor.u32 v2, v25;
	v20 =	vld.idx.msk [tilespmem:v32+s24+$0x0], $0xffff  }
0x455: {  	v23 =	vand.u32 $0x7FFFFFFF, v23;
	v25 =	vsub.f32 v12, v16;
	v16 =	vand.u32 $0x7FFFFFFF, v9;
	v29 =	vld.idx.msk [tilespmem:v24+s24+$0x0], $0xffff  }
0x456: {  	v7 =	vadd.f32 v7, v21;
	v12 =	vand.u32 $0x7FFFFFFF, v11;
	v9 =	vmul.f32 v35, v3  }
0x457: {  	v13 =	vadd.f32 v13, v6;
	v17 =	vand.u32 $0x7FFFFFFF, v17;
	v21 =	vadd.s32 $0xB, v5;
	v11 =	vld.idx.msk [tilespmem:v24+s1+$0x0], $0xffff  }
0x458: {  	v7 =	vsub.f32 v7, v18;
	v30 =	vadd.f32 v14, v9;
	v14 =	vmul.f32 v19, v3;
	v9 =	vld.idx.msk [tilespmem:v28+s1+$0x0], $0xffff  }
0x459: {  	v13 =	vadd.f32 v36, v13;
	v19 =	vand.u32 $0x3F, v21;
	v18 =	vmul.f32 v26, v4;
	v6 =	vld.idx.msk [tilespmem:v22+s1+$0x0], $0xffff  }
0x45a: {  	v32 =	vor.u32 v2, v34;
	v33 =	vor.u32 v2, v19;
	v14 =	vadd.f32 v15, v14;
	v34 =	vld.idx.msk [tilespmem:v28+s24+$0x0], $0xffff  }
0x45b: {  	v13 =	vadd.f32 v16, v13;
	v19 =	vmul.f32 v20, v4;
	v20 =	vadd.s32 $0xC, v5;
	v35 =	vld.idx.msk [tilespmem:v28+s30+$0x0], $0xffff  }
0x45c: {  	v7 =	vand.u32 $0x7FFFFFFF, v7;
	v14 =	vsub.f32 v14, v18;
	v18 =	vand.u32 $0x3F, v20;
	v15 =	vld.idx.msk [tilespmem:v22+s30+$0x0], $0xffff  }
0x45d: {  	v21 =	vmul.f32 v27, v3;
	v7 =	vadd.f32 v7, v13;
	v20 =	vor.u32 v2, v18;
	v16 =	vld.idx.msk [tilespmem:v22+s24+$0x0], $0xffff  }
0x45e: {  	v8 =	vand.u32 $0x7FFFFFFF, v8;
	v18 =	vadd.s32 $0xD, v5;
	v14 =	vand.u32 $0x7FFFFFFF, v14;
	v26 =	vld.idx.msk [tilespmem:v24+s30+$0x0], $0xffff  }
0x45f: {  	v7 =	vadd.f32 v8, v7;
	v18 =	vand.u32 $0x3F, v18;
	v22 =	vadd.s32 $0xE, v5;
	v13 =	vld.idx.msk [tilespmem:v33+s1+$0x0], $0xffff  }
.Ltmp10:
0x460: {  	v8 =	vadd.f32 v31, v21;
	v27 =	vsub.f32 v30, v19;
	v21 =	vor.u32 v2, v18;
	v24 =	vld.idx.msk [tilespmem:v33+s24+$0x0], $0xffff;
	(pc) =	sbr.rel @p0 .LBB2_23-.Ltmp10, $4  }
0x461: {  	v23 =	vadd.f32 v23, v7;
	v7 =	vand.u32 $0x3F, v22;
	v19 =	vld.idx.msk [tilespmem:v32+s24+$0x0], $0xffff  }
0x462: {  	v25 =	vand.u32 $0x7FFFFFFF, v25;
	v18 =	vmul.f32 v29, v4;
	v7 =	vor.u32 v2, v7;
	v22 =	vld.idx.msk [tilespmem:v32+s1+$0x0], $0xffff  }
0x463: {  	v29 =	vsub.f32 v8, v37;
	v30 =	vadd.f32 v25, v23;
	v23 =	vmul.f32 v35, v3;
	v28 =	vld.idx.msk [tilespmem:v32+s30+$0x0], $0xffff  }
0x464: {  	v27 =	vand.u32 $0x7FFFFFFF, v27;
	v5 =	vadd.s32 $0x10, v5;
	v8 =	vmul.f32 v34, v4;
	v25 =	vld.idx.msk [tilespmem:v33+s30+$0x0], $0xffff  }
0x465: {  	v2 =	vadd.f32 v17, v30;
	_ =	sdelay $0x1  }
0x466: {  	v2 =	vadd.f32 v10, v2;
	_ =	sdelay $0x1  }
0x467: {  	v2 =	vadd.f32 v12, v2  }
0x468: {  	v5 =	vand.u32 $0x7FFFFFFF, v29;
	v43 =	vmul.f32 v26, v3  }
0x469: {  	v44 =	vld.idx.msk [tilespmem:v20+s1+$0x0], $0xffff;
	v2 =	vadd.f32 v5, v2  }
0x46a: {  	v45 =	vld.idx.msk [tilespmem:v20+s24+$0x0], $0xffff;
	v10 =	vadd.f32 v11, v43;
	v46 =	vmul.f32 v28, v3  }
0x46b: {  	v47 =	vld.idx.msk [tilespmem:v20+s30+$0x0], $0xffff;
	v15 =	vmul.f32 v15, v3;
	v2 =	vadd.f32 v27, v2  }
0x46c: {  	v49 =	vld.idx.msk [tilespmem:v21+s30+$0x0], $0xffff;
	v19 =	vmul.f32 v19, v4;
	v10 =	vsub.f32 v10, v18;
	v11 =	vadd.f32 v22, v46  }
0x46d: {  	v48 =	vld.idx.msk [tilespmem:v21+s1+$0x0], $0xffff;
	v16 =	vmul.f32 v16, v4;
	v6 =	vadd.f32 v6, v15;
	v2 =	vadd.f32 v14, v2  }
0x46e: {  	v53 =	vld.idx.msk [tilespmem:v7+s30+$0x0], $0xffff;
	v50 =	vmul.f32 v25, v3;
	v10 =	vand.u32 $0x7FFFFFFF, v10;
	v11 =	vsub.f32 v11, v19  }
0x46f: {  	v51 =	vld.idx.msk [tilespmem:v21+s24+$0x0], $0xffff;
	v52 =	vmul.f32 v24, v4;
	v6 =	vsub.f32 v6, v16;
	v2 =	vadd.f32 v10, v2  }
0x470: {  	v54 =	vld.idx.msk [tilespmem:v7+s24+$0x0], $0xffff;
	v55 =	vmul.f32 v47, v3;
	v13 =	vadd.f32 v13, v50;
	v11 =	vand.u32 $0x7FFFFFFF, v11  }
0x471: {  	v56 =	vld.idx.msk [tilespmem:v7+s1+$0x0], $0xffff;
	v58 =	vmul.f32 v49, v3;
	v5 =	vmul.f32 v45, v4;
	v2 =	vadd.f32 v11, v2  }
0x472: {  	v6 =	vand.u32 $0x7FFFFFFF, v6;
	v57 =	vadd.f32 v44, v55;
	v13 =	vsub.f32 v13, v52  }
0x473: {  	v3 =	vmul.f32 v53, v3;
	v59 =	vadd.f32 v48, v58;
	v2 =	vadd.f32 v6, v2  }
0x474: {  	v5 =	vsub.f32 v57, v5;
	v14 =	vmul.f32 v51, v4;
	v13 =	vand.u32 $0x7FFFFFFF, v13  }
0x475: {  	v60 =	vmul.f32 v54, v4;
	v2 =	vadd.f32 v13, v2  }
0x476: {  	v3 =	vadd.f32 v56, v3;
	v5 =	vand.u32 $0x7FFFFFFF, v5;
	v6 =	vsub.f32 v59, v14  }
0x477: {  	v2 =	vadd.f32 v5, v2  }
0x478: {  	v61 =	vadd.f32 v9, v23;
	v3 =	vsub.f32 v3, v60;
	v6 =	vand.u32 $0x7FFFFFFF, v6  }
0x479: {  	s18 =	sadd.s32 $0x1, s18;
	v2 =	vadd.f32 v6, v2  }
0x47a: {  	v63 =	vadd.s32 $0x100, v1;
	p0 =	sne.s32 s18, $0x10;
	v62 =	vsub.f32 v61, v8;
	v3 =	vand.u32 $0x7FFFFFFF, v3  }
.Ltmp11:
0x47b: {  	v2 =	vadd.f32 v3, v2;
	(pc) =	sbr.rel @p0 .LBB2_20-.Ltmp11, $3  }
0x47c: {  	v3 =	vand.u32 $0x7FFFFFFF, v62  }
0x47d: {  	v2 =	vadd.f32 v3, v2;
	_ =	sdelay $0x1  }
0x47e: {  	v1 =	vadd.s32 $0x10, v1;
	[tilespmem:v63+s16+$0x0] =	vst.idx.msk $0xffff, v2  }
0x47f: {  	v0 =	vld [tilespmem:$0x18C00]  }
0x480: {  	v1 =	vld [tilespmem:$0x18E00]  }
0x481: {  	v2 =	vld [tilespmem:$0x18C10]  }
0x482: {  	v3 =	vld [tilespmem:$0x18E10]  }
0x483: {  	v4 =	vld [tilespmem:$0x18C20]  }
0x484: {  	v5 =	vld [tilespmem:$0x18E20]  }
0x485: {  	v6 =	vld [tilespmem:$0x18C30]  }
0x486: {  	v56 =	vld [tilespmem:$0x18E30];
	_ =	sdelay $0x1  }
0x487: {  	v57 =	vld [tilespmem:$0x18C40];
	v0 =	vsub.f32 v0, v1;
	v2 =	vsub.f32 v2, v3  }
0x488: {  	v7 =	vld [tilespmem:$0x18E40];
	v4 =	vsub.f32 v4, v5  }
0x489: {  	v58 =	vld [tilespmem:$0x18C50];
	v0 =	vadd.f32 $1.000000000e+00, v0;
	v2 =	vadd.f32 $1.000000000e+00, v2  }
0x48a: {  	v8 =	vld [tilespmem:$0x18E50];
	v1 =	vsub.f32 v6, v56  }
0x48b: {  	v59 =	vld [tilespmem:$0x18C60];
	v4 =	vadd.f32 $1.000000000e+00, v4;
	v0 =	vmax.f32 v0, $0.0e+00;
	v2 =	vmax.f32 v2, $0.0e+00  }
0x48c: {  	v60 =	vld [tilespmem:$0x18E60];
	v0 =	vadd.f32 v2, v0  }
0x48d: {  	v61 =	vld [tilespmem:$0x18C70];
	v3 =	vsub.f32 v57, v7;
	v1 =	vadd.f32 $1.000000000e+00, v1;
	v4 =	vmax.f32 v4, $0.0e+00  }
0x48e: {  	v62 =	vld [tilespmem:$0x18E70];
	v0 =	vadd.f32 v4, v0  }
0x48f: {  	v63 =	vld [tilespmem:$0x18C80];
	v5 =	vsub.f32 v58, v8;
	v3 =	vadd.f32 $1.000000000e+00, v3;
	v1 =	vmax.f32 v1, $0.0e+00  }
0x490: {  	v12 =	vld [tilespmem:$0x18E80];
	v0 =	vadd.f32 v1, v0  }
0x491: {  	v13 =	vld [tilespmem:$0x18C90];
	v5 =	vadd.f32 $1.000000000e+00, v5;
	v3 =	vmax.f32 v3, $0.0e+00;
	v2 =	vsub.f32 v59, v60  }
0x492: {  	v14 =	vld [tilespmem:$0x18E90];
	v0 =	vadd.f32 v3, v0  }
0x493: {  	v15 =	vld [tilespmem:$0x18CA0];
	v5 =	vmax.f32 v5, $0.0e+00;
	v2 =	vadd.f32 $1.000000000e+00, v2;
	v4 =	vsub.f32 v61, v62  }
0x494: {  	v16 =	vld [tilespmem:$0x18EA0];
	v0 =	vadd.f32 v5, v0  }
0x495: {  	v17 =	vld [tilespmem:$0x18CB0];
	v2 =	vmax.f32 v2, $0.0e+00;
	v4 =	vadd.f32 $1.000000000e+00, v4;
	v1 =	vsub.f32 v63, v12  }
0x496: {  	v18 =	vld [tilespmem:$0x18EB0];
	v0 =	vadd.f32 v2, v0  }
0x497: {  	v19 =	vld [tilespmem:$0x18CC0];
	v4 =	vmax.f32 v4, $0.0e+00;
	v1 =	vadd.f32 $1.000000000e+00, v1;
	v3 =	vsub.f32 v13, v14  }
0x498: {  	v20 =	vld [tilespmem:$0x18EC0];
	v0 =	vadd.f32 v4, v0  }
0x499: {  	v21 =	vld [tilespmem:$0x18CD0];
	v1 =	vmax.f32 v1, $0.0e+00;
	v3 =	vadd.f32 $1.000000000e+00, v3;
	v5 =	vsub.f32 v15, v16  }
0x49a: {  	v22 =	vld [tilespmem:$0x18ED0];
	v0 =	vadd.f32 v1, v0  }
0x49b: {  	v23 =	vld [tilespmem:$0x18CE0];
	v3 =	vmax.f32 v3, $0.0e+00;
	v5 =	vadd.f32 $1.000000000e+00, v5;
	v2 =	vsub.f32 v17, v18  }
0x49c: {  	v24 =	vld [tilespmem:$0x18EE0];
	v0 =	vadd.f32 v3, v0  }
0x49d: {  	v25 =	vld [tilespmem:$0x18CF0];
	v5 =	vmax.f32 v5, $0.0e+00;
	v2 =	vadd.f32 $1.000000000e+00, v2;
	v4 =	vsub.f32 v19, v20  }
0x49e: {  	v26 =	vld [tilespmem:$0x18EF0];
	v0 =	vadd.f32 v5, v0  }
0x49f: {  	v27 =	vld [tilespmem:$0x18D00];
	v2 =	vmax.f32 v2, $0.0e+00;
	v4 =	vadd.f32 $1.000000000e+00, v4;
	v1 =	vsub.f32 v21, v22  }
0x4a0: {  	v28 =	vld [tilespmem:$0x18F00];
	v0 =	vadd.f32 v2, v0  }
0x4a1: {  	v29 =	vld [tilespmem:$0x18D10];
	v4 =	vmax.f32 v4, $0.0e+00;
	v1 =	vadd.f32 $1.000000000e+00, v1;
	v3 =	vsub.f32 v23, v24  }
0x4a2: {  	v30 =	vld [tilespmem:$0x18F10];
	v0 =	vadd.f32 v4, v0  }
0x4a3: {  	v31 =	vld [tilespmem:$0x18D20];
	v1 =	vmax.f32 v1, $0.0e+00;
	v3 =	vadd.f32 $1.000000000e+00, v3;
	v5 =	vsub.f32 v25, v26  }
0x4a4: {  	v32 =	vld [tilespmem:$0x18F20];
	v0 =	vadd.f32 v1, v0  }
0x4a5: {  	v33 =	vld [tilespmem:$0x18D30];
	v3 =	vmax.f32 v3, $0.0e+00;
	v5 =	vadd.f32 $1.000000000e+00, v5;
	v2 =	vsub.f32 v27, v28  }
0x4a6: {  	v34 =	vld [tilespmem:$0x18F30];
	v0 =	vadd.f32 v3, v0  }
0x4a7: {  	v35 =	vld [tilespmem:$0x18D40];
	v5 =	vmax.f32 v5, $0.0e+00;
	v2 =	vadd.f32 $1.000000000e+00, v2;
	v4 =	vsub.f32 v29, v30  }
0x4a8: {  	v36 =	vld [tilespmem:$0x18F40];
	v0 =	vadd.f32 v5, v0  }
0x4a9: {  	v37 =	vld [tilespmem:$0x18D50];
	v2 =	vmax.f32 v2, $0.0e+00;
	v4 =	vadd.f32 $1.000000000e+00, v4;
	v1 =	vsub.f32 v31, v32  }
0x4aa: {  	v38 =	vld [tilespmem:$0x18F50];
	v0 =	vadd.f32 v2, v0  }
0x4ab: {  	v39 =	vld [tilespmem:$0x18D60];
	v4 =	vmax.f32 v4, $0.0e+00;
	v1 =	vadd.f32 $1.000000000e+00, v1;
	v3 =	vsub.f32 v33, v34  }
0x4ac: {  	v40 =	vld [tilespmem:$0x18F60];
	v0 =	vadd.f32 v4, v0  }
0x4ad: {  	v41 =	vld [tilespmem:$0x18D70];
	v1 =	vmax.f32 v1, $0.0e+00;
	v3 =	vadd.f32 $1.000000000e+00, v3;
	v5 =	vsub.f32 v35, v36  }
0x4ae: {  	v42 =	vld [tilespmem:$0x18F70];
	v0 =	vadd.f32 v1, v0  }
0x4af: {  	v43 =	vld [tilespmem:$0x18D80];
	v3 =	vmax.f32 v3, $0.0e+00;
	v5 =	vadd.f32 $1.000000000e+00, v5;
	v2 =	vsub.f32 v37, v38  }
0x4b0: {  	v44 =	vld [tilespmem:$0x18F80];
	v0 =	vadd.f32 v3, v0  }
0x4b1: {  	v45 =	vld [tilespmem:$0x18D90];
	v5 =	vmax.f32 v5, $0.0e+00;
	v2 =	vadd.f32 $1.000000000e+00, v2;
	v4 =	vsub.f32 v39, v40  }
0x4b2: {  	v46 =	vld [tilespmem:$0x18F90];
	v0 =	vadd.f32 v5, v0  }
0x4b3: {  	v47 =	vld [tilespmem:$0x18DA0];
	v2 =	vmax.f32 v2, $0.0e+00;
	v4 =	vadd.f32 $1.000000000e+00, v4;
	v1 =	vsub.f32 v41, v42  }
0x4b4: {  	v48 =	vld [tilespmem:$0x18FA0];
	v0 =	vadd.f32 v2, v0  }
0x4b5: {  	v49 =	vld [tilespmem:$0x18DB0];
	v4 =	vmax.f32 v4, $0.0e+00;
	v1 =	vadd.f32 $1.000000000e+00, v1;
	v3 =	vsub.f32 v43, v44  }
0x4b6: {  	v50 =	vld [tilespmem:$0x18FB0];
	v0 =	vadd.f32 v4, v0  }
0x4b7: {  	v51 =	vld [tilespmem:$0x18DC0];
	v1 =	vmax.f32 v1, $0.0e+00;
	v3 =	vadd.f32 $1.000000000e+00, v3;
	v5 =	vsub.f32 v45, v46  }
0x4b8: {  	v52 =	vld [tilespmem:$0x18FC0];
	v0 =	vadd.f32 v1, v0  }
0x4b9: {  	v53 =	vld [tilespmem:$0x18DD0];
	v3 =	vmax.f32 v3, $0.0e+00;
	v5 =	vadd.f32 $1.000000000e+00, v5;
	v2 =	vsub.f32 v47, v48  }
0x4ba: {  	v54 =	vld [tilespmem:$0x18FD0];
	v0 =	vadd.f32 v3, v0  }
0x4bb: {  	v55 =	vld [tilespmem:$0x18DE0];
	v5 =	vmax.f32 v5, $0.0e+00;
	v2 =	vadd.f32 $1.000000000e+00, v2;
	v4 =	vsub.f32 v49, v50  }
0x4bc: {  	v56 =	vld [tilespmem:$0x18FE0];
	v0 =	vadd.f32 v5, v0  }
0x4bd: {  	v57 =	vld [tilespmem:$0x18DF0];
	v2 =	vmax.f32 v2, $0.0e+00;
	v4 =	vadd.f32 $1.000000000e+00, v4;
	v1 =	vsub.f32 v51, v52  }
0x4be: {  	v58 =	vld [tilespmem:$0x18FF0];
	v0 =	vadd.f32 v2, v0  }
0x4bf: {  	v3 =	vsub.f32 v53, v54;
	v4 =	vmax.f32 v4, $0.0e+00;
	v1 =	vadd.f32 $1.000000000e+00, v1  }
0x4c0: {  	v0 =	vadd.f32 v4, v0  }
0x4c1: {  	v59 =	vsub.f32 v55, v56;
	v1 =	vmax.f32 v1, $0.0e+00;
	v3 =	vadd.f32 $1.000000000e+00, v3  }
0x4c2: {  	v0 =	vadd.f32 v1, v0  }
0x4c3: {  	v60 =	vsub.f32 v57, v58;
	v62 =	vadd.f32 $1.000000000e+00, v59;
	v61 =	vmax.f32 v3, $0.0e+00  }
0x4c4: {  	v0 =	vadd.f32 v61, v0  }
0x4c5: {  	v63 =	vmax.f32 v62, $0.0e+00;
	v1 =	vadd.f32 $1.000000000e+00, v60  }
0x4c6: {  	v0 =	vadd.f32 v63, v0  }
0x4c7: {  	v1 =	vmax.f32 v1, $0.0e+00  }
0x4c8: {  	s17 =	sadd.s32 $0x1, s17;
	v0 =	vadd.f32 v1, v0  }
0x4c9: {  	p0 =	sne.s32 s17, s12  }
.Ltmp12:
0x4ca: {  	s18 =	simm.s32 $0x19000;
	[tilespmem:$0x19000] =	vst v0;
	(pc) =	sbr.rel @p0 .LBB2_1-.Ltmp12, $4  }
0x4cb: {  	[hbm4b:s11+s2] =	stream.linear.scatter [tilespmem:s18], [sflag:$0x3], $0x10, $0x38;
	[tilespmem:$0x19010] =	vst v63  }
0x4cc: {  	_ =	swait.ge [sflag:s13], $0x10  }
0x4cd: {  	[sflag:s13] =	ssyncset.done $0x0  }
0x4ce: {  	[sflag:s13] =	ssyncadd.s32 $0xFFFFFFF0  }
0x4cf: {  	_ =	sfence.sel $0x180000  }
0x4d0: {  	[bflag:$0x0] =	sbarrier.arrive $0xFFFF  }
0x4d1: {  	_ =	strace $0x90000047  }
0x4d2: {  	s0 =	stileid.u32;
	[bflag:$0x2] =	sbarrier.arrive $0xFFFF  }
0x4d3: {  	p0 =	sne.s32 s0, $0x0;
	s0 =	rddreg [dreg:$0x1]  }
0x4d4: {  	s0 =	sadd.s32 @!p0 $0x100000, s0  }
0x4d5: {  	[sflag:s0] =	ssyncadd.tile.s32 @!p0 $0x1;
	_ =	shalt  }
.Lfunc_end2:
_tile_overlayer_lowered:
.L_overlay_start_2:
0x4d6: {  	(tag) =	ssettag $0x2  }
0x4d7: {  	s0 =	rddreg [dreg:$0x0];
	s2 =	stileid.u32  }
0x4d8: {  	s1 =	rddreg [dreg:$0x1];
	p0 =	sne.s32 s2, $0x0  }
0x4d9: {  	s3 =	rddreg [dreg:$0x2];
	[bflag:$0x3] =	sbarrier.arrive $0xFFFF;
	s2 =	simm.s32 @!p0 $0x1C03  }
0x4da: {  	[timem:s3], [sflag:s2] =	dma.local @!p0 [hbm:s0], s1  }
0x4db: {  	s0 =	simm.s32 @!p0 $0x3  }
0x4dc: {  	_ =	swait.ge @!p0 [sflag:s0], s1  }
0x4dd: {  	s1 =	ssub.s32 @!p0 $0x0, s1;
	[sflag:s0] =	ssyncset.done @!p0 $0x0  }
0x4de: {  	[sflag:s0] =	ssyncadd.s32 @!p0 s1  }
0x4df: {  	[bflag:$0x3] =	sbarrier.arrive $0xFFFF  }
0x4e0: {  	_ =	shalt  }

</sc_bundles>
